<compile_context>
chip_gen: v7x
topology: tpu7x:2x2x1
jax: 0.10.2.dev20260603
libtpu: 0.0.44.dev20260713+nightly
codegen_flags: <defaults>
</compile_context>

<pallas_src>
import functools

import jax
import jax.numpy as jnp
import numpy as np
from jax import lax
from jax.experimental import pallas as pl
from jax.experimental.pallas import tpu as pltpu
from jax.experimental.pallas import tpu_sc as plsc

_DIM = 32
_SCALE = float(np.sqrt(_DIM))

_NC, _NS = 2, 16
_NW = _NC * _NS

_L = 128
_S = 8
_A = _DIM // _S
_G = 4
_U_ROWS = _G * _L
_RUN = _G * _S * _L
_STAGE = _A * _RUN
_SSTRIDE = _U_ROWS + 1
_ASTRIDE = _S * _SSTRIDE + _S
_IW = _A * _ASTRIDE


def _sc_gather_scale(xq, table, n_rows, n_cols):
    n_i0t = n_rows // _L
    gblocks = n_i0t // _G
    n_units = n_cols * gblocks
    units_per_w = n_units // _NW
    assert n_units % _NW == 0 and units_per_w % 4 == 0

    mesh = plsc.VectorSubcoreMesh(
        core_axis_name="c", subcore_axis_name="s",
        num_cores=_NC, num_subcores=_NS,
    )

    @functools.partial(
        pl.kernel,
        out_type=jax.ShapeDtypeStruct((n_cols, _A, n_i0t * _S * _L),
                                      jnp.float32),
        mesh=mesh,
        scratch_types=(
            [pltpu.VMEM((_G, _L), jnp.int32) for _ in range(4)]
            + [pltpu.VMEM((_U_ROWS, _DIM), jnp.float32) for _ in range(4)]
            + [pltpu.VMEM((_STAGE,), jnp.float32) for _ in range(2)]
            + [pltpu.VMEM((_IW,), jnp.float32)]
            + [pltpu.SMEM((_STAGE // 16,), jnp.int32)]
            + [pltpu.SemaphoreType.DMA for _ in range(4 + 4 + 2)]
        ),
        compiler_params=pltpu.CompilerParams(
            use_tc_tiling_on_sc=False, needs_layout_passes=False),
    )
    def k(xq_hbm, table_hbm, outq_hbm, *scratch):
        idx_bufs = scratch[0:4]
        row_bufs = scratch[4:8]
        stage_bufs = scratch[8:10]
        skew_v = scratch[10]
        src_tab = scratch[11]
        isems = scratch[12:16]
        gsems = scratch[16:20]
        osems = scratch[20:22]

        wid = lax.axis_index("s") * _NC + lax.axis_index("c")
        u_base = wid * units_per_w
        iota = lax.iota(jnp.int32, 16)
        half_pat = [iota + 16 * h for h in (0, 1)]
        skew_const = [
            (hp // _S) * _ASTRIDE + (hp % _S) * _SSTRIDE for hp in half_pat]

        def pre_body(j, carry):
            t = j // 8
            lv = j % 8
            a = t // 32
            gg = (t // 8) % _G
            s = t % 8
            src_tab[j] = (a * _ASTRIDE + s * _SSTRIDE + gg * _L + lv * 16)
            return carry

        lax.fori_loop(0, _STAGE // 16, pre_body, 0)

        def unit_pos(u):
            i1 = u // gblocks
            g0 = (u % gblocks) * _G
            return i1, g0

        def fire_idx(u, buf):
            i1, g0 = unit_pos(u_base + u)
            rt, s1 = i1 // _S, i1 % _S
            for j in range(_G):
                pltpu.async_copy(
                    xq_hbm.at[rt, g0 + j, s1], idx_bufs[buf].at[j],
                    isems[buf])

        def wait_idx(buf):
            for j in range(_G):
                pltpu.make_async_copy(
                    xq_hbm.at[0, 0, 0], idx_bufs[buf].at[j], isems[buf],
                ).wait()

        def fire_gathers(u, buf):
            for j in range(_G):
                pltpu.async_copy(
                    table_hbm.at[idx_bufs[buf].at[j]],
                    row_bufs[buf].at[pl.ds(j * _L, _L)],
                    gsems[buf],
                )

        def drain_gathers(buf):
            pltpu.make_async_copy(
                table_hbm.at[pl.ds(0, _U_ROWS)], row_bufs[buf], gsems[buf],
            ).wait()

        def fire_out(u, buf):
            i1, g0 = unit_pos(u_base + u)
            woff = g0 * _S * _L
            for a in range(_A):
                pltpu.async_copy(
                    stage_bufs[buf].at[pl.ds(a * _RUN, _RUN)],
                    outq_hbm.at[i1, a, pl.ds(woff, _RUN)],
                    osems[buf])

        def drain_out(buf):
            pltpu.make_async_copy(
                stage_bufs[buf], outq_hbm.at[0, 0, pl.ds(0, _STAGE)],
                osems[buf],
            ).wait()

        def transpose(buf, sbuf):
            rows_v = row_bufs[buf]
            stage_v = stage_bufs[sbuf]

            @plsc.parallel_loop(0, _U_ROWS, 1, unroll=4)
            def pass1(p):
                base = jnp.full((16,), p, jnp.int32)
                for h in (0, 1):
                    vals = rows_v[p, pl.ds(h * 16, 16)]
                    plsc.store_scatter(skew_v, [base + skew_const[h]], vals)

            @plsc.parallel_loop(0, _STAGE // 16, 1, unroll=8)
            def pass2(j):
                src = src_tab[j]
                ivec = jnp.full((16,), src, jnp.int32) + iota
                vals = plsc.load_gather(skew_v, [ivec])
                stage_v[pl.ds(j * 16, 16)] = vals * _SCALE

        i1p, g0p = unit_pos(u_base)
        rtp, s1p = i1p // _S, i1p % _S
        for j in range(_G):
            pltpu.sync_copy(xq_hbm.at[rtp, g0p + j, s1p], idx_bufs[0].at[j])
        fire_gathers(0, 0)
        fire_idx(1, 1)
        fire_idx(2, 2)
        wait_idx(1)
        fire_gathers(1, 1)

        n = units_per_w

        def quad_body(q, carry):
            for b4 in range(4):
                u = q * 4 + b4
                sb = b4 % 2
                drain_gathers(b4)
                nb4 = (b4 + 2) % 4
                @pl.when(u + 2 < n)
                def _():
                    wait_idx(nb4)
                    fire_gathers(u + 2, nb4)
                @pl.when(u + 3 < n)
                def _():
                    fire_idx(u + 3, (b4 + 3) % 4)
                @pl.when(u >= 2)
                def _():
                    drain_out(sb)
                transpose(b4, sb)
                fire_out(u, sb)
            return carry

        lax.fori_loop(0, n // 4, quad_body, 0)
        drain_out(0)
        drain_out(1)

    return k(xq, table)


def kernel(x, table):
    n_rows, n_cols = x.shape
    xq = x.reshape(n_rows // _L, _L, n_cols // _S, _S).transpose(2, 0, 3, 1)
    xq = xq * 4
    tablep = jnp.pad(table, ((0, 0), (0, 128 - _DIM))).reshape(-1, _DIM)
    outq = _sc_gather_scale(xq, tablep, n_rows, n_cols)
    outq = outq.reshape(n_cols, _A, n_rows // _L, _S, _L)
    out = outq.transpose(2, 4, 0, 1, 3).reshape(n_rows, n_cols, _DIM)
    return out

# --- scband reference (transcript-rebuilt; emitter-appended) ---
"""Pipeline reference for scband-embeddings-4741643894797 (READ-ONLY COPY).

The authoritative reference and input builder live on the scoring server;
editing this copy changes nothing except your own understanding.
"""

import jax, jax.numpy as jnp
import numpy as np

VOCAB = 1000000
DIM = 32
SQRT_DIM = float(np.sqrt(DIM))

def setup_inputs(seed: int = 0) -> dict:
    key = jax.random.key(seed)
    k1, k2 = jax.random.split(key)
    x = jax.random.randint(k1, (16384, 200), 0, VOCAB, dtype=jnp.int64 if jax.config.jax_enable_x64 else jnp.int32)
    table = jax.random.normal(k2, (VOCAB, DIM), dtype=jnp.float32)
    return {"x": x, "table": table}

def reference(x, table):
    # nn.Embedding lookup -> gather rows, then scale by sqrt(dim_embed)
    emb = jnp.take(table, x, axis=0)
    return emb * SQRT_DIM

if __name__ == "__main__":
    import jax
    _d = setup_inputs()
    print(jax.jit(kernel)(*tuple(_d.values())))

</pallas_src>

<mosaic_0001>
#map = affine_map<(d0, d1) -> (0, 0, 0, 0)>
#map1 = affine_map<(d0, d1) -> (0, 0)>
#map2 = affine_map<(d0, d1) -> (0, 0, 0)>
module attributes {stable_mosaic.version = 14 : i64} {
  func.func @k(%arg0: i32, %arg1: i32, %arg2: memref<25x128x8x128xi32, #tpu.memory_space<hbm>>, %arg3: memref<4000000x32xf32, #tpu.memory_space<hbm>>, %arg4: memref<200x4x131072xf32, #tpu.memory_space<hbm>>, %arg5: memref<4x128xi32, #tpu.memory_space<vmem>>, %arg6: memref<4x128xi32, #tpu.memory_space<vmem>>, %arg7: memref<4x128xi32, #tpu.memory_space<vmem>>, %arg8: memref<4x128xi32, #tpu.memory_space<vmem>>, %arg9: memref<512x32xf32, #tpu.memory_space<vmem>>, %arg10: memref<512x32xf32, #tpu.memory_space<vmem>>, %arg11: memref<512x32xf32, #tpu.memory_space<vmem>>, %arg12: memref<512x32xf32, #tpu.memory_space<vmem>>, %arg13: memref<16384xf32, #tpu.memory_space<vmem>>, %arg14: memref<16384xf32, #tpu.memory_space<vmem>>, %arg15: memref<16448xf32, #tpu.memory_space<vmem>>, %arg16: memref<1024xi32, #tpu.memory_space<smem>>, %arg17: memref<!tpu.dma_semaphore, #tpu.memory_space<semaphore_mem>>, %arg18: memref<!tpu.dma_semaphore, #tpu.memory_space<semaphore_mem>>, %arg19: memref<!tpu.dma_semaphore, #tpu.memory_space<semaphore_mem>>, %arg20: memref<!tpu.dma_semaphore, #tpu.memory_space<semaphore_mem>>, %arg21: memref<!tpu.dma_semaphore, #tpu.memory_space<semaphore_mem>>, %arg22: memref<!tpu.dma_semaphore, #tpu.memory_space<semaphore_mem>>, %arg23: memref<!tpu.dma_semaphore, #tpu.memory_space<semaphore_mem>>, %arg24: memref<!tpu.dma_semaphore, #tpu.memory_space<semaphore_mem>>, %arg25: memref<!tpu.dma_semaphore, #tpu.memory_space<semaphore_mem>>, %arg26: memref<!tpu.dma_semaphore, #tpu.memory_space<semaphore_mem>>) attributes {dimension_semantics = [#tpu.dimension_semantics<core_parallel>, #tpu.dimension_semantics<subcore_parallel>], iteration_bounds = array<i64: 2, 16>, scalar_prefetch = 0 : i64, scratch_operands = 22 : i64, tpu.core_type = #tpu.core_type<sc_vector_subcore>, window_params = [{transform_indices = #map}, {transform_indices = #map1}, {transform_indices = #map2}]} {
    %mul3A = arith.constant 2 : i32
    %mul3A_0 = arith.muli %arg1, %mul3A : i32
    %add3A = arith.addi %mul3A_0, %arg0 : i32
    %mul3A_1 = arith.constant 200 : i32
    %mul3A_2 = arith.muli %add3A, %mul3A_1 : i32
    %iota3A = tpu.iota {dimensions = array<i32: 0>} : vector<16xi32>
    %add3A_3 = arith.constant 0 : i32
    %add3A_4 = vector.broadcast %add3A_3 : i32 to vector<16xi32>
    %add3A_5 = arith.addi %iota3A, %add3A_4 : vector<16xi32>
    %add3A_6 = arith.constant 16 : i32
    %add3A_7 = vector.broadcast %add3A_6 : i32 to vector<16xi32>
    %add3A_8 = arith.addi %iota3A, %add3A_7 : vector<16xi32>
    %jit3A = arith.constant 8 : i32
    %div3A = vector.broadcast %jit3A : i32 to vector<16xi32>
    %div3A_9 = arith.divsi %add3A_5, %div3A : vector<16xi32>
    %sign3A = arith.constant 0 : i32
    %sign3A_10 = vector.broadcast %sign3A : i32 to vector<16xi32>
    %sign3A_11 = arith.cmpi sgt, %add3A_5, %sign3A_10 : vector<16xi32>
    %sign3A_12 = arith.extui %sign3A_11 : vector<16xi1> to vector<16xi32>
    %sign3A_13 = arith.constant 0 : i32
    %sign3A_14 = vector.broadcast %sign3A_13 : i32 to vector<16xi32>
    %sign3A_15 = arith.cmpi slt, %add3A_5, %sign3A_14 : vector<16xi32>
    %sign3A_16 = arith.extui %sign3A_15 : vector<16xi1> to vector<16xi32>
    %sign3A_17 = arith.subi %sign3A_12, %sign3A_16 : vector<16xi32>
    %sign3A_18 = arith.constant 0 : i32
    %sign3A_19 = arith.cmpi sgt, %jit3A, %sign3A_18 : i32
    %sign3A_20 = arith.extui %sign3A_19 : i1 to i32
    %sign3A_21 = arith.constant 0 : i32
    %sign3A_22 = arith.cmpi slt, %jit3A, %sign3A_21 : i32
    %sign3A_23 = arith.extui %sign3A_22 : i1 to i32
    %sign3A_24 = arith.subi %sign3A_20, %sign3A_23 : i32
    %ne3A = vector.broadcast %sign3A_24 : i32 to vector<16xi32>
    %ne3A_25 = arith.cmpi ne, %sign3A_17, %ne3A : vector<16xi32>
    %rem3A = vector.broadcast %jit3A : i32 to vector<16xi32>
    %rem3A_26 = arith.remsi %add3A_5, %rem3A : vector<16xi32>
    %ne3A_27 = arith.constant 0 : i32
    %ne3A_28 = vector.broadcast %ne3A_27 : i32 to vector<16xi32>
    %ne3A_29 = arith.cmpi ne, %rem3A_26, %ne3A_28 : vector<16xi32>
    %and3A = arith.andi %ne3A_25, %ne3A_29 : vector<16xi1>
    %sub3A = arith.constant 1 : i32
    %sub3A_30 = vector.broadcast %sub3A : i32 to vector<16xi32>
    %sub3A_31 = arith.subi %div3A_9, %sub3A_30 : vector<16xi32>
    %select_n3A = arith.select %and3A, %sub3A_31, %div3A_9 : vector<16xi1>, vector<16xi32>
    %mul3A_32 = arith.constant 4112 : i32
    %mul3A_33 = vector.broadcast %mul3A_32 : i32 to vector<16xi32>
    %mul3A_34 = arith.muli %select_n3A, %mul3A_33 : vector<16xi32>
    %jit3A_35 = arith.constant 8 : i32
    %eq3A = arith.constant 0 : i32
    %eq3A_36 = arith.cmpi eq, %jit3A_35, %eq3A : i32
    %jit3A_37 = arith.constant 1 : i32
    %select_n3A_38 = arith.select %eq3A_36, %jit3A_37, %jit3A_35 : i32
    %rem3A_39 = vector.broadcast %select_n3A_38 : i32 to vector<16xi32>
    %rem3A_40 = arith.remsi %add3A_5, %rem3A_39 : vector<16xi32>
    %ne3A_41 = arith.constant 0 : i32
    %ne3A_42 = vector.broadcast %ne3A_41 : i32 to vector<16xi32>
    %ne3A_43 = arith.cmpi ne, %rem3A_40, %ne3A_42 : vector<16xi32>
    %lt3A = arith.constant 0 : i32
    %lt3A_44 = vector.broadcast %lt3A : i32 to vector<16xi32>
    %lt3A_45 = arith.cmpi slt, %rem3A_40, %lt3A_44 : vector<16xi32>
    %lt3A_46 = arith.constant 0 : i32
    %lt3A_47 = arith.cmpi slt, %select_n3A_38, %lt3A_46 : i32
    %ne3A_48 = vector.broadcast %lt3A_47 : i1 to vector<16xi1>
    %ne3A_49 = vector.broadcast %ne3A_48 : vector<16xi1> to vector<16xi1>
    %ne3A_50 = arith.xori %lt3A_45, %ne3A_49 : vector<16xi1>
    %and3A_51 = arith.andi %ne3A_50, %ne3A_43 : vector<16xi1>
    %add3A_52 = vector.broadcast %select_n3A_38 : i32 to vector<16xi32>
    %add3A_53 = arith.addi %rem3A_40, %add3A_52 : vector<16xi32>
    %select_n3A_54 = arith.select %and3A_51, %add3A_53, %rem3A_40 : vector<16xi1>, vector<16xi32>
    %mul3A_55 = arith.constant 513 : i32
    %mul3A_56 = vector.broadcast %mul3A_55 : i32 to vector<16xi32>
    %mul3A_57 = arith.muli %select_n3A_54, %mul3A_56 : vector<16xi32>
    %add3A_58 = arith.addi %mul3A_34, %mul3A_57 : vector<16xi32>
    %jit3A_59 = arith.constant 8 : i32
    %div3A_60 = vector.broadcast %jit3A_59 : i32 to vector<16xi32>
    %div3A_61 = arith.divsi %add3A_8, %div3A_60 : vector<16xi32>
    %sign3A_62 = arith.constant 0 : i32
    %sign3A_63 = vector.broadcast %sign3A_62 : i32 to vector<16xi32>
    %sign3A_64 = arith.cmpi sgt, %add3A_8, %sign3A_63 : vector<16xi32>
    %sign3A_65 = arith.extui %sign3A_64 : vector<16xi1> to vector<16xi32>
    %sign3A_66 = arith.constant 0 : i32
    %sign3A_67 = vector.broadcast %sign3A_66 : i32 to vector<16xi32>
    %sign3A_68 = arith.cmpi slt, %add3A_8, %sign3A_67 : vector<16xi32>
    %sign3A_69 = arith.extui %sign3A_68 : vector<16xi1> to vector<16xi32>
    %sign3A_70 = arith.subi %sign3A_65, %sign3A_69 : vector<16xi32>
    %sign3A_71 = arith.constant 0 : i32
    %sign3A_72 = arith.cmpi sgt, %jit3A_59, %sign3A_71 : i32
    %sign3A_73 = arith.extui %sign3A_72 : i1 to i32
    %sign3A_74 = arith.constant 0 : i32
    %sign3A_75 = arith.cmpi slt, %jit3A_59, %sign3A_74 : i32
    %sign3A_76 = arith.extui %sign3A_75 : i1 to i32
    %sign3A_77 = arith.subi %sign3A_73, %sign3A_76 : i32
    %ne3A_78 = vector.broadcast %sign3A_77 : i32 to vector<16xi32>
    %ne3A_79 = arith.cmpi ne, %sign3A_70, %ne3A_78 : vector<16xi32>
    %rem3A_80 = vector.broadcast %jit3A_59 : i32 to vector<16xi32>
    %rem3A_81 = arith.remsi %add3A_8, %rem3A_80 : vector<16xi32>
    %ne3A_82 = arith.constant 0 : i32
    %ne3A_83 = vector.broadcast %ne3A_82 : i32 to vector<16xi32>
    %ne3A_84 = arith.cmpi ne, %rem3A_81, %ne3A_83 : vector<16xi32>
    %and3A_85 = arith.andi %ne3A_79, %ne3A_84 : vector<16xi1>
    %sub3A_86 = arith.constant 1 : i32
    %sub3A_87 = vector.broadcast %sub3A_86 : i32 to vector<16xi32>
    %sub3A_88 = arith.subi %div3A_61, %sub3A_87 : vector<16xi32>
    %select_n3A_89 = arith.select %and3A_85, %sub3A_88, %div3A_61 : vector<16xi1>, vector<16xi32>
    %mul3A_90 = arith.constant 4112 : i32
    %mul3A_91 = vector.broadcast %mul3A_90 : i32 to vector<16xi32>
    %mul3A_92 = arith.muli %select_n3A_89, %mul3A_91 : vector<16xi32>
    %jit3A_93 = arith.constant 8 : i32
    %eq3A_94 = arith.constant 0 : i32
    %eq3A_95 = arith.cmpi eq, %jit3A_93, %eq3A_94 : i32
    %jit3A_96 = arith.constant 1 : i32
    %select_n3A_97 = arith.select %eq3A_95, %jit3A_96, %jit3A_93 : i32
    %rem3A_98 = vector.broadcast %select_n3A_97 : i32 to vector<16xi32>
    %rem3A_99 = arith.remsi %add3A_8, %rem3A_98 : vector<16xi32>
    %ne3A_100 = arith.constant 0 : i32
    %ne3A_101 = vector.broadcast %ne3A_100 : i32 to vector<16xi32>
    %ne3A_102 = arith.cmpi ne, %rem3A_99, %ne3A_101 : vector<16xi32>
    %lt3A_103 = arith.constant 0 : i32
    %lt3A_104 = vector.broadcast %lt3A_103 : i32 to vector<16xi32>
    %lt3A_105 = arith.cmpi slt, %rem3A_99, %lt3A_104 : vector<16xi32>
    %lt3A_106 = arith.constant 0 : i32
    %lt3A_107 = arith.cmpi slt, %select_n3A_97, %lt3A_106 : i32
    %ne3A_108 = vector.broadcast %lt3A_107 : i1 to vector<16xi1>
    %ne3A_109 = vector.broadcast %ne3A_108 : vector<16xi1> to vector<16xi1>
    %ne3A_110 = arith.xori %lt3A_105, %ne3A_109 : vector<16xi1>
    %and3A_111 = arith.andi %ne3A_110, %ne3A_102 : vector<16xi1>
    %add3A_112 = vector.broadcast %select_n3A_97 : i32 to vector<16xi32>
    %add3A_113 = arith.addi %rem3A_99, %add3A_112 : vector<16xi32>
    %select_n3A_114 = arith.select %and3A_111, %add3A_113, %rem3A_99 : vector<16xi1>, vector<16xi32>
    %mul3A_115 = arith.constant 513 : i32
    %mul3A_116 = vector.broadcast %mul3A_115 : i32 to vector<16xi32>
    %mul3A_117 = arith.muli %select_n3A_114, %mul3A_116 : vector<16xi32>
    %add3A_118 = arith.addi %mul3A_92, %mul3A_117 : vector<16xi32>
    %scan3A = arith.constant 0 : i32
    %scan3A_119 = arith.constant 0 : i32
    %scan3A_120 = arith.constant 1024 : i32
    %scan3A_121 = arith.addi %scan3A_119, %scan3A_120 : i32
    %scan3A_122 = arith.constant 1 : i32
    scf.for %scan3A_669 = %scan3A_119 to %scan3A_121 step %scan3A_122  : i32 {
      %jit3A_670 = arith.constant 8 : i32
      %div3A_671 = arith.divsi %scan3A_669, %jit3A_670 : i32
      %sign3A_672 = arith.constant 0 : i32
      %sign3A_673 = arith.cmpi sgt, %scan3A_669, %sign3A_672 : i32
      %sign3A_674 = arith.extui %sign3A_673 : i1 to i32
      %sign3A_675 = arith.constant 0 : i32
      %sign3A_676 = arith.cmpi slt, %scan3A_669, %sign3A_675 : i32
      %sign3A_677 = arith.extui %sign3A_676 : i1 to i32
      %sign3A_678 = arith.subi %sign3A_674, %sign3A_677 : i32
      %sign3A_679 = arith.constant 0 : i32
      %sign3A_680 = arith.cmpi sgt, %jit3A_670, %sign3A_679 : i32
      %sign3A_681 = arith.extui %sign3A_680 : i1 to i32
      %sign3A_682 = arith.constant 0 : i32
      %sign3A_683 = arith.cmpi slt, %jit3A_670, %sign3A_682 : i32
      %sign3A_684 = arith.extui %sign3A_683 : i1 to i32
      %sign3A_685 = arith.subi %sign3A_681, %sign3A_684 : i32
      %ne3A_686 = arith.cmpi ne, %sign3A_678, %sign3A_685 : i32
      %rem3A_687 = arith.remsi %scan3A_669, %jit3A_670 : i32
      %ne3A_688 = arith.constant 0 : i32
      %ne3A_689 = arith.cmpi ne, %rem3A_687, %ne3A_688 : i32
      %and3A_690 = arith.andi %ne3A_686, %ne3A_689 : i1
      %sub3A_691 = arith.constant 1 : i32
      %sub3A_692 = arith.subi %div3A_671, %sub3A_691 : i32
      %select_n3A_693 = arith.select %and3A_690, %sub3A_692, %div3A_671 : i32
      %jit3A_694 = arith.constant 8 : i32
      %eq3A_695 = arith.constant 0 : i32
      %eq3A_696 = arith.cmpi eq, %jit3A_694, %eq3A_695 : i32
      %jit3A_697 = arith.constant 1 : i32
      %select_n3A_698 = arith.select %eq3A_696, %jit3A_697, %jit3A_694 : i32
      %rem3A_699 = arith.remsi %scan3A_669, %select_n3A_698 : i32
      %ne3A_700 = arith.constant 0 : i32
      %ne3A_701 = arith.cmpi ne, %rem3A_699, %ne3A_700 : i32
      %lt3A_702 = arith.constant 0 : i32
      %lt3A_703 = arith.cmpi slt, %rem3A_699, %lt3A_702 : i32
      %lt3A_704 = arith.constant 0 : i32
      %lt3A_705 = arith.cmpi slt, %select_n3A_698, %lt3A_704 : i32
      %ne3A_706 = arith.xori %lt3A_703, %lt3A_705 : i1
      %and3A_707 = arith.andi %ne3A_706, %ne3A_701 : i1
      %add3A_708 = arith.addi %rem3A_699, %select_n3A_698 : i32
      %select_n3A_709 = arith.select %and3A_707, %add3A_708, %rem3A_699 : i32
      %jit3A_710 = arith.constant 32 : i32
      %div3A_711 = arith.divsi %select_n3A_693, %jit3A_710 : i32
      %sign3A_712 = arith.constant 0 : i32
      %sign3A_713 = arith.cmpi sgt, %select_n3A_693, %sign3A_712 : i32
      %sign3A_714 = arith.extui %sign3A_713 : i1 to i32
      %sign3A_715 = arith.constant 0 : i32
      %sign3A_716 = arith.cmpi slt, %select_n3A_693, %sign3A_715 : i32
      %sign3A_717 = arith.extui %sign3A_716 : i1 to i32
      %sign3A_718 = arith.subi %sign3A_714, %sign3A_717 : i32
      %sign3A_719 = arith.constant 0 : i32
      %sign3A_720 = arith.cmpi sgt, %jit3A_710, %sign3A_719 : i32
      %sign3A_721 = arith.extui %sign3A_720 : i1 to i32
      %sign3A_722 = arith.constant 0 : i32
      %sign3A_723 = arith.cmpi slt, %jit3A_710, %sign3A_722 : i32
      %sign3A_724 = arith.extui %sign3A_723 : i1 to i32
      %sign3A_725 = arith.subi %sign3A_721, %sign3A_724 : i32
      %ne3A_726 = arith.cmpi ne, %sign3A_718, %sign3A_725 : i32
      %rem3A_727 = arith.remsi %select_n3A_693, %jit3A_710 : i32
      %ne3A_728 = arith.constant 0 : i32
      %ne3A_729 = arith.cmpi ne, %rem3A_727, %ne3A_728 : i32
      %and3A_730 = arith.andi %ne3A_726, %ne3A_729 : i1
      %sub3A_731 = arith.constant 1 : i32
      %sub3A_732 = arith.subi %div3A_711, %sub3A_731 : i32
      %select_n3A_733 = arith.select %and3A_730, %sub3A_732, %div3A_711 : i32
      %jit3A_734 = arith.constant 8 : i32
      %div3A_735 = arith.divsi %select_n3A_693, %jit3A_734 : i32
      %sign3A_736 = arith.constant 0 : i32
      %sign3A_737 = arith.cmpi sgt, %select_n3A_693, %sign3A_736 : i32
      %sign3A_738 = arith.extui %sign3A_737 : i1 to i32
      %sign3A_739 = arith.constant 0 : i32
      %sign3A_740 = arith.cmpi slt, %select_n3A_693, %sign3A_739 : i32
      %sign3A_741 = arith.extui %sign3A_740 : i1 to i32
      %sign3A_742 = arith.subi %sign3A_738, %sign3A_741 : i32
      %sign3A_743 = arith.constant 0 : i32
      %sign3A_744 = arith.cmpi sgt, %jit3A_734, %sign3A_743 : i32
      %sign3A_745 = arith.extui %sign3A_744 : i1 to i32
      %sign3A_746 = arith.constant 0 : i32
      %sign3A_747 = arith.cmpi slt, %jit3A_734, %sign3A_746 : i32
      %sign3A_748 = arith.extui %sign3A_747 : i1 to i32
      %sign3A_749 = arith.subi %sign3A_745, %sign3A_748 : i32
      %ne3A_750 = arith.cmpi ne, %sign3A_742, %sign3A_749 : i32
      %rem3A_751 = arith.remsi %select_n3A_693, %jit3A_734 : i32
      %ne3A_752 = arith.constant 0 : i32
      %ne3A_753 = arith.cmpi ne, %rem3A_751, %ne3A_752 : i32
      %and3A_754 = arith.andi %ne3A_750, %ne3A_753 : i1
      %sub3A_755 = arith.constant 1 : i32
      %sub3A_756 = arith.subi %div3A_735, %sub3A_755 : i32
      %select_n3A_757 = arith.select %and3A_754, %sub3A_756, %div3A_735 : i32
      %jit3A_758 = arith.constant 4 : i32
      %eq3A_759 = arith.constant 0 : i32
      %eq3A_760 = arith.cmpi eq, %jit3A_758, %eq3A_759 : i32
      %jit3A_761 = arith.constant 1 : i32
      %select_n3A_762 = arith.select %eq3A_760, %jit3A_761, %jit3A_758 : i32
      %rem3A_763 = arith.remsi %select_n3A_757, %select_n3A_762 : i32
      %ne3A_764 = arith.constant 0 : i32
      %ne3A_765 = arith.cmpi ne, %rem3A_763, %ne3A_764 : i32
      %lt3A_766 = arith.constant 0 : i32
      %lt3A_767 = arith.cmpi slt, %rem3A_763, %lt3A_766 : i32
      %lt3A_768 = arith.constant 0 : i32
      %lt3A_769 = arith.cmpi slt, %select_n3A_762, %lt3A_768 : i32
      %ne3A_770 = arith.xori %lt3A_767, %lt3A_769 : i1
      %and3A_771 = arith.andi %ne3A_770, %ne3A_765 : i1
      %add3A_772 = arith.addi %rem3A_763, %select_n3A_762 : i32
      %select_n3A_773 = arith.select %and3A_771, %add3A_772, %rem3A_763 : i32
      %jit3A_774 = arith.constant 8 : i32
      %eq3A_775 = arith.constant 0 : i32
      %eq3A_776 = arith.cmpi eq, %jit3A_774, %eq3A_775 : i32
      %jit3A_777 = arith.constant 1 : i32
      %select_n3A_778 = arith.select %eq3A_776, %jit3A_777, %jit3A_774 : i32
      %rem3A_779 = arith.remsi %select_n3A_693, %select_n3A_778 : i32
      %ne3A_780 = arith.constant 0 : i32
      %ne3A_781 = arith.cmpi ne, %rem3A_779, %ne3A_780 : i32
      %lt3A_782 = arith.constant 0 : i32
      %lt3A_783 = arith.cmpi slt, %rem3A_779, %lt3A_782 : i32
      %lt3A_784 = arith.constant 0 : i32
      %lt3A_785 = arith.cmpi slt, %select_n3A_778, %lt3A_784 : i32
      %ne3A_786 = arith.xori %lt3A_783, %lt3A_785 : i1
      %and3A_787 = arith.andi %ne3A_786, %ne3A_781 : i1
      %add3A_788 = arith.addi %rem3A_779, %select_n3A_778 : i32
      %select_n3A_789 = arith.select %and3A_787, %add3A_788, %rem3A_779 : i32
      %mul3A_790 = arith.constant 4112 : i32
      %mul3A_791 = arith.muli %select_n3A_733, %mul3A_790 : i32
      %mul3A_792 = arith.constant 513 : i32
      %mul3A_793 = arith.muli %select_n3A_789, %mul3A_792 : i32
      %add3A_794 = arith.addi %mul3A_791, %mul3A_793 : i32
      %mul3A_795 = arith.constant 128 : i32
      %mul3A_796 = arith.muli %select_n3A_773, %mul3A_795 : i32
      %add3A_797 = arith.addi %add3A_794, %mul3A_796 : i32
      %mul3A_798 = arith.constant 16 : i32
      %mul3A_799 = arith.muli %select_n3A_709, %mul3A_798 : i32
      %add3A_800 = arith.addi %add3A_797, %mul3A_799 : i32
      %swap3A = arith.index_cast %scan3A_669 : i32 to index
      %swap3A_801 = memref.load %arg16[%swap3A] : memref<1024xi32, #tpu.memory_space<smem>>
      memref.store %add3A_800, %arg16[%swap3A] : memref<1024xi32, #tpu.memory_space<smem>>
    }
    %scan3A_123 = arith.constant 1024 : i32
    %jit3A_124 = arith.constant 32 : i32
    %div3A_125 = arith.divsi %mul3A_2, %jit3A_124 : i32
    %sign3A_126 = arith.constant 0 : i32
    %sign3A_127 = arith.cmpi sgt, %mul3A_2, %sign3A_126 : i32
    %sign3A_128 = arith.extui %sign3A_127 : i1 to i32
    %sign3A_129 = arith.constant 0 : i32
    %sign3A_130 = arith.cmpi slt, %mul3A_2, %sign3A_129 : i32
    %sign3A_131 = arith.extui %sign3A_130 : i1 to i32
    %sign3A_132 = arith.subi %sign3A_128, %sign3A_131 : i32
    %sign3A_133 = arith.constant 0 : i32
    %sign3A_134 = arith.cmpi sgt, %jit3A_124, %sign3A_133 : i32
    %sign3A_135 = arith.extui %sign3A_134 : i1 to i32
    %sign3A_136 = arith.constant 0 : i32
    %sign3A_137 = arith.cmpi slt, %jit3A_124, %sign3A_136 : i32
    %sign3A_138 = arith.extui %sign3A_137 : i1 to i32
    %sign3A_139 = arith.subi %sign3A_135, %sign3A_138 : i32
    %ne3A_140 = arith.cmpi ne, %sign3A_132, %sign3A_139 : i32
    %rem3A_141 = arith.remsi %mul3A_2, %jit3A_124 : i32
    %ne3A_142 = arith.constant 0 : i32
    %ne3A_143 = arith.cmpi ne, %rem3A_141, %ne3A_142 : i32
    %and3A_144 = arith.andi %ne3A_140, %ne3A_143 : i1
    %sub3A_145 = arith.constant 1 : i32
    %sub3A_146 = arith.subi %div3A_125, %sub3A_145 : i32
    %select_n3A_147 = arith.select %and3A_144, %sub3A_146, %div3A_125 : i32
    %jit3A_148 = arith.constant 32 : i32
    %eq3A_149 = arith.constant 0 : i32
    %eq3A_150 = arith.cmpi eq, %jit3A_148, %eq3A_149 : i32
    %jit3A_151 = arith.constant 1 : i32
    %select_n3A_152 = arith.select %eq3A_150, %jit3A_151, %jit3A_148 : i32
    %rem3A_153 = arith.remsi %mul3A_2, %select_n3A_152 : i32
    %ne3A_154 = arith.constant 0 : i32
    %ne3A_155 = arith.cmpi ne, %rem3A_153, %ne3A_154 : i32
    %lt3A_156 = arith.constant 0 : i32
    %lt3A_157 = arith.cmpi slt, %rem3A_153, %lt3A_156 : i32
    %lt3A_158 = arith.constant 0 : i32
    %lt3A_159 = arith.cmpi slt, %select_n3A_152, %lt3A_158 : i32
    %ne3A_160 = arith.xori %lt3A_157, %lt3A_159 : i1
    %and3A_161 = arith.andi %ne3A_160, %ne3A_155 : i1
    %add3A_162 = arith.addi %rem3A_153, %select_n3A_152 : i32
    %select_n3A_163 = arith.select %and3A_161, %add3A_162, %rem3A_153 : i32
    %mul3A_164 = arith.constant 4 : i32
    %mul3A_165 = arith.muli %select_n3A_163, %mul3A_164 : i32
    %jit3A_166 = arith.constant 8 : i32
    %div3A_167 = arith.divsi %select_n3A_147, %jit3A_166 : i32
    %sign3A_168 = arith.constant 0 : i32
    %sign3A_169 = arith.cmpi sgt, %select_n3A_147, %sign3A_168 : i32
    %sign3A_170 = arith.extui %sign3A_169 : i1 to i32
    %sign3A_171 = arith.constant 0 : i32
    %sign3A_172 = arith.cmpi slt, %select_n3A_147, %sign3A_171 : i32
    %sign3A_173 = arith.extui %sign3A_172 : i1 to i32
    %sign3A_174 = arith.subi %sign3A_170, %sign3A_173 : i32
    %sign3A_175 = arith.constant 0 : i32
    %sign3A_176 = arith.cmpi sgt, %jit3A_166, %sign3A_175 : i32
    %sign3A_177 = arith.extui %sign3A_176 : i1 to i32
    %sign3A_178 = arith.constant 0 : i32
    %sign3A_179 = arith.cmpi slt, %jit3A_166, %sign3A_178 : i32
    %sign3A_180 = arith.extui %sign3A_179 : i1 to i32
    %sign3A_181 = arith.subi %sign3A_177, %sign3A_180 : i32
    %ne3A_182 = arith.cmpi ne, %sign3A_174, %sign3A_181 : i32
    %rem3A_183 = arith.remsi %select_n3A_147, %jit3A_166 : i32
    %ne3A_184 = arith.constant 0 : i32
    %ne3A_185 = arith.cmpi ne, %rem3A_183, %ne3A_184 : i32
    %and3A_186 = arith.andi %ne3A_182, %ne3A_185 : i1
    %sub3A_187 = arith.constant 1 : i32
    %sub3A_188 = arith.subi %div3A_167, %sub3A_187 : i32
    %select_n3A_189 = arith.select %and3A_186, %sub3A_188, %div3A_167 : i32
    %jit3A_190 = arith.constant 8 : i32
    %eq3A_191 = arith.constant 0 : i32
    %eq3A_192 = arith.cmpi eq, %jit3A_190, %eq3A_191 : i32
    %jit3A_193 = arith.constant 1 : i32
    %select_n3A_194 = arith.select %eq3A_192, %jit3A_193, %jit3A_190 : i32
    %rem3A_195 = arith.remsi %select_n3A_147, %select_n3A_194 : i32
    %ne3A_196 = arith.constant 0 : i32
    %ne3A_197 = arith.cmpi ne, %rem3A_195, %ne3A_196 : i32
    %lt3A_198 = arith.constant 0 : i32
    %lt3A_199 = arith.cmpi slt, %rem3A_195, %lt3A_198 : i32
    %lt3A_200 = arith.constant 0 : i32
    %lt3A_201 = arith.cmpi slt, %select_n3A_194, %lt3A_200 : i32
    %ne3A_202 = arith.xori %lt3A_199, %lt3A_201 : i1
    %and3A_203 = arith.andi %ne3A_202, %ne3A_197 : i1
    %add3A_204 = arith.addi %rem3A_195, %select_n3A_194 : i32
    %select_n3A_205 = arith.select %and3A_203, %add3A_204, %rem3A_195 : i32
    %add3A_206 = arith.constant 0 : i32
    %add3A_207 = arith.addi %mul3A_165, %add3A_206 : i32
    %run_scoped3A = arith.constant 0 : i32
    "tpu.region"() ({
      %run_scoped3A_669 = tpu.sem_alloc : memref<!tpu.dma_semaphore, #tpu.memory_space<semaphore_mem>>
      %dma_start3A_670 = arith.constant 0 : i32
      %dma_start3A_671 = tpu.memref_slice %arg5[%run_scoped3A, %dma_start3A_670] : memref<4x128xi32, #tpu.memory_space<vmem>> -> memref<1x128xi32, #tpu.memory_space<vmem>>
      %dma_start3A_672 = tpu.memref_squeeze %dma_start3A_671 : memref<1x128xi32, #tpu.memory_space<vmem>> -> memref<128xi32, #tpu.memory_space<vmem>>
      %dma_start3A_673 = arith.constant 0 : i32
      %dma_start3A_674 = tpu.memref_slice %arg2[%select_n3A_189, %add3A_207, %select_n3A_205, %dma_start3A_673] : memref<25x128x8x128xi32, #tpu.memory_space<hbm>> -> memref<1x1x1x128xi32, #tpu.memory_space<hbm>>
      %dma_start3A_675 = tpu.memref_squeeze %dma_start3A_674 : memref<1x1x1x128xi32, #tpu.memory_space<hbm>> -> memref<128xi32, #tpu.memory_space<hbm>>
      %dma_start3A_676 = arith.constant 0 : i32
      %dma_start3A_677 = tpu.memref_slice %arg5[%run_scoped3A, %dma_start3A_676] : memref<4x128xi32, #tpu.memory_space<vmem>> -> memref<1x128xi32, #tpu.memory_space<vmem>>
      %dma_start3A_678 = tpu.memref_squeeze %dma_start3A_677 : memref<1x128xi32, #tpu.memory_space<vmem>> -> memref<128xi32, #tpu.memory_space<vmem>>
      %dma_start3A_679 = arith.constant 0 : i32
      %dma_start3A_680 = tpu.memref_slice %arg2[%select_n3A_189, %add3A_207, %select_n3A_205, %dma_start3A_679] : memref<25x128x8x128xi32, #tpu.memory_space<hbm>> -> memref<1x1x1x128xi32, #tpu.memory_space<hbm>>
      %dma_start3A_681 = tpu.memref_squeeze %dma_start3A_680 : memref<1x1x1x128xi32, #tpu.memory_space<hbm>> -> memref<128xi32, #tpu.memory_space<hbm>>
      tpu.enqueue_dma source(%dma_start3A_681 : memref<128xi32, #tpu.memory_space<hbm>>) target(%dma_start3A_678 : memref<128xi32, #tpu.memory_space<vmem>>) target_semaphore(%run_scoped3A_669 : memref<!tpu.dma_semaphore, #tpu.memory_space<semaphore_mem>>)
      %dma_wait3A_682 = arith.constant 0 : i32
      %dma_wait3A_683 = tpu.memref_slice %arg5[%run_scoped3A, %dma_wait3A_682] : memref<4x128xi32, #tpu.memory_space<vmem>> -> memref<1x128xi32, #tpu.memory_space<vmem>>
      %dma_wait3A_684 = tpu.memref_squeeze %dma_wait3A_683 : memref<1x128xi32, #tpu.memory_space<vmem>> -> memref<128xi32, #tpu.memory_space<vmem>>
      %dma_wait3A_685 = arith.constant 0 : i32
      %dma_wait3A_686 = tpu.memref_slice %arg2[%select_n3A_189, %add3A_207, %select_n3A_205, %dma_wait3A_685] : memref<25x128x8x128xi32, #tpu.memory_space<hbm>> -> memref<1x1x1x128xi32, #tpu.memory_space<hbm>>
      %dma_wait3A_687 = tpu.memref_squeeze %dma_wait3A_686 : memref<1x1x1x128xi32, #tpu.memory_space<hbm>> -> memref<128xi32, #tpu.memory_space<hbm>>
      %dma_wait3A_688 = arith.constant 0 : i32
      %dma_wait3A_689 = tpu.memref_slice %arg5[%run_scoped3A, %dma_wait3A_688] : memref<4x128xi32, #tpu.memory_space<vmem>> -> memref<1x128xi32, #tpu.memory_space<vmem>>
      %dma_wait3A_690 = tpu.memref_squeeze %dma_wait3A_689 : memref<1x128xi32, #tpu.memory_space<vmem>> -> memref<128xi32, #tpu.memory_space<vmem>>
      %dma_wait3A_691 = arith.constant 0 : i32
      %dma_wait3A_692 = tpu.memref_slice %arg2[%select_n3A_189, %add3A_207, %select_n3A_205, %dma_wait3A_691] : memref<25x128x8x128xi32, #tpu.memory_space<hbm>> -> memref<1x1x1x128xi32, #tpu.memory_space<hbm>>
      %dma_wait3A_693 = tpu.memref_squeeze %dma_wait3A_692 : memref<1x1x1x128xi32, #tpu.memory_space<hbm>> -> memref<128xi32, #tpu.memory_space<hbm>>
      tpu.wait_dma2 semaphore(%run_scoped3A_669 : memref<!tpu.dma_semaphore, #tpu.memory_space<semaphore_mem>>) src(%dma_wait3A_693 : memref<128xi32, #tpu.memory_space<hbm>>) dst(%dma_wait3A_690 : memref<128xi32, #tpu.memory_space<vmem>>)
      tpu.yield
    }) : () -> ()
    %add3A_208 = arith.constant 1 : i32
    %add3A_209 = arith.addi %mul3A_165, %add3A_208 : i32
    %run_scoped3A_210 = arith.constant 1 : i32
    "tpu.region"() ({
      %run_scoped3A_669 = tpu.sem_alloc : memref<!tpu.dma_semaphore, #tpu.memory_space<semaphore_mem>>
      %dma_start3A_670 = arith.constant 0 : i32
      %dma_start3A_671 = tpu.memref_slice %arg5[%run_scoped3A_210, %dma_start3A_670] : memref<4x128xi32, #tpu.memory_space<vmem>> -> memref<1x128xi32, #tpu.memory_space<vmem>>
      %dma_start3A_672 = tpu.memref_squeeze %dma_start3A_671 : memref<1x128xi32, #tpu.memory_space<vmem>> -> memref<128xi32, #tpu.memory_space<vmem>>
      %dma_start3A_673 = arith.constant 0 : i32
      %dma_start3A_674 = tpu.memref_slice %arg2[%select_n3A_189, %add3A_209, %select_n3A_205, %dma_start3A_673] : memref<25x128x8x128xi32, #tpu.memory_space<hbm>> -> memref<1x1x1x128xi32, #tpu.memory_space<hbm>>
      %dma_start3A_675 = tpu.memref_squeeze %dma_start3A_674 : memref<1x1x1x128xi32, #tpu.memory_space<hbm>> -> memref<128xi32, #tpu.memory_space<hbm>>
      %dma_start3A_676 = arith.constant 0 : i32
      %dma_start3A_677 = tpu.memref_slice %arg5[%run_scoped3A_210, %dma_start3A_676] : memref<4x128xi32, #tpu.memory_space<vmem>> -> memref<1x128xi32, #tpu.memory_space<vmem>>
      %dma_start3A_678 = tpu.memref_squeeze %dma_start3A_677 : memref<1x128xi32, #tpu.memory_space<vmem>> -> memref<128xi32, #tpu.memory_space<vmem>>
      %dma_start3A_679 = arith.constant 0 : i32
      %dma_start3A_680 = tpu.memref_slice %arg2[%select_n3A_189, %add3A_209, %select_n3A_205, %dma_start3A_679] : memref<25x128x8x128xi32, #tpu.memory_space<hbm>> -> memref<1x1x1x128xi32, #tpu.memory_space<hbm>>
      %dma_start3A_681 = tpu.memref_squeeze %dma_start3A_680 : memref<1x1x1x128xi32, #tpu.memory_space<hbm>> -> memref<128xi32, #tpu.memory_space<hbm>>
      tpu.enqueue_dma source(%dma_start3A_681 : memref<128xi32, #tpu.memory_space<hbm>>) target(%dma_start3A_678 : memref<128xi32, #tpu.memory_space<vmem>>) target_semaphore(%run_scoped3A_669 : memref<!tpu.dma_semaphore, #tpu.memory_space<semaphore_mem>>)
      %dma_wait3A_682 = arith.constant 0 : i32
      %dma_wait3A_683 = tpu.memref_slice %arg5[%run_scoped3A_210, %dma_wait3A_682] : memref<4x128xi32, #tpu.memory_space<vmem>> -> memref<1x128xi32, #tpu.memory_space<vmem>>
      %dma_wait3A_684 = tpu.memref_squeeze %dma_wait3A_683 : memref<1x128xi32, #tpu.memory_space<vmem>> -> memref<128xi32, #tpu.memory_space<vmem>>
      %dma_wait3A_685 = arith.constant 0 : i32
      %dma_wait3A_686 = tpu.memref_slice %arg2[%select_n3A_189, %add3A_209, %select_n3A_205, %dma_wait3A_685] : memref<25x128x8x128xi32, #tpu.memory_space<hbm>> -> memref<1x1x1x128xi32, #tpu.memory_space<hbm>>
      %dma_wait3A_687 = tpu.memref_squeeze %dma_wait3A_686 : memref<1x1x1x128xi32, #tpu.memory_space<hbm>> -> memref<128xi32, #tpu.memory_space<hbm>>
      %dma_wait3A_688 = arith.constant 0 : i32
      %dma_wait3A_689 = tpu.memref_slice %arg5[%run_scoped3A_210, %dma_wait3A_688] : memref<4x128xi32, #tpu.memory_space<vmem>> -> memref<1x128xi32, #tpu.memory_space<vmem>>
      %dma_wait3A_690 = tpu.memref_squeeze %dma_wait3A_689 : memref<1x128xi32, #tpu.memory_space<vmem>> -> memref<128xi32, #tpu.memory_space<vmem>>
      %dma_wait3A_691 = arith.constant 0 : i32
      %dma_wait3A_692 = tpu.memref_slice %arg2[%select_n3A_189, %add3A_209, %select_n3A_205, %dma_wait3A_691] : memref<25x128x8x128xi32, #tpu.memory_space<hbm>> -> memref<1x1x1x128xi32, #tpu.memory_space<hbm>>
      %dma_wait3A_693 = tpu.memref_squeeze %dma_wait3A_692 : memref<1x1x1x128xi32, #tpu.memory_space<hbm>> -> memref<128xi32, #tpu.memory_space<hbm>>
      tpu.wait_dma2 semaphore(%run_scoped3A_669 : memref<!tpu.dma_semaphore, #tpu.memory_space<semaphore_mem>>) src(%dma_wait3A_693 : memref<128xi32, #tpu.memory_space<hbm>>) dst(%dma_wait3A_690 : memref<128xi32, #tpu.memory_space<vmem>>)
      tpu.yield
    }) : () -> ()
    %add3A_211 = arith.constant 2 : i32
    %add3A_212 = arith.addi %mul3A_165, %add3A_211 : i32
    %run_scoped3A_213 = arith.constant 2 : i32
    "tpu.region"() ({
      %run_scoped3A_669 = tpu.sem_alloc : memref<!tpu.dma_semaphore, #tpu.memory_space<semaphore_mem>>
      %dma_start3A_670 = arith.constant 0 : i32
      %dma_start3A_671 = tpu.memref_slice %arg5[%run_scoped3A_213, %dma_start3A_670] : memref<4x128xi32, #tpu.memory_space<vmem>> -> memref<1x128xi32, #tpu.memory_space<vmem>>
      %dma_start3A_672 = tpu.memref_squeeze %dma_start3A_671 : memref<1x128xi32, #tpu.memory_space<vmem>> -> memref<128xi32, #tpu.memory_space<vmem>>
      %dma_start3A_673 = arith.constant 0 : i32
      %dma_start3A_674 = tpu.memref_slice %arg2[%select_n3A_189, %add3A_212, %select_n3A_205, %dma_start3A_673] : memref<25x128x8x128xi32, #tpu.memory_space<hbm>> -> memref<1x1x1x128xi32, #tpu.memory_space<hbm>>
      %dma_start3A_675 = tpu.memref_squeeze %dma_start3A_674 : memref<1x1x1x128xi32, #tpu.memory_space<hbm>> -> memref<128xi32, #tpu.memory_space<hbm>>
      %dma_start3A_676 = arith.constant 0 : i32
      %dma_start3A_677 = tpu.memref_slice %arg5[%run_scoped3A_213, %dma_start3A_676] : memref<4x128xi32, #tpu.memory_space<vmem>> -> memref<1x128xi32, #tpu.memory_space<vmem>>
      %dma_start3A_678 = tpu.memref_squeeze %dma_start3A_677 : memref<1x128xi32, #tpu.memory_space<vmem>> -> memref<128xi32, #tpu.memory_space<vmem>>
      %dma_start3A_679 = arith.constant 0 : i32
      %dma_start3A_680 = tpu.memref_slice %arg2[%select_n3A_189, %add3A_212, %select_n3A_205, %dma_start3A_679] : memref<25x128x8x128xi32, #tpu.memory_space<hbm>> -> memref<1x1x1x128xi32, #tpu.memory_space<hbm>>
      %dma_start3A_681 = tpu.memref_squeeze %dma_start3A_680 : memref<1x1x1x128xi32, #tpu.memory_space<hbm>> -> memref<128xi32, #tpu.memory_space<hbm>>
      tpu.enqueue_dma source(%dma_start3A_681 : memref<128xi32, #tpu.memory_space<hbm>>) target(%dma_start3A_678 : memref<128xi32, #tpu.memory_space<vmem>>) target_semaphore(%run_scoped3A_669 : memref<!tpu.dma_semaphore, #tpu.memory_space<semaphore_mem>>)
      %dma_wait3A_682 = arith.constant 0 : i32
      %dma_wait3A_683 = tpu.memref_slice %arg5[%run_scoped3A_213, %dma_wait3A_682] : memref<4x128xi32, #tpu.memory_space<vmem>> -> memref<1x128xi32, #tpu.memory_space<vmem>>
      %dma_wait3A_684 = tpu.memref_squeeze %dma_wait3A_683 : memref<1x128xi32, #tpu.memory_space<vmem>> -> memref<128xi32, #tpu.memory_space<vmem>>
      %dma_wait3A_685 = arith.constant 0 : i32
      %dma_wait3A_686 = tpu.memref_slice %arg2[%select_n3A_189, %add3A_212, %select_n3A_205, %dma_wait3A_685] : memref<25x128x8x128xi32, #tpu.memory_space<hbm>> -> memref<1x1x1x128xi32, #tpu.memory_space<hbm>>
      %dma_wait3A_687 = tpu.memref_squeeze %dma_wait3A_686 : memref<1x1x1x128xi32, #tpu.memory_space<hbm>> -> memref<128xi32, #tpu.memory_space<hbm>>
      %dma_wait3A_688 = arith.constant 0 : i32
      %dma_wait3A_689 = tpu.memref_slice %arg5[%run_scoped3A_213, %dma_wait3A_688] : memref<4x128xi32, #tpu.memory_space<vmem>> -> memref<1x128xi32, #tpu.memory_space<vmem>>
      %dma_wait3A_690 = tpu.memref_squeeze %dma_wait3A_689 : memref<1x128xi32, #tpu.memory_space<vmem>> -> memref<128xi32, #tpu.memory_space<vmem>>
      %dma_wait3A_691 = arith.constant 0 : i32
      %dma_wait3A_692 = tpu.memref_slice %arg2[%select_n3A_189, %add3A_212, %select_n3A_205, %dma_wait3A_691] : memref<25x128x8x128xi32, #tpu.memory_space<hbm>> -> memref<1x1x1x128xi32, #tpu.memory_space<hbm>>
      %dma_wait3A_693 = tpu.memref_squeeze %dma_wait3A_692 : memref<1x1x1x128xi32, #tpu.memory_space<hbm>> -> memref<128xi32, #tpu.memory_space<hbm>>
      tpu.wait_dma2 semaphore(%run_scoped3A_669 : memref<!tpu.dma_semaphore, #tpu.memory_space<semaphore_mem>>) src(%dma_wait3A_693 : memref<128xi32, #tpu.memory_space<hbm>>) dst(%dma_wait3A_690 : memref<128xi32, #tpu.memory_space<vmem>>)
      tpu.yield
    }) : () -> ()
    %add3A_214 = arith.constant 3 : i32
    %add3A_215 = arith.addi %mul3A_165, %add3A_214 : i32
    %run_scoped3A_216 = arith.constant 3 : i32
    "tpu.region"() ({
      %run_scoped3A_669 = tpu.sem_alloc : memref<!tpu.dma_semaphore, #tpu.memory_space<semaphore_mem>>
      %dma_start3A_670 = arith.constant 0 : i32
      %dma_start3A_671 = tpu.memref_slice %arg5[%run_scoped3A_216, %dma_start3A_670] : memref<4x128xi32, #tpu.memory_space<vmem>> -> memref<1x128xi32, #tpu.memory_space<vmem>>
      %dma_start3A_672 = tpu.memref_squeeze %dma_start3A_671 : memref<1x128xi32, #tpu.memory_space<vmem>> -> memref<128xi32, #tpu.memory_space<vmem>>
      %dma_start3A_673 = arith.constant 0 : i32
      %dma_start3A_674 = tpu.memref_slice %arg2[%select_n3A_189, %add3A_215, %select_n3A_205, %dma_start3A_673] : memref<25x128x8x128xi32, #tpu.memory_space<hbm>> -> memref<1x1x1x128xi32, #tpu.memory_space<hbm>>
      %dma_start3A_675 = tpu.memref_squeeze %dma_start3A_674 : memref<1x1x1x128xi32, #tpu.memory_space<hbm>> -> memref<128xi32, #tpu.memory_space<hbm>>
      %dma_start3A_676 = arith.constant 0 : i32
      %dma_start3A_677 = tpu.memref_slice %arg5[%run_scoped3A_216, %dma_start3A_676] : memref<4x128xi32, #tpu.memory_space<vmem>> -> memref<1x128xi32, #tpu.memory_space<vmem>>
      %dma_start3A_678 = tpu.memref_squeeze %dma_start3A_677 : memref<1x128xi32, #tpu.memory_space<vmem>> -> memref<128xi32, #tpu.memory_space<vmem>>
      %dma_start3A_679 = arith.constant 0 : i32
      %dma_start3A_680 = tpu.memref_slice %arg2[%select_n3A_189, %add3A_215, %select_n3A_205, %dma_start3A_679] : memref<25x128x8x128xi32, #tpu.memory_space<hbm>> -> memref<1x1x1x128xi32, #tpu.memory_space<hbm>>
      %dma_start3A_681 = tpu.memref_squeeze %dma_start3A_680 : memref<1x1x1x128xi32, #tpu.memory_space<hbm>> -> memref<128xi32, #tpu.memory_space<hbm>>
      tpu.enqueue_dma source(%dma_start3A_681 : memref<128xi32, #tpu.memory_space<hbm>>) target(%dma_start3A_678 : memref<128xi32, #tpu.memory_space<vmem>>) target_semaphore(%run_scoped3A_669 : memref<!tpu.dma_semaphore, #tpu.memory_space<semaphore_mem>>)
      %dma_wait3A_682 = arith.constant 0 : i32
      %dma_wait3A_683 = tpu.memref_slice %arg5[%run_scoped3A_216, %dma_wait3A_682] : memref<4x128xi32, #tpu.memory_space<vmem>> -> memref<1x128xi32, #tpu.memory_space<vmem>>
      %dma_wait3A_684 = tpu.memref_squeeze %dma_wait3A_683 : memref<1x128xi32, #tpu.memory_space<vmem>> -> memref<128xi32, #tpu.memory_space<vmem>>
      %dma_wait3A_685 = arith.constant 0 : i32
      %dma_wait3A_686 = tpu.memref_slice %arg2[%select_n3A_189, %add3A_215, %select_n3A_205, %dma_wait3A_685] : memref<25x128x8x128xi32, #tpu.memory_space<hbm>> -> memref<1x1x1x128xi32, #tpu.memory_space<hbm>>
      %dma_wait3A_687 = tpu.memref_squeeze %dma_wait3A_686 : memref<1x1x1x128xi32, #tpu.memory_space<hbm>> -> memref<128xi32, #tpu.memory_space<hbm>>
      %dma_wait3A_688 = arith.constant 0 : i32
      %dma_wait3A_689 = tpu.memref_slice %arg5[%run_scoped3A_216, %dma_wait3A_688] : memref<4x128xi32, #tpu.memory_space<vmem>> -> memref<1x128xi32, #tpu.memory_space<vmem>>
      %dma_wait3A_690 = tpu.memref_squeeze %dma_wait3A_689 : memref<1x128xi32, #tpu.memory_space<vmem>> -> memref<128xi32, #tpu.memory_space<vmem>>
      %dma_wait3A_691 = arith.constant 0 : i32
      %dma_wait3A_692 = tpu.memref_slice %arg2[%select_n3A_189, %add3A_215, %select_n3A_205, %dma_wait3A_691] : memref<25x128x8x128xi32, #tpu.memory_space<hbm>> -> memref<1x1x1x128xi32, #tpu.memory_space<hbm>>
      %dma_wait3A_693 = tpu.memref_squeeze %dma_wait3A_692 : memref<1x1x1x128xi32, #tpu.memory_space<hbm>> -> memref<128xi32, #tpu.memory_space<hbm>>
      tpu.wait_dma2 semaphore(%run_scoped3A_669 : memref<!tpu.dma_semaphore, #tpu.memory_space<semaphore_mem>>) src(%dma_wait3A_693 : memref<128xi32, #tpu.memory_space<hbm>>) dst(%dma_wait3A_690 : memref<128xi32, #tpu.memory_space<vmem>>)
      tpu.yield
    }) : () -> ()
    %dma_start3A = arith.constant 0 : i32
    %dma_start3A_217 = arith.constant 0 : i32
    %dma_start3A_218 = arith.constant 0 : i32
    %dma_start3A_219 = tpu.memref_slice %arg9[%dma_start3A_217, %dma_start3A_218] : memref<512x32xf32, #tpu.memory_space<vmem>> -> memref<128x32xf32, #tpu.memory_space<vmem>>
    %dma_start3A_220 = arith.constant 0 : i32
    %dma_start3A_221 = tpu.memref_slice %arg5[%dma_start3A, %dma_start3A_220] : memref<4x128xi32, #tpu.memory_space<vmem>> -> memref<1x128xi32, #tpu.memory_space<vmem>>
    %dma_start3A_222 = tpu.memref_squeeze %dma_start3A_221 : memref<1x128xi32, #tpu.memory_space<vmem>> -> memref<128xi32, #tpu.memory_space<vmem>>
    %dma_start3A_223 = arith.constant 0 : i32
    %dma_start3A_224 = arith.constant 0 : i32
    %dma_start3A_225 = tpu.memref_slice %arg3[%dma_start3A_223, %dma_start3A_224] : memref<4000000x32xf32, #tpu.memory_space<hbm>> -> memref<4000000x32xf32, #tpu.memory_space<hbm>>
    tpu.enqueue_indirect_dma source(%dma_start3A_225 : memref<4000000x32xf32, #tpu.memory_space<hbm>>) target(%dma_start3A_219 : memref<128x32xf32, #tpu.memory_space<vmem>>) offsets(%dma_start3A_222 : memref<128xi32, #tpu.memory_space<vmem>>) semaphore(%arg21 : memref<!tpu.dma_semaphore, #tpu.memory_space<semaphore_mem>>)
    %dma_start3A_226 = arith.constant 1 : i32
    %dma_start3A_227 = arith.constant 128 : i32
    %dma_start3A_228 = arith.constant 0 : i32
    %dma_start3A_229 = tpu.memref_slice %arg9[%dma_start3A_227, %dma_start3A_228] : memref<512x32xf32, #tpu.memory_space<vmem>> -> memref<128x32xf32, #tpu.memory_space<vmem>>
    %dma_start3A_230 = arith.constant 0 : i32
    %dma_start3A_231 = tpu.memref_slice %arg5[%dma_start3A_226, %dma_start3A_230] : memref<4x128xi32, #tpu.memory_space<vmem>> -> memref<1x128xi32, #tpu.memory_space<vmem>>
    %dma_start3A_232 = tpu.memref_squeeze %dma_start3A_231 : memref<1x128xi32, #tpu.memory_space<vmem>> -> memref<128xi32, #tpu.memory_space<vmem>>
    %dma_start3A_233 = arith.constant 0 : i32
    %dma_start3A_234 = arith.constant 0 : i32
    %dma_start3A_235 = tpu.memref_slice %arg3[%dma_start3A_233, %dma_start3A_234] : memref<4000000x32xf32, #tpu.memory_space<hbm>> -> memref<4000000x32xf32, #tpu.memory_space<hbm>>
    tpu.enqueue_indirect_dma source(%dma_start3A_235 : memref<4000000x32xf32, #tpu.memory_space<hbm>>) target(%dma_start3A_229 : memref<128x32xf32, #tpu.memory_space<vmem>>) offsets(%dma_start3A_232 : memref<128xi32, #tpu.memory_space<vmem>>) semaphore(%arg21 : memref<!tpu.dma_semaphore, #tpu.memory_space<semaphore_mem>>)
    %dma_start3A_236 = arith.constant 2 : i32
    %dma_start3A_237 = arith.constant 256 : i32
    %dma_start3A_238 = arith.constant 0 : i32
    %dma_start3A_239 = tpu.memref_slice %arg9[%dma_start3A_237, %dma_start3A_238] : memref<512x32xf32, #tpu.memory_space<vmem>> -> memref<128x32xf32, #tpu.memory_space<vmem>>
    %dma_start3A_240 = arith.constant 0 : i32
    %dma_start3A_241 = tpu.memref_slice %arg5[%dma_start3A_236, %dma_start3A_240] : memref<4x128xi32, #tpu.memory_space<vmem>> -> memref<1x128xi32, #tpu.memory_space<vmem>>
    %dma_start3A_242 = tpu.memref_squeeze %dma_start3A_241 : memref<1x128xi32, #tpu.memory_space<vmem>> -> memref<128xi32, #tpu.memory_space<vmem>>
    %dma_start3A_243 = arith.constant 0 : i32
    %dma_start3A_244 = arith.constant 0 : i32
    %dma_start3A_245 = tpu.memref_slice %arg3[%dma_start3A_243, %dma_start3A_244] : memref<4000000x32xf32, #tpu.memory_space<hbm>> -> memref<4000000x32xf32, #tpu.memory_space<hbm>>
    tpu.enqueue_indirect_dma source(%dma_start3A_245 : memref<4000000x32xf32, #tpu.memory_space<hbm>>) target(%dma_start3A_239 : memref<128x32xf32, #tpu.memory_space<vmem>>) offsets(%dma_start3A_242 : memref<128xi32, #tpu.memory_space<vmem>>) semaphore(%arg21 : memref<!tpu.dma_semaphore, #tpu.memory_space<semaphore_mem>>)
    %dma_start3A_246 = arith.constant 3 : i32
    %dma_start3A_247 = arith.constant 384 : i32
    %dma_start3A_248 = arith.constant 0 : i32
    %dma_start3A_249 = tpu.memref_slice %arg9[%dma_start3A_247, %dma_start3A_248] : memref<512x32xf32, #tpu.memory_space<vmem>> -> memref<128x32xf32, #tpu.memory_space<vmem>>
    %dma_start3A_250 = arith.constant 0 : i32
    %dma_start3A_251 = tpu.memref_slice %arg5[%dma_start3A_246, %dma_start3A_250] : memref<4x128xi32, #tpu.memory_space<vmem>> -> memref<1x128xi32, #tpu.memory_space<vmem>>
    %dma_start3A_252 = tpu.memref_squeeze %dma_start3A_251 : memref<1x128xi32, #tpu.memory_space<vmem>> -> memref<128xi32, #tpu.memory_space<vmem>>
    %dma_start3A_253 = arith.constant 0 : i32
    %dma_start3A_254 = arith.constant 0 : i32
    %dma_start3A_255 = tpu.memref_slice %arg3[%dma_start3A_253, %dma_start3A_254] : memref<4000000x32xf32, #tpu.memory_space<hbm>> -> memref<4000000x32xf32, #tpu.memory_space<hbm>>
    tpu.enqueue_indirect_dma source(%dma_start3A_255 : memref<4000000x32xf32, #tpu.memory_space<hbm>>) target(%dma_start3A_249 : memref<128x32xf32, #tpu.memory_space<vmem>>) offsets(%dma_start3A_252 : memref<128xi32, #tpu.memory_space<vmem>>) semaphore(%arg21 : memref<!tpu.dma_semaphore, #tpu.memory_space<semaphore_mem>>)
    %add3A_256 = arith.constant 1 : i32
    %add3A_257 = arith.addi %mul3A_2, %add3A_256 : i32
    %jit3A_258 = arith.constant 32 : i32
    %div3A_259 = arith.divsi %add3A_257, %jit3A_258 : i32
    %sign3A_260 = arith.constant 0 : i32
    %sign3A_261 = arith.cmpi sgt, %add3A_257, %sign3A_260 : i32
    %sign3A_262 = arith.extui %sign3A_261 : i1 to i32
    %sign3A_263 = arith.constant 0 : i32
    %sign3A_264 = arith.cmpi slt, %add3A_257, %sign3A_263 : i32
    %sign3A_265 = arith.extui %sign3A_264 : i1 to i32
    %sign3A_266 = arith.subi %sign3A_262, %sign3A_265 : i32
    %sign3A_267 = arith.constant 0 : i32
    %sign3A_268 = arith.cmpi sgt, %jit3A_258, %sign3A_267 : i32
    %sign3A_269 = arith.extui %sign3A_268 : i1 to i32
    %sign3A_270 = arith.constant 0 : i32
    %sign3A_271 = arith.cmpi slt, %jit3A_258, %sign3A_270 : i32
    %sign3A_272 = arith.extui %sign3A_271 : i1 to i32
    %sign3A_273 = arith.subi %sign3A_269, %sign3A_272 : i32
    %ne3A_274 = arith.cmpi ne, %sign3A_266, %sign3A_273 : i32
    %rem3A_275 = arith.remsi %add3A_257, %jit3A_258 : i32
    %ne3A_276 = arith.constant 0 : i32
    %ne3A_277 = arith.cmpi ne, %rem3A_275, %ne3A_276 : i32
    %and3A_278 = arith.andi %ne3A_274, %ne3A_277 : i1
    %sub3A_279 = arith.constant 1 : i32
    %sub3A_280 = arith.subi %div3A_259, %sub3A_279 : i32
    %select_n3A_281 = arith.select %and3A_278, %sub3A_280, %div3A_259 : i32
    %jit3A_282 = arith.constant 32 : i32
    %eq3A_283 = arith.constant 0 : i32
    %eq3A_284 = arith.cmpi eq, %jit3A_282, %eq3A_283 : i32
    %jit3A_285 = arith.constant 1 : i32
    %select_n3A_286 = arith.select %eq3A_284, %jit3A_285, %jit3A_282 : i32
    %rem3A_287 = arith.remsi %add3A_257, %select_n3A_286 : i32
    %ne3A_288 = arith.constant 0 : i32
    %ne3A_289 = arith.cmpi ne, %rem3A_287, %ne3A_288 : i32
    %lt3A_290 = arith.constant 0 : i32
    %lt3A_291 = arith.cmpi slt, %rem3A_287, %lt3A_290 : i32
    %lt3A_292 = arith.constant 0 : i32
    %lt3A_293 = arith.cmpi slt, %select_n3A_286, %lt3A_292 : i32
    %ne3A_294 = arith.xori %lt3A_291, %lt3A_293 : i1
    %and3A_295 = arith.andi %ne3A_294, %ne3A_289 : i1
    %add3A_296 = arith.addi %rem3A_287, %select_n3A_286 : i32
    %select_n3A_297 = arith.select %and3A_295, %add3A_296, %rem3A_287 : i32
    %mul3A_298 = arith.constant 4 : i32
    %mul3A_299 = arith.muli %select_n3A_297, %mul3A_298 : i32
    %jit3A_300 = arith.constant 8 : i32
    %div3A_301 = arith.divsi %select_n3A_281, %jit3A_300 : i32
    %sign3A_302 = arith.constant 0 : i32
    %sign3A_303 = arith.cmpi sgt, %select_n3A_281, %sign3A_302 : i32
    %sign3A_304 = arith.extui %sign3A_303 : i1 to i32
    %sign3A_305 = arith.constant 0 : i32
    %sign3A_306 = arith.cmpi slt, %select_n3A_281, %sign3A_305 : i32
    %sign3A_307 = arith.extui %sign3A_306 : i1 to i32
    %sign3A_308 = arith.subi %sign3A_304, %sign3A_307 : i32
    %sign3A_309 = arith.constant 0 : i32
    %sign3A_310 = arith.cmpi sgt, %jit3A_300, %sign3A_309 : i32
    %sign3A_311 = arith.extui %sign3A_310 : i1 to i32
    %sign3A_312 = arith.constant 0 : i32
    %sign3A_313 = arith.cmpi slt, %jit3A_300, %sign3A_312 : i32
    %sign3A_314 = arith.extui %sign3A_313 : i1 to i32
    %sign3A_315 = arith.subi %sign3A_311, %sign3A_314 : i32
    %ne3A_316 = arith.cmpi ne, %sign3A_308, %sign3A_315 : i32
    %rem3A_317 = arith.remsi %select_n3A_281, %jit3A_300 : i32
    %ne3A_318 = arith.constant 0 : i32
    %ne3A_319 = arith.cmpi ne, %rem3A_317, %ne3A_318 : i32
    %and3A_320 = arith.andi %ne3A_316, %ne3A_319 : i1
    %sub3A_321 = arith.constant 1 : i32
    %sub3A_322 = arith.subi %div3A_301, %sub3A_321 : i32
    %select_n3A_323 = arith.select %and3A_320, %sub3A_322, %div3A_301 : i32
    %jit3A_324 = arith.constant 8 : i32
    %eq3A_325 = arith.constant 0 : i32
    %eq3A_326 = arith.cmpi eq, %jit3A_324, %eq3A_325 : i32
    %jit3A_327 = arith.constant 1 : i32
    %select_n3A_328 = arith.select %eq3A_326, %jit3A_327, %jit3A_324 : i32
    %rem3A_329 = arith.remsi %select_n3A_281, %select_n3A_328 : i32
    %ne3A_330 = arith.constant 0 : i32
    %ne3A_331 = arith.cmpi ne, %rem3A_329, %ne3A_330 : i32
    %lt3A_332 = arith.constant 0 : i32
    %lt3A_333 = arith.cmpi slt, %rem3A_329, %lt3A_332 : i32
    %lt3A_334 = arith.constant 0 : i32
    %lt3A_335 = arith.cmpi slt, %select_n3A_328, %lt3A_334 : i32
    %ne3A_336 = arith.xori %lt3A_333, %lt3A_335 : i1
    %and3A_337 = arith.andi %ne3A_336, %ne3A_331 : i1
    %add3A_338 = arith.addi %rem3A_329, %select_n3A_328 : i32
    %select_n3A_339 = arith.select %and3A_337, %add3A_338, %rem3A_329 : i32
    %add3A_340 = arith.constant 0 : i32
    %add3A_341 = arith.addi %mul3A_299, %add3A_340 : i32
    %dma_start3A_342 = arith.constant 0 : i32
    %dma_start3A_343 = arith.constant 0 : i32
    %dma_start3A_344 = tpu.memref_slice %arg6[%dma_start3A_342, %dma_start3A_343] : memref<4x128xi32, #tpu.memory_space<vmem>> -> memref<1x128xi32, #tpu.memory_space<vmem>>
    %dma_start3A_345 = tpu.memref_squeeze %dma_start3A_344 : memref<1x128xi32, #tpu.memory_space<vmem>> -> memref<128xi32, #tpu.memory_space<vmem>>
    %dma_start3A_346 = arith.constant 0 : i32
    %dma_start3A_347 = tpu.memref_slice %arg2[%select_n3A_323, %add3A_341, %select_n3A_339, %dma_start3A_346] : memref<25x128x8x128xi32, #tpu.memory_space<hbm>> -> memref<1x1x1x128xi32, #tpu.memory_space<hbm>>
    %dma_start3A_348 = tpu.memref_squeeze %dma_start3A_347 : memref<1x1x1x128xi32, #tpu.memory_space<hbm>> -> memref<128xi32, #tpu.memory_space<hbm>>
    %dma_start3A_349 = arith.constant 0 : i32
    %dma_start3A_350 = tpu.memref_slice %arg6[%dma_start3A_342, %dma_start3A_349] : memref<4x128xi32, #tpu.memory_space<vmem>> -> memref<1x128xi32, #tpu.memory_space<vmem>>
    %dma_start3A_351 = tpu.memref_squeeze %dma_start3A_350 : memref<1x128xi32, #tpu.memory_space<vmem>> -> memref<128xi32, #tpu.memory_space<vmem>>
    %dma_start3A_352 = arith.constant 0 : i32
    %dma_start3A_353 = tpu.memref_slice %arg2[%select_n3A_323, %add3A_341, %select_n3A_339, %dma_start3A_352] : memref<25x128x8x128xi32, #tpu.memory_space<hbm>> -> memref<1x1x1x128xi32, #tpu.memory_space<hbm>>
    %dma_start3A_354 = tpu.memref_squeeze %dma_start3A_353 : memref<1x1x1x128xi32, #tpu.memory_space<hbm>> -> memref<128xi32, #tpu.memory_space<hbm>>
    tpu.enqueue_dma source(%dma_start3A_354 : memref<128xi32, #tpu.memory_space<hbm>>) target(%dma_start3A_351 : memref<128xi32, #tpu.memory_space<vmem>>) target_semaphore(%arg18 : memref<!tpu.dma_semaphore, #tpu.memory_space<semaphore_mem>>)
    %add3A_355 = arith.constant 1 : i32
    %add3A_356 = arith.addi %mul3A_299, %add3A_355 : i32
    %dma_start3A_357 = arith.constant 1 : i32
    %dma_start3A_358 = arith.constant 0 : i32
    %dma_start3A_359 = tpu.memref_slice %arg6[%dma_start3A_357, %dma_start3A_358] : memref<4x128xi32, #tpu.memory_space<vmem>> -> memref<1x128xi32, #tpu.memory_space<vmem>>
    %dma_start3A_360 = tpu.memref_squeeze %dma_start3A_359 : memref<1x128xi32, #tpu.memory_space<vmem>> -> memref<128xi32, #tpu.memory_space<vmem>>
    %dma_start3A_361 = arith.constant 0 : i32
    %dma_start3A_362 = tpu.memref_slice %arg2[%select_n3A_323, %add3A_356, %select_n3A_339, %dma_start3A_361] : memref<25x128x8x128xi32, #tpu.memory_space<hbm>> -> memref<1x1x1x128xi32, #tpu.memory_space<hbm>>
    %dma_start3A_363 = tpu.memref_squeeze %dma_start3A_362 : memref<1x1x1x128xi32, #tpu.memory_space<hbm>> -> memref<128xi32, #tpu.memory_space<hbm>>
    %dma_start3A_364 = arith.constant 0 : i32
    %dma_start3A_365 = tpu.memref_slice %arg6[%dma_start3A_357, %dma_start3A_364] : memref<4x128xi32, #tpu.memory_space<vmem>> -> memref<1x128xi32, #tpu.memory_space<vmem>>
    %dma_start3A_366 = tpu.memref_squeeze %dma_start3A_365 : memref<1x128xi32, #tpu.memory_space<vmem>> -> memref<128xi32, #tpu.memory_space<vmem>>
    %dma_start3A_367 = arith.constant 0 : i32
    %dma_start3A_368 = tpu.memref_slice %arg2[%select_n3A_323, %add3A_356, %select_n3A_339, %dma_start3A_367] : memref<25x128x8x128xi32, #tpu.memory_space<hbm>> -> memref<1x1x1x128xi32, #tpu.memory_space<hbm>>
    %dma_start3A_369 = tpu.memref_squeeze %dma_start3A_368 : memref<1x1x1x128xi32, #tpu.memory_space<hbm>> -> memref<128xi32, #tpu.memory_space<hbm>>
    tpu.enqueue_dma source(%dma_start3A_369 : memref<128xi32, #tpu.memory_space<hbm>>) target(%dma_start3A_366 : memref<128xi32, #tpu.memory_space<vmem>>) target_semaphore(%arg18 : memref<!tpu.dma_semaphore, #tpu.memory_space<semaphore_mem>>)
    %add3A_370 = arith.constant 2 : i32
    %add3A_371 = arith.addi %mul3A_299, %add3A_370 : i32
    %dma_start3A_372 = arith.constant 2 : i32
    %dma_start3A_373 = arith.constant 0 : i32
    %dma_start3A_374 = tpu.memref_slice %arg6[%dma_start3A_372, %dma_start3A_373] : memref<4x128xi32, #tpu.memory_space<vmem>> -> memref<1x128xi32, #tpu.memory_space<vmem>>
    %dma_start3A_375 = tpu.memref_squeeze %dma_start3A_374 : memref<1x128xi32, #tpu.memory_space<vmem>> -> memref<128xi32, #tpu.memory_space<vmem>>
    %dma_start3A_376 = arith.constant 0 : i32
    %dma_start3A_377 = tpu.memref_slice %arg2[%select_n3A_323, %add3A_371, %select_n3A_339, %dma_start3A_376] : memref<25x128x8x128xi32, #tpu.memory_space<hbm>> -> memref<1x1x1x128xi32, #tpu.memory_space<hbm>>
    %dma_start3A_378 = tpu.memref_squeeze %dma_start3A_377 : memref<1x1x1x128xi32, #tpu.memory_space<hbm>> -> memref<128xi32, #tpu.memory_space<hbm>>
    %dma_start3A_379 = arith.constant 0 : i32
    %dma_start3A_380 = tpu.memref_slice %arg6[%dma_start3A_372, %dma_start3A_379] : memref<4x128xi32, #tpu.memory_space<vmem>> -> memref<1x128xi32, #tpu.memory_space<vmem>>
    %dma_start3A_381 = tpu.memref_squeeze %dma_start3A_380 : memref<1x128xi32, #tpu.memory_space<vmem>> -> memref<128xi32, #tpu.memory_space<vmem>>
    %dma_start3A_382 = arith.constant 0 : i32
    %dma_start3A_383 = tpu.memref_slice %arg2[%select_n3A_323, %add3A_371, %select_n3A_339, %dma_start3A_382] : memref<25x128x8x128xi32, #tpu.memory_space<hbm>> -> memref<1x1x1x128xi32, #tpu.memory_space<hbm>>
    %dma_start3A_384 = tpu.memref_squeeze %dma_start3A_383 : memref<1x1x1x128xi32, #tpu.memory_space<hbm>> -> memref<128xi32, #tpu.memory_space<hbm>>
    tpu.enqueue_dma source(%dma_start3A_384 : memref<128xi32, #tpu.memory_space<hbm>>) target(%dma_start3A_381 : memref<128xi32, #tpu.memory_space<vmem>>) target_semaphore(%arg18 : memref<!tpu.dma_semaphore, #tpu.memory_space<semaphore_mem>>)
    %add3A_385 = arith.constant 3 : i32
    %add3A_386 = arith.addi %mul3A_299, %add3A_385 : i32
    %dma_start3A_387 = arith.constant 3 : i32
    %dma_start3A_388 = arith.constant 0 : i32
    %dma_start3A_389 = tpu.memref_slice %arg6[%dma_start3A_387, %dma_start3A_388] : memref<4x128xi32, #tpu.memory_space<vmem>> -> memref<1x128xi32, #tpu.memory_space<vmem>>
    %dma_start3A_390 = tpu.memref_squeeze %dma_start3A_389 : memref<1x128xi32, #tpu.memory_space<vmem>> -> memref<128xi32, #tpu.memory_space<vmem>>
    %dma_start3A_391 = arith.constant 0 : i32
    %dma_start3A_392 = tpu.memref_slice %arg2[%select_n3A_323, %add3A_386, %select_n3A_339, %dma_start3A_391] : memref<25x128x8x128xi32, #tpu.memory_space<hbm>> -> memref<1x1x1x128xi32, #tpu.memory_space<hbm>>
    %dma_start3A_393 = tpu.memref_squeeze %dma_start3A_392 : memref<1x1x1x128xi32, #tpu.memory_space<hbm>> -> memref<128xi32, #tpu.memory_space<hbm>>
    %dma_start3A_394 = arith.constant 0 : i32
    %dma_start3A_395 = tpu.memref_slice %arg6[%dma_start3A_387, %dma_start3A_394] : memref<4x128xi32, #tpu.memory_space<vmem>> -> memref<1x128xi32, #tpu.memory_space<vmem>>
    %dma_start3A_396 = tpu.memref_squeeze %dma_start3A_395 : memref<1x128xi32, #tpu.memory_space<vmem>> -> memref<128xi32, #tpu.memory_space<vmem>>
    %dma_start3A_397 = arith.constant 0 : i32
    %dma_start3A_398 = tpu.memref_slice %arg2[%select_n3A_323, %add3A_386, %select_n3A_339, %dma_start3A_397] : memref<25x128x8x128xi32, #tpu.memory_space<hbm>> -> memref<1x1x1x128xi32, #tpu.memory_space<hbm>>
    %dma_start3A_399 = tpu.memref_squeeze %dma_start3A_398 : memref<1x1x1x128xi32, #tpu.memory_space<hbm>> -> memref<128xi32, #tpu.memory_space<hbm>>
    tpu.enqueue_dma source(%dma_start3A_399 : memref<128xi32, #tpu.memory_space<hbm>>) target(%dma_start3A_396 : memref<128xi32, #tpu.memory_space<vmem>>) target_semaphore(%arg18 : memref<!tpu.dma_semaphore, #tpu.memory_space<semaphore_mem>>)
    %add3A_400 = arith.constant 2 : i32
    %add3A_401 = arith.addi %mul3A_2, %add3A_400 : i32
    %jit3A_402 = arith.constant 32 : i32
    %div3A_403 = arith.divsi %add3A_401, %jit3A_402 : i32
    %sign3A_404 = arith.constant 0 : i32
    %sign3A_405 = arith.cmpi sgt, %add3A_401, %sign3A_404 : i32
    %sign3A_406 = arith.extui %sign3A_405 : i1 to i32
    %sign3A_407 = arith.constant 0 : i32
    %sign3A_408 = arith.cmpi slt, %add3A_401, %sign3A_407 : i32
    %sign3A_409 = arith.extui %sign3A_408 : i1 to i32
    %sign3A_410 = arith.subi %sign3A_406, %sign3A_409 : i32
    %sign3A_411 = arith.constant 0 : i32
    %sign3A_412 = arith.cmpi sgt, %jit3A_402, %sign3A_411 : i32
    %sign3A_413 = arith.extui %sign3A_412 : i1 to i32
    %sign3A_414 = arith.constant 0 : i32
    %sign3A_415 = arith.cmpi slt, %jit3A_402, %sign3A_414 : i32
    %sign3A_416 = arith.extui %sign3A_415 : i1 to i32
    %sign3A_417 = arith.subi %sign3A_413, %sign3A_416 : i32
    %ne3A_418 = arith.cmpi ne, %sign3A_410, %sign3A_417 : i32
    %rem3A_419 = arith.remsi %add3A_401, %jit3A_402 : i32
    %ne3A_420 = arith.constant 0 : i32
    %ne3A_421 = arith.cmpi ne, %rem3A_419, %ne3A_420 : i32
    %and3A_422 = arith.andi %ne3A_418, %ne3A_421 : i1
    %sub3A_423 = arith.constant 1 : i32
    %sub3A_424 = arith.subi %div3A_403, %sub3A_423 : i32
    %select_n3A_425 = arith.select %and3A_422, %sub3A_424, %div3A_403 : i32
    %jit3A_426 = arith.constant 32 : i32
    %eq3A_427 = arith.constant 0 : i32
    %eq3A_428 = arith.cmpi eq, %jit3A_426, %eq3A_427 : i32
    %jit3A_429 = arith.constant 1 : i32
    %select_n3A_430 = arith.select %eq3A_428, %jit3A_429, %jit3A_426 : i32
    %rem3A_431 = arith.remsi %add3A_401, %select_n3A_430 : i32
    %ne3A_432 = arith.constant 0 : i32
    %ne3A_433 = arith.cmpi ne, %rem3A_431, %ne3A_432 : i32
    %lt3A_434 = arith.constant 0 : i32
    %lt3A_435 = arith.cmpi slt, %rem3A_431, %lt3A_434 : i32
    %lt3A_436 = arith.constant 0 : i32
    %lt3A_437 = arith.cmpi slt, %select_n3A_430, %lt3A_436 : i32
    %ne3A_438 = arith.xori %lt3A_435, %lt3A_437 : i1
    %and3A_439 = arith.andi %ne3A_438, %ne3A_433 : i1
    %add3A_440 = arith.addi %rem3A_431, %select_n3A_430 : i32
    %select_n3A_441 = arith.select %and3A_439, %add3A_440, %rem3A_431 : i32
    %mul3A_442 = arith.constant 4 : i32
    %mul3A_443 = arith.muli %select_n3A_441, %mul3A_442 : i32
    %jit3A_444 = arith.constant 8 : i32
    %div3A_445 = arith.divsi %select_n3A_425, %jit3A_444 : i32
    %sign3A_446 = arith.constant 0 : i32
    %sign3A_447 = arith.cmpi sgt, %select_n3A_425, %sign3A_446 : i32
    %sign3A_448 = arith.extui %sign3A_447 : i1 to i32
    %sign3A_449 = arith.constant 0 : i32
    %sign3A_450 = arith.cmpi slt, %select_n3A_425, %sign3A_449 : i32
    %sign3A_451 = arith.extui %sign3A_450 : i1 to i32
    %sign3A_452 = arith.subi %sign3A_448, %sign3A_451 : i32
    %sign3A_453 = arith.constant 0 : i32
    %sign3A_454 = arith.cmpi sgt, %jit3A_444, %sign3A_453 : i32
    %sign3A_455 = arith.extui %sign3A_454 : i1 to i32
    %sign3A_456 = arith.constant 0 : i32
    %sign3A_457 = arith.cmpi slt, %jit3A_444, %sign3A_456 : i32
    %sign3A_458 = arith.extui %sign3A_457 : i1 to i32
    %sign3A_459 = arith.subi %sign3A_455, %sign3A_458 : i32
    %ne3A_460 = arith.cmpi ne, %sign3A_452, %sign3A_459 : i32
    %rem3A_461 = arith.remsi %select_n3A_425, %jit3A_444 : i32
    %ne3A_462 = arith.constant 0 : i32
    %ne3A_463 = arith.cmpi ne, %rem3A_461, %ne3A_462 : i32
    %and3A_464 = arith.andi %ne3A_460, %ne3A_463 : i1
    %sub3A_465 = arith.constant 1 : i32
    %sub3A_466 = arith.subi %div3A_445, %sub3A_465 : i32
    %select_n3A_467 = arith.select %and3A_464, %sub3A_466, %div3A_445 : i32
    %jit3A_468 = arith.constant 8 : i32
    %eq3A_469 = arith.constant 0 : i32
    %eq3A_470 = arith.cmpi eq, %jit3A_468, %eq3A_469 : i32
    %jit3A_471 = arith.constant 1 : i32
    %select_n3A_472 = arith.select %eq3A_470, %jit3A_471, %jit3A_468 : i32
    %rem3A_473 = arith.remsi %select_n3A_425, %select_n3A_472 : i32
    %ne3A_474 = arith.constant 0 : i32
    %ne3A_475 = arith.cmpi ne, %rem3A_473, %ne3A_474 : i32
    %lt3A_476 = arith.constant 0 : i32
    %lt3A_477 = arith.cmpi slt, %rem3A_473, %lt3A_476 : i32
    %lt3A_478 = arith.constant 0 : i32
    %lt3A_479 = arith.cmpi slt, %select_n3A_472, %lt3A_478 : i32
    %ne3A_480 = arith.xori %lt3A_477, %lt3A_479 : i1
    %and3A_481 = arith.andi %ne3A_480, %ne3A_475 : i1
    %add3A_482 = arith.addi %rem3A_473, %select_n3A_472 : i32
    %select_n3A_483 = arith.select %and3A_481, %add3A_482, %rem3A_473 : i32
    %add3A_484 = arith.constant 0 : i32
    %add3A_485 = arith.addi %mul3A_443, %add3A_484 : i32
    %dma_start3A_486 = arith.constant 0 : i32
    %dma_start3A_487 = arith.constant 0 : i32
    %dma_start3A_488 = tpu.memref_slice %arg7[%dma_start3A_486, %dma_start3A_487] : memref<4x128xi32, #tpu.memory_space<vmem>> -> memref<1x128xi32, #tpu.memory_space<vmem>>
    %dma_start3A_489 = tpu.memref_squeeze %dma_start3A_488 : memref<1x128xi32, #tpu.memory_space<vmem>> -> memref<128xi32, #tpu.memory_space<vmem>>
    %dma_start3A_490 = arith.constant 0 : i32
    %dma_start3A_491 = tpu.memref_slice %arg2[%select_n3A_467, %add3A_485, %select_n3A_483, %dma_start3A_490] : memref<25x128x8x128xi32, #tpu.memory_space<hbm>> -> memref<1x1x1x128xi32, #tpu.memory_space<hbm>>
    %dma_start3A_492 = tpu.memref_squeeze %dma_start3A_491 : memref<1x1x1x128xi32, #tpu.memory_space<hbm>> -> memref<128xi32, #tpu.memory_space<hbm>>
    %dma_start3A_493 = arith.constant 0 : i32
    %dma_start3A_494 = tpu.memref_slice %arg7[%dma_start3A_486, %dma_start3A_493] : memref<4x128xi32, #tpu.memory_space<vmem>> -> memref<1x128xi32, #tpu.memory_space<vmem>>
    %dma_start3A_495 = tpu.memref_squeeze %dma_start3A_494 : memref<1x128xi32, #tpu.memory_space<vmem>> -> memref<128xi32, #tpu.memory_space<vmem>>
    %dma_start3A_496 = arith.constant 0 : i32
    %dma_start3A_497 = tpu.memref_slice %arg2[%select_n3A_467, %add3A_485, %select_n3A_483, %dma_start3A_496] : memref<25x128x8x128xi32, #tpu.memory_space<hbm>> -> memref<1x1x1x128xi32, #tpu.memory_space<hbm>>
    %dma_start3A_498 = tpu.memref_squeeze %dma_start3A_497 : memref<1x1x1x128xi32, #tpu.memory_space<hbm>> -> memref<128xi32, #tpu.memory_space<hbm>>
    tpu.enqueue_dma source(%dma_start3A_498 : memref<128xi32, #tpu.memory_space<hbm>>) target(%dma_start3A_495 : memref<128xi32, #tpu.memory_space<vmem>>) target_semaphore(%arg19 : memref<!tpu.dma_semaphore, #tpu.memory_space<semaphore_mem>>)
    %add3A_499 = arith.constant 1 : i32
    %add3A_500 = arith.addi %mul3A_443, %add3A_499 : i32
    %dma_start3A_501 = arith.constant 1 : i32
    %dma_start3A_502 = arith.constant 0 : i32
    %dma_start3A_503 = tpu.memref_slice %arg7[%dma_start3A_501, %dma_start3A_502] : memref<4x128xi32, #tpu.memory_space<vmem>> -> memref<1x128xi32, #tpu.memory_space<vmem>>
    %dma_start3A_504 = tpu.memref_squeeze %dma_start3A_503 : memref<1x128xi32, #tpu.memory_space<vmem>> -> memref<128xi32, #tpu.memory_space<vmem>>
    %dma_start3A_505 = arith.constant 0 : i32
    %dma_start3A_506 = tpu.memref_slice %arg2[%select_n3A_467, %add3A_500, %select_n3A_483, %dma_start3A_505] : memref<25x128x8x128xi32, #tpu.memory_space<hbm>> -> memref<1x1x1x128xi32, #tpu.memory_space<hbm>>
    %dma_start3A_507 = tpu.memref_squeeze %dma_start3A_506 : memref<1x1x1x128xi32, #tpu.memory_space<hbm>> -> memref<128xi32, #tpu.memory_space<hbm>>
    %dma_start3A_508 = arith.constant 0 : i32
    %dma_start3A_509 = tpu.memref_slice %arg7[%dma_start3A_501, %dma_start3A_508] : memref<4x128xi32, #tpu.memory_space<vmem>> -> memref<1x128xi32, #tpu.memory_space<vmem>>
    %dma_start3A_510 = tpu.memref_squeeze %dma_start3A_509 : memref<1x128xi32, #tpu.memory_space<vmem>> -> memref<128xi32, #tpu.memory_space<vmem>>
    %dma_start3A_511 = arith.constant 0 : i32
    %dma_start3A_512 = tpu.memref_slice %arg2[%select_n3A_467, %add3A_500, %select_n3A_483, %dma_start3A_511] : memref<25x128x8x128xi32, #tpu.memory_space<hbm>> -> memref<1x1x1x128xi32, #tpu.memory_space<hbm>>
    %dma_start3A_513 = tpu.memref_squeeze %dma_start3A_512 : memref<1x1x1x128xi32, #tpu.memory_space<hbm>> -> memref<128xi32, #tpu.memory_space<hbm>>
    tpu.enqueue_dma source(%dma_start3A_513 : memref<128xi32, #tpu.memory_space<hbm>>) target(%dma_start3A_510 : memref<128xi32, #tpu.memory_space<vmem>>) target_semaphore(%arg19 : memref<!tpu.dma_semaphore, #tpu.memory_space<semaphore_mem>>)
    %add3A_514 = arith.constant 2 : i32
    %add3A_515 = arith.addi %mul3A_443, %add3A_514 : i32
    %dma_start3A_516 = arith.constant 2 : i32
    %dma_start3A_517 = arith.constant 0 : i32
    %dma_start3A_518 = tpu.memref_slice %arg7[%dma_start3A_516, %dma_start3A_517] : memref<4x128xi32, #tpu.memory_space<vmem>> -> memref<1x128xi32, #tpu.memory_space<vmem>>
    %dma_start3A_519 = tpu.memref_squeeze %dma_start3A_518 : memref<1x128xi32, #tpu.memory_space<vmem>> -> memref<128xi32, #tpu.memory_space<vmem>>
    %dma_start3A_520 = arith.constant 0 : i32
    %dma_start3A_521 = tpu.memref_slice %arg2[%select_n3A_467, %add3A_515, %select_n3A_483, %dma_start3A_520] : memref<25x128x8x128xi32, #tpu.memory_space<hbm>> -> memref<1x1x1x128xi32, #tpu.memory_space<hbm>>
    %dma_start3A_522 = tpu.memref_squeeze %dma_start3A_521 : memref<1x1x1x128xi32, #tpu.memory_space<hbm>> -> memref<128xi32, #tpu.memory_space<hbm>>
    %dma_start3A_523 = arith.constant 0 : i32
    %dma_start3A_524 = tpu.memref_slice %arg7[%dma_start3A_516, %dma_start3A_523] : memref<4x128xi32, #tpu.memory_space<vmem>> -> memref<1x128xi32, #tpu.memory_space<vmem>>
    %dma_start3A_525 = tpu.memref_squeeze %dma_start3A_524 : memref<1x128xi32, #tpu.memory_space<vmem>> -> memref<128xi32, #tpu.memory_space<vmem>>
    %dma_start3A_526 = arith.constant 0 : i32
    %dma_start3A_527 = tpu.memref_slice %arg2[%select_n3A_467, %add3A_515, %select_n3A_483, %dma_start3A_526] : memref<25x128x8x128xi32, #tpu.memory_space<hbm>> -> memref<1x1x1x128xi32, #tpu.memory_space<hbm>>
    %dma_start3A_528 = tpu.memref_squeeze %dma_start3A_527 : memref<1x1x1x128xi32, #tpu.memory_space<hbm>> -> memref<128xi32, #tpu.memory_space<hbm>>
    tpu.enqueue_dma source(%dma_start3A_528 : memref<128xi32, #tpu.memory_space<hbm>>) target(%dma_start3A_525 : memref<128xi32, #tpu.memory_space<vmem>>) target_semaphore(%arg19 : memref<!tpu.dma_semaphore, #tpu.memory_space<semaphore_mem>>)
    %add3A_529 = arith.constant 3 : i32
    %add3A_530 = arith.addi %mul3A_443, %add3A_529 : i32
    %dma_start3A_531 = arith.constant 3 : i32
    %dma_start3A_532 = arith.constant 0 : i32
    %dma_start3A_533 = tpu.memref_slice %arg7[%dma_start3A_531, %dma_start3A_532] : memref<4x128xi32, #tpu.memory_space<vmem>> -> memref<1x128xi32, #tpu.memory_space<vmem>>
    %dma_start3A_534 = tpu.memref_squeeze %dma_start3A_533 : memref<1x128xi32, #tpu.memory_space<vmem>> -> memref<128xi32, #tpu.memory_space<vmem>>
    %dma_start3A_535 = arith.constant 0 : i32
    %dma_start3A_536 = tpu.memref_slice %arg2[%select_n3A_467, %add3A_530, %select_n3A_483, %dma_start3A_535] : memref<25x128x8x128xi32, #tpu.memory_space<hbm>> -> memref<1x1x1x128xi32, #tpu.memory_space<hbm>>
    %dma_start3A_537 = tpu.memref_squeeze %dma_start3A_536 : memref<1x1x1x128xi32, #tpu.memory_space<hbm>> -> memref<128xi32, #tpu.memory_space<hbm>>
    %dma_start3A_538 = arith.constant 0 : i32
    %dma_start3A_539 = tpu.memref_slice %arg7[%dma_start3A_531, %dma_start3A_538] : memref<4x128xi32, #tpu.memory_space<vmem>> -> memref<1x128xi32, #tpu.memory_space<vmem>>
    %dma_start3A_540 = tpu.memref_squeeze %dma_start3A_539 : memref<1x128xi32, #tpu.memory_space<vmem>> -> memref<128xi32, #tpu.memory_space<vmem>>
    %dma_start3A_541 = arith.constant 0 : i32
    %dma_start3A_542 = tpu.memref_slice %arg2[%select_n3A_467, %add3A_530, %select_n3A_483, %dma_start3A_541] : memref<25x128x8x128xi32, #tpu.memory_space<hbm>> -> memref<1x1x1x128xi32, #tpu.memory_space<hbm>>
    %dma_start3A_543 = tpu.memref_squeeze %dma_start3A_542 : memref<1x1x1x128xi32, #tpu.memory_space<hbm>> -> memref<128xi32, #tpu.memory_space<hbm>>
    tpu.enqueue_dma source(%dma_start3A_543 : memref<128xi32, #tpu.memory_space<hbm>>) target(%dma_start3A_540 : memref<128xi32, #tpu.memory_space<vmem>>) target_semaphore(%arg19 : memref<!tpu.dma_semaphore, #tpu.memory_space<semaphore_mem>>)
    %dma_wait3A = arith.constant 0 : i32
    %dma_wait3A_544 = arith.constant 0 : i32
    %dma_wait3A_545 = arith.constant 0 : i32
    %dma_wait3A_546 = arith.constant 0 : i32
    %dma_wait3A_547 = arith.constant 0 : i32
    %dma_wait3A_548 = tpu.memref_slice %arg6[%dma_wait3A_546, %dma_wait3A_547] : memref<4x128xi32, #tpu.memory_space<vmem>> -> memref<1x128xi32, #tpu.memory_space<vmem>>
    %dma_wait3A_549 = tpu.memref_squeeze %dma_wait3A_548 : memref<1x128xi32, #tpu.memory_space<vmem>> -> memref<128xi32, #tpu.memory_space<vmem>>
    %dma_wait3A_550 = arith.constant 0 : i32
    %dma_wait3A_551 = tpu.memref_slice %arg2[%dma_wait3A, %dma_wait3A_544, %dma_wait3A_545, %dma_wait3A_550] : memref<25x128x8x128xi32, #tpu.memory_space<hbm>> -> memref<1x1x1x128xi32, #tpu.memory_space<hbm>>
    %dma_wait3A_552 = tpu.memref_squeeze %dma_wait3A_551 : memref<1x1x1x128xi32, #tpu.memory_space<hbm>> -> memref<128xi32, #tpu.memory_space<hbm>>
    %dma_wait3A_553 = arith.constant 0 : i32
    %dma_wait3A_554 = tpu.memref_slice %arg6[%dma_wait3A_546, %dma_wait3A_553] : memref<4x128xi32, #tpu.memory_space<vmem>> -> memref<1x128xi32, #tpu.memory_space<vmem>>
    %dma_wait3A_555 = tpu.memref_squeeze %dma_wait3A_554 : memref<1x128xi32, #tpu.memory_space<vmem>> -> memref<128xi32, #tpu.memory_space<vmem>>
    %dma_wait3A_556 = arith.constant 0 : i32
    %dma_wait3A_557 = tpu.memref_slice %arg2[%dma_wait3A, %dma_wait3A_544, %dma_wait3A_545, %dma_wait3A_556] : memref<25x128x8x128xi32, #tpu.memory_space<hbm>> -> memref<1x1x1x128xi32, #tpu.memory_space<hbm>>
    %dma_wait3A_558 = tpu.memref_squeeze %dma_wait3A_557 : memref<1x1x1x128xi32, #tpu.memory_space<hbm>> -> memref<128xi32, #tpu.memory_space<hbm>>
    tpu.wait_dma2 semaphore(%arg18 : memref<!tpu.dma_semaphore, #tpu.memory_space<semaphore_mem>>) src(%dma_wait3A_558 : memref<128xi32, #tpu.memory_space<hbm>>) dst(%dma_wait3A_555 : memref<128xi32, #tpu.memory_space<vmem>>)
    %dma_wait3A_559 = arith.constant 0 : i32
    %dma_wait3A_560 = arith.constant 0 : i32
    %dma_wait3A_561 = arith.constant 0 : i32
    %dma_wait3A_562 = arith.constant 1 : i32
    %dma_wait3A_563 = arith.constant 0 : i32
    %dma_wait3A_564 = tpu.memref_slice %arg6[%dma_wait3A_562, %dma_wait3A_563] : memref<4x128xi32, #tpu.memory_space<vmem>> -> memref<1x128xi32, #tpu.memory_space<vmem>>
    %dma_wait3A_565 = tpu.memref_squeeze %dma_wait3A_564 : memref<1x128xi32, #tpu.memory_space<vmem>> -> memref<128xi32, #tpu.memory_space<vmem>>
    %dma_wait3A_566 = arith.constant 0 : i32
    %dma_wait3A_567 = tpu.memref_slice %arg2[%dma_wait3A_559, %dma_wait3A_560, %dma_wait3A_561, %dma_wait3A_566] : memref<25x128x8x128xi32, #tpu.memory_space<hbm>> -> memref<1x1x1x128xi32, #tpu.memory_space<hbm>>
    %dma_wait3A_568 = tpu.memref_squeeze %dma_wait3A_567 : memref<1x1x1x128xi32, #tpu.memory_space<hbm>> -> memref<128xi32, #tpu.memory_space<hbm>>
    %dma_wait3A_569 = arith.constant 0 : i32
    %dma_wait3A_570 = tpu.memref_slice %arg6[%dma_wait3A_562, %dma_wait3A_569] : memref<4x128xi32, #tpu.memory_space<vmem>> -> memref<1x128xi32, #tpu.memory_space<vmem>>
    %dma_wait3A_571 = tpu.memref_squeeze %dma_wait3A_570 : memref<1x128xi32, #tpu.memory_space<vmem>> -> memref<128xi32, #tpu.memory_space<vmem>>
    %dma_wait3A_572 = arith.constant 0 : i32
    %dma_wait3A_573 = tpu.memref_slice %arg2[%dma_wait3A_559, %dma_wait3A_560, %dma_wait3A_561, %dma_wait3A_572] : memref<25x128x8x128xi32, #tpu.memory_space<hbm>> -> memref<1x1x1x128xi32, #tpu.memory_space<hbm>>
    %dma_wait3A_574 = tpu.memref_squeeze %dma_wait3A_573 : memref<1x1x1x128xi32, #tpu.memory_space<hbm>> -> memref<128xi32, #tpu.memory_space<hbm>>
    tpu.wait_dma2 semaphore(%arg18 : memref<!tpu.dma_semaphore, #tpu.memory_space<semaphore_mem>>) src(%dma_wait3A_574 : memref<128xi32, #tpu.memory_space<hbm>>) dst(%dma_wait3A_571 : memref<128xi32, #tpu.memory_space<vmem>>)
    %dma_wait3A_575 = arith.constant 0 : i32
    %dma_wait3A_576 = arith.constant 0 : i32
    %dma_wait3A_577 = arith.constant 0 : i32
    %dma_wait3A_578 = arith.constant 2 : i32
    %dma_wait3A_579 = arith.constant 0 : i32
    %dma_wait3A_580 = tpu.memref_slice %arg6[%dma_wait3A_578, %dma_wait3A_579] : memref<4x128xi32, #tpu.memory_space<vmem>> -> memref<1x128xi32, #tpu.memory_space<vmem>>
    %dma_wait3A_581 = tpu.memref_squeeze %dma_wait3A_580 : memref<1x128xi32, #tpu.memory_space<vmem>> -> memref<128xi32, #tpu.memory_space<vmem>>
    %dma_wait3A_582 = arith.constant 0 : i32
    %dma_wait3A_583 = tpu.memref_slice %arg2[%dma_wait3A_575, %dma_wait3A_576, %dma_wait3A_577, %dma_wait3A_582] : memref<25x128x8x128xi32, #tpu.memory_space<hbm>> -> memref<1x1x1x128xi32, #tpu.memory_space<hbm>>
    %dma_wait3A_584 = tpu.memref_squeeze %dma_wait3A_583 : memref<1x1x1x128xi32, #tpu.memory_space<hbm>> -> memref<128xi32, #tpu.memory_space<hbm>>
    %dma_wait3A_585 = arith.constant 0 : i32
    %dma_wait3A_586 = tpu.memref_slice %arg6[%dma_wait3A_578, %dma_wait3A_585] : memref<4x128xi32, #tpu.memory_space<vmem>> -> memref<1x128xi32, #tpu.memory_space<vmem>>
    %dma_wait3A_587 = tpu.memref_squeeze %dma_wait3A_586 : memref<1x128xi32, #tpu.memory_space<vmem>> -> memref<128xi32, #tpu.memory_space<vmem>>
    %dma_wait3A_588 = arith.constant 0 : i32
    %dma_wait3A_589 = tpu.memref_slice %arg2[%dma_wait3A_575, %dma_wait3A_576, %dma_wait3A_577, %dma_wait3A_588] : memref<25x128x8x128xi32, #tpu.memory_space<hbm>> -> memref<1x1x1x128xi32, #tpu.memory_space<hbm>>
    %dma_wait3A_590 = tpu.memref_squeeze %dma_wait3A_589 : memref<1x1x1x128xi32, #tpu.memory_space<hbm>> -> memref<128xi32, #tpu.memory_space<hbm>>
    tpu.wait_dma2 semaphore(%arg18 : memref<!tpu.dma_semaphore, #tpu.memory_space<semaphore_mem>>) src(%dma_wait3A_590 : memref<128xi32, #tpu.memory_space<hbm>>) dst(%dma_wait3A_587 : memref<128xi32, #tpu.memory_space<vmem>>)
    %dma_wait3A_591 = arith.constant 0 : i32
    %dma_wait3A_592 = arith.constant 0 : i32
    %dma_wait3A_593 = arith.constant 0 : i32
    %dma_wait3A_594 = arith.constant 3 : i32
    %dma_wait3A_595 = arith.constant 0 : i32
    %dma_wait3A_596 = tpu.memref_slice %arg6[%dma_wait3A_594, %dma_wait3A_595] : memref<4x128xi32, #tpu.memory_space<vmem>> -> memref<1x128xi32, #tpu.memory_space<vmem>>
    %dma_wait3A_597 = tpu.memref_squeeze %dma_wait3A_596 : memref<1x128xi32, #tpu.memory_space<vmem>> -> memref<128xi32, #tpu.memory_space<vmem>>
    %dma_wait3A_598 = arith.constant 0 : i32
    %dma_wait3A_599 = tpu.memref_slice %arg2[%dma_wait3A_591, %dma_wait3A_592, %dma_wait3A_593, %dma_wait3A_598] : memref<25x128x8x128xi32, #tpu.memory_space<hbm>> -> memref<1x1x1x128xi32, #tpu.memory_space<hbm>>
    %dma_wait3A_600 = tpu.memref_squeeze %dma_wait3A_599 : memref<1x1x1x128xi32, #tpu.memory_space<hbm>> -> memref<128xi32, #tpu.memory_space<hbm>>
    %dma_wait3A_601 = arith.constant 0 : i32
    %dma_wait3A_602 = tpu.memref_slice %arg6[%dma_wait3A_594, %dma_wait3A_601] : memref<4x128xi32, #tpu.memory_space<vmem>> -> memref<1x128xi32, #tpu.memory_space<vmem>>
    %dma_wait3A_603 = tpu.memref_squeeze %dma_wait3A_602 : memref<1x128xi32, #tpu.memory_space<vmem>> -> memref<128xi32, #tpu.memory_space<vmem>>
    %dma_wait3A_604 = arith.constant 0 : i32
    %dma_wait3A_605 = tpu.memref_slice %arg2[%dma_wait3A_591, %dma_wait3A_592, %dma_wait3A_593, %dma_wait3A_604] : memref<25x128x8x128xi32, #tpu.memory_space<hbm>> -> memref<1x1x1x128xi32, #tpu.memory_space<hbm>>
    %dma_wait3A_606 = tpu.memref_squeeze %dma_wait3A_605 : memref<1x1x1x128xi32, #tpu.memory_space<hbm>> -> memref<128xi32, #tpu.memory_space<hbm>>
    tpu.wait_dma2 semaphore(%arg18 : memref<!tpu.dma_semaphore, #tpu.memory_space<semaphore_mem>>) src(%dma_wait3A_606 : memref<128xi32, #tpu.memory_space<hbm>>) dst(%dma_wait3A_603 : memref<128xi32, #tpu.memory_space<vmem>>)
    %dma_start3A_607 = arith.constant 0 : i32
    %dma_start3A_608 = arith.constant 0 : i32
    %dma_start3A_609 = arith.constant 0 : i32
    %dma_start3A_610 = tpu.memref_slice %arg10[%dma_start3A_608, %dma_start3A_609] : memref<512x32xf32, #tpu.memory_space<vmem>> -> memref<128x32xf32, #tpu.memory_space<vmem>>
    %dma_start3A_611 = arith.constant 0 : i32
    %dma_start3A_612 = tpu.memref_slice %arg6[%dma_start3A_607, %dma_start3A_611] : memref<4x128xi32, #tpu.memory_space<vmem>> -> memref<1x128xi32, #tpu.memory_space<vmem>>
    %dma_start3A_613 = tpu.memref_squeeze %dma_start3A_612 : memref<1x128xi32, #tpu.memory_space<vmem>> -> memref<128xi32, #tpu.memory_space<vmem>>
    %dma_start3A_614 = arith.constant 0 : i32
    %dma_start3A_615 = arith.constant 0 : i32
    %dma_start3A_616 = tpu.memref_slice %arg3[%dma_start3A_614, %dma_start3A_615] : memref<4000000x32xf32, #tpu.memory_space<hbm>> -> memref<4000000x32xf32, #tpu.memory_space<hbm>>
    tpu.enqueue_indirect_dma source(%dma_start3A_616 : memref<4000000x32xf32, #tpu.memory_space<hbm>>) target(%dma_start3A_610 : memref<128x32xf32, #tpu.memory_space<vmem>>) offsets(%dma_start3A_613 : memref<128xi32, #tpu.memory_space<vmem>>) semaphore(%arg22 : memref<!tpu.dma_semaphore, #tpu.memory_space<semaphore_mem>>)
    %dma_start3A_617 = arith.constant 1 : i32
    %dma_start3A_618 = arith.constant 128 : i32
    %dma_start3A_619 = arith.constant 0 : i32
    %dma_start3A_620 = tpu.memref_slice %arg10[%dma_start3A_618, %dma_start3A_619] : memref<512x32xf32, #tpu.memory_space<vmem>> -> memref<128x32xf32, #tpu.memory_space<vmem>>
    %dma_start3A_621 = arith.constant 0 : i32
    %dma_start3A_622 = tpu.memref_slice %arg6[%dma_start3A_617, %dma_start3A_621] : memref<4x128xi32, #tpu.memory_space<vmem>> -> memref<1x128xi32, #tpu.memory_space<vmem>>
    %dma_start3A_623 = tpu.memref_squeeze %dma_start3A_622 : memref<1x128xi32, #tpu.memory_space<vmem>> -> memref<128xi32, #tpu.memory_space<vmem>>
    %dma_start3A_624 = arith.constant 0 : i32
    %dma_start3A_625 = arith.constant 0 : i32
    %dma_start3A_626 = tpu.memref_slice %arg3[%dma_start3A_624, %dma_start3A_625] : memref<4000000x32xf32, #tpu.memory_space<hbm>> -> memref<4000000x32xf32, #tpu.memory_space<hbm>>
    tpu.enqueue_indirect_dma source(%dma_start3A_626 : memref<4000000x32xf32, #tpu.memory_space<hbm>>) target(%dma_start3A_620 : memref<128x32xf32, #tpu.memory_space<vmem>>) offsets(%dma_start3A_623 : memref<128xi32, #tpu.memory_space<vmem>>) semaphore(%arg22 : memref<!tpu.dma_semaphore, #tpu.memory_space<semaphore_mem>>)
    %dma_start3A_627 = arith.constant 2 : i32
    %dma_start3A_628 = arith.constant 256 : i32
    %dma_start3A_629 = arith.constant 0 : i32
    %dma_start3A_630 = tpu.memref_slice %arg10[%dma_start3A_628, %dma_start3A_629] : memref<512x32xf32, #tpu.memory_space<vmem>> -> memref<128x32xf32, #tpu.memory_space<vmem>>
    %dma_start3A_631 = arith.constant 0 : i32
    %dma_start3A_632 = tpu.memref_slice %arg6[%dma_start3A_627, %dma_start3A_631] : memref<4x128xi32, #tpu.memory_space<vmem>> -> memref<1x128xi32, #tpu.memory_space<vmem>>
    %dma_start3A_633 = tpu.memref_squeeze %dma_start3A_632 : memref<1x128xi32, #tpu.memory_space<vmem>> -> memref<128xi32, #tpu.memory_space<vmem>>
    %dma_start3A_634 = arith.constant 0 : i32
    %dma_start3A_635 = arith.constant 0 : i32
    %dma_start3A_636 = tpu.memref_slice %arg3[%dma_start3A_634, %dma_start3A_635] : memref<4000000x32xf32, #tpu.memory_space<hbm>> -> memref<4000000x32xf32, #tpu.memory_space<hbm>>
    tpu.enqueue_indirect_dma source(%dma_start3A_636 : memref<4000000x32xf32, #tpu.memory_space<hbm>>) target(%dma_start3A_630 : memref<128x32xf32, #tpu.memory_space<vmem>>) offsets(%dma_start3A_633 : memref<128xi32, #tpu.memory_space<vmem>>) semaphore(%arg22 : memref<!tpu.dma_semaphore, #tpu.memory_space<semaphore_mem>>)
    %dma_start3A_637 = arith.constant 3 : i32
    %dma_start3A_638 = arith.constant 384 : i32
    %dma_start3A_639 = arith.constant 0 : i32
    %dma_start3A_640 = tpu.memref_slice %arg10[%dma_start3A_638, %dma_start3A_639] : memref<512x32xf32, #tpu.memory_space<vmem>> -> memref<128x32xf32, #tpu.memory_space<vmem>>
    %dma_start3A_641 = arith.constant 0 : i32
    %dma_start3A_642 = tpu.memref_slice %arg6[%dma_start3A_637, %dma_start3A_641] : memref<4x128xi32, #tpu.memory_space<vmem>> -> memref<1x128xi32, #tpu.memory_space<vmem>>
    %dma_start3A_643 = tpu.memref_squeeze %dma_start3A_642 : memref<1x128xi32, #tpu.memory_space<vmem>> -> memref<128xi32, #tpu.memory_space<vmem>>
    %dma_start3A_644 = arith.constant 0 : i32
    %dma_start3A_645 = arith.constant 0 : i32
    %dma_start3A_646 = tpu.memref_slice %arg3[%dma_start3A_644, %dma_start3A_645] : memref<4000000x32xf32, #tpu.memory_space<hbm>> -> memref<4000000x32xf32, #tpu.memory_space<hbm>>
    tpu.enqueue_indirect_dma source(%dma_start3A_646 : memref<4000000x32xf32, #tpu.memory_space<hbm>>) target(%dma_start3A_640 : memref<128x32xf32, #tpu.memory_space<vmem>>) offsets(%dma_start3A_643 : memref<128xi32, #tpu.memory_space<vmem>>) semaphore(%arg22 : memref<!tpu.dma_semaphore, #tpu.memory_space<semaphore_mem>>)
    %scan3A_647 = arith.constant 0 : i32
    %scan3A_648 = arith.constant 0 : i32
    %scan3A_649 = arith.constant 50 : i32
    %scan3A_650 = arith.addi %scan3A_648, %scan3A_649 : i32
    %scan3A_651 = arith.constant 1 : i32
    scf.for %scan3A_669 = %scan3A_648 to %scan3A_650 step %scan3A_651  : i32 {
      %mul3A_670 = arith.constant 4 : i32
      %mul3A_671 = arith.muli %scan3A_669, %mul3A_670 : i32
      %add3A_672 = arith.constant 0 : i32
      %add3A_673 = arith.addi %mul3A_671, %add3A_672 : i32
      %dma_wait3A_674 = arith.constant 0 : i32
      %dma_wait3A_675 = arith.constant 0 : i32
      %dma_wait3A_676 = tpu.memref_slice %arg3[%dma_wait3A_674, %dma_wait3A_675] : memref<4000000x32xf32, #tpu.memory_space<hbm>> -> memref<512x32xf32, #tpu.memory_space<hbm>>
      %dma_wait3A_677 = arith.constant 0 : i32
      %dma_wait3A_678 = arith.constant 0 : i32
      %dma_wait3A_679 = tpu.memref_slice %arg3[%dma_wait3A_677, %dma_wait3A_678] : memref<4000000x32xf32, #tpu.memory_space<hbm>> -> memref<512x32xf32, #tpu.memory_space<hbm>>
      tpu.wait_dma2 semaphore(%arg21 : memref<!tpu.dma_semaphore, #tpu.memory_space<semaphore_mem>>) src(%dma_wait3A_679 : memref<512x32xf32, #tpu.memory_space<hbm>>) dst(%arg9 : memref<512x32xf32, #tpu.memory_space<vmem>>)
      %add3A_680 = arith.constant 2 : i32
      %add3A_681 = arith.addi %add3A_673, %add3A_680 : i32
      %lt3A_682 = arith.constant 200 : i32
      %lt3A_683 = arith.cmpi slt, %add3A_681, %lt3A_682 : i32
      %convert_element_type3A = arith.extui %lt3A_683 : i1 to i32
      %cond3A = arith.constant 0 : i32
      %cond3A_684 = arith.cmpi ne, %convert_element_type3A, %cond3A : i32
      scf.if %cond3A_684 {
        %dma_wait3A_1138 = arith.constant 0 : i32
        %dma_wait3A_1139 = arith.constant 0 : i32
        %dma_wait3A_1140 = arith.constant 0 : i32
        %dma_wait3A_1141 = arith.constant 0 : i32
        %dma_wait3A_1142 = arith.constant 0 : i32
        %dma_wait3A_1143 = tpu.memref_slice %arg7[%dma_wait3A_1141, %dma_wait3A_1142] : memref<4x128xi32, #tpu.memory_space<vmem>> -> memref<1x128xi32, #tpu.memory_space<vmem>>
        %dma_wait3A_1144 = tpu.memref_squeeze %dma_wait3A_1143 : memref<1x128xi32, #tpu.memory_space<vmem>> -> memref<128xi32, #tpu.memory_space<vmem>>
        %dma_wait3A_1145 = arith.constant 0 : i32
        %dma_wait3A_1146 = tpu.memref_slice %arg2[%dma_wait3A_1138, %dma_wait3A_1139, %dma_wait3A_1140, %dma_wait3A_1145] : memref<25x128x8x128xi32, #tpu.memory_space<hbm>> -> memref<1x1x1x128xi32, #tpu.memory_space<hbm>>
        %dma_wait3A_1147 = tpu.memref_squeeze %dma_wait3A_1146 : memref<1x1x1x128xi32, #tpu.memory_space<hbm>> -> memref<128xi32, #tpu.memory_space<hbm>>
        %dma_wait3A_1148 = arith.constant 0 : i32
        %dma_wait3A_1149 = tpu.memref_slice %arg7[%dma_wait3A_1141, %dma_wait3A_1148] : memref<4x128xi32, #tpu.memory_space<vmem>> -> memref<1x128xi32, #tpu.memory_space<vmem>>
        %dma_wait3A_1150 = tpu.memref_squeeze %dma_wait3A_1149 : memref<1x128xi32, #tpu.memory_space<vmem>> -> memref<128xi32, #tpu.memory_space<vmem>>
        %dma_wait3A_1151 = arith.constant 0 : i32
        %dma_wait3A_1152 = tpu.memref_slice %arg2[%dma_wait3A_1138, %dma_wait3A_1139, %dma_wait3A_1140, %dma_wait3A_1151] : memref<25x128x8x128xi32, #tpu.memory_space<hbm>> -> memref<1x1x1x128xi32, #tpu.memory_space<hbm>>
        %dma_wait3A_1153 = tpu.memref_squeeze %dma_wait3A_1152 : memref<1x1x1x128xi32, #tpu.memory_space<hbm>> -> memref<128xi32, #tpu.memory_space<hbm>>
        tpu.wait_dma2 semaphore(%arg19 : memref<!tpu.dma_semaphore, #tpu.memory_space<semaphore_mem>>) src(%dma_wait3A_1153 : memref<128xi32, #tpu.memory_space<hbm>>) dst(%dma_wait3A_1150 : memref<128xi32, #tpu.memory_space<vmem>>)
        %dma_wait3A_1154 = arith.constant 0 : i32
        %dma_wait3A_1155 = arith.constant 0 : i32
        %dma_wait3A_1156 = arith.constant 0 : i32
        %dma_wait3A_1157 = arith.constant 1 : i32
        %dma_wait3A_1158 = arith.constant 0 : i32
        %dma_wait3A_1159 = tpu.memref_slice %arg7[%dma_wait3A_1157, %dma_wait3A_1158] : memref<4x128xi32, #tpu.memory_space<vmem>> -> memref<1x128xi32, #tpu.memory_space<vmem>>
        %dma_wait3A_1160 = tpu.memref_squeeze %dma_wait3A_1159 : memref<1x128xi32, #tpu.memory_space<vmem>> -> memref<128xi32, #tpu.memory_space<vmem>>
        %dma_wait3A_1161 = arith.constant 0 : i32
        %dma_wait3A_1162 = tpu.memref_slice %arg2[%dma_wait3A_1154, %dma_wait3A_1155, %dma_wait3A_1156, %dma_wait3A_1161] : memref<25x128x8x128xi32, #tpu.memory_space<hbm>> -> memref<1x1x1x128xi32, #tpu.memory_space<hbm>>
        %dma_wait3A_1163 = tpu.memref_squeeze %dma_wait3A_1162 : memref<1x1x1x128xi32, #tpu.memory_space<hbm>> -> memref<128xi32, #tpu.memory_space<hbm>>
        %dma_wait3A_1164 = arith.constant 0 : i32
        %dma_wait3A_1165 = tpu.memref_slice %arg7[%dma_wait3A_1157, %dma_wait3A_1164] : memref<4x128xi32, #tpu.memory_space<vmem>> -> memref<1x128xi32, #tpu.memory_space<vmem>>
        %dma_wait3A_1166 = tpu.memref_squeeze %dma_wait3A_1165 : memref<1x128xi32, #tpu.memory_space<vmem>> -> memref<128xi32, #tpu.memory_space<vmem>>
        %dma_wait3A_1167 = arith.constant 0 : i32
        %dma_wait3A_1168 = tpu.memref_slice %arg2[%dma_wait3A_1154, %dma_wait3A_1155, %dma_wait3A_1156, %dma_wait3A_1167] : memref<25x128x8x128xi32, #tpu.memory_space<hbm>> -> memref<1x1x1x128xi32, #tpu.memory_space<hbm>>
        %dma_wait3A_1169 = tpu.memref_squeeze %dma_wait3A_1168 : memref<1x1x1x128xi32, #tpu.memory_space<hbm>> -> memref<128xi32, #tpu.memory_space<hbm>>
        tpu.wait_dma2 semaphore(%arg19 : memref<!tpu.dma_semaphore, #tpu.memory_space<semaphore_mem>>) src(%dma_wait3A_1169 : memref<128xi32, #tpu.memory_space<hbm>>) dst(%dma_wait3A_1166 : memref<128xi32, #tpu.memory_space<vmem>>)
        %dma_wait3A_1170 = arith.constant 0 : i32
        %dma_wait3A_1171 = arith.constant 0 : i32
        %dma_wait3A_1172 = arith.constant 0 : i32
        %dma_wait3A_1173 = arith.constant 2 : i32
        %dma_wait3A_1174 = arith.constant 0 : i32
        %dma_wait3A_1175 = tpu.memref_slice %arg7[%dma_wait3A_1173, %dma_wait3A_1174] : memref<4x128xi32, #tpu.memory_space<vmem>> -> memref<1x128xi32, #tpu.memory_space<vmem>>
        %dma_wait3A_1176 = tpu.memref_squeeze %dma_wait3A_1175 : memref<1x128xi32, #tpu.memory_space<vmem>> -> memref<128xi32, #tpu.memory_space<vmem>>
        %dma_wait3A_1177 = arith.constant 0 : i32
        %dma_wait3A_1178 = tpu.memref_slice %arg2[%dma_wait3A_1170, %dma_wait3A_1171, %dma_wait3A_1172, %dma_wait3A_1177] : memref<25x128x8x128xi32, #tpu.memory_space<hbm>> -> memref<1x1x1x128xi32, #tpu.memory_space<hbm>>
        %dma_wait3A_1179 = tpu.memref_squeeze %dma_wait3A_1178 : memref<1x1x1x128xi32, #tpu.memory_space<hbm>> -> memref<128xi32, #tpu.memory_space<hbm>>
        %dma_wait3A_1180 = arith.constant 0 : i32
        %dma_wait3A_1181 = tpu.memref_slice %arg7[%dma_wait3A_1173, %dma_wait3A_1180] : memref<4x128xi32, #tpu.memory_space<vmem>> -> memref<1x128xi32, #tpu.memory_space<vmem>>
        %dma_wait3A_1182 = tpu.memref_squeeze %dma_wait3A_1181 : memref<1x128xi32, #tpu.memory_space<vmem>> -> memref<128xi32, #tpu.memory_space<vmem>>
        %dma_wait3A_1183 = arith.constant 0 : i32
        %dma_wait3A_1184 = tpu.memref_slice %arg2[%dma_wait3A_1170, %dma_wait3A_1171, %dma_wait3A_1172, %dma_wait3A_1183] : memref<25x128x8x128xi32, #tpu.memory_space<hbm>> -> memref<1x1x1x128xi32, #tpu.memory_space<hbm>>
        %dma_wait3A_1185 = tpu.memref_squeeze %dma_wait3A_1184 : memref<1x1x1x128xi32, #tpu.memory_space<hbm>> -> memref<128xi32, #tpu.memory_space<hbm>>
        tpu.wait_dma2 semaphore(%arg19 : memref<!tpu.dma_semaphore, #tpu.memory_space<semaphore_mem>>) src(%dma_wait3A_1185 : memref<128xi32, #tpu.memory_space<hbm>>) dst(%dma_wait3A_1182 : memref<128xi32, #tpu.memory_space<vmem>>)
        %dma_wait3A_1186 = arith.constant 0 : i32
        %dma_wait3A_1187 = arith.constant 0 : i32
        %dma_wait3A_1188 = arith.constant 0 : i32
        %dma_wait3A_1189 = arith.constant 3 : i32
        %dma_wait3A_1190 = arith.constant 0 : i32
        %dma_wait3A_1191 = tpu.memref_slice %arg7[%dma_wait3A_1189, %dma_wait3A_1190] : memref<4x128xi32, #tpu.memory_space<vmem>> -> memref<1x128xi32, #tpu.memory_space<vmem>>
        %dma_wait3A_1192 = tpu.memref_squeeze %dma_wait3A_1191 : memref<1x128xi32, #tpu.memory_space<vmem>> -> memref<128xi32, #tpu.memory_space<vmem>>
        %dma_wait3A_1193 = arith.constant 0 : i32
        %dma_wait3A_1194 = tpu.memref_slice %arg2[%dma_wait3A_1186, %dma_wait3A_1187, %dma_wait3A_1188, %dma_wait3A_1193] : memref<25x128x8x128xi32, #tpu.memory_space<hbm>> -> memref<1x1x1x128xi32, #tpu.memory_space<hbm>>
        %dma_wait3A_1195 = tpu.memref_squeeze %dma_wait3A_1194 : memref<1x1x1x128xi32, #tpu.memory_space<hbm>> -> memref<128xi32, #tpu.memory_space<hbm>>
        %dma_wait3A_1196 = arith.constant 0 : i32
        %dma_wait3A_1197 = tpu.memref_slice %arg7[%dma_wait3A_1189, %dma_wait3A_1196] : memref<4x128xi32, #tpu.memory_space<vmem>> -> memref<1x128xi32, #tpu.memory_space<vmem>>
        %dma_wait3A_1198 = tpu.memref_squeeze %dma_wait3A_1197 : memref<1x128xi32, #tpu.memory_space<vmem>> -> memref<128xi32, #tpu.memory_space<vmem>>
        %dma_wait3A_1199 = arith.constant 0 : i32
        %dma_wait3A_1200 = tpu.memref_slice %arg2[%dma_wait3A_1186, %dma_wait3A_1187, %dma_wait3A_1188, %dma_wait3A_1199] : memref<25x128x8x128xi32, #tpu.memory_space<hbm>> -> memref<1x1x1x128xi32, #tpu.memory_space<hbm>>
        %dma_wait3A_1201 = tpu.memref_squeeze %dma_wait3A_1200 : memref<1x1x1x128xi32, #tpu.memory_space<hbm>> -> memref<128xi32, #tpu.memory_space<hbm>>
        tpu.wait_dma2 semaphore(%arg19 : memref<!tpu.dma_semaphore, #tpu.memory_space<semaphore_mem>>) src(%dma_wait3A_1201 : memref<128xi32, #tpu.memory_space<hbm>>) dst(%dma_wait3A_1198 : memref<128xi32, #tpu.memory_space<vmem>>)
        %add3A_1202 = arith.constant 2 : i32
        %add3A_1203 = arith.addi %add3A_673, %add3A_1202 : i32
        %dma_start3A_1204 = arith.constant 0 : i32
        %dma_start3A_1205 = arith.constant 0 : i32
        %dma_start3A_1206 = arith.constant 0 : i32
        %dma_start3A_1207 = tpu.memref_slice %arg11[%dma_start3A_1205, %dma_start3A_1206] : memref<512x32xf32, #tpu.memory_space<vmem>> -> memref<128x32xf32, #tpu.memory_space<vmem>>
        %dma_start3A_1208 = arith.constant 0 : i32
        %dma_start3A_1209 = tpu.memref_slice %arg7[%dma_start3A_1204, %dma_start3A_1208] : memref<4x128xi32, #tpu.memory_space<vmem>> -> memref<1x128xi32, #tpu.memory_space<vmem>>
        %dma_start3A_1210 = tpu.memref_squeeze %dma_start3A_1209 : memref<1x128xi32, #tpu.memory_space<vmem>> -> memref<128xi32, #tpu.memory_space<vmem>>
        %dma_start3A_1211 = arith.constant 0 : i32
        %dma_start3A_1212 = arith.constant 0 : i32
        %dma_start3A_1213 = tpu.memref_slice %arg3[%dma_start3A_1211, %dma_start3A_1212] : memref<4000000x32xf32, #tpu.memory_space<hbm>> -> memref<4000000x32xf32, #tpu.memory_space<hbm>>
        tpu.enqueue_indirect_dma source(%dma_start3A_1213 : memref<4000000x32xf32, #tpu.memory_space<hbm>>) target(%dma_start3A_1207 : memref<128x32xf32, #tpu.memory_space<vmem>>) offsets(%dma_start3A_1210 : memref<128xi32, #tpu.memory_space<vmem>>) semaphore(%arg23 : memref<!tpu.dma_semaphore, #tpu.memory_space<semaphore_mem>>)
        %dma_start3A_1214 = arith.constant 1 : i32
        %dma_start3A_1215 = arith.constant 128 : i32
        %dma_start3A_1216 = arith.constant 0 : i32
        %dma_start3A_1217 = tpu.memref_slice %arg11[%dma_start3A_1215, %dma_start3A_1216] : memref<512x32xf32, #tpu.memory_space<vmem>> -> memref<128x32xf32, #tpu.memory_space<vmem>>
        %dma_start3A_1218 = arith.constant 0 : i32
        %dma_start3A_1219 = tpu.memref_slice %arg7[%dma_start3A_1214, %dma_start3A_1218] : memref<4x128xi32, #tpu.memory_space<vmem>> -> memref<1x128xi32, #tpu.memory_space<vmem>>
        %dma_start3A_1220 = tpu.memref_squeeze %dma_start3A_1219 : memref<1x128xi32, #tpu.memory_space<vmem>> -> memref<128xi32, #tpu.memory_space<vmem>>
        %dma_start3A_1221 = arith.constant 0 : i32
        %dma_start3A_1222 = arith.constant 0 : i32
        %dma_start3A_1223 = tpu.memref_slice %arg3[%dma_start3A_1221, %dma_start3A_1222] : memref<4000000x32xf32, #tpu.memory_space<hbm>> -> memref<4000000x32xf32, #tpu.memory_space<hbm>>
        tpu.enqueue_indirect_dma source(%dma_start3A_1223 : memref<4000000x32xf32, #tpu.memory_space<hbm>>) target(%dma_start3A_1217 : memref<128x32xf32, #tpu.memory_space<vmem>>) offsets(%dma_start3A_1220 : memref<128xi32, #tpu.memory_space<vmem>>) semaphore(%arg23 : memref<!tpu.dma_semaphore, #tpu.memory_space<semaphore_mem>>)
        %dma_start3A_1224 = arith.constant 2 : i32
        %dma_start3A_1225 = arith.constant 256 : i32
        %dma_start3A_1226 = arith.constant 0 : i32
        %dma_start3A_1227 = tpu.memref_slice %arg11[%dma_start3A_1225, %dma_start3A_1226] : memref<512x32xf32, #tpu.memory_space<vmem>> -> memref<128x32xf32, #tpu.memory_space<vmem>>
        %dma_start3A_1228 = arith.constant 0 : i32
        %dma_start3A_1229 = tpu.memref_slice %arg7[%dma_start3A_1224, %dma_start3A_1228] : memref<4x128xi32, #tpu.memory_space<vmem>> -> memref<1x128xi32, #tpu.memory_space<vmem>>
        %dma_start3A_1230 = tpu.memref_squeeze %dma_start3A_1229 : memref<1x128xi32, #tpu.memory_space<vmem>> -> memref<128xi32, #tpu.memory_space<vmem>>
        %dma_start3A_1231 = arith.constant 0 : i32
        %dma_start3A_1232 = arith.constant 0 : i32
        %dma_start3A_1233 = tpu.memref_slice %arg3[%dma_start3A_1231, %dma_start3A_1232] : memref<4000000x32xf32, #tpu.memory_space<hbm>> -> memref<4000000x32xf32, #tpu.memory_space<hbm>>
        tpu.enqueue_indirect_dma source(%dma_start3A_1233 : memref<4000000x32xf32, #tpu.memory_space<hbm>>) target(%dma_start3A_1227 : memref<128x32xf32, #tpu.memory_space<vmem>>) offsets(%dma_start3A_1230 : memref<128xi32, #tpu.memory_space<vmem>>) semaphore(%arg23 : memref<!tpu.dma_semaphore, #tpu.memory_space<semaphore_mem>>)
        %dma_start3A_1234 = arith.constant 3 : i32
        %dma_start3A_1235 = arith.constant 384 : i32
        %dma_start3A_1236 = arith.constant 0 : i32
        %dma_start3A_1237 = tpu.memref_slice %arg11[%dma_start3A_1235, %dma_start3A_1236] : memref<512x32xf32, #tpu.memory_space<vmem>> -> memref<128x32xf32, #tpu.memory_space<vmem>>
        %dma_start3A_1238 = arith.constant 0 : i32
        %dma_start3A_1239 = tpu.memref_slice %arg7[%dma_start3A_1234, %dma_start3A_1238] : memref<4x128xi32, #tpu.memory_space<vmem>> -> memref<1x128xi32, #tpu.memory_space<vmem>>
        %dma_start3A_1240 = tpu.memref_squeeze %dma_start3A_1239 : memref<1x128xi32, #tpu.memory_space<vmem>> -> memref<128xi32, #tpu.memory_space<vmem>>
        %dma_start3A_1241 = arith.constant 0 : i32
        %dma_start3A_1242 = arith.constant 0 : i32
        %dma_start3A_1243 = tpu.memref_slice %arg3[%dma_start3A_1241, %dma_start3A_1242] : memref<4000000x32xf32, #tpu.memory_space<hbm>> -> memref<4000000x32xf32, #tpu.memory_space<hbm>>
        tpu.enqueue_indirect_dma source(%dma_start3A_1243 : memref<4000000x32xf32, #tpu.memory_space<hbm>>) target(%dma_start3A_1237 : memref<128x32xf32, #tpu.memory_space<vmem>>) offsets(%dma_start3A_1240 : memref<128xi32, #tpu.memory_space<vmem>>) semaphore(%arg23 : memref<!tpu.dma_semaphore, #tpu.memory_space<semaphore_mem>>)
      } else {
      }
      %add3A_685 = arith.constant 3 : i32
      %add3A_686 = arith.addi %add3A_673, %add3A_685 : i32
      %lt3A_687 = arith.constant 200 : i32
      %lt3A_688 = arith.cmpi slt, %add3A_686, %lt3A_687 : i32
      %convert_element_type3A_689 = arith.extui %lt3A_688 : i1 to i32
      %cond3A_690 = arith.constant 0 : i32
      %cond3A_691 = arith.cmpi ne, %convert_element_type3A_689, %cond3A_690 : i32
      scf.if %cond3A_691 {
        %add3A_1138 = arith.constant 3 : i32
        %add3A_1139 = arith.addi %add3A_673, %add3A_1138 : i32
        %add3A_1140 = arith.addi %mul3A_2, %add3A_1139 : i32
        %jit3A_1141 = arith.constant 32 : i32
        %div3A_1142 = arith.divsi %add3A_1140, %jit3A_1141 : i32
        %sign3A_1143 = arith.constant 0 : i32
        %sign3A_1144 = arith.cmpi sgt, %add3A_1140, %sign3A_1143 : i32
        %sign3A_1145 = arith.extui %sign3A_1144 : i1 to i32
        %sign3A_1146 = arith.constant 0 : i32
        %sign3A_1147 = arith.cmpi slt, %add3A_1140, %sign3A_1146 : i32
        %sign3A_1148 = arith.extui %sign3A_1147 : i1 to i32
        %sign3A_1149 = arith.subi %sign3A_1145, %sign3A_1148 : i32
        %sign3A_1150 = arith.constant 0 : i32
        %sign3A_1151 = arith.cmpi sgt, %jit3A_1141, %sign3A_1150 : i32
        %sign3A_1152 = arith.extui %sign3A_1151 : i1 to i32
        %sign3A_1153 = arith.constant 0 : i32
        %sign3A_1154 = arith.cmpi slt, %jit3A_1141, %sign3A_1153 : i32
        %sign3A_1155 = arith.extui %sign3A_1154 : i1 to i32
        %sign3A_1156 = arith.subi %sign3A_1152, %sign3A_1155 : i32
        %ne3A_1157 = arith.cmpi ne, %sign3A_1149, %sign3A_1156 : i32
        %rem3A_1158 = arith.remsi %add3A_1140, %jit3A_1141 : i32
        %ne3A_1159 = arith.constant 0 : i32
        %ne3A_1160 = arith.cmpi ne, %rem3A_1158, %ne3A_1159 : i32
        %and3A_1161 = arith.andi %ne3A_1157, %ne3A_1160 : i1
        %sub3A_1162 = arith.constant 1 : i32
        %sub3A_1163 = arith.subi %div3A_1142, %sub3A_1162 : i32
        %select_n3A_1164 = arith.select %and3A_1161, %sub3A_1163, %div3A_1142 : i32
        %jit3A_1165 = arith.constant 32 : i32
        %eq3A_1166 = arith.constant 0 : i32
        %eq3A_1167 = arith.cmpi eq, %jit3A_1165, %eq3A_1166 : i32
        %jit3A_1168 = arith.constant 1 : i32
        %select_n3A_1169 = arith.select %eq3A_1167, %jit3A_1168, %jit3A_1165 : i32
        %rem3A_1170 = arith.remsi %add3A_1140, %select_n3A_1169 : i32
        %ne3A_1171 = arith.constant 0 : i32
        %ne3A_1172 = arith.cmpi ne, %rem3A_1170, %ne3A_1171 : i32
        %lt3A_1173 = arith.constant 0 : i32
        %lt3A_1174 = arith.cmpi slt, %rem3A_1170, %lt3A_1173 : i32
        %lt3A_1175 = arith.constant 0 : i32
        %lt3A_1176 = arith.cmpi slt, %select_n3A_1169, %lt3A_1175 : i32
        %ne3A_1177 = arith.xori %lt3A_1174, %lt3A_1176 : i1
        %and3A_1178 = arith.andi %ne3A_1177, %ne3A_1172 : i1
        %add3A_1179 = arith.addi %rem3A_1170, %select_n3A_1169 : i32
        %select_n3A_1180 = arith.select %and3A_1178, %add3A_1179, %rem3A_1170 : i32
        %mul3A_1181 = arith.constant 4 : i32
        %mul3A_1182 = arith.muli %select_n3A_1180, %mul3A_1181 : i32
        %jit3A_1183 = arith.constant 8 : i32
        %div3A_1184 = arith.divsi %select_n3A_1164, %jit3A_1183 : i32
        %sign3A_1185 = arith.constant 0 : i32
        %sign3A_1186 = arith.cmpi sgt, %select_n3A_1164, %sign3A_1185 : i32
        %sign3A_1187 = arith.extui %sign3A_1186 : i1 to i32
        %sign3A_1188 = arith.constant 0 : i32
        %sign3A_1189 = arith.cmpi slt, %select_n3A_1164, %sign3A_1188 : i32
        %sign3A_1190 = arith.extui %sign3A_1189 : i1 to i32
        %sign3A_1191 = arith.subi %sign3A_1187, %sign3A_1190 : i32
        %sign3A_1192 = arith.constant 0 : i32
        %sign3A_1193 = arith.cmpi sgt, %jit3A_1183, %sign3A_1192 : i32
        %sign3A_1194 = arith.extui %sign3A_1193 : i1 to i32
        %sign3A_1195 = arith.constant 0 : i32
        %sign3A_1196 = arith.cmpi slt, %jit3A_1183, %sign3A_1195 : i32
        %sign3A_1197 = arith.extui %sign3A_1196 : i1 to i32
        %sign3A_1198 = arith.subi %sign3A_1194, %sign3A_1197 : i32
        %ne3A_1199 = arith.cmpi ne, %sign3A_1191, %sign3A_1198 : i32
        %rem3A_1200 = arith.remsi %select_n3A_1164, %jit3A_1183 : i32
        %ne3A_1201 = arith.constant 0 : i32
        %ne3A_1202 = arith.cmpi ne, %rem3A_1200, %ne3A_1201 : i32
        %and3A_1203 = arith.andi %ne3A_1199, %ne3A_1202 : i1
        %sub3A_1204 = arith.constant 1 : i32
        %sub3A_1205 = arith.subi %div3A_1184, %sub3A_1204 : i32
        %select_n3A_1206 = arith.select %and3A_1203, %sub3A_1205, %div3A_1184 : i32
        %jit3A_1207 = arith.constant 8 : i32
        %eq3A_1208 = arith.constant 0 : i32
        %eq3A_1209 = arith.cmpi eq, %jit3A_1207, %eq3A_1208 : i32
        %jit3A_1210 = arith.constant 1 : i32
        %select_n3A_1211 = arith.select %eq3A_1209, %jit3A_1210, %jit3A_1207 : i32
        %rem3A_1212 = arith.remsi %select_n3A_1164, %select_n3A_1211 : i32
        %ne3A_1213 = arith.constant 0 : i32
        %ne3A_1214 = arith.cmpi ne, %rem3A_1212, %ne3A_1213 : i32
        %lt3A_1215 = arith.constant 0 : i32
        %lt3A_1216 = arith.cmpi slt, %rem3A_1212, %lt3A_1215 : i32
        %lt3A_1217 = arith.constant 0 : i32
        %lt3A_1218 = arith.cmpi slt, %select_n3A_1211, %lt3A_1217 : i32
        %ne3A_1219 = arith.xori %lt3A_1216, %lt3A_1218 : i1
        %and3A_1220 = arith.andi %ne3A_1219, %ne3A_1214 : i1
        %add3A_1221 = arith.addi %rem3A_1212, %select_n3A_1211 : i32
        %select_n3A_1222 = arith.select %and3A_1220, %add3A_1221, %rem3A_1212 : i32
        %add3A_1223 = arith.constant 0 : i32
        %add3A_1224 = arith.addi %mul3A_1182, %add3A_1223 : i32
        %dma_start3A_1225 = arith.constant 0 : i32
        %dma_start3A_1226 = arith.constant 0 : i32
        %dma_start3A_1227 = tpu.memref_slice %arg8[%dma_start3A_1225, %dma_start3A_1226] : memref<4x128xi32, #tpu.memory_space<vmem>> -> memref<1x128xi32, #tpu.memory_space<vmem>>
        %dma_start3A_1228 = tpu.memref_squeeze %dma_start3A_1227 : memref<1x128xi32, #tpu.memory_space<vmem>> -> memref<128xi32, #tpu.memory_space<vmem>>
        %dma_start3A_1229 = arith.constant 0 : i32
        %dma_start3A_1230 = tpu.memref_slice %arg2[%select_n3A_1206, %add3A_1224, %select_n3A_1222, %dma_start3A_1229] : memref<25x128x8x128xi32, #tpu.memory_space<hbm>> -> memref<1x1x1x128xi32, #tpu.memory_space<hbm>>
        %dma_start3A_1231 = tpu.memref_squeeze %dma_start3A_1230 : memref<1x1x1x128xi32, #tpu.memory_space<hbm>> -> memref<128xi32, #tpu.memory_space<hbm>>
        %dma_start3A_1232 = arith.constant 0 : i32
        %dma_start3A_1233 = tpu.memref_slice %arg8[%dma_start3A_1225, %dma_start3A_1232] : memref<4x128xi32, #tpu.memory_space<vmem>> -> memref<1x128xi32, #tpu.memory_space<vmem>>
        %dma_start3A_1234 = tpu.memref_squeeze %dma_start3A_1233 : memref<1x128xi32, #tpu.memory_space<vmem>> -> memref<128xi32, #tpu.memory_space<vmem>>
        %dma_start3A_1235 = arith.constant 0 : i32
        %dma_start3A_1236 = tpu.memref_slice %arg2[%select_n3A_1206, %add3A_1224, %select_n3A_1222, %dma_start3A_1235] : memref<25x128x8x128xi32, #tpu.memory_space<hbm>> -> memref<1x1x1x128xi32, #tpu.memory_space<hbm>>
        %dma_start3A_1237 = tpu.memref_squeeze %dma_start3A_1236 : memref<1x1x1x128xi32, #tpu.memory_space<hbm>> -> memref<128xi32, #tpu.memory_space<hbm>>
        tpu.enqueue_dma source(%dma_start3A_1237 : memref<128xi32, #tpu.memory_space<hbm>>) target(%dma_start3A_1234 : memref<128xi32, #tpu.memory_space<vmem>>) target_semaphore(%arg20 : memref<!tpu.dma_semaphore, #tpu.memory_space<semaphore_mem>>)
        %add3A_1238 = arith.constant 1 : i32
        %add3A_1239 = arith.addi %mul3A_1182, %add3A_1238 : i32
        %dma_start3A_1240 = arith.constant 1 : i32
        %dma_start3A_1241 = arith.constant 0 : i32
        %dma_start3A_1242 = tpu.memref_slice %arg8[%dma_start3A_1240, %dma_start3A_1241] : memref<4x128xi32, #tpu.memory_space<vmem>> -> memref<1x128xi32, #tpu.memory_space<vmem>>
        %dma_start3A_1243 = tpu.memref_squeeze %dma_start3A_1242 : memref<1x128xi32, #tpu.memory_space<vmem>> -> memref<128xi32, #tpu.memory_space<vmem>>
        %dma_start3A_1244 = arith.constant 0 : i32
        %dma_start3A_1245 = tpu.memref_slice %arg2[%select_n3A_1206, %add3A_1239, %select_n3A_1222, %dma_start3A_1244] : memref<25x128x8x128xi32, #tpu.memory_space<hbm>> -> memref<1x1x1x128xi32, #tpu.memory_space<hbm>>
        %dma_start3A_1246 = tpu.memref_squeeze %dma_start3A_1245 : memref<1x1x1x128xi32, #tpu.memory_space<hbm>> -> memref<128xi32, #tpu.memory_space<hbm>>
        %dma_start3A_1247 = arith.constant 0 : i32
        %dma_start3A_1248 = tpu.memref_slice %arg8[%dma_start3A_1240, %dma_start3A_1247] : memref<4x128xi32, #tpu.memory_space<vmem>> -> memref<1x128xi32, #tpu.memory_space<vmem>>
        %dma_start3A_1249 = tpu.memref_squeeze %dma_start3A_1248 : memref<1x128xi32, #tpu.memory_space<vmem>> -> memref<128xi32, #tpu.memory_space<vmem>>
        %dma_start3A_1250 = arith.constant 0 : i32
        %dma_start3A_1251 = tpu.memref_slice %arg2[%select_n3A_1206, %add3A_1239, %select_n3A_1222, %dma_start3A_1250] : memref<25x128x8x128xi32, #tpu.memory_space<hbm>> -> memref<1x1x1x128xi32, #tpu.memory_space<hbm>>
        %dma_start3A_1252 = tpu.memref_squeeze %dma_start3A_1251 : memref<1x1x1x128xi32, #tpu.memory_space<hbm>> -> memref<128xi32, #tpu.memory_space<hbm>>
        tpu.enqueue_dma source(%dma_start3A_1252 : memref<128xi32, #tpu.memory_space<hbm>>) target(%dma_start3A_1249 : memref<128xi32, #tpu.memory_space<vmem>>) target_semaphore(%arg20 : memref<!tpu.dma_semaphore, #tpu.memory_space<semaphore_mem>>)
        %add3A_1253 = arith.constant 2 : i32
        %add3A_1254 = arith.addi %mul3A_1182, %add3A_1253 : i32
        %dma_start3A_1255 = arith.constant 2 : i32
        %dma_start3A_1256 = arith.constant 0 : i32
        %dma_start3A_1257 = tpu.memref_slice %arg8[%dma_start3A_1255, %dma_start3A_1256] : memref<4x128xi32, #tpu.memory_space<vmem>> -> memref<1x128xi32, #tpu.memory_space<vmem>>
        %dma_start3A_1258 = tpu.memref_squeeze %dma_start3A_1257 : memref<1x128xi32, #tpu.memory_space<vmem>> -> memref<128xi32, #tpu.memory_space<vmem>>
        %dma_start3A_1259 = arith.constant 0 : i32
        %dma_start3A_1260 = tpu.memref_slice %arg2[%select_n3A_1206, %add3A_1254, %select_n3A_1222, %dma_start3A_1259] : memref<25x128x8x128xi32, #tpu.memory_space<hbm>> -> memref<1x1x1x128xi32, #tpu.memory_space<hbm>>
        %dma_start3A_1261 = tpu.memref_squeeze %dma_start3A_1260 : memref<1x1x1x128xi32, #tpu.memory_space<hbm>> -> memref<128xi32, #tpu.memory_space<hbm>>
        %dma_start3A_1262 = arith.constant 0 : i32
        %dma_start3A_1263 = tpu.memref_slice %arg8[%dma_start3A_1255, %dma_start3A_1262] : memref<4x128xi32, #tpu.memory_space<vmem>> -> memref<1x128xi32, #tpu.memory_space<vmem>>
        %dma_start3A_1264 = tpu.memref_squeeze %dma_start3A_1263 : memref<1x128xi32, #tpu.memory_space<vmem>> -> memref<128xi32, #tpu.memory_space<vmem>>
        %dma_start3A_1265 = arith.constant 0 : i32
        %dma_start3A_1266 = tpu.memref_slice %arg2[%select_n3A_1206, %add3A_1254, %select_n3A_1222, %dma_start3A_1265] : memref<25x128x8x128xi32, #tpu.memory_space<hbm>> -> memref<1x1x1x128xi32, #tpu.memory_space<hbm>>
        %dma_start3A_1267 = tpu.memref_squeeze %dma_start3A_1266 : memref<1x1x1x128xi32, #tpu.memory_space<hbm>> -> memref<128xi32, #tpu.memory_space<hbm>>
        tpu.enqueue_dma source(%dma_start3A_1267 : memref<128xi32, #tpu.memory_space<hbm>>) target(%dma_start3A_1264 : memref<128xi32, #tpu.memory_space<vmem>>) target_semaphore(%arg20 : memref<!tpu.dma_semaphore, #tpu.memory_space<semaphore_mem>>)
        %add3A_1268 = arith.constant 3 : i32
        %add3A_1269 = arith.addi %mul3A_1182, %add3A_1268 : i32
        %dma_start3A_1270 = arith.constant 3 : i32
        %dma_start3A_1271 = arith.constant 0 : i32
        %dma_start3A_1272 = tpu.memref_slice %arg8[%dma_start3A_1270, %dma_start3A_1271] : memref<4x128xi32, #tpu.memory_space<vmem>> -> memref<1x128xi32, #tpu.memory_space<vmem>>
        %dma_start3A_1273 = tpu.memref_squeeze %dma_start3A_1272 : memref<1x128xi32, #tpu.memory_space<vmem>> -> memref<128xi32, #tpu.memory_space<vmem>>
        %dma_start3A_1274 = arith.constant 0 : i32
        %dma_start3A_1275 = tpu.memref_slice %arg2[%select_n3A_1206, %add3A_1269, %select_n3A_1222, %dma_start3A_1274] : memref<25x128x8x128xi32, #tpu.memory_space<hbm>> -> memref<1x1x1x128xi32, #tpu.memory_space<hbm>>
        %dma_start3A_1276 = tpu.memref_squeeze %dma_start3A_1275 : memref<1x1x1x128xi32, #tpu.memory_space<hbm>> -> memref<128xi32, #tpu.memory_space<hbm>>
        %dma_start3A_1277 = arith.constant 0 : i32
        %dma_start3A_1278 = tpu.memref_slice %arg8[%dma_start3A_1270, %dma_start3A_1277] : memref<4x128xi32, #tpu.memory_space<vmem>> -> memref<1x128xi32, #tpu.memory_space<vmem>>
        %dma_start3A_1279 = tpu.memref_squeeze %dma_start3A_1278 : memref<1x128xi32, #tpu.memory_space<vmem>> -> memref<128xi32, #tpu.memory_space<vmem>>
        %dma_start3A_1280 = arith.constant 0 : i32
        %dma_start3A_1281 = tpu.memref_slice %arg2[%select_n3A_1206, %add3A_1269, %select_n3A_1222, %dma_start3A_1280] : memref<25x128x8x128xi32, #tpu.memory_space<hbm>> -> memref<1x1x1x128xi32, #tpu.memory_space<hbm>>
        %dma_start3A_1282 = tpu.memref_squeeze %dma_start3A_1281 : memref<1x1x1x128xi32, #tpu.memory_space<hbm>> -> memref<128xi32, #tpu.memory_space<hbm>>
        tpu.enqueue_dma source(%dma_start3A_1282 : memref<128xi32, #tpu.memory_space<hbm>>) target(%dma_start3A_1279 : memref<128xi32, #tpu.memory_space<vmem>>) target_semaphore(%arg20 : memref<!tpu.dma_semaphore, #tpu.memory_space<semaphore_mem>>)
      } else {
      }
      %ge3A = arith.constant 2 : i32
      %ge3A_692 = arith.cmpi sge, %add3A_673, %ge3A : i32
      %convert_element_type3A_693 = arith.extui %ge3A_692 : i1 to i32
      %cond3A_694 = arith.constant 0 : i32
      %cond3A_695 = arith.cmpi ne, %convert_element_type3A_693, %cond3A_694 : i32
      scf.if %cond3A_695 {
        %dma_wait3A_1138 = arith.constant 0 : i32
        %dma_wait3A_1139 = arith.constant 0 : i32
        %dma_wait3A_1140 = arith.constant 0 : i32
        %dma_wait3A_1141 = tpu.memref_slice %arg4[%dma_wait3A_1138, %dma_wait3A_1139, %dma_wait3A_1140] : memref<200x4x131072xf32, #tpu.memory_space<hbm>> -> memref<1x1x16384xf32, #tpu.memory_space<hbm>>
        %dma_wait3A_1142 = tpu.memref_squeeze %dma_wait3A_1141 : memref<1x1x16384xf32, #tpu.memory_space<hbm>> -> memref<16384xf32, #tpu.memory_space<hbm>>
        %dma_wait3A_1143 = arith.constant 0 : i32
        %dma_wait3A_1144 = tpu.memref_slice %arg4[%dma_wait3A_1138, %dma_wait3A_1139, %dma_wait3A_1143] : memref<200x4x131072xf32, #tpu.memory_space<hbm>> -> memref<1x1x16384xf32, #tpu.memory_space<hbm>>
        %dma_wait3A_1145 = tpu.memref_squeeze %dma_wait3A_1144 : memref<1x1x16384xf32, #tpu.memory_space<hbm>> -> memref<16384xf32, #tpu.memory_space<hbm>>
        tpu.wait_dma2 semaphore(%arg25 : memref<!tpu.dma_semaphore, #tpu.memory_space<semaphore_mem>>) src(%arg13 : memref<16384xf32, #tpu.memory_space<vmem>>) dst(%dma_wait3A_1145 : memref<16384xf32, #tpu.memory_space<hbm>>)
      } else {
      }
      %parallel_loop3A = arith.constant 0 : i32
      %parallel_loop3A_696 = arith.constant 512 : i32
      %parallel_loop3A_697 = arith.constant 1 : i32
      scf.for %parallel_loop3A_1138 = %parallel_loop3A to %parallel_loop3A_696 step %parallel_loop3A_697  : i32 {
        %parallel_loop3A_1139 = vector.broadcast %parallel_loop3A_1138 : i32 to vector<16xi32>
        %parallel_loop3A_1140 = arith.index_cast %parallel_loop3A_1138 : i32 to index
        %parallel_loop3A_1141 = arith.constant 0 : index
        %parallel_loop3A_1142 = tpu.vector_load %arg9[%parallel_loop3A_1140, %parallel_loop3A_1141] {strides = array<i32>} : memref<512x32xf32, #tpu.memory_space<vmem>>, vector<16xf32>,
        %parallel_loop3A_1143 = arith.addi %parallel_loop3A_1139, %add3A_58 : vector<16xi32>
        tpu.vector_store_idx %arg15[%parallel_loop3A_1143], %parallel_loop3A_1142 : memref<16448xf32, #tpu.memory_space<vmem>>[vector<16xi32>], vector<16xf32>,
        %parallel_loop3A_1144 = arith.index_cast %parallel_loop3A_1138 : i32 to index
        %parallel_loop3A_1145 = arith.constant 16 : index
        %parallel_loop3A_1146 = tpu.vector_load %arg9[%parallel_loop3A_1144, %parallel_loop3A_1145] {strides = array<i32>} : memref<512x32xf32, #tpu.memory_space<vmem>>, vector<16xf32>,
        %parallel_loop3A_1147 = arith.addi %parallel_loop3A_1139, %add3A_118 : vector<16xi32>
        tpu.vector_store_idx %arg15[%parallel_loop3A_1147], %parallel_loop3A_1146 : memref<16448xf32, #tpu.memory_space<vmem>>[vector<16xi32>], vector<16xf32>,
      } {sc.loop_unroll_factor = 4 : i64, sc.parallel_access}
      %parallel_loop3A_698 = arith.constant 0 : i32
      %parallel_loop3A_699 = arith.constant 1024 : i32
      %parallel_loop3A_700 = arith.constant 1 : i32
      scf.for %parallel_loop3A_1138 = %parallel_loop3A_698 to %parallel_loop3A_699 step %parallel_loop3A_700  : i32 {
        %parallel_loop3A_1139 = arith.index_cast %parallel_loop3A_1138 : i32 to index
        %parallel_loop3A_1140 = memref.load %arg16[%parallel_loop3A_1139] : memref<1024xi32, #tpu.memory_space<smem>>
        %parallel_loop3A_1141 = vector.broadcast %parallel_loop3A_1140 : i32 to vector<16xi32>
        %parallel_loop3A_1142 = arith.addi %parallel_loop3A_1141, %iota3A : vector<16xi32>
        %parallel_loop3A_1143 = tpu.vector_load_idx %arg15[%parallel_loop3A_1142] : memref<16448xf32, #tpu.memory_space<vmem>>[vector<16xi32>], vector<16xf32>,
        %parallel_loop3A_1144 = arith.constant 5.65685415 : f32
        %parallel_loop3A_1145 = vector.broadcast %parallel_loop3A_1144 : f32 to vector<16xf32>
        %parallel_loop3A_1146 = arith.mulf %parallel_loop3A_1143, %parallel_loop3A_1145 : vector<16xf32>
        %parallel_loop3A_1147 = arith.constant 16 : i32
        %parallel_loop3A_1148 = arith.muli %parallel_loop3A_1138, %parallel_loop3A_1147 : i32
        %parallel_loop3A_1149 = arith.index_cast %parallel_loop3A_1148 : i32 to index
        %parallel_loop3A_1150 = tpu.vector_load %arg13[%parallel_loop3A_1149] {strides = array<i32>} : memref<16384xf32, #tpu.memory_space<vmem>>, vector<16xf32>,
        tpu.vector_store %arg13[%parallel_loop3A_1149], %parallel_loop3A_1146 {strides = array<i32>} : memref<16384xf32, #tpu.memory_space<vmem>>, vector<16xf32>,
      } {sc.loop_unroll_factor = 8 : i64, sc.parallel_access}
      %add3A_701 = arith.addi %mul3A_2, %add3A_673 : i32
      %jit3A_702 = arith.constant 32 : i32
      %div3A_703 = arith.divsi %add3A_701, %jit3A_702 : i32
      %sign3A_704 = arith.constant 0 : i32
      %sign3A_705 = arith.cmpi sgt, %add3A_701, %sign3A_704 : i32
      %sign3A_706 = arith.extui %sign3A_705 : i1 to i32
      %sign3A_707 = arith.constant 0 : i32
      %sign3A_708 = arith.cmpi slt, %add3A_701, %sign3A_707 : i32
      %sign3A_709 = arith.extui %sign3A_708 : i1 to i32
      %sign3A_710 = arith.subi %sign3A_706, %sign3A_709 : i32
      %sign3A_711 = arith.constant 0 : i32
      %sign3A_712 = arith.cmpi sgt, %jit3A_702, %sign3A_711 : i32
      %sign3A_713 = arith.extui %sign3A_712 : i1 to i32
      %sign3A_714 = arith.constant 0 : i32
      %sign3A_715 = arith.cmpi slt, %jit3A_702, %sign3A_714 : i32
      %sign3A_716 = arith.extui %sign3A_715 : i1 to i32
      %sign3A_717 = arith.subi %sign3A_713, %sign3A_716 : i32
      %ne3A_718 = arith.cmpi ne, %sign3A_710, %sign3A_717 : i32
      %rem3A_719 = arith.remsi %add3A_701, %jit3A_702 : i32
      %ne3A_720 = arith.constant 0 : i32
      %ne3A_721 = arith.cmpi ne, %rem3A_719, %ne3A_720 : i32
      %and3A_722 = arith.andi %ne3A_718, %ne3A_721 : i1
      %sub3A_723 = arith.constant 1 : i32
      %sub3A_724 = arith.subi %div3A_703, %sub3A_723 : i32
      %select_n3A_725 = arith.select %and3A_722, %sub3A_724, %div3A_703 : i32
      %jit3A_726 = arith.constant 32 : i32
      %eq3A_727 = arith.constant 0 : i32
      %eq3A_728 = arith.cmpi eq, %jit3A_726, %eq3A_727 : i32
      %jit3A_729 = arith.constant 1 : i32
      %select_n3A_730 = arith.select %eq3A_728, %jit3A_729, %jit3A_726 : i32
      %rem3A_731 = arith.remsi %add3A_701, %select_n3A_730 : i32
      %ne3A_732 = arith.constant 0 : i32
      %ne3A_733 = arith.cmpi ne, %rem3A_731, %ne3A_732 : i32
      %lt3A_734 = arith.constant 0 : i32
      %lt3A_735 = arith.cmpi slt, %rem3A_731, %lt3A_734 : i32
      %lt3A_736 = arith.constant 0 : i32
      %lt3A_737 = arith.cmpi slt, %select_n3A_730, %lt3A_736 : i32
      %ne3A_738 = arith.xori %lt3A_735, %lt3A_737 : i1
      %and3A_739 = arith.andi %ne3A_738, %ne3A_733 : i1
      %add3A_740 = arith.addi %rem3A_731, %select_n3A_730 : i32
      %select_n3A_741 = arith.select %and3A_739, %add3A_740, %rem3A_731 : i32
      %mul3A_742 = arith.constant 4 : i32
      %mul3A_743 = arith.muli %select_n3A_741, %mul3A_742 : i32
      %mul3A_744 = arith.constant 8 : i32
      %mul3A_745 = arith.muli %mul3A_743, %mul3A_744 : i32
      %mul3A_746 = arith.constant 128 : i32
      %mul3A_747 = arith.muli %mul3A_745, %mul3A_746 : i32
      %dma_start3A_748 = arith.constant 0 : i32
      %dma_start3A_749 = arith.constant 0 : i32
      %dma_start3A_750 = tpu.memref_slice %arg13[%dma_start3A_749] : memref<16384xf32, #tpu.memory_space<vmem>> -> memref<4096xf32, #tpu.memory_space<vmem>>
      %dma_start3A_751 = tpu.memref_slice %arg4[%select_n3A_725, %dma_start3A_748, %mul3A_747] : memref<200x4x131072xf32, #tpu.memory_space<hbm>> -> memref<1x1x4096xf32, #tpu.memory_space<hbm>>
      %dma_start3A_752 = tpu.memref_squeeze %dma_start3A_751 : memref<1x1x4096xf32, #tpu.memory_space<hbm>> -> memref<4096xf32, #tpu.memory_space<hbm>>
      %dma_start3A_753 = tpu.memref_slice %arg4[%select_n3A_725, %dma_start3A_748, %mul3A_747] : memref<200x4x131072xf32, #tpu.memory_space<hbm>> -> memref<1x1x4096xf32, #tpu.memory_space<hbm>>
      %dma_start3A_754 = tpu.memref_squeeze %dma_start3A_753 : memref<1x1x4096xf32, #tpu.memory_space<hbm>> -> memref<4096xf32, #tpu.memory_space<hbm>>
      %dma_start3A_755 = arith.constant 0 : i32
      %dma_start3A_756 = tpu.memref_slice %arg13[%dma_start3A_755] : memref<16384xf32, #tpu.memory_space<vmem>> -> memref<4096xf32, #tpu.memory_space<vmem>>
      tpu.enqueue_dma source(%dma_start3A_756 : memref<4096xf32, #tpu.memory_space<vmem>>) target(%dma_start3A_754 : memref<4096xf32, #tpu.memory_space<hbm>>) target_semaphore(%arg25 : memref<!tpu.dma_semaphore, #tpu.memory_space<semaphore_mem>>)
      %dma_start3A_757 = arith.constant 1 : i32
      %dma_start3A_758 = arith.constant 4096 : i32
      %dma_start3A_759 = tpu.memref_slice %arg13[%dma_start3A_758] : memref<16384xf32, #tpu.memory_space<vmem>> -> memref<4096xf32, #tpu.memory_space<vmem>>
      %dma_start3A_760 = tpu.memref_slice %arg4[%select_n3A_725, %dma_start3A_757, %mul3A_747] : memref<200x4x131072xf32, #tpu.memory_space<hbm>> -> memref<1x1x4096xf32, #tpu.memory_space<hbm>>
      %dma_start3A_761 = tpu.memref_squeeze %dma_start3A_760 : memref<1x1x4096xf32, #tpu.memory_space<hbm>> -> memref<4096xf32, #tpu.memory_space<hbm>>
      %dma_start3A_762 = tpu.memref_slice %arg4[%select_n3A_725, %dma_start3A_757, %mul3A_747] : memref<200x4x131072xf32, #tpu.memory_space<hbm>> -> memref<1x1x4096xf32, #tpu.memory_space<hbm>>
      %dma_start3A_763 = tpu.memref_squeeze %dma_start3A_762 : memref<1x1x4096xf32, #tpu.memory_space<hbm>> -> memref<4096xf32, #tpu.memory_space<hbm>>
      %dma_start3A_764 = arith.constant 4096 : i32
      %dma_start3A_765 = tpu.memref_slice %arg13[%dma_start3A_764] : memref<16384xf32, #tpu.memory_space<vmem>> -> memref<4096xf32, #tpu.memory_space<vmem>>
      tpu.enqueue_dma source(%dma_start3A_765 : memref<4096xf32, #tpu.memory_space<vmem>>) target(%dma_start3A_763 : memref<4096xf32, #tpu.memory_space<hbm>>) target_semaphore(%arg25 : memref<!tpu.dma_semaphore, #tpu.memory_space<semaphore_mem>>)
      %dma_start3A_766 = arith.constant 2 : i32
      %dma_start3A_767 = arith.constant 8192 : i32
      %dma_start3A_768 = tpu.memref_slice %arg13[%dma_start3A_767] : memref<16384xf32, #tpu.memory_space<vmem>> -> memref<4096xf32, #tpu.memory_space<vmem>>
      %dma_start3A_769 = tpu.memref_slice %arg4[%select_n3A_725, %dma_start3A_766, %mul3A_747] : memref<200x4x131072xf32, #tpu.memory_space<hbm>> -> memref<1x1x4096xf32, #tpu.memory_space<hbm>>
      %dma_start3A_770 = tpu.memref_squeeze %dma_start3A_769 : memref<1x1x4096xf32, #tpu.memory_space<hbm>> -> memref<4096xf32, #tpu.memory_space<hbm>>
      %dma_start3A_771 = tpu.memref_slice %arg4[%select_n3A_725, %dma_start3A_766, %mul3A_747] : memref<200x4x131072xf32, #tpu.memory_space<hbm>> -> memref<1x1x4096xf32, #tpu.memory_space<hbm>>
      %dma_start3A_772 = tpu.memref_squeeze %dma_start3A_771 : memref<1x1x4096xf32, #tpu.memory_space<hbm>> -> memref<4096xf32, #tpu.memory_space<hbm>>
      %dma_start3A_773 = arith.constant 8192 : i32
      %dma_start3A_774 = tpu.memref_slice %arg13[%dma_start3A_773] : memref<16384xf32, #tpu.memory_space<vmem>> -> memref<4096xf32, #tpu.memory_space<vmem>>
      tpu.enqueue_dma source(%dma_start3A_774 : memref<4096xf32, #tpu.memory_space<vmem>>) target(%dma_start3A_772 : memref<4096xf32, #tpu.memory_space<hbm>>) target_semaphore(%arg25 : memref<!tpu.dma_semaphore, #tpu.memory_space<semaphore_mem>>)
      %dma_start3A_775 = arith.constant 3 : i32
      %dma_start3A_776 = arith.constant 12288 : i32
      %dma_start3A_777 = tpu.memref_slice %arg13[%dma_start3A_776] : memref<16384xf32, #tpu.memory_space<vmem>> -> memref<4096xf32, #tpu.memory_space<vmem>>
      %dma_start3A_778 = tpu.memref_slice %arg4[%select_n3A_725, %dma_start3A_775, %mul3A_747] : memref<200x4x131072xf32, #tpu.memory_space<hbm>> -> memref<1x1x4096xf32, #tpu.memory_space<hbm>>
      %dma_start3A_779 = tpu.memref_squeeze %dma_start3A_778 : memref<1x1x4096xf32, #tpu.memory_space<hbm>> -> memref<4096xf32, #tpu.memory_space<hbm>>
      %dma_start3A_780 = tpu.memref_slice %arg4[%select_n3A_725, %dma_start3A_775, %mul3A_747] : memref<200x4x131072xf32, #tpu.memory_space<hbm>> -> memref<1x1x4096xf32, #tpu.memory_space<hbm>>
      %dma_start3A_781 = tpu.memref_squeeze %dma_start3A_780 : memref<1x1x4096xf32, #tpu.memory_space<hbm>> -> memref<4096xf32, #tpu.memory_space<hbm>>
      %dma_start3A_782 = arith.constant 12288 : i32
      %dma_start3A_783 = tpu.memref_slice %arg13[%dma_start3A_782] : memref<16384xf32, #tpu.memory_space<vmem>> -> memref<4096xf32, #tpu.memory_space<vmem>>
      tpu.enqueue_dma source(%dma_start3A_783 : memref<4096xf32, #tpu.memory_space<vmem>>) target(%dma_start3A_781 : memref<4096xf32, #tpu.memory_space<hbm>>) target_semaphore(%arg25 : memref<!tpu.dma_semaphore, #tpu.memory_space<semaphore_mem>>)
      %mul3A_784 = arith.constant 4 : i32
      %mul3A_785 = arith.muli %scan3A_669, %mul3A_784 : i32
      %add3A_786 = arith.constant 1 : i32
      %add3A_787 = arith.addi %mul3A_785, %add3A_786 : i32
      %dma_wait3A_788 = arith.constant 0 : i32
      %dma_wait3A_789 = arith.constant 0 : i32
      %dma_wait3A_790 = tpu.memref_slice %arg3[%dma_wait3A_788, %dma_wait3A_789] : memref<4000000x32xf32, #tpu.memory_space<hbm>> -> memref<512x32xf32, #tpu.memory_space<hbm>>
      %dma_wait3A_791 = arith.constant 0 : i32
      %dma_wait3A_792 = arith.constant 0 : i32
      %dma_wait3A_793 = tpu.memref_slice %arg3[%dma_wait3A_791, %dma_wait3A_792] : memref<4000000x32xf32, #tpu.memory_space<hbm>> -> memref<512x32xf32, #tpu.memory_space<hbm>>
      tpu.wait_dma2 semaphore(%arg22 : memref<!tpu.dma_semaphore, #tpu.memory_space<semaphore_mem>>) src(%dma_wait3A_793 : memref<512x32xf32, #tpu.memory_space<hbm>>) dst(%arg10 : memref<512x32xf32, #tpu.memory_space<vmem>>)
      %add3A_794 = arith.constant 2 : i32
      %add3A_795 = arith.addi %add3A_787, %add3A_794 : i32
      %lt3A_796 = arith.constant 200 : i32
      %lt3A_797 = arith.cmpi slt, %add3A_795, %lt3A_796 : i32
      %convert_element_type3A_798 = arith.extui %lt3A_797 : i1 to i32
      %cond3A_799 = arith.constant 0 : i32
      %cond3A_800 = arith.cmpi ne, %convert_element_type3A_798, %cond3A_799 : i32
      scf.if %cond3A_800 {
        %dma_wait3A_1138 = arith.constant 0 : i32
        %dma_wait3A_1139 = arith.constant 0 : i32
        %dma_wait3A_1140 = arith.constant 0 : i32
        %dma_wait3A_1141 = arith.constant 0 : i32
        %dma_wait3A_1142 = arith.constant 0 : i32
        %dma_wait3A_1143 = tpu.memref_slice %arg8[%dma_wait3A_1141, %dma_wait3A_1142] : memref<4x128xi32, #tpu.memory_space<vmem>> -> memref<1x128xi32, #tpu.memory_space<vmem>>
        %dma_wait3A_1144 = tpu.memref_squeeze %dma_wait3A_1143 : memref<1x128xi32, #tpu.memory_space<vmem>> -> memref<128xi32, #tpu.memory_space<vmem>>
        %dma_wait3A_1145 = arith.constant 0 : i32
        %dma_wait3A_1146 = tpu.memref_slice %arg2[%dma_wait3A_1138, %dma_wait3A_1139, %dma_wait3A_1140, %dma_wait3A_1145] : memref<25x128x8x128xi32, #tpu.memory_space<hbm>> -> memref<1x1x1x128xi32, #tpu.memory_space<hbm>>
        %dma_wait3A_1147 = tpu.memref_squeeze %dma_wait3A_1146 : memref<1x1x1x128xi32, #tpu.memory_space<hbm>> -> memref<128xi32, #tpu.memory_space<hbm>>
        %dma_wait3A_1148 = arith.constant 0 : i32
        %dma_wait3A_1149 = tpu.memref_slice %arg8[%dma_wait3A_1141, %dma_wait3A_1148] : memref<4x128xi32, #tpu.memory_space<vmem>> -> memref<1x128xi32, #tpu.memory_space<vmem>>
        %dma_wait3A_1150 = tpu.memref_squeeze %dma_wait3A_1149 : memref<1x128xi32, #tpu.memory_space<vmem>> -> memref<128xi32, #tpu.memory_space<vmem>>
        %dma_wait3A_1151 = arith.constant 0 : i32
        %dma_wait3A_1152 = tpu.memref_slice %arg2[%dma_wait3A_1138, %dma_wait3A_1139, %dma_wait3A_1140, %dma_wait3A_1151] : memref<25x128x8x128xi32, #tpu.memory_space<hbm>> -> memref<1x1x1x128xi32, #tpu.memory_space<hbm>>
        %dma_wait3A_1153 = tpu.memref_squeeze %dma_wait3A_1152 : memref<1x1x1x128xi32, #tpu.memory_space<hbm>> -> memref<128xi32, #tpu.memory_space<hbm>>
        tpu.wait_dma2 semaphore(%arg20 : memref<!tpu.dma_semaphore, #tpu.memory_space<semaphore_mem>>) src(%dma_wait3A_1153 : memref<128xi32, #tpu.memory_space<hbm>>) dst(%dma_wait3A_1150 : memref<128xi32, #tpu.memory_space<vmem>>)
        %dma_wait3A_1154 = arith.constant 0 : i32
        %dma_wait3A_1155 = arith.constant 0 : i32
        %dma_wait3A_1156 = arith.constant 0 : i32
        %dma_wait3A_1157 = arith.constant 1 : i32
        %dma_wait3A_1158 = arith.constant 0 : i32
        %dma_wait3A_1159 = tpu.memref_slice %arg8[%dma_wait3A_1157, %dma_wait3A_1158] : memref<4x128xi32, #tpu.memory_space<vmem>> -> memref<1x128xi32, #tpu.memory_space<vmem>>
        %dma_wait3A_1160 = tpu.memref_squeeze %dma_wait3A_1159 : memref<1x128xi32, #tpu.memory_space<vmem>> -> memref<128xi32, #tpu.memory_space<vmem>>
        %dma_wait3A_1161 = arith.constant 0 : i32
        %dma_wait3A_1162 = tpu.memref_slice %arg2[%dma_wait3A_1154, %dma_wait3A_1155, %dma_wait3A_1156, %dma_wait3A_1161] : memref<25x128x8x128xi32, #tpu.memory_space<hbm>> -> memref<1x1x1x128xi32, #tpu.memory_space<hbm>>
        %dma_wait3A_1163 = tpu.memref_squeeze %dma_wait3A_1162 : memref<1x1x1x128xi32, #tpu.memory_space<hbm>> -> memref<128xi32, #tpu.memory_space<hbm>>
        %dma_wait3A_1164 = arith.constant 0 : i32
        %dma_wait3A_1165 = tpu.memref_slice %arg8[%dma_wait3A_1157, %dma_wait3A_1164] : memref<4x128xi32, #tpu.memory_space<vmem>> -> memref<1x128xi32, #tpu.memory_space<vmem>>
        %dma_wait3A_1166 = tpu.memref_squeeze %dma_wait3A_1165 : memref<1x128xi32, #tpu.memory_space<vmem>> -> memref<128xi32, #tpu.memory_space<vmem>>
        %dma_wait3A_1167 = arith.constant 0 : i32
        %dma_wait3A_1168 = tpu.memref_slice %arg2[%dma_wait3A_1154, %dma_wait3A_1155, %dma_wait3A_1156, %dma_wait3A_1167] : memref<25x128x8x128xi32, #tpu.memory_space<hbm>> -> memref<1x1x1x128xi32, #tpu.memory_space<hbm>>
        %dma_wait3A_1169 = tpu.memref_squeeze %dma_wait3A_1168 : memref<1x1x1x128xi32, #tpu.memory_space<hbm>> -> memref<128xi32, #tpu.memory_space<hbm>>
        tpu.wait_dma2 semaphore(%arg20 : memref<!tpu.dma_semaphore, #tpu.memory_space<semaphore_mem>>) src(%dma_wait3A_1169 : memref<128xi32, #tpu.memory_space<hbm>>) dst(%dma_wait3A_1166 : memref<128xi32, #tpu.memory_space<vmem>>)
        %dma_wait3A_1170 = arith.constant 0 : i32
        %dma_wait3A_1171 = arith.constant 0 : i32
        %dma_wait3A_1172 = arith.constant 0 : i32
        %dma_wait3A_1173 = arith.constant 2 : i32
        %dma_wait3A_1174 = arith.constant 0 : i32
        %dma_wait3A_1175 = tpu.memref_slice %arg8[%dma_wait3A_1173, %dma_wait3A_1174] : memref<4x128xi32, #tpu.memory_space<vmem>> -> memref<1x128xi32, #tpu.memory_space<vmem>>
        %dma_wait3A_1176 = tpu.memref_squeeze %dma_wait3A_1175 : memref<1x128xi32, #tpu.memory_space<vmem>> -> memref<128xi32, #tpu.memory_space<vmem>>
        %dma_wait3A_1177 = arith.constant 0 : i32
        %dma_wait3A_1178 = tpu.memref_slice %arg2[%dma_wait3A_1170, %dma_wait3A_1171, %dma_wait3A_1172, %dma_wait3A_1177] : memref<25x128x8x128xi32, #tpu.memory_space<hbm>> -> memref<1x1x1x128xi32, #tpu.memory_space<hbm>>
        %dma_wait3A_1179 = tpu.memref_squeeze %dma_wait3A_1178 : memref<1x1x1x128xi32, #tpu.memory_space<hbm>> -> memref<128xi32, #tpu.memory_space<hbm>>
        %dma_wait3A_1180 = arith.constant 0 : i32
        %dma_wait3A_1181 = tpu.memref_slice %arg8[%dma_wait3A_1173, %dma_wait3A_1180] : memref<4x128xi32, #tpu.memory_space<vmem>> -> memref<1x128xi32, #tpu.memory_space<vmem>>
        %dma_wait3A_1182 = tpu.memref_squeeze %dma_wait3A_1181 : memref<1x128xi32, #tpu.memory_space<vmem>> -> memref<128xi32, #tpu.memory_space<vmem>>
        %dma_wait3A_1183 = arith.constant 0 : i32
        %dma_wait3A_1184 = tpu.memref_slice %arg2[%dma_wait3A_1170, %dma_wait3A_1171, %dma_wait3A_1172, %dma_wait3A_1183] : memref<25x128x8x128xi32, #tpu.memory_space<hbm>> -> memref<1x1x1x128xi32, #tpu.memory_space<hbm>>
        %dma_wait3A_1185 = tpu.memref_squeeze %dma_wait3A_1184 : memref<1x1x1x128xi32, #tpu.memory_space<hbm>> -> memref<128xi32, #tpu.memory_space<hbm>>
        tpu.wait_dma2 semaphore(%arg20 : memref<!tpu.dma_semaphore, #tpu.memory_space<semaphore_mem>>) src(%dma_wait3A_1185 : memref<128xi32, #tpu.memory_space<hbm>>) dst(%dma_wait3A_1182 : memref<128xi32, #tpu.memory_space<vmem>>)
        %dma_wait3A_1186 = arith.constant 0 : i32
        %dma_wait3A_1187 = arith.constant 0 : i32
        %dma_wait3A_1188 = arith.constant 0 : i32
        %dma_wait3A_1189 = arith.constant 3 : i32
        %dma_wait3A_1190 = arith.constant 0 : i32
        %dma_wait3A_1191 = tpu.memref_slice %arg8[%dma_wait3A_1189, %dma_wait3A_1190] : memref<4x128xi32, #tpu.memory_space<vmem>> -> memref<1x128xi32, #tpu.memory_space<vmem>>
        %dma_wait3A_1192 = tpu.memref_squeeze %dma_wait3A_1191 : memref<1x128xi32, #tpu.memory_space<vmem>> -> memref<128xi32, #tpu.memory_space<vmem>>
        %dma_wait3A_1193 = arith.constant 0 : i32
        %dma_wait3A_1194 = tpu.memref_slice %arg2[%dma_wait3A_1186, %dma_wait3A_1187, %dma_wait3A_1188, %dma_wait3A_1193] : memref<25x128x8x128xi32, #tpu.memory_space<hbm>> -> memref<1x1x1x128xi32, #tpu.memory_space<hbm>>
        %dma_wait3A_1195 = tpu.memref_squeeze %dma_wait3A_1194 : memref<1x1x1x128xi32, #tpu.memory_space<hbm>> -> memref<128xi32, #tpu.memory_space<hbm>>
        %dma_wait3A_1196 = arith.constant 0 : i32
        %dma_wait3A_1197 = tpu.memref_slice %arg8[%dma_wait3A_1189, %dma_wait3A_1196] : memref<4x128xi32, #tpu.memory_space<vmem>> -> memref<1x128xi32, #tpu.memory_space<vmem>>
        %dma_wait3A_1198 = tpu.memref_squeeze %dma_wait3A_1197 : memref<1x128xi32, #tpu.memory_space<vmem>> -> memref<128xi32, #tpu.memory_space<vmem>>
        %dma_wait3A_1199 = arith.constant 0 : i32
        %dma_wait3A_1200 = tpu.memref_slice %arg2[%dma_wait3A_1186, %dma_wait3A_1187, %dma_wait3A_1188, %dma_wait3A_1199] : memref<25x128x8x128xi32, #tpu.memory_space<hbm>> -> memref<1x1x1x128xi32, #tpu.memory_space<hbm>>
        %dma_wait3A_1201 = tpu.memref_squeeze %dma_wait3A_1200 : memref<1x1x1x128xi32, #tpu.memory_space<hbm>> -> memref<128xi32, #tpu.memory_space<hbm>>
        tpu.wait_dma2 semaphore(%arg20 : memref<!tpu.dma_semaphore, #tpu.memory_space<semaphore_mem>>) src(%dma_wait3A_1201 : memref<128xi32, #tpu.memory_space<hbm>>) dst(%dma_wait3A_1198 : memref<128xi32, #tpu.memory_space<vmem>>)
        %add3A_1202 = arith.constant 2 : i32
        %add3A_1203 = arith.addi %add3A_787, %add3A_1202 : i32
        %dma_start3A_1204 = arith.constant 0 : i32
        %dma_start3A_1205 = arith.constant 0 : i32
        %dma_start3A_1206 = arith.constant 0 : i32
        %dma_start3A_1207 = tpu.memref_slice %arg12[%dma_start3A_1205, %dma_start3A_1206] : memref<512x32xf32, #tpu.memory_space<vmem>> -> memref<128x32xf32, #tpu.memory_space<vmem>>
        %dma_start3A_1208 = arith.constant 0 : i32
        %dma_start3A_1209 = tpu.memref_slice %arg8[%dma_start3A_1204, %dma_start3A_1208] : memref<4x128xi32, #tpu.memory_space<vmem>> -> memref<1x128xi32, #tpu.memory_space<vmem>>
        %dma_start3A_1210 = tpu.memref_squeeze %dma_start3A_1209 : memref<1x128xi32, #tpu.memory_space<vmem>> -> memref<128xi32, #tpu.memory_space<vmem>>
        %dma_start3A_1211 = arith.constant 0 : i32
        %dma_start3A_1212 = arith.constant 0 : i32
        %dma_start3A_1213 = tpu.memref_slice %arg3[%dma_start3A_1211, %dma_start3A_1212] : memref<4000000x32xf32, #tpu.memory_space<hbm>> -> memref<4000000x32xf32, #tpu.memory_space<hbm>>
        tpu.enqueue_indirect_dma source(%dma_start3A_1213 : memref<4000000x32xf32, #tpu.memory_space<hbm>>) target(%dma_start3A_1207 : memref<128x32xf32, #tpu.memory_space<vmem>>) offsets(%dma_start3A_1210 : memref<128xi32, #tpu.memory_space<vmem>>) semaphore(%arg24 : memref<!tpu.dma_semaphore, #tpu.memory_space<semaphore_mem>>)
        %dma_start3A_1214 = arith.constant 1 : i32
        %dma_start3A_1215 = arith.constant 128 : i32
        %dma_start3A_1216 = arith.constant 0 : i32
        %dma_start3A_1217 = tpu.memref_slice %arg12[%dma_start3A_1215, %dma_start3A_1216] : memref<512x32xf32, #tpu.memory_space<vmem>> -> memref<128x32xf32, #tpu.memory_space<vmem>>
        %dma_start3A_1218 = arith.constant 0 : i32
        %dma_start3A_1219 = tpu.memref_slice %arg8[%dma_start3A_1214, %dma_start3A_1218] : memref<4x128xi32, #tpu.memory_space<vmem>> -> memref<1x128xi32, #tpu.memory_space<vmem>>
        %dma_start3A_1220 = tpu.memref_squeeze %dma_start3A_1219 : memref<1x128xi32, #tpu.memory_space<vmem>> -> memref<128xi32, #tpu.memory_space<vmem>>
        %dma_start3A_1221 = arith.constant 0 : i32
        %dma_start3A_1222 = arith.constant 0 : i32
        %dma_start3A_1223 = tpu.memref_slice %arg3[%dma_start3A_1221, %dma_start3A_1222] : memref<4000000x32xf32, #tpu.memory_space<hbm>> -> memref<4000000x32xf32, #tpu.memory_space<hbm>>
        tpu.enqueue_indirect_dma source(%dma_start3A_1223 : memref<4000000x32xf32, #tpu.memory_space<hbm>>) target(%dma_start3A_1217 : memref<128x32xf32, #tpu.memory_space<vmem>>) offsets(%dma_start3A_1220 : memref<128xi32, #tpu.memory_space<vmem>>) semaphore(%arg24 : memref<!tpu.dma_semaphore, #tpu.memory_space<semaphore_mem>>)
        %dma_start3A_1224 = arith.constant 2 : i32
        %dma_start3A_1225 = arith.constant 256 : i32
        %dma_start3A_1226 = arith.constant 0 : i32
        %dma_start3A_1227 = tpu.memref_slice %arg12[%dma_start3A_1225, %dma_start3A_1226] : memref<512x32xf32, #tpu.memory_space<vmem>> -> memref<128x32xf32, #tpu.memory_space<vmem>>
        %dma_start3A_1228 = arith.constant 0 : i32
        %dma_start3A_1229 = tpu.memref_slice %arg8[%dma_start3A_1224, %dma_start3A_1228] : memref<4x128xi32, #tpu.memory_space<vmem>> -> memref<1x128xi32, #tpu.memory_space<vmem>>
        %dma_start3A_1230 = tpu.memref_squeeze %dma_start3A_1229 : memref<1x128xi32, #tpu.memory_space<vmem>> -> memref<128xi32, #tpu.memory_space<vmem>>
        %dma_start3A_1231 = arith.constant 0 : i32
        %dma_start3A_1232 = arith.constant 0 : i32
        %dma_start3A_1233 = tpu.memref_slice %arg3[%dma_start3A_1231, %dma_start3A_1232] : memref<4000000x32xf32, #tpu.memory_space<hbm>> -> memref<4000000x32xf32, #tpu.memory_space<hbm>>
        tpu.enqueue_indirect_dma source(%dma_start3A_1233 : memref<4000000x32xf32, #tpu.memory_space<hbm>>) target(%dma_start3A_1227 : memref<128x32xf32, #tpu.memory_space<vmem>>) offsets(%dma_start3A_1230 : memref<128xi32, #tpu.memory_space<vmem>>) semaphore(%arg24 : memref<!tpu.dma_semaphore, #tpu.memory_space<semaphore_mem>>)
        %dma_start3A_1234 = arith.constant 3 : i32
        %dma_start3A_1235 = arith.constant 384 : i32
        %dma_start3A_1236 = arith.constant 0 : i32
        %dma_start3A_1237 = tpu.memref_slice %arg12[%dma_start3A_1235, %dma_start3A_1236] : memref<512x32xf32, #tpu.memory_space<vmem>> -> memref<128x32xf32, #tpu.memory_space<vmem>>
        %dma_start3A_1238 = arith.constant 0 : i32
        %dma_start3A_1239 = tpu.memref_slice %arg8[%dma_start3A_1234, %dma_start3A_1238] : memref<4x128xi32, #tpu.memory_space<vmem>> -> memref<1x128xi32, #tpu.memory_space<vmem>>
        %dma_start3A_1240 = tpu.memref_squeeze %dma_start3A_1239 : memref<1x128xi32, #tpu.memory_space<vmem>> -> memref<128xi32, #tpu.memory_space<vmem>>
        %dma_start3A_1241 = arith.constant 0 : i32
        %dma_start3A_1242 = arith.constant 0 : i32
        %dma_start3A_1243 = tpu.memref_slice %arg3[%dma_start3A_1241, %dma_start3A_1242] : memref<4000000x32xf32, #tpu.memory_space<hbm>> -> memref<4000000x32xf32, #tpu.memory_space<hbm>>
        tpu.enqueue_indirect_dma source(%dma_start3A_1243 : memref<4000000x32xf32, #tpu.memory_space<hbm>>) target(%dma_start3A_1237 : memref<128x32xf32, #tpu.memory_space<vmem>>) offsets(%dma_start3A_1240 : memref<128xi32, #tpu.memory_space<vmem>>) semaphore(%arg24 : memref<!tpu.dma_semaphore, #tpu.memory_space<semaphore_mem>>)
      } else {
      }
      %add3A_801 = arith.constant 3 : i32
      %add3A_802 = arith.addi %add3A_787, %add3A_801 : i32
      %lt3A_803 = arith.constant 200 : i32
      %lt3A_804 = arith.cmpi slt, %add3A_802, %lt3A_803 : i32
      %convert_element_type3A_805 = arith.extui %lt3A_804 : i1 to i32
      %cond3A_806 = arith.constant 0 : i32
      %cond3A_807 = arith.cmpi ne, %convert_element_type3A_805, %cond3A_806 : i32
      scf.if %cond3A_807 {
        %add3A_1138 = arith.constant 3 : i32
        %add3A_1139 = arith.addi %add3A_787, %add3A_1138 : i32
        %add3A_1140 = arith.addi %mul3A_2, %add3A_1139 : i32
        %jit3A_1141 = arith.constant 32 : i32
        %div3A_1142 = arith.divsi %add3A_1140, %jit3A_1141 : i32
        %sign3A_1143 = arith.constant 0 : i32
        %sign3A_1144 = arith.cmpi sgt, %add3A_1140, %sign3A_1143 : i32
        %sign3A_1145 = arith.extui %sign3A_1144 : i1 to i32
        %sign3A_1146 = arith.constant 0 : i32
        %sign3A_1147 = arith.cmpi slt, %add3A_1140, %sign3A_1146 : i32
        %sign3A_1148 = arith.extui %sign3A_1147 : i1 to i32
        %sign3A_1149 = arith.subi %sign3A_1145, %sign3A_1148 : i32
        %sign3A_1150 = arith.constant 0 : i32
        %sign3A_1151 = arith.cmpi sgt, %jit3A_1141, %sign3A_1150 : i32
        %sign3A_1152 = arith.extui %sign3A_1151 : i1 to i32
        %sign3A_1153 = arith.constant 0 : i32
        %sign3A_1154 = arith.cmpi slt, %jit3A_1141, %sign3A_1153 : i32
        %sign3A_1155 = arith.extui %sign3A_1154 : i1 to i32
        %sign3A_1156 = arith.subi %sign3A_1152, %sign3A_1155 : i32
        %ne3A_1157 = arith.cmpi ne, %sign3A_1149, %sign3A_1156 : i32
        %rem3A_1158 = arith.remsi %add3A_1140, %jit3A_1141 : i32
        %ne3A_1159 = arith.constant 0 : i32
        %ne3A_1160 = arith.cmpi ne, %rem3A_1158, %ne3A_1159 : i32
        %and3A_1161 = arith.andi %ne3A_1157, %ne3A_1160 : i1
        %sub3A_1162 = arith.constant 1 : i32
        %sub3A_1163 = arith.subi %div3A_1142, %sub3A_1162 : i32
        %select_n3A_1164 = arith.select %and3A_1161, %sub3A_1163, %div3A_1142 : i32
        %jit3A_1165 = arith.constant 32 : i32
        %eq3A_1166 = arith.constant 0 : i32
        %eq3A_1167 = arith.cmpi eq, %jit3A_1165, %eq3A_1166 : i32
        %jit3A_1168 = arith.constant 1 : i32
        %select_n3A_1169 = arith.select %eq3A_1167, %jit3A_1168, %jit3A_1165 : i32
        %rem3A_1170 = arith.remsi %add3A_1140, %select_n3A_1169 : i32
        %ne3A_1171 = arith.constant 0 : i32
        %ne3A_1172 = arith.cmpi ne, %rem3A_1170, %ne3A_1171 : i32
        %lt3A_1173 = arith.constant 0 : i32
        %lt3A_1174 = arith.cmpi slt, %rem3A_1170, %lt3A_1173 : i32
        %lt3A_1175 = arith.constant 0 : i32
        %lt3A_1176 = arith.cmpi slt, %select_n3A_1169, %lt3A_1175 : i32
        %ne3A_1177 = arith.xori %lt3A_1174, %lt3A_1176 : i1
        %and3A_1178 = arith.andi %ne3A_1177, %ne3A_1172 : i1
        %add3A_1179 = arith.addi %rem3A_1170, %select_n3A_1169 : i32
        %select_n3A_1180 = arith.select %and3A_1178, %add3A_1179, %rem3A_1170 : i32
        %mul3A_1181 = arith.constant 4 : i32
        %mul3A_1182 = arith.muli %select_n3A_1180, %mul3A_1181 : i32
        %jit3A_1183 = arith.constant 8 : i32
        %div3A_1184 = arith.divsi %select_n3A_1164, %jit3A_1183 : i32
        %sign3A_1185 = arith.constant 0 : i32
        %sign3A_1186 = arith.cmpi sgt, %select_n3A_1164, %sign3A_1185 : i32
        %sign3A_1187 = arith.extui %sign3A_1186 : i1 to i32
        %sign3A_1188 = arith.constant 0 : i32
        %sign3A_1189 = arith.cmpi slt, %select_n3A_1164, %sign3A_1188 : i32
        %sign3A_1190 = arith.extui %sign3A_1189 : i1 to i32
        %sign3A_1191 = arith.subi %sign3A_1187, %sign3A_1190 : i32
        %sign3A_1192 = arith.constant 0 : i32
        %sign3A_1193 = arith.cmpi sgt, %jit3A_1183, %sign3A_1192 : i32
        %sign3A_1194 = arith.extui %sign3A_1193 : i1 to i32
        %sign3A_1195 = arith.constant 0 : i32
        %sign3A_1196 = arith.cmpi slt, %jit3A_1183, %sign3A_1195 : i32
        %sign3A_1197 = arith.extui %sign3A_1196 : i1 to i32
        %sign3A_1198 = arith.subi %sign3A_1194, %sign3A_1197 : i32
        %ne3A_1199 = arith.cmpi ne, %sign3A_1191, %sign3A_1198 : i32
        %rem3A_1200 = arith.remsi %select_n3A_1164, %jit3A_1183 : i32
        %ne3A_1201 = arith.constant 0 : i32
        %ne3A_1202 = arith.cmpi ne, %rem3A_1200, %ne3A_1201 : i32
        %and3A_1203 = arith.andi %ne3A_1199, %ne3A_1202 : i1
        %sub3A_1204 = arith.constant 1 : i32
        %sub3A_1205 = arith.subi %div3A_1184, %sub3A_1204 : i32
        %select_n3A_1206 = arith.select %and3A_1203, %sub3A_1205, %div3A_1184 : i32
        %jit3A_1207 = arith.constant 8 : i32
        %eq3A_1208 = arith.constant 0 : i32
        %eq3A_1209 = arith.cmpi eq, %jit3A_1207, %eq3A_1208 : i32
        %jit3A_1210 = arith.constant 1 : i32
        %select_n3A_1211 = arith.select %eq3A_1209, %jit3A_1210, %jit3A_1207 : i32
        %rem3A_1212 = arith.remsi %select_n3A_1164, %select_n3A_1211 : i32
        %ne3A_1213 = arith.constant 0 : i32
        %ne3A_1214 = arith.cmpi ne, %rem3A_1212, %ne3A_1213 : i32
        %lt3A_1215 = arith.constant 0 : i32
        %lt3A_1216 = arith.cmpi slt, %rem3A_1212, %lt3A_1215 : i32
        %lt3A_1217 = arith.constant 0 : i32
        %lt3A_1218 = arith.cmpi slt, %select_n3A_1211, %lt3A_1217 : i32
        %ne3A_1219 = arith.xori %lt3A_1216, %lt3A_1218 : i1
        %and3A_1220 = arith.andi %ne3A_1219, %ne3A_1214 : i1
        %add3A_1221 = arith.addi %rem3A_1212, %select_n3A_1211 : i32
        %select_n3A_1222 = arith.select %and3A_1220, %add3A_1221, %rem3A_1212 : i32
        %add3A_1223 = arith.constant 0 : i32
        %add3A_1224 = arith.addi %mul3A_1182, %add3A_1223 : i32
        %dma_start3A_1225 = arith.constant 0 : i32
        %dma_start3A_1226 = arith.constant 0 : i32
        %dma_start3A_1227 = tpu.memref_slice %arg5[%dma_start3A_1225, %dma_start3A_1226] : memref<4x128xi32, #tpu.memory_space<vmem>> -> memref<1x128xi32, #tpu.memory_space<vmem>>
        %dma_start3A_1228 = tpu.memref_squeeze %dma_start3A_1227 : memref<1x128xi32, #tpu.memory_space<vmem>> -> memref<128xi32, #tpu.memory_space<vmem>>
        %dma_start3A_1229 = arith.constant 0 : i32
        %dma_start3A_1230 = tpu.memref_slice %arg2[%select_n3A_1206, %add3A_1224, %select_n3A_1222, %dma_start3A_1229] : memref<25x128x8x128xi32, #tpu.memory_space<hbm>> -> memref<1x1x1x128xi32, #tpu.memory_space<hbm>>
        %dma_start3A_1231 = tpu.memref_squeeze %dma_start3A_1230 : memref<1x1x1x128xi32, #tpu.memory_space<hbm>> -> memref<128xi32, #tpu.memory_space<hbm>>
        %dma_start3A_1232 = arith.constant 0 : i32
        %dma_start3A_1233 = tpu.memref_slice %arg5[%dma_start3A_1225, %dma_start3A_1232] : memref<4x128xi32, #tpu.memory_space<vmem>> -> memref<1x128xi32, #tpu.memory_space<vmem>>
        %dma_start3A_1234 = tpu.memref_squeeze %dma_start3A_1233 : memref<1x128xi32, #tpu.memory_space<vmem>> -> memref<128xi32, #tpu.memory_space<vmem>>
        %dma_start3A_1235 = arith.constant 0 : i32
        %dma_start3A_1236 = tpu.memref_slice %arg2[%select_n3A_1206, %add3A_1224, %select_n3A_1222, %dma_start3A_1235] : memref<25x128x8x128xi32, #tpu.memory_space<hbm>> -> memref<1x1x1x128xi32, #tpu.memory_space<hbm>>
        %dma_start3A_1237 = tpu.memref_squeeze %dma_start3A_1236 : memref<1x1x1x128xi32, #tpu.memory_space<hbm>> -> memref<128xi32, #tpu.memory_space<hbm>>
        tpu.enqueue_dma source(%dma_start3A_1237 : memref<128xi32, #tpu.memory_space<hbm>>) target(%dma_start3A_1234 : memref<128xi32, #tpu.memory_space<vmem>>) target_semaphore(%arg17 : memref<!tpu.dma_semaphore, #tpu.memory_space<semaphore_mem>>)
        %add3A_1238 = arith.constant 1 : i32
        %add3A_1239 = arith.addi %mul3A_1182, %add3A_1238 : i32
        %dma_start3A_1240 = arith.constant 1 : i32
        %dma_start3A_1241 = arith.constant 0 : i32
        %dma_start3A_1242 = tpu.memref_slice %arg5[%dma_start3A_1240, %dma_start3A_1241] : memref<4x128xi32, #tpu.memory_space<vmem>> -> memref<1x128xi32, #tpu.memory_space<vmem>>
        %dma_start3A_1243 = tpu.memref_squeeze %dma_start3A_1242 : memref<1x128xi32, #tpu.memory_space<vmem>> -> memref<128xi32, #tpu.memory_space<vmem>>
        %dma_start3A_1244 = arith.constant 0 : i32
        %dma_start3A_1245 = tpu.memref_slice %arg2[%select_n3A_1206, %add3A_1239, %select_n3A_1222, %dma_start3A_1244] : memref<25x128x8x128xi32, #tpu.memory_space<hbm>> -> memref<1x1x1x128xi32, #tpu.memory_space<hbm>>
        %dma_start3A_1246 = tpu.memref_squeeze %dma_start3A_1245 : memref<1x1x1x128xi32, #tpu.memory_space<hbm>> -> memref<128xi32, #tpu.memory_space<hbm>>
        %dma_start3A_1247 = arith.constant 0 : i32
        %dma_start3A_1248 = tpu.memref_slice %arg5[%dma_start3A_1240, %dma_start3A_1247] : memref<4x128xi32, #tpu.memory_space<vmem>> -> memref<1x128xi32, #tpu.memory_space<vmem>>
        %dma_start3A_1249 = tpu.memref_squeeze %dma_start3A_1248 : memref<1x128xi32, #tpu.memory_space<vmem>> -> memref<128xi32, #tpu.memory_space<vmem>>
        %dma_start3A_1250 = arith.constant 0 : i32
        %dma_start3A_1251 = tpu.memref_slice %arg2[%select_n3A_1206, %add3A_1239, %select_n3A_1222, %dma_start3A_1250] : memref<25x128x8x128xi32, #tpu.memory_space<hbm>> -> memref<1x1x1x128xi32, #tpu.memory_space<hbm>>
        %dma_start3A_1252 = tpu.memref_squeeze %dma_start3A_1251 : memref<1x1x1x128xi32, #tpu.memory_space<hbm>> -> memref<128xi32, #tpu.memory_space<hbm>>
        tpu.enqueue_dma source(%dma_start3A_1252 : memref<128xi32, #tpu.memory_space<hbm>>) target(%dma_start3A_1249 : memref<128xi32, #tpu.memory_space<vmem>>) target_semaphore(%arg17 : memref<!tpu.dma_semaphore, #tpu.memory_space<semaphore_mem>>)
        %add3A_1253 = arith.constant 2 : i32
        %add3A_1254 = arith.addi %mul3A_1182, %add3A_1253 : i32
        %dma_start3A_1255 = arith.constant 2 : i32
        %dma_start3A_1256 = arith.constant 0 : i32
        %dma_start3A_1257 = tpu.memref_slice %arg5[%dma_start3A_1255, %dma_start3A_1256] : memref<4x128xi32, #tpu.memory_space<vmem>> -> memref<1x128xi32, #tpu.memory_space<vmem>>
        %dma_start3A_1258 = tpu.memref_squeeze %dma_start3A_1257 : memref<1x128xi32, #tpu.memory_space<vmem>> -> memref<128xi32, #tpu.memory_space<vmem>>
        %dma_start3A_1259 = arith.constant 0 : i32
        %dma_start3A_1260 = tpu.memref_slice %arg2[%select_n3A_1206, %add3A_1254, %select_n3A_1222, %dma_start3A_1259] : memref<25x128x8x128xi32, #tpu.memory_space<hbm>> -> memref<1x1x1x128xi32, #tpu.memory_space<hbm>>
        %dma_start3A_1261 = tpu.memref_squeeze %dma_start3A_1260 : memref<1x1x1x128xi32, #tpu.memory_space<hbm>> -> memref<128xi32, #tpu.memory_space<hbm>>
        %dma_start3A_1262 = arith.constant 0 : i32
        %dma_start3A_1263 = tpu.memref_slice %arg5[%dma_start3A_1255, %dma_start3A_1262] : memref<4x128xi32, #tpu.memory_space<vmem>> -> memref<1x128xi32, #tpu.memory_space<vmem>>
        %dma_start3A_1264 = tpu.memref_squeeze %dma_start3A_1263 : memref<1x128xi32, #tpu.memory_space<vmem>> -> memref<128xi32, #tpu.memory_space<vmem>>
        %dma_start3A_1265 = arith.constant 0 : i32
        %dma_start3A_1266 = tpu.memref_slice %arg2[%select_n3A_1206, %add3A_1254, %select_n3A_1222, %dma_start3A_1265] : memref<25x128x8x128xi32, #tpu.memory_space<hbm>> -> memref<1x1x1x128xi32, #tpu.memory_space<hbm>>
        %dma_start3A_1267 = tpu.memref_squeeze %dma_start3A_1266 : memref<1x1x1x128xi32, #tpu.memory_space<hbm>> -> memref<128xi32, #tpu.memory_space<hbm>>
        tpu.enqueue_dma source(%dma_start3A_1267 : memref<128xi32, #tpu.memory_space<hbm>>) target(%dma_start3A_1264 : memref<128xi32, #tpu.memory_space<vmem>>) target_semaphore(%arg17 : memref<!tpu.dma_semaphore, #tpu.memory_space<semaphore_mem>>)
        %add3A_1268 = arith.constant 3 : i32
        %add3A_1269 = arith.addi %mul3A_1182, %add3A_1268 : i32
        %dma_start3A_1270 = arith.constant 3 : i32
        %dma_start3A_1271 = arith.constant 0 : i32
        %dma_start3A_1272 = tpu.memref_slice %arg5[%dma_start3A_1270, %dma_start3A_1271] : memref<4x128xi32, #tpu.memory_space<vmem>> -> memref<1x128xi32, #tpu.memory_space<vmem>>
        %dma_start3A_1273 = tpu.memref_squeeze %dma_start3A_1272 : memref<1x128xi32, #tpu.memory_space<vmem>> -> memref<128xi32, #tpu.memory_space<vmem>>
        %dma_start3A_1274 = arith.constant 0 : i32
        %dma_start3A_1275 = tpu.memref_slice %arg2[%select_n3A_1206, %add3A_1269, %select_n3A_1222, %dma_start3A_1274] : memref<25x128x8x128xi32, #tpu.memory_space<hbm>> -> memref<1x1x1x128xi32, #tpu.memory_space<hbm>>
        %dma_start3A_1276 = tpu.memref_squeeze %dma_start3A_1275 : memref<1x1x1x128xi32, #tpu.memory_space<hbm>> -> memref<128xi32, #tpu.memory_space<hbm>>
        %dma_start3A_1277 = arith.constant 0 : i32
        %dma_start3A_1278 = tpu.memref_slice %arg5[%dma_start3A_1270, %dma_start3A_1277] : memref<4x128xi32, #tpu.memory_space<vmem>> -> memref<1x128xi32, #tpu.memory_space<vmem>>
        %dma_start3A_1279 = tpu.memref_squeeze %dma_start3A_1278 : memref<1x128xi32, #tpu.memory_space<vmem>> -> memref<128xi32, #tpu.memory_space<vmem>>
        %dma_start3A_1280 = arith.constant 0 : i32
        %dma_start3A_1281 = tpu.memref_slice %arg2[%select_n3A_1206, %add3A_1269, %select_n3A_1222, %dma_start3A_1280] : memref<25x128x8x128xi32, #tpu.memory_space<hbm>> -> memref<1x1x1x128xi32, #tpu.memory_space<hbm>>
        %dma_start3A_1282 = tpu.memref_squeeze %dma_start3A_1281 : memref<1x1x1x128xi32, #tpu.memory_space<hbm>> -> memref<128xi32, #tpu.memory_space<hbm>>
        tpu.enqueue_dma source(%dma_start3A_1282 : memref<128xi32, #tpu.memory_space<hbm>>) target(%dma_start3A_1279 : memref<128xi32, #tpu.memory_space<vmem>>) target_semaphore(%arg17 : memref<!tpu.dma_semaphore, #tpu.memory_space<semaphore_mem>>)
      } else {
      }
      %ge3A_808 = arith.constant 2 : i32
      %ge3A_809 = arith.cmpi sge, %add3A_787, %ge3A_808 : i32
      %convert_element_type3A_810 = arith.extui %ge3A_809 : i1 to i32
      %cond3A_811 = arith.constant 0 : i32
      %cond3A_812 = arith.cmpi ne, %convert_element_type3A_810, %cond3A_811 : i32
      scf.if %cond3A_812 {
        %dma_wait3A_1138 = arith.constant 0 : i32
        %dma_wait3A_1139 = arith.constant 0 : i32
        %dma_wait3A_1140 = arith.constant 0 : i32
        %dma_wait3A_1141 = tpu.memref_slice %arg4[%dma_wait3A_1138, %dma_wait3A_1139, %dma_wait3A_1140] : memref<200x4x131072xf32, #tpu.memory_space<hbm>> -> memref<1x1x16384xf32, #tpu.memory_space<hbm>>
        %dma_wait3A_1142 = tpu.memref_squeeze %dma_wait3A_1141 : memref<1x1x16384xf32, #tpu.memory_space<hbm>> -> memref<16384xf32, #tpu.memory_space<hbm>>
        %dma_wait3A_1143 = arith.constant 0 : i32
        %dma_wait3A_1144 = tpu.memref_slice %arg4[%dma_wait3A_1138, %dma_wait3A_1139, %dma_wait3A_1143] : memref<200x4x131072xf32, #tpu.memory_space<hbm>> -> memref<1x1x16384xf32, #tpu.memory_space<hbm>>
        %dma_wait3A_1145 = tpu.memref_squeeze %dma_wait3A_1144 : memref<1x1x16384xf32, #tpu.memory_space<hbm>> -> memref<16384xf32, #tpu.memory_space<hbm>>
        tpu.wait_dma2 semaphore(%arg26 : memref<!tpu.dma_semaphore, #tpu.memory_space<semaphore_mem>>) src(%arg14 : memref<16384xf32, #tpu.memory_space<vmem>>) dst(%dma_wait3A_1145 : memref<16384xf32, #tpu.memory_space<hbm>>)
      } else {
      }
      %parallel_loop3A_813 = arith.constant 0 : i32
      %parallel_loop3A_814 = arith.constant 512 : i32
      %parallel_loop3A_815 = arith.constant 1 : i32
      scf.for %parallel_loop3A_1138 = %parallel_loop3A_813 to %parallel_loop3A_814 step %parallel_loop3A_815  : i32 {
        %parallel_loop3A_1139 = vector.broadcast %parallel_loop3A_1138 : i32 to vector<16xi32>
        %parallel_loop3A_1140 = arith.index_cast %parallel_loop3A_1138 : i32 to index
        %parallel_loop3A_1141 = arith.constant 0 : index
        %parallel_loop3A_1142 = tpu.vector_load %arg10[%parallel_loop3A_1140, %parallel_loop3A_1141] {strides = array<i32>} : memref<512x32xf32, #tpu.memory_space<vmem>>, vector<16xf32>,
        %parallel_loop3A_1143 = arith.addi %parallel_loop3A_1139, %add3A_58 : vector<16xi32>
        tpu.vector_store_idx %arg15[%parallel_loop3A_1143], %parallel_loop3A_1142 : memref<16448xf32, #tpu.memory_space<vmem>>[vector<16xi32>], vector<16xf32>,
        %parallel_loop3A_1144 = arith.index_cast %parallel_loop3A_1138 : i32 to index
        %parallel_loop3A_1145 = arith.constant 16 : index
        %parallel_loop3A_1146 = tpu.vector_load %arg10[%parallel_loop3A_1144, %parallel_loop3A_1145] {strides = array<i32>} : memref<512x32xf32, #tpu.memory_space<vmem>>, vector<16xf32>,
        %parallel_loop3A_1147 = arith.addi %parallel_loop3A_1139, %add3A_118 : vector<16xi32>
        tpu.vector_store_idx %arg15[%parallel_loop3A_1147], %parallel_loop3A_1146 : memref<16448xf32, #tpu.memory_space<vmem>>[vector<16xi32>], vector<16xf32>,
      } {sc.loop_unroll_factor = 4 : i64, sc.parallel_access}
      %parallel_loop3A_816 = arith.constant 0 : i32
      %parallel_loop3A_817 = arith.constant 1024 : i32
      %parallel_loop3A_818 = arith.constant 1 : i32
      scf.for %parallel_loop3A_1138 = %parallel_loop3A_816 to %parallel_loop3A_817 step %parallel_loop3A_818  : i32 {
        %parallel_loop3A_1139 = arith.index_cast %parallel_loop3A_1138 : i32 to index
        %parallel_loop3A_1140 = memref.load %arg16[%parallel_loop3A_1139] : memref<1024xi32, #tpu.memory_space<smem>>
        %parallel_loop3A_1141 = vector.broadcast %parallel_loop3A_1140 : i32 to vector<16xi32>
        %parallel_loop3A_1142 = arith.addi %parallel_loop3A_1141, %iota3A : vector<16xi32>
        %parallel_loop3A_1143 = tpu.vector_load_idx %arg15[%parallel_loop3A_1142] : memref<16448xf32, #tpu.memory_space<vmem>>[vector<16xi32>], vector<16xf32>,
        %parallel_loop3A_1144 = arith.constant 5.65685415 : f32
        %parallel_loop3A_1145 = vector.broadcast %parallel_loop3A_1144 : f32 to vector<16xf32>
        %parallel_loop3A_1146 = arith.mulf %parallel_loop3A_1143, %parallel_loop3A_1145 : vector<16xf32>
        %parallel_loop3A_1147 = arith.constant 16 : i32
        %parallel_loop3A_1148 = arith.muli %parallel_loop3A_1138, %parallel_loop3A_1147 : i32
        %parallel_loop3A_1149 = arith.index_cast %parallel_loop3A_1148 : i32 to index
        %parallel_loop3A_1150 = tpu.vector_load %arg14[%parallel_loop3A_1149] {strides = array<i32>} : memref<16384xf32, #tpu.memory_space<vmem>>, vector<16xf32>,
        tpu.vector_store %arg14[%parallel_loop3A_1149], %parallel_loop3A_1146 {strides = array<i32>} : memref<16384xf32, #tpu.memory_space<vmem>>, vector<16xf32>,
      } {sc.loop_unroll_factor = 8 : i64, sc.parallel_access}
      %add3A_819 = arith.addi %mul3A_2, %add3A_787 : i32
      %jit3A_820 = arith.constant 32 : i32
      %div3A_821 = arith.divsi %add3A_819, %jit3A_820 : i32
      %sign3A_822 = arith.constant 0 : i32
      %sign3A_823 = arith.cmpi sgt, %add3A_819, %sign3A_822 : i32
      %sign3A_824 = arith.extui %sign3A_823 : i1 to i32
      %sign3A_825 = arith.constant 0 : i32
      %sign3A_826 = arith.cmpi slt, %add3A_819, %sign3A_825 : i32
      %sign3A_827 = arith.extui %sign3A_826 : i1 to i32
      %sign3A_828 = arith.subi %sign3A_824, %sign3A_827 : i32
      %sign3A_829 = arith.constant 0 : i32
      %sign3A_830 = arith.cmpi sgt, %jit3A_820, %sign3A_829 : i32
      %sign3A_831 = arith.extui %sign3A_830 : i1 to i32
      %sign3A_832 = arith.constant 0 : i32
      %sign3A_833 = arith.cmpi slt, %jit3A_820, %sign3A_832 : i32
      %sign3A_834 = arith.extui %sign3A_833 : i1 to i32
      %sign3A_835 = arith.subi %sign3A_831, %sign3A_834 : i32
      %ne3A_836 = arith.cmpi ne, %sign3A_828, %sign3A_835 : i32
      %rem3A_837 = arith.remsi %add3A_819, %jit3A_820 : i32
      %ne3A_838 = arith.constant 0 : i32
      %ne3A_839 = arith.cmpi ne, %rem3A_837, %ne3A_838 : i32
      %and3A_840 = arith.andi %ne3A_836, %ne3A_839 : i1
      %sub3A_841 = arith.constant 1 : i32
      %sub3A_842 = arith.subi %div3A_821, %sub3A_841 : i32
      %select_n3A_843 = arith.select %and3A_840, %sub3A_842, %div3A_821 : i32
      %jit3A_844 = arith.constant 32 : i32
      %eq3A_845 = arith.constant 0 : i32
      %eq3A_846 = arith.cmpi eq, %jit3A_844, %eq3A_845 : i32
      %jit3A_847 = arith.constant 1 : i32
      %select_n3A_848 = arith.select %eq3A_846, %jit3A_847, %jit3A_844 : i32
      %rem3A_849 = arith.remsi %add3A_819, %select_n3A_848 : i32
      %ne3A_850 = arith.constant 0 : i32
      %ne3A_851 = arith.cmpi ne, %rem3A_849, %ne3A_850 : i32
      %lt3A_852 = arith.constant 0 : i32
      %lt3A_853 = arith.cmpi slt, %rem3A_849, %lt3A_852 : i32
      %lt3A_854 = arith.constant 0 : i32
      %lt3A_855 = arith.cmpi slt, %select_n3A_848, %lt3A_854 : i32
      %ne3A_856 = arith.xori %lt3A_853, %lt3A_855 : i1
      %and3A_857 = arith.andi %ne3A_856, %ne3A_851 : i1
      %add3A_858 = arith.addi %rem3A_849, %select_n3A_848 : i32
      %select_n3A_859 = arith.select %and3A_857, %add3A_858, %rem3A_849 : i32
      %mul3A_860 = arith.constant 4 : i32
      %mul3A_861 = arith.muli %select_n3A_859, %mul3A_860 : i32
      %mul3A_862 = arith.constant 8 : i32
      %mul3A_863 = arith.muli %mul3A_861, %mul3A_862 : i32
      %mul3A_864 = arith.constant 128 : i32
      %mul3A_865 = arith.muli %mul3A_863, %mul3A_864 : i32
      %dma_start3A_866 = arith.constant 0 : i32
      %dma_start3A_867 = arith.constant 0 : i32
      %dma_start3A_868 = tpu.memref_slice %arg14[%dma_start3A_867] : memref<16384xf32, #tpu.memory_space<vmem>> -> memref<4096xf32, #tpu.memory_space<vmem>>
      %dma_start3A_869 = tpu.memref_slice %arg4[%select_n3A_843, %dma_start3A_866, %mul3A_865] : memref<200x4x131072xf32, #tpu.memory_space<hbm>> -> memref<1x1x4096xf32, #tpu.memory_space<hbm>>
      %dma_start3A_870 = tpu.memref_squeeze %dma_start3A_869 : memref<1x1x4096xf32, #tpu.memory_space<hbm>> -> memref<4096xf32, #tpu.memory_space<hbm>>
      %dma_start3A_871 = tpu.memref_slice %arg4[%select_n3A_843, %dma_start3A_866, %mul3A_865] : memref<200x4x131072xf32, #tpu.memory_space<hbm>> -> memref<1x1x4096xf32, #tpu.memory_space<hbm>>
      %dma_start3A_872 = tpu.memref_squeeze %dma_start3A_871 : memref<1x1x4096xf32, #tpu.memory_space<hbm>> -> memref<4096xf32, #tpu.memory_space<hbm>>
      %dma_start3A_873 = arith.constant 0 : i32
      %dma_start3A_874 = tpu.memref_slice %arg14[%dma_start3A_873] : memref<16384xf32, #tpu.memory_space<vmem>> -> memref<4096xf32, #tpu.memory_space<vmem>>
      tpu.enqueue_dma source(%dma_start3A_874 : memref<4096xf32, #tpu.memory_space<vmem>>) target(%dma_start3A_872 : memref<4096xf32, #tpu.memory_space<hbm>>) target_semaphore(%arg26 : memref<!tpu.dma_semaphore, #tpu.memory_space<semaphore_mem>>)
      %dma_start3A_875 = arith.constant 1 : i32
      %dma_start3A_876 = arith.constant 4096 : i32
      %dma_start3A_877 = tpu.memref_slice %arg14[%dma_start3A_876] : memref<16384xf32, #tpu.memory_space<vmem>> -> memref<4096xf32, #tpu.memory_space<vmem>>
      %dma_start3A_878 = tpu.memref_slice %arg4[%select_n3A_843, %dma_start3A_875, %mul3A_865] : memref<200x4x131072xf32, #tpu.memory_space<hbm>> -> memref<1x1x4096xf32, #tpu.memory_space<hbm>>
      %dma_start3A_879 = tpu.memref_squeeze %dma_start3A_878 : memref<1x1x4096xf32, #tpu.memory_space<hbm>> -> memref<4096xf32, #tpu.memory_space<hbm>>
      %dma_start3A_880 = tpu.memref_slice %arg4[%select_n3A_843, %dma_start3A_875, %mul3A_865] : memref<200x4x131072xf32, #tpu.memory_space<hbm>> -> memref<1x1x4096xf32, #tpu.memory_space<hbm>>
      %dma_start3A_881 = tpu.memref_squeeze %dma_start3A_880 : memref<1x1x4096xf32, #tpu.memory_space<hbm>> -> memref<4096xf32, #tpu.memory_space<hbm>>
      %dma_start3A_882 = arith.constant 4096 : i32
      %dma_start3A_883 = tpu.memref_slice %arg14[%dma_start3A_882] : memref<16384xf32, #tpu.memory_space<vmem>> -> memref<4096xf32, #tpu.memory_space<vmem>>
      tpu.enqueue_dma source(%dma_start3A_883 : memref<4096xf32, #tpu.memory_space<vmem>>) target(%dma_start3A_881 : memref<4096xf32, #tpu.memory_space<hbm>>) target_semaphore(%arg26 : memref<!tpu.dma_semaphore, #tpu.memory_space<semaphore_mem>>)
      %dma_start3A_884 = arith.constant 2 : i32
      %dma_start3A_885 = arith.constant 8192 : i32
      %dma_start3A_886 = tpu.memref_slice %arg14[%dma_start3A_885] : memref<16384xf32, #tpu.memory_space<vmem>> -> memref<4096xf32, #tpu.memory_space<vmem>>
      %dma_start3A_887 = tpu.memref_slice %arg4[%select_n3A_843, %dma_start3A_884, %mul3A_865] : memref<200x4x131072xf32, #tpu.memory_space<hbm>> -> memref<1x1x4096xf32, #tpu.memory_space<hbm>>
      %dma_start3A_888 = tpu.memref_squeeze %dma_start3A_887 : memref<1x1x4096xf32, #tpu.memory_space<hbm>> -> memref<4096xf32, #tpu.memory_space<hbm>>
      %dma_start3A_889 = tpu.memref_slice %arg4[%select_n3A_843, %dma_start3A_884, %mul3A_865] : memref<200x4x131072xf32, #tpu.memory_space<hbm>> -> memref<1x1x4096xf32, #tpu.memory_space<hbm>>
      %dma_start3A_890 = tpu.memref_squeeze %dma_start3A_889 : memref<1x1x4096xf32, #tpu.memory_space<hbm>> -> memref<4096xf32, #tpu.memory_space<hbm>>
      %dma_start3A_891 = arith.constant 8192 : i32
      %dma_start3A_892 = tpu.memref_slice %arg14[%dma_start3A_891] : memref<16384xf32, #tpu.memory_space<vmem>> -> memref<4096xf32, #tpu.memory_space<vmem>>
      tpu.enqueue_dma source(%dma_start3A_892 : memref<4096xf32, #tpu.memory_space<vmem>>) target(%dma_start3A_890 : memref<4096xf32, #tpu.memory_space<hbm>>) target_semaphore(%arg26 : memref<!tpu.dma_semaphore, #tpu.memory_space<semaphore_mem>>)
      %dma_start3A_893 = arith.constant 3 : i32
      %dma_start3A_894 = arith.constant 12288 : i32
      %dma_start3A_895 = tpu.memref_slice %arg14[%dma_start3A_894] : memref<16384xf32, #tpu.memory_space<vmem>> -> memref<4096xf32, #tpu.memory_space<vmem>>
      %dma_start3A_896 = tpu.memref_slice %arg4[%select_n3A_843, %dma_start3A_893, %mul3A_865] : memref<200x4x131072xf32, #tpu.memory_space<hbm>> -> memref<1x1x4096xf32, #tpu.memory_space<hbm>>
      %dma_start3A_897 = tpu.memref_squeeze %dma_start3A_896 : memref<1x1x4096xf32, #tpu.memory_space<hbm>> -> memref<4096xf32, #tpu.memory_space<hbm>>
      %dma_start3A_898 = tpu.memref_slice %arg4[%select_n3A_843, %dma_start3A_893, %mul3A_865] : memref<200x4x131072xf32, #tpu.memory_space<hbm>> -> memref<1x1x4096xf32, #tpu.memory_space<hbm>>
      %dma_start3A_899 = tpu.memref_squeeze %dma_start3A_898 : memref<1x1x4096xf32, #tpu.memory_space<hbm>> -> memref<4096xf32, #tpu.memory_space<hbm>>
      %dma_start3A_900 = arith.constant 12288 : i32
      %dma_start3A_901 = tpu.memref_slice %arg14[%dma_start3A_900] : memref<16384xf32, #tpu.memory_space<vmem>> -> memref<4096xf32, #tpu.memory_space<vmem>>
      tpu.enqueue_dma source(%dma_start3A_901 : memref<4096xf32, #tpu.memory_space<vmem>>) target(%dma_start3A_899 : memref<4096xf32, #tpu.memory_space<hbm>>) target_semaphore(%arg26 : memref<!tpu.dma_semaphore, #tpu.memory_space<semaphore_mem>>)
      %mul3A_902 = arith.constant 4 : i32
      %mul3A_903 = arith.muli %scan3A_669, %mul3A_902 : i32
      %add3A_904 = arith.constant 2 : i32
      %add3A_905 = arith.addi %mul3A_903, %add3A_904 : i32
      %dma_wait3A_906 = arith.constant 0 : i32
      %dma_wait3A_907 = arith.constant 0 : i32
      %dma_wait3A_908 = tpu.memref_slice %arg3[%dma_wait3A_906, %dma_wait3A_907] : memref<4000000x32xf32, #tpu.memory_space<hbm>> -> memref<512x32xf32, #tpu.memory_space<hbm>>
      %dma_wait3A_909 = arith.constant 0 : i32
      %dma_wait3A_910 = arith.constant 0 : i32
      %dma_wait3A_911 = tpu.memref_slice %arg3[%dma_wait3A_909, %dma_wait3A_910] : memref<4000000x32xf32, #tpu.memory_space<hbm>> -> memref<512x32xf32, #tpu.memory_space<hbm>>
      tpu.wait_dma2 semaphore(%arg23 : memref<!tpu.dma_semaphore, #tpu.memory_space<semaphore_mem>>) src(%dma_wait3A_911 : memref<512x32xf32, #tpu.memory_space<hbm>>) dst(%arg11 : memref<512x32xf32, #tpu.memory_space<vmem>>)
      %add3A_912 = arith.constant 2 : i32
      %add3A_913 = arith.addi %add3A_905, %add3A_912 : i32
      %lt3A_914 = arith.constant 200 : i32
      %lt3A_915 = arith.cmpi slt, %add3A_913, %lt3A_914 : i32
      %convert_element_type3A_916 = arith.extui %lt3A_915 : i1 to i32
      %cond3A_917 = arith.constant 0 : i32
      %cond3A_918 = arith.cmpi ne, %convert_element_type3A_916, %cond3A_917 : i32
      scf.if %cond3A_918 {
        %dma_wait3A_1138 = arith.constant 0 : i32
        %dma_wait3A_1139 = arith.constant 0 : i32
        %dma_wait3A_1140 = arith.constant 0 : i32
        %dma_wait3A_1141 = arith.constant 0 : i32
        %dma_wait3A_1142 = arith.constant 0 : i32
        %dma_wait3A_1143 = tpu.memref_slice %arg5[%dma_wait3A_1141, %dma_wait3A_1142] : memref<4x128xi32, #tpu.memory_space<vmem>> -> memref<1x128xi32, #tpu.memory_space<vmem>>
        %dma_wait3A_1144 = tpu.memref_squeeze %dma_wait3A_1143 : memref<1x128xi32, #tpu.memory_space<vmem>> -> memref<128xi32, #tpu.memory_space<vmem>>
        %dma_wait3A_1145 = arith.constant 0 : i32
        %dma_wait3A_1146 = tpu.memref_slice %arg2[%dma_wait3A_1138, %dma_wait3A_1139, %dma_wait3A_1140, %dma_wait3A_1145] : memref<25x128x8x128xi32, #tpu.memory_space<hbm>> -> memref<1x1x1x128xi32, #tpu.memory_space<hbm>>
        %dma_wait3A_1147 = tpu.memref_squeeze %dma_wait3A_1146 : memref<1x1x1x128xi32, #tpu.memory_space<hbm>> -> memref<128xi32, #tpu.memory_space<hbm>>
        %dma_wait3A_1148 = arith.constant 0 : i32
        %dma_wait3A_1149 = tpu.memref_slice %arg5[%dma_wait3A_1141, %dma_wait3A_1148] : memref<4x128xi32, #tpu.memory_space<vmem>> -> memref<1x128xi32, #tpu.memory_space<vmem>>
        %dma_wait3A_1150 = tpu.memref_squeeze %dma_wait3A_1149 : memref<1x128xi32, #tpu.memory_space<vmem>> -> memref<128xi32, #tpu.memory_space<vmem>>
        %dma_wait3A_1151 = arith.constant 0 : i32
        %dma_wait3A_1152 = tpu.memref_slice %arg2[%dma_wait3A_1138, %dma_wait3A_1139, %dma_wait3A_1140, %dma_wait3A_1151] : memref<25x128x8x128xi32, #tpu.memory_space<hbm>> -> memref<1x1x1x128xi32, #tpu.memory_space<hbm>>
        %dma_wait3A_1153 = tpu.memref_squeeze %dma_wait3A_1152 : memref<1x1x1x128xi32, #tpu.memory_space<hbm>> -> memref<128xi32, #tpu.memory_space<hbm>>
        tpu.wait_dma2 semaphore(%arg17 : memref<!tpu.dma_semaphore, #tpu.memory_space<semaphore_mem>>) src(%dma_wait3A_1153 : memref<128xi32, #tpu.memory_space<hbm>>) dst(%dma_wait3A_1150 : memref<128xi32, #tpu.memory_space<vmem>>)
        %dma_wait3A_1154 = arith.constant 0 : i32
        %dma_wait3A_1155 = arith.constant 0 : i32
        %dma_wait3A_1156 = arith.constant 0 : i32
        %dma_wait3A_1157 = arith.constant 1 : i32
        %dma_wait3A_1158 = arith.constant 0 : i32
        %dma_wait3A_1159 = tpu.memref_slice %arg5[%dma_wait3A_1157, %dma_wait3A_1158] : memref<4x128xi32, #tpu.memory_space<vmem>> -> memref<1x128xi32, #tpu.memory_space<vmem>>
        %dma_wait3A_1160 = tpu.memref_squeeze %dma_wait3A_1159 : memref<1x128xi32, #tpu.memory_space<vmem>> -> memref<128xi32, #tpu.memory_space<vmem>>
        %dma_wait3A_1161 = arith.constant 0 : i32
        %dma_wait3A_1162 = tpu.memref_slice %arg2[%dma_wait3A_1154, %dma_wait3A_1155, %dma_wait3A_1156, %dma_wait3A_1161] : memref<25x128x8x128xi32, #tpu.memory_space<hbm>> -> memref<1x1x1x128xi32, #tpu.memory_space<hbm>>
        %dma_wait3A_1163 = tpu.memref_squeeze %dma_wait3A_1162 : memref<1x1x1x128xi32, #tpu.memory_space<hbm>> -> memref<128xi32, #tpu.memory_space<hbm>>
        %dma_wait3A_1164 = arith.constant 0 : i32
        %dma_wait3A_1165 = tpu.memref_slice %arg5[%dma_wait3A_1157, %dma_wait3A_1164] : memref<4x128xi32, #tpu.memory_space<vmem>> -> memref<1x128xi32, #tpu.memory_space<vmem>>
        %dma_wait3A_1166 = tpu.memref_squeeze %dma_wait3A_1165 : memref<1x128xi32, #tpu.memory_space<vmem>> -> memref<128xi32, #tpu.memory_space<vmem>>
        %dma_wait3A_1167 = arith.constant 0 : i32
        %dma_wait3A_1168 = tpu.memref_slice %arg2[%dma_wait3A_1154, %dma_wait3A_1155, %dma_wait3A_1156, %dma_wait3A_1167] : memref<25x128x8x128xi32, #tpu.memory_space<hbm>> -> memref<1x1x1x128xi32, #tpu.memory_space<hbm>>
        %dma_wait3A_1169 = tpu.memref_squeeze %dma_wait3A_1168 : memref<1x1x1x128xi32, #tpu.memory_space<hbm>> -> memref<128xi32, #tpu.memory_space<hbm>>
        tpu.wait_dma2 semaphore(%arg17 : memref<!tpu.dma_semaphore, #tpu.memory_space<semaphore_mem>>) src(%dma_wait3A_1169 : memref<128xi32, #tpu.memory_space<hbm>>) dst(%dma_wait3A_1166 : memref<128xi32, #tpu.memory_space<vmem>>)
        %dma_wait3A_1170 = arith.constant 0 : i32
        %dma_wait3A_1171 = arith.constant 0 : i32
        %dma_wait3A_1172 = arith.constant 0 : i32
        %dma_wait3A_1173 = arith.constant 2 : i32
        %dma_wait3A_1174 = arith.constant 0 : i32
        %dma_wait3A_1175 = tpu.memref_slice %arg5[%dma_wait3A_1173, %dma_wait3A_1174] : memref<4x128xi32, #tpu.memory_space<vmem>> -> memref<1x128xi32, #tpu.memory_space<vmem>>
        %dma_wait3A_1176 = tpu.memref_squeeze %dma_wait3A_1175 : memref<1x128xi32, #tpu.memory_space<vmem>> -> memref<128xi32, #tpu.memory_space<vmem>>
        %dma_wait3A_1177 = arith.constant 0 : i32
        %dma_wait3A_1178 = tpu.memref_slice %arg2[%dma_wait3A_1170, %dma_wait3A_1171, %dma_wait3A_1172, %dma_wait3A_1177] : memref<25x128x8x128xi32, #tpu.memory_space<hbm>> -> memref<1x1x1x128xi32, #tpu.memory_space<hbm>>
        %dma_wait3A_1179 = tpu.memref_squeeze %dma_wait3A_1178 : memref<1x1x1x128xi32, #tpu.memory_space<hbm>> -> memref<128xi32, #tpu.memory_space<hbm>>
        %dma_wait3A_1180 = arith.constant 0 : i32
        %dma_wait3A_1181 = tpu.memref_slice %arg5[%dma_wait3A_1173, %dma_wait3A_1180] : memref<4x128xi32, #tpu.memory_space<vmem>> -> memref<1x128xi32, #tpu.memory_space<vmem>>
        %dma_wait3A_1182 = tpu.memref_squeeze %dma_wait3A_1181 : memref<1x128xi32, #tpu.memory_space<vmem>> -> memref<128xi32, #tpu.memory_space<vmem>>
        %dma_wait3A_1183 = arith.constant 0 : i32
        %dma_wait3A_1184 = tpu.memref_slice %arg2[%dma_wait3A_1170, %dma_wait3A_1171, %dma_wait3A_1172, %dma_wait3A_1183] : memref<25x128x8x128xi32, #tpu.memory_space<hbm>> -> memref<1x1x1x128xi32, #tpu.memory_space<hbm>>
        %dma_wait3A_1185 = tpu.memref_squeeze %dma_wait3A_1184 : memref<1x1x1x128xi32, #tpu.memory_space<hbm>> -> memref<128xi32, #tpu.memory_space<hbm>>
        tpu.wait_dma2 semaphore(%arg17 : memref<!tpu.dma_semaphore, #tpu.memory_space<semaphore_mem>>) src(%dma_wait3A_1185 : memref<128xi32, #tpu.memory_space<hbm>>) dst(%dma_wait3A_1182 : memref<128xi32, #tpu.memory_space<vmem>>)
        %dma_wait3A_1186 = arith.constant 0 : i32
        %dma_wait3A_1187 = arith.constant 0 : i32
        %dma_wait3A_1188 = arith.constant 0 : i32
        %dma_wait3A_1189 = arith.constant 3 : i32
        %dma_wait3A_1190 = arith.constant 0 : i32
        %dma_wait3A_1191 = tpu.memref_slice %arg5[%dma_wait3A_1189, %dma_wait3A_1190] : memref<4x128xi32, #tpu.memory_space<vmem>> -> memref<1x128xi32, #tpu.memory_space<vmem>>
        %dma_wait3A_1192 = tpu.memref_squeeze %dma_wait3A_1191 : memref<1x128xi32, #tpu.memory_space<vmem>> -> memref<128xi32, #tpu.memory_space<vmem>>
        %dma_wait3A_1193 = arith.constant 0 : i32
        %dma_wait3A_1194 = tpu.memref_slice %arg2[%dma_wait3A_1186, %dma_wait3A_1187, %dma_wait3A_1188, %dma_wait3A_1193] : memref<25x128x8x128xi32, #tpu.memory_space<hbm>> -> memref<1x1x1x128xi32, #tpu.memory_space<hbm>>
        %dma_wait3A_1195 = tpu.memref_squeeze %dma_wait3A_1194 : memref<1x1x1x128xi32, #tpu.memory_space<hbm>> -> memref<128xi32, #tpu.memory_space<hbm>>
        %dma_wait3A_1196 = arith.constant 0 : i32
        %dma_wait3A_1197 = tpu.memref_slice %arg5[%dma_wait3A_1189, %dma_wait3A_1196] : memref<4x128xi32, #tpu.memory_space<vmem>> -> memref<1x128xi32, #tpu.memory_space<vmem>>
        %dma_wait3A_1198 = tpu.memref_squeeze %dma_wait3A_1197 : memref<1x128xi32, #tpu.memory_space<vmem>> -> memref<128xi32, #tpu.memory_space<vmem>>
        %dma_wait3A_1199 = arith.constant 0 : i32
        %dma_wait3A_1200 = tpu.memref_slice %arg2[%dma_wait3A_1186, %dma_wait3A_1187, %dma_wait3A_1188, %dma_wait3A_1199] : memref<25x128x8x128xi32, #tpu.memory_space<hbm>> -> memref<1x1x1x128xi32, #tpu.memory_space<hbm>>
        %dma_wait3A_1201 = tpu.memref_squeeze %dma_wait3A_1200 : memref<1x1x1x128xi32, #tpu.memory_space<hbm>> -> memref<128xi32, #tpu.memory_space<hbm>>
        tpu.wait_dma2 semaphore(%arg17 : memref<!tpu.dma_semaphore, #tpu.memory_space<semaphore_mem>>) src(%dma_wait3A_1201 : memref<128xi32, #tpu.memory_space<hbm>>) dst(%dma_wait3A_1198 : memref<128xi32, #tpu.memory_space<vmem>>)
        %add3A_1202 = arith.constant 2 : i32
        %add3A_1203 = arith.addi %add3A_905, %add3A_1202 : i32
        %dma_start3A_1204 = arith.constant 0 : i32
        %dma_start3A_1205 = arith.constant 0 : i32
        %dma_start3A_1206 = arith.constant 0 : i32
        %dma_start3A_1207 = tpu.memref_slice %arg9[%dma_start3A_1205, %dma_start3A_1206] : memref<512x32xf32, #tpu.memory_space<vmem>> -> memref<128x32xf32, #tpu.memory_space<vmem>>
        %dma_start3A_1208 = arith.constant 0 : i32
        %dma_start3A_1209 = tpu.memref_slice %arg5[%dma_start3A_1204, %dma_start3A_1208] : memref<4x128xi32, #tpu.memory_space<vmem>> -> memref<1x128xi32, #tpu.memory_space<vmem>>
        %dma_start3A_1210 = tpu.memref_squeeze %dma_start3A_1209 : memref<1x128xi32, #tpu.memory_space<vmem>> -> memref<128xi32, #tpu.memory_space<vmem>>
        %dma_start3A_1211 = arith.constant 0 : i32
        %dma_start3A_1212 = arith.constant 0 : i32
        %dma_start3A_1213 = tpu.memref_slice %arg3[%dma_start3A_1211, %dma_start3A_1212] : memref<4000000x32xf32, #tpu.memory_space<hbm>> -> memref<4000000x32xf32, #tpu.memory_space<hbm>>
        tpu.enqueue_indirect_dma source(%dma_start3A_1213 : memref<4000000x32xf32, #tpu.memory_space<hbm>>) target(%dma_start3A_1207 : memref<128x32xf32, #tpu.memory_space<vmem>>) offsets(%dma_start3A_1210 : memref<128xi32, #tpu.memory_space<vmem>>) semaphore(%arg21 : memref<!tpu.dma_semaphore, #tpu.memory_space<semaphore_mem>>)
        %dma_start3A_1214 = arith.constant 1 : i32
        %dma_start3A_1215 = arith.constant 128 : i32
        %dma_start3A_1216 = arith.constant 0 : i32
        %dma_start3A_1217 = tpu.memref_slice %arg9[%dma_start3A_1215, %dma_start3A_1216] : memref<512x32xf32, #tpu.memory_space<vmem>> -> memref<128x32xf32, #tpu.memory_space<vmem>>
        %dma_start3A_1218 = arith.constant 0 : i32
        %dma_start3A_1219 = tpu.memref_slice %arg5[%dma_start3A_1214, %dma_start3A_1218] : memref<4x128xi32, #tpu.memory_space<vmem>> -> memref<1x128xi32, #tpu.memory_space<vmem>>
        %dma_start3A_1220 = tpu.memref_squeeze %dma_start3A_1219 : memref<1x128xi32, #tpu.memory_space<vmem>> -> memref<128xi32, #tpu.memory_space<vmem>>
        %dma_start3A_1221 = arith.constant 0 : i32
        %dma_start3A_1222 = arith.constant 0 : i32
        %dma_start3A_1223 = tpu.memref_slice %arg3[%dma_start3A_1221, %dma_start3A_1222] : memref<4000000x32xf32, #tpu.memory_space<hbm>> -> memref<4000000x32xf32, #tpu.memory_space<hbm>>
        tpu.enqueue_indirect_dma source(%dma_start3A_1223 : memref<4000000x32xf32, #tpu.memory_space<hbm>>) target(%dma_start3A_1217 : memref<128x32xf32, #tpu.memory_space<vmem>>) offsets(%dma_start3A_1220 : memref<128xi32, #tpu.memory_space<vmem>>) semaphore(%arg21 : memref<!tpu.dma_semaphore, #tpu.memory_space<semaphore_mem>>)
        %dma_start3A_1224 = arith.constant 2 : i32
        %dma_start3A_1225 = arith.constant 256 : i32
        %dma_start3A_1226 = arith.constant 0 : i32
        %dma_start3A_1227 = tpu.memref_slice %arg9[%dma_start3A_1225, %dma_start3A_1226] : memref<512x32xf32, #tpu.memory_space<vmem>> -> memref<128x32xf32, #tpu.memory_space<vmem>>
        %dma_start3A_1228 = arith.constant 0 : i32
        %dma_start3A_1229 = tpu.memref_slice %arg5[%dma_start3A_1224, %dma_start3A_1228] : memref<4x128xi32, #tpu.memory_space<vmem>> -> memref<1x128xi32, #tpu.memory_space<vmem>>
        %dma_start3A_1230 = tpu.memref_squeeze %dma_start3A_1229 : memref<1x128xi32, #tpu.memory_space<vmem>> -> memref<128xi32, #tpu.memory_space<vmem>>
        %dma_start3A_1231 = arith.constant 0 : i32
        %dma_start3A_1232 = arith.constant 0 : i32
        %dma_start3A_1233 = tpu.memref_slice %arg3[%dma_start3A_1231, %dma_start3A_1232] : memref<4000000x32xf32, #tpu.memory_space<hbm>> -> memref<4000000x32xf32, #tpu.memory_space<hbm>>
        tpu.enqueue_indirect_dma source(%dma_start3A_1233 : memref<4000000x32xf32, #tpu.memory_space<hbm>>) target(%dma_start3A_1227 : memref<128x32xf32, #tpu.memory_space<vmem>>) offsets(%dma_start3A_1230 : memref<128xi32, #tpu.memory_space<vmem>>) semaphore(%arg21 : memref<!tpu.dma_semaphore, #tpu.memory_space<semaphore_mem>>)
        %dma_start3A_1234 = arith.constant 3 : i32
        %dma_start3A_1235 = arith.constant 384 : i32
        %dma_start3A_1236 = arith.constant 0 : i32
        %dma_start3A_1237 = tpu.memref_slice %arg9[%dma_start3A_1235, %dma_start3A_1236] : memref<512x32xf32, #tpu.memory_space<vmem>> -> memref<128x32xf32, #tpu.memory_space<vmem>>
        %dma_start3A_1238 = arith.constant 0 : i32
        %dma_start3A_1239 = tpu.memref_slice %arg5[%dma_start3A_1234, %dma_start3A_1238] : memref<4x128xi32, #tpu.memory_space<vmem>> -> memref<1x128xi32, #tpu.memory_space<vmem>>
        %dma_start3A_1240 = tpu.memref_squeeze %dma_start3A_1239 : memref<1x128xi32, #tpu.memory_space<vmem>> -> memref<128xi32, #tpu.memory_space<vmem>>
        %dma_start3A_1241 = arith.constant 0 : i32
        %dma_start3A_1242 = arith.constant 0 : i32
        %dma_start3A_1243 = tpu.memref_slice %arg3[%dma_start3A_1241, %dma_start3A_1242] : memref<4000000x32xf32, #tpu.memory_space<hbm>> -> memref<4000000x32xf32, #tpu.memory_space<hbm>>
        tpu.enqueue_indirect_dma source(%dma_start3A_1243 : memref<4000000x32xf32, #tpu.memory_space<hbm>>) target(%dma_start3A_1237 : memref<128x32xf32, #tpu.memory_space<vmem>>) offsets(%dma_start3A_1240 : memref<128xi32, #tpu.memory_space<vmem>>) semaphore(%arg21 : memref<!tpu.dma_semaphore, #tpu.memory_space<semaphore_mem>>)
      } else {
      }
      %add3A_919 = arith.constant 3 : i32
      %add3A_920 = arith.addi %add3A_905, %add3A_919 : i32
      %lt3A_921 = arith.constant 200 : i32
      %lt3A_922 = arith.cmpi slt, %add3A_920, %lt3A_921 : i32
      %convert_element_type3A_923 = arith.extui %lt3A_922 : i1 to i32
      %cond3A_924 = arith.constant 0 : i32
      %cond3A_925 = arith.cmpi ne, %convert_element_type3A_923, %cond3A_924 : i32
      scf.if %cond3A_925 {
        %add3A_1138 = arith.constant 3 : i32
        %add3A_1139 = arith.addi %add3A_905, %add3A_1138 : i32
        %add3A_1140 = arith.addi %mul3A_2, %add3A_1139 : i32
        %jit3A_1141 = arith.constant 32 : i32
        %div3A_1142 = arith.divsi %add3A_1140, %jit3A_1141 : i32
        %sign3A_1143 = arith.constant 0 : i32
        %sign3A_1144 = arith.cmpi sgt, %add3A_1140, %sign3A_1143 : i32
        %sign3A_1145 = arith.extui %sign3A_1144 : i1 to i32
        %sign3A_1146 = arith.constant 0 : i32
        %sign3A_1147 = arith.cmpi slt, %add3A_1140, %sign3A_1146 : i32
        %sign3A_1148 = arith.extui %sign3A_1147 : i1 to i32
        %sign3A_1149 = arith.subi %sign3A_1145, %sign3A_1148 : i32
        %sign3A_1150 = arith.constant 0 : i32
        %sign3A_1151 = arith.cmpi sgt, %jit3A_1141, %sign3A_1150 : i32
        %sign3A_1152 = arith.extui %sign3A_1151 : i1 to i32
        %sign3A_1153 = arith.constant 0 : i32
        %sign3A_1154 = arith.cmpi slt, %jit3A_1141, %sign3A_1153 : i32
        %sign3A_1155 = arith.extui %sign3A_1154 : i1 to i32
        %sign3A_1156 = arith.subi %sign3A_1152, %sign3A_1155 : i32
        %ne3A_1157 = arith.cmpi ne, %sign3A_1149, %sign3A_1156 : i32
        %rem3A_1158 = arith.remsi %add3A_1140, %jit3A_1141 : i32
        %ne3A_1159 = arith.constant 0 : i32
        %ne3A_1160 = arith.cmpi ne, %rem3A_1158, %ne3A_1159 : i32
        %and3A_1161 = arith.andi %ne3A_1157, %ne3A_1160 : i1
        %sub3A_1162 = arith.constant 1 : i32
        %sub3A_1163 = arith.subi %div3A_1142, %sub3A_1162 : i32
        %select_n3A_1164 = arith.select %and3A_1161, %sub3A_1163, %div3A_1142 : i32
        %jit3A_1165 = arith.constant 32 : i32
        %eq3A_1166 = arith.constant 0 : i32
        %eq3A_1167 = arith.cmpi eq, %jit3A_1165, %eq3A_1166 : i32
        %jit3A_1168 = arith.constant 1 : i32
        %select_n3A_1169 = arith.select %eq3A_1167, %jit3A_1168, %jit3A_1165 : i32
        %rem3A_1170 = arith.remsi %add3A_1140, %select_n3A_1169 : i32
        %ne3A_1171 = arith.constant 0 : i32
        %ne3A_1172 = arith.cmpi ne, %rem3A_1170, %ne3A_1171 : i32
        %lt3A_1173 = arith.constant 0 : i32
        %lt3A_1174 = arith.cmpi slt, %rem3A_1170, %lt3A_1173 : i32
        %lt3A_1175 = arith.constant 0 : i32
        %lt3A_1176 = arith.cmpi slt, %select_n3A_1169, %lt3A_1175 : i32
        %ne3A_1177 = arith.xori %lt3A_1174, %lt3A_1176 : i1
        %and3A_1178 = arith.andi %ne3A_1177, %ne3A_1172 : i1
        %add3A_1179 = arith.addi %rem3A_1170, %select_n3A_1169 : i32
        %select_n3A_1180 = arith.select %and3A_1178, %add3A_1179, %rem3A_1170 : i32
        %mul3A_1181 = arith.constant 4 : i32
        %mul3A_1182 = arith.muli %select_n3A_1180, %mul3A_1181 : i32
        %jit3A_1183 = arith.constant 8 : i32
        %div3A_1184 = arith.divsi %select_n3A_1164, %jit3A_1183 : i32
        %sign3A_1185 = arith.constant 0 : i32
        %sign3A_1186 = arith.cmpi sgt, %select_n3A_1164, %sign3A_1185 : i32
        %sign3A_1187 = arith.extui %sign3A_1186 : i1 to i32
        %sign3A_1188 = arith.constant 0 : i32
        %sign3A_1189 = arith.cmpi slt, %select_n3A_1164, %sign3A_1188 : i32
        %sign3A_1190 = arith.extui %sign3A_1189 : i1 to i32
        %sign3A_1191 = arith.subi %sign3A_1187, %sign3A_1190 : i32
        %sign3A_1192 = arith.constant 0 : i32
        %sign3A_1193 = arith.cmpi sgt, %jit3A_1183, %sign3A_1192 : i32
        %sign3A_1194 = arith.extui %sign3A_1193 : i1 to i32
        %sign3A_1195 = arith.constant 0 : i32
        %sign3A_1196 = arith.cmpi slt, %jit3A_1183, %sign3A_1195 : i32
        %sign3A_1197 = arith.extui %sign3A_1196 : i1 to i32
        %sign3A_1198 = arith.subi %sign3A_1194, %sign3A_1197 : i32
        %ne3A_1199 = arith.cmpi ne, %sign3A_1191, %sign3A_1198 : i32
        %rem3A_1200 = arith.remsi %select_n3A_1164, %jit3A_1183 : i32
        %ne3A_1201 = arith.constant 0 : i32
        %ne3A_1202 = arith.cmpi ne, %rem3A_1200, %ne3A_1201 : i32
        %and3A_1203 = arith.andi %ne3A_1199, %ne3A_1202 : i1
        %sub3A_1204 = arith.constant 1 : i32
        %sub3A_1205 = arith.subi %div3A_1184, %sub3A_1204 : i32
        %select_n3A_1206 = arith.select %and3A_1203, %sub3A_1205, %div3A_1184 : i32
        %jit3A_1207 = arith.constant 8 : i32
        %eq3A_1208 = arith.constant 0 : i32
        %eq3A_1209 = arith.cmpi eq, %jit3A_1207, %eq3A_1208 : i32
        %jit3A_1210 = arith.constant 1 : i32
        %select_n3A_1211 = arith.select %eq3A_1209, %jit3A_1210, %jit3A_1207 : i32
        %rem3A_1212 = arith.remsi %select_n3A_1164, %select_n3A_1211 : i32
        %ne3A_1213 = arith.constant 0 : i32
        %ne3A_1214 = arith.cmpi ne, %rem3A_1212, %ne3A_1213 : i32
        %lt3A_1215 = arith.constant 0 : i32
        %lt3A_1216 = arith.cmpi slt, %rem3A_1212, %lt3A_1215 : i32
        %lt3A_1217 = arith.constant 0 : i32
        %lt3A_1218 = arith.cmpi slt, %select_n3A_1211, %lt3A_1217 : i32
        %ne3A_1219 = arith.xori %lt3A_1216, %lt3A_1218 : i1
        %and3A_1220 = arith.andi %ne3A_1219, %ne3A_1214 : i1
        %add3A_1221 = arith.addi %rem3A_1212, %select_n3A_1211 : i32
        %select_n3A_1222 = arith.select %and3A_1220, %add3A_1221, %rem3A_1212 : i32
        %add3A_1223 = arith.constant 0 : i32
        %add3A_1224 = arith.addi %mul3A_1182, %add3A_1223 : i32
        %dma_start3A_1225 = arith.constant 0 : i32
        %dma_start3A_1226 = arith.constant 0 : i32
        %dma_start3A_1227 = tpu.memref_slice %arg6[%dma_start3A_1225, %dma_start3A_1226] : memref<4x128xi32, #tpu.memory_space<vmem>> -> memref<1x128xi32, #tpu.memory_space<vmem>>
        %dma_start3A_1228 = tpu.memref_squeeze %dma_start3A_1227 : memref<1x128xi32, #tpu.memory_space<vmem>> -> memref<128xi32, #tpu.memory_space<vmem>>
        %dma_start3A_1229 = arith.constant 0 : i32
        %dma_start3A_1230 = tpu.memref_slice %arg2[%select_n3A_1206, %add3A_1224, %select_n3A_1222, %dma_start3A_1229] : memref<25x128x8x128xi32, #tpu.memory_space<hbm>> -> memref<1x1x1x128xi32, #tpu.memory_space<hbm>>
        %dma_start3A_1231 = tpu.memref_squeeze %dma_start3A_1230 : memref<1x1x1x128xi32, #tpu.memory_space<hbm>> -> memref<128xi32, #tpu.memory_space<hbm>>
        %dma_start3A_1232 = arith.constant 0 : i32
        %dma_start3A_1233 = tpu.memref_slice %arg6[%dma_start3A_1225, %dma_start3A_1232] : memref<4x128xi32, #tpu.memory_space<vmem>> -> memref<1x128xi32, #tpu.memory_space<vmem>>
        %dma_start3A_1234 = tpu.memref_squeeze %dma_start3A_1233 : memref<1x128xi32, #tpu.memory_space<vmem>> -> memref<128xi32, #tpu.memory_space<vmem>>
        %dma_start3A_1235 = arith.constant 0 : i32
        %dma_start3A_1236 = tpu.memref_slice %arg2[%select_n3A_1206, %add3A_1224, %select_n3A_1222, %dma_start3A_1235] : memref<25x128x8x128xi32, #tpu.memory_space<hbm>> -> memref<1x1x1x128xi32, #tpu.memory_space<hbm>>
        %dma_start3A_1237 = tpu.memref_squeeze %dma_start3A_1236 : memref<1x1x1x128xi32, #tpu.memory_space<hbm>> -> memref<128xi32, #tpu.memory_space<hbm>>
        tpu.enqueue_dma source(%dma_start3A_1237 : memref<128xi32, #tpu.memory_space<hbm>>) target(%dma_start3A_1234 : memref<128xi32, #tpu.memory_space<vmem>>) target_semaphore(%arg18 : memref<!tpu.dma_semaphore, #tpu.memory_space<semaphore_mem>>)
        %add3A_1238 = arith.constant 1 : i32
        %add3A_1239 = arith.addi %mul3A_1182, %add3A_1238 : i32
        %dma_start3A_1240 = arith.constant 1 : i32
        %dma_start3A_1241 = arith.constant 0 : i32
        %dma_start3A_1242 = tpu.memref_slice %arg6[%dma_start3A_1240, %dma_start3A_1241] : memref<4x128xi32, #tpu.memory_space<vmem>> -> memref<1x128xi32, #tpu.memory_space<vmem>>
        %dma_start3A_1243 = tpu.memref_squeeze %dma_start3A_1242 : memref<1x128xi32, #tpu.memory_space<vmem>> -> memref<128xi32, #tpu.memory_space<vmem>>
        %dma_start3A_1244 = arith.constant 0 : i32
        %dma_start3A_1245 = tpu.memref_slice %arg2[%select_n3A_1206, %add3A_1239, %select_n3A_1222, %dma_start3A_1244] : memref<25x128x8x128xi32, #tpu.memory_space<hbm>> -> memref<1x1x1x128xi32, #tpu.memory_space<hbm>>
        %dma_start3A_1246 = tpu.memref_squeeze %dma_start3A_1245 : memref<1x1x1x128xi32, #tpu.memory_space<hbm>> -> memref<128xi32, #tpu.memory_space<hbm>>
        %dma_start3A_1247 = arith.constant 0 : i32
        %dma_start3A_1248 = tpu.memref_slice %arg6[%dma_start3A_1240, %dma_start3A_1247] : memref<4x128xi32, #tpu.memory_space<vmem>> -> memref<1x128xi32, #tpu.memory_space<vmem>>
        %dma_start3A_1249 = tpu.memref_squeeze %dma_start3A_1248 : memref<1x128xi32, #tpu.memory_space<vmem>> -> memref<128xi32, #tpu.memory_space<vmem>>
        %dma_start3A_1250 = arith.constant 0 : i32
        %dma_start3A_1251 = tpu.memref_slice %arg2[%select_n3A_1206, %add3A_1239, %select_n3A_1222, %dma_start3A_1250] : memref<25x128x8x128xi32, #tpu.memory_space<hbm>> -> memref<1x1x1x128xi32, #tpu.memory_space<hbm>>
        %dma_start3A_1252 = tpu.memref_squeeze %dma_start3A_1251 : memref<1x1x1x128xi32, #tpu.memory_space<hbm>> -> memref<128xi32, #tpu.memory_space<hbm>>
        tpu.enqueue_dma source(%dma_start3A_1252 : memref<128xi32, #tpu.memory_space<hbm>>) target(%dma_start3A_1249 : memref<128xi32, #tpu.memory_space<vmem>>) target_semaphore(%arg18 : memref<!tpu.dma_semaphore, #tpu.memory_space<semaphore_mem>>)
        %add3A_1253 = arith.constant 2 : i32
        %add3A_1254 = arith.addi %mul3A_1182, %add3A_1253 : i32
        %dma_start3A_1255 = arith.constant 2 : i32
        %dma_start3A_1256 = arith.constant 0 : i32
        %dma_start3A_1257 = tpu.memref_slice %arg6[%dma_start3A_1255, %dma_start3A_1256] : memref<4x128xi32, #tpu.memory_space<vmem>> -> memref<1x128xi32, #tpu.memory_space<vmem>>
        %dma_start3A_1258 = tpu.memref_squeeze %dma_start3A_1257 : memref<1x128xi32, #tpu.memory_space<vmem>> -> memref<128xi32, #tpu.memory_space<vmem>>
        %dma_start3A_1259 = arith.constant 0 : i32
        %dma_start3A_1260 = tpu.memref_slice %arg2[%select_n3A_1206, %add3A_1254, %select_n3A_1222, %dma_start3A_1259] : memref<25x128x8x128xi32, #tpu.memory_space<hbm>> -> memref<1x1x1x128xi32, #tpu.memory_space<hbm>>
        %dma_start3A_1261 = tpu.memref_squeeze %dma_start3A_1260 : memref<1x1x1x128xi32, #tpu.memory_space<hbm>> -> memref<128xi32, #tpu.memory_space<hbm>>
        %dma_start3A_1262 = arith.constant 0 : i32
        %dma_start3A_1263 = tpu.memref_slice %arg6[%dma_start3A_1255, %dma_start3A_1262] : memref<4x128xi32, #tpu.memory_space<vmem>> -> memref<1x128xi32, #tpu.memory_space<vmem>>
        %dma_start3A_1264 = tpu.memref_squeeze %dma_start3A_1263 : memref<1x128xi32, #tpu.memory_space<vmem>> -> memref<128xi32, #tpu.memory_space<vmem>>
        %dma_start3A_1265 = arith.constant 0 : i32
        %dma_start3A_1266 = tpu.memref_slice %arg2[%select_n3A_1206, %add3A_1254, %select_n3A_1222, %dma_start3A_1265] : memref<25x128x8x128xi32, #tpu.memory_space<hbm>> -> memref<1x1x1x128xi32, #tpu.memory_space<hbm>>
        %dma_start3A_1267 = tpu.memref_squeeze %dma_start3A_1266 : memref<1x1x1x128xi32, #tpu.memory_space<hbm>> -> memref<128xi32, #tpu.memory_space<hbm>>
        tpu.enqueue_dma source(%dma_start3A_1267 : memref<128xi32, #tpu.memory_space<hbm>>) target(%dma_start3A_1264 : memref<128xi32, #tpu.memory_space<vmem>>) target_semaphore(%arg18 : memref<!tpu.dma_semaphore, #tpu.memory_space<semaphore_mem>>)
        %add3A_1268 = arith.constant 3 : i32
        %add3A_1269 = arith.addi %mul3A_1182, %add3A_1268 : i32
        %dma_start3A_1270 = arith.constant 3 : i32
        %dma_start3A_1271 = arith.constant 0 : i32
        %dma_start3A_1272 = tpu.memref_slice %arg6[%dma_start3A_1270, %dma_start3A_1271] : memref<4x128xi32, #tpu.memory_space<vmem>> -> memref<1x128xi32, #tpu.memory_space<vmem>>
        %dma_start3A_1273 = tpu.memref_squeeze %dma_start3A_1272 : memref<1x128xi32, #tpu.memory_space<vmem>> -> memref<128xi32, #tpu.memory_space<vmem>>
        %dma_start3A_1274 = arith.constant 0 : i32
        %dma_start3A_1275 = tpu.memref_slice %arg2[%select_n3A_1206, %add3A_1269, %select_n3A_1222, %dma_start3A_1274] : memref<25x128x8x128xi32, #tpu.memory_space<hbm>> -> memref<1x1x1x128xi32, #tpu.memory_space<hbm>>
        %dma_start3A_1276 = tpu.memref_squeeze %dma_start3A_1275 : memref<1x1x1x128xi32, #tpu.memory_space<hbm>> -> memref<128xi32, #tpu.memory_space<hbm>>
        %dma_start3A_1277 = arith.constant 0 : i32
        %dma_start3A_1278 = tpu.memref_slice %arg6[%dma_start3A_1270, %dma_start3A_1277] : memref<4x128xi32, #tpu.memory_space<vmem>> -> memref<1x128xi32, #tpu.memory_space<vmem>>
        %dma_start3A_1279 = tpu.memref_squeeze %dma_start3A_1278 : memref<1x128xi32, #tpu.memory_space<vmem>> -> memref<128xi32, #tpu.memory_space<vmem>>
        %dma_start3A_1280 = arith.constant 0 : i32
        %dma_start3A_1281 = tpu.memref_slice %arg2[%select_n3A_1206, %add3A_1269, %select_n3A_1222, %dma_start3A_1280] : memref<25x128x8x128xi32, #tpu.memory_space<hbm>> -> memref<1x1x1x128xi32, #tpu.memory_space<hbm>>
        %dma_start3A_1282 = tpu.memref_squeeze %dma_start3A_1281 : memref<1x1x1x128xi32, #tpu.memory_space<hbm>> -> memref<128xi32, #tpu.memory_space<hbm>>
        tpu.enqueue_dma source(%dma_start3A_1282 : memref<128xi32, #tpu.memory_space<hbm>>) target(%dma_start3A_1279 : memref<128xi32, #tpu.memory_space<vmem>>) target_semaphore(%arg18 : memref<!tpu.dma_semaphore, #tpu.memory_space<semaphore_mem>>)
      } else {
      }
      %ge3A_926 = arith.constant 2 : i32
      %ge3A_927 = arith.cmpi sge, %add3A_905, %ge3A_926 : i32
      %convert_element_type3A_928 = arith.extui %ge3A_927 : i1 to i32
      %cond3A_929 = arith.constant 0 : i32
      %cond3A_930 = arith.cmpi ne, %convert_element_type3A_928, %cond3A_929 : i32
      scf.if %cond3A_930 {
        %dma_wait3A_1138 = arith.constant 0 : i32
        %dma_wait3A_1139 = arith.constant 0 : i32
        %dma_wait3A_1140 = arith.constant 0 : i32
        %dma_wait3A_1141 = tpu.memref_slice %arg4[%dma_wait3A_1138, %dma_wait3A_1139, %dma_wait3A_1140] : memref<200x4x131072xf32, #tpu.memory_space<hbm>> -> memref<1x1x16384xf32, #tpu.memory_space<hbm>>
        %dma_wait3A_1142 = tpu.memref_squeeze %dma_wait3A_1141 : memref<1x1x16384xf32, #tpu.memory_space<hbm>> -> memref<16384xf32, #tpu.memory_space<hbm>>
        %dma_wait3A_1143 = arith.constant 0 : i32
        %dma_wait3A_1144 = tpu.memref_slice %arg4[%dma_wait3A_1138, %dma_wait3A_1139, %dma_wait3A_1143] : memref<200x4x131072xf32, #tpu.memory_space<hbm>> -> memref<1x1x16384xf32, #tpu.memory_space<hbm>>
        %dma_wait3A_1145 = tpu.memref_squeeze %dma_wait3A_1144 : memref<1x1x16384xf32, #tpu.memory_space<hbm>> -> memref<16384xf32, #tpu.memory_space<hbm>>
        tpu.wait_dma2 semaphore(%arg25 : memref<!tpu.dma_semaphore, #tpu.memory_space<semaphore_mem>>) src(%arg13 : memref<16384xf32, #tpu.memory_space<vmem>>) dst(%dma_wait3A_1145 : memref<16384xf32, #tpu.memory_space<hbm>>)
      } else {
      }
      %parallel_loop3A_931 = arith.constant 0 : i32
      %parallel_loop3A_932 = arith.constant 512 : i32
      %parallel_loop3A_933 = arith.constant 1 : i32
      scf.for %parallel_loop3A_1138 = %parallel_loop3A_931 to %parallel_loop3A_932 step %parallel_loop3A_933  : i32 {
        %parallel_loop3A_1139 = vector.broadcast %parallel_loop3A_1138 : i32 to vector<16xi32>
        %parallel_loop3A_1140 = arith.index_cast %parallel_loop3A_1138 : i32 to index
        %parallel_loop3A_1141 = arith.constant 0 : index
        %parallel_loop3A_1142 = tpu.vector_load %arg11[%parallel_loop3A_1140, %parallel_loop3A_1141] {strides = array<i32>} : memref<512x32xf32, #tpu.memory_space<vmem>>, vector<16xf32>,
        %parallel_loop3A_1143 = arith.addi %parallel_loop3A_1139, %add3A_58 : vector<16xi32>
        tpu.vector_store_idx %arg15[%parallel_loop3A_1143], %parallel_loop3A_1142 : memref<16448xf32, #tpu.memory_space<vmem>>[vector<16xi32>], vector<16xf32>,
        %parallel_loop3A_1144 = arith.index_cast %parallel_loop3A_1138 : i32 to index
        %parallel_loop3A_1145 = arith.constant 16 : index
        %parallel_loop3A_1146 = tpu.vector_load %arg11[%parallel_loop3A_1144, %parallel_loop3A_1145] {strides = array<i32>} : memref<512x32xf32, #tpu.memory_space<vmem>>, vector<16xf32>,
        %parallel_loop3A_1147 = arith.addi %parallel_loop3A_1139, %add3A_118 : vector<16xi32>
        tpu.vector_store_idx %arg15[%parallel_loop3A_1147], %parallel_loop3A_1146 : memref<16448xf32, #tpu.memory_space<vmem>>[vector<16xi32>], vector<16xf32>,
      } {sc.loop_unroll_factor = 4 : i64, sc.parallel_access}
      %parallel_loop3A_934 = arith.constant 0 : i32
      %parallel_loop3A_935 = arith.constant 1024 : i32
      %parallel_loop3A_936 = arith.constant 1 : i32
      scf.for %parallel_loop3A_1138 = %parallel_loop3A_934 to %parallel_loop3A_935 step %parallel_loop3A_936  : i32 {
        %parallel_loop3A_1139 = arith.index_cast %parallel_loop3A_1138 : i32 to index
        %parallel_loop3A_1140 = memref.load %arg16[%parallel_loop3A_1139] : memref<1024xi32, #tpu.memory_space<smem>>
        %parallel_loop3A_1141 = vector.broadcast %parallel_loop3A_1140 : i32 to vector<16xi32>
        %parallel_loop3A_1142 = arith.addi %parallel_loop3A_1141, %iota3A : vector<16xi32>
        %parallel_loop3A_1143 = tpu.vector_load_idx %arg15[%parallel_loop3A_1142] : memref<16448xf32, #tpu.memory_space<vmem>>[vector<16xi32>], vector<16xf32>,
        %parallel_loop3A_1144 = arith.constant 5.65685415 : f32
        %parallel_loop3A_1145 = vector.broadcast %parallel_loop3A_1144 : f32 to vector<16xf32>
        %parallel_loop3A_1146 = arith.mulf %parallel_loop3A_1143, %parallel_loop3A_1145 : vector<16xf32>
        %parallel_loop3A_1147 = arith.constant 16 : i32
        %parallel_loop3A_1148 = arith.muli %parallel_loop3A_1138, %parallel_loop3A_1147 : i32
        %parallel_loop3A_1149 = arith.index_cast %parallel_loop3A_1148 : i32 to index
        %parallel_loop3A_1150 = tpu.vector_load %arg13[%parallel_loop3A_1149] {strides = array<i32>} : memref<16384xf32, #tpu.memory_space<vmem>>, vector<16xf32>,
        tpu.vector_store %arg13[%parallel_loop3A_1149], %parallel_loop3A_1146 {strides = array<i32>} : memref<16384xf32, #tpu.memory_space<vmem>>, vector<16xf32>,
      } {sc.loop_unroll_factor = 8 : i64, sc.parallel_access}
      %add3A_937 = arith.addi %mul3A_2, %add3A_905 : i32
      %jit3A_938 = arith.constant 32 : i32
      %div3A_939 = arith.divsi %add3A_937, %jit3A_938 : i32
      %sign3A_940 = arith.constant 0 : i32
      %sign3A_941 = arith.cmpi sgt, %add3A_937, %sign3A_940 : i32
      %sign3A_942 = arith.extui %sign3A_941 : i1 to i32
      %sign3A_943 = arith.constant 0 : i32
      %sign3A_944 = arith.cmpi slt, %add3A_937, %sign3A_943 : i32
      %sign3A_945 = arith.extui %sign3A_944 : i1 to i32
      %sign3A_946 = arith.subi %sign3A_942, %sign3A_945 : i32
      %sign3A_947 = arith.constant 0 : i32
      %sign3A_948 = arith.cmpi sgt, %jit3A_938, %sign3A_947 : i32
      %sign3A_949 = arith.extui %sign3A_948 : i1 to i32
      %sign3A_950 = arith.constant 0 : i32
      %sign3A_951 = arith.cmpi slt, %jit3A_938, %sign3A_950 : i32
      %sign3A_952 = arith.extui %sign3A_951 : i1 to i32
      %sign3A_953 = arith.subi %sign3A_949, %sign3A_952 : i32
      %ne3A_954 = arith.cmpi ne, %sign3A_946, %sign3A_953 : i32
      %rem3A_955 = arith.remsi %add3A_937, %jit3A_938 : i32
      %ne3A_956 = arith.constant 0 : i32
      %ne3A_957 = arith.cmpi ne, %rem3A_955, %ne3A_956 : i32
      %and3A_958 = arith.andi %ne3A_954, %ne3A_957 : i1
      %sub3A_959 = arith.constant 1 : i32
      %sub3A_960 = arith.subi %div3A_939, %sub3A_959 : i32
      %select_n3A_961 = arith.select %and3A_958, %sub3A_960, %div3A_939 : i32
      %jit3A_962 = arith.constant 32 : i32
      %eq3A_963 = arith.constant 0 : i32
      %eq3A_964 = arith.cmpi eq, %jit3A_962, %eq3A_963 : i32
      %jit3A_965 = arith.constant 1 : i32
      %select_n3A_966 = arith.select %eq3A_964, %jit3A_965, %jit3A_962 : i32
      %rem3A_967 = arith.remsi %add3A_937, %select_n3A_966 : i32
      %ne3A_968 = arith.constant 0 : i32
      %ne3A_969 = arith.cmpi ne, %rem3A_967, %ne3A_968 : i32
      %lt3A_970 = arith.constant 0 : i32
      %lt3A_971 = arith.cmpi slt, %rem3A_967, %lt3A_970 : i32
      %lt3A_972 = arith.constant 0 : i32
      %lt3A_973 = arith.cmpi slt, %select_n3A_966, %lt3A_972 : i32
      %ne3A_974 = arith.xori %lt3A_971, %lt3A_973 : i1
      %and3A_975 = arith.andi %ne3A_974, %ne3A_969 : i1
      %add3A_976 = arith.addi %rem3A_967, %select_n3A_966 : i32
      %select_n3A_977 = arith.select %and3A_975, %add3A_976, %rem3A_967 : i32
      %mul3A_978 = arith.constant 4 : i32
      %mul3A_979 = arith.muli %select_n3A_977, %mul3A_978 : i32
      %mul3A_980 = arith.constant 8 : i32
      %mul3A_981 = arith.muli %mul3A_979, %mul3A_980 : i32
      %mul3A_982 = arith.constant 128 : i32
      %mul3A_983 = arith.muli %mul3A_981, %mul3A_982 : i32
      %dma_start3A_984 = arith.constant 0 : i32
      %dma_start3A_985 = arith.constant 0 : i32
      %dma_start3A_986 = tpu.memref_slice %arg13[%dma_start3A_985] : memref<16384xf32, #tpu.memory_space<vmem>> -> memref<4096xf32, #tpu.memory_space<vmem>>
      %dma_start3A_987 = tpu.memref_slice %arg4[%select_n3A_961, %dma_start3A_984, %mul3A_983] : memref<200x4x131072xf32, #tpu.memory_space<hbm>> -> memref<1x1x4096xf32, #tpu.memory_space<hbm>>
      %dma_start3A_988 = tpu.memref_squeeze %dma_start3A_987 : memref<1x1x4096xf32, #tpu.memory_space<hbm>> -> memref<4096xf32, #tpu.memory_space<hbm>>
      %dma_start3A_989 = tpu.memref_slice %arg4[%select_n3A_961, %dma_start3A_984, %mul3A_983] : memref<200x4x131072xf32, #tpu.memory_space<hbm>> -> memref<1x1x4096xf32, #tpu.memory_space<hbm>>
      %dma_start3A_990 = tpu.memref_squeeze %dma_start3A_989 : memref<1x1x4096xf32, #tpu.memory_space<hbm>> -> memref<4096xf32, #tpu.memory_space<hbm>>
      %dma_start3A_991 = arith.constant 0 : i32
      %dma_start3A_992 = tpu.memref_slice %arg13[%dma_start3A_991] : memref<16384xf32, #tpu.memory_space<vmem>> -> memref<4096xf32, #tpu.memory_space<vmem>>
      tpu.enqueue_dma source(%dma_start3A_992 : memref<4096xf32, #tpu.memory_space<vmem>>) target(%dma_start3A_990 : memref<4096xf32, #tpu.memory_space<hbm>>) target_semaphore(%arg25 : memref<!tpu.dma_semaphore, #tpu.memory_space<semaphore_mem>>)
      %dma_start3A_993 = arith.constant 1 : i32
      %dma_start3A_994 = arith.constant 4096 : i32
      %dma_start3A_995 = tpu.memref_slice %arg13[%dma_start3A_994] : memref<16384xf32, #tpu.memory_space<vmem>> -> memref<4096xf32, #tpu.memory_space<vmem>>
      %dma_start3A_996 = tpu.memref_slice %arg4[%select_n3A_961, %dma_start3A_993, %mul3A_983] : memref<200x4x131072xf32, #tpu.memory_space<hbm>> -> memref<1x1x4096xf32, #tpu.memory_space<hbm>>
      %dma_start3A_997 = tpu.memref_squeeze %dma_start3A_996 : memref<1x1x4096xf32, #tpu.memory_space<hbm>> -> memref<4096xf32, #tpu.memory_space<hbm>>
      %dma_start3A_998 = tpu.memref_slice %arg4[%select_n3A_961, %dma_start3A_993, %mul3A_983] : memref<200x4x131072xf32, #tpu.memory_space<hbm>> -> memref<1x1x4096xf32, #tpu.memory_space<hbm>>
      %dma_start3A_999 = tpu.memref_squeeze %dma_start3A_998 : memref<1x1x4096xf32, #tpu.memory_space<hbm>> -> memref<4096xf32, #tpu.memory_space<hbm>>
      %dma_start3A_1000 = arith.constant 4096 : i32
      %dma_start3A_1001 = tpu.memref_slice %arg13[%dma_start3A_1000] : memref<16384xf32, #tpu.memory_space<vmem>> -> memref<4096xf32, #tpu.memory_space<vmem>>
      tpu.enqueue_dma source(%dma_start3A_1001 : memref<4096xf32, #tpu.memory_space<vmem>>) target(%dma_start3A_999 : memref<4096xf32, #tpu.memory_space<hbm>>) target_semaphore(%arg25 : memref<!tpu.dma_semaphore, #tpu.memory_space<semaphore_mem>>)
      %dma_start3A_1002 = arith.constant 2 : i32
      %dma_start3A_1003 = arith.constant 8192 : i32
      %dma_start3A_1004 = tpu.memref_slice %arg13[%dma_start3A_1003] : memref<16384xf32, #tpu.memory_space<vmem>> -> memref<4096xf32, #tpu.memory_space<vmem>>
      %dma_start3A_1005 = tpu.memref_slice %arg4[%select_n3A_961, %dma_start3A_1002, %mul3A_983] : memref<200x4x131072xf32, #tpu.memory_space<hbm>> -> memref<1x1x4096xf32, #tpu.memory_space<hbm>>
      %dma_start3A_1006 = tpu.memref_squeeze %dma_start3A_1005 : memref<1x1x4096xf32, #tpu.memory_space<hbm>> -> memref<4096xf32, #tpu.memory_space<hbm>>
      %dma_start3A_1007 = tpu.memref_slice %arg4[%select_n3A_961, %dma_start3A_1002, %mul3A_983] : memref<200x4x131072xf32, #tpu.memory_space<hbm>> -> memref<1x1x4096xf32, #tpu.memory_space<hbm>>
      %dma_start3A_1008 = tpu.memref_squeeze %dma_start3A_1007 : memref<1x1x4096xf32, #tpu.memory_space<hbm>> -> memref<4096xf32, #tpu.memory_space<hbm>>
      %dma_start3A_1009 = arith.constant 8192 : i32
      %dma_start3A_1010 = tpu.memref_slice %arg13[%dma_start3A_1009] : memref<16384xf32, #tpu.memory_space<vmem>> -> memref<4096xf32, #tpu.memory_space<vmem>>
      tpu.enqueue_dma source(%dma_start3A_1010 : memref<4096xf32, #tpu.memory_space<vmem>>) target(%dma_start3A_1008 : memref<4096xf32, #tpu.memory_space<hbm>>) target_semaphore(%arg25 : memref<!tpu.dma_semaphore, #tpu.memory_space<semaphore_mem>>)
      %dma_start3A_1011 = arith.constant 3 : i32
      %dma_start3A_1012 = arith.constant 12288 : i32
      %dma_start3A_1013 = tpu.memref_slice %arg13[%dma_start3A_1012] : memref<16384xf32, #tpu.memory_space<vmem>> -> memref<4096xf32, #tpu.memory_space<vmem>>
      %dma_start3A_1014 = tpu.memref_slice %arg4[%select_n3A_961, %dma_start3A_1011, %mul3A_983] : memref<200x4x131072xf32, #tpu.memory_space<hbm>> -> memref<1x1x4096xf32, #tpu.memory_space<hbm>>
      %dma_start3A_1015 = tpu.memref_squeeze %dma_start3A_1014 : memref<1x1x4096xf32, #tpu.memory_space<hbm>> -> memref<4096xf32, #tpu.memory_space<hbm>>
      %dma_start3A_1016 = tpu.memref_slice %arg4[%select_n3A_961, %dma_start3A_1011, %mul3A_983] : memref<200x4x131072xf32, #tpu.memory_space<hbm>> -> memref<1x1x4096xf32, #tpu.memory_space<hbm>>
      %dma_start3A_1017 = tpu.memref_squeeze %dma_start3A_1016 : memref<1x1x4096xf32, #tpu.memory_space<hbm>> -> memref<4096xf32, #tpu.memory_space<hbm>>
      %dma_start3A_1018 = arith.constant 12288 : i32
      %dma_start3A_1019 = tpu.memref_slice %arg13[%dma_start3A_1018] : memref<16384xf32, #tpu.memory_space<vmem>> -> memref<4096xf32, #tpu.memory_space<vmem>>
      tpu.enqueue_dma source(%dma_start3A_1019 : memref<4096xf32, #tpu.memory_space<vmem>>) target(%dma_start3A_1017 : memref<4096xf32, #tpu.memory_space<hbm>>) target_semaphore(%arg25 : memref<!tpu.dma_semaphore, #tpu.memory_space<semaphore_mem>>)
      %mul3A_1020 = arith.constant 4 : i32
      %mul3A_1021 = arith.muli %scan3A_669, %mul3A_1020 : i32
      %add3A_1022 = arith.constant 3 : i32
      %add3A_1023 = arith.addi %mul3A_1021, %add3A_1022 : i32
      %dma_wait3A_1024 = arith.constant 0 : i32
      %dma_wait3A_1025 = arith.constant 0 : i32
      %dma_wait3A_1026 = tpu.memref_slice %arg3[%dma_wait3A_1024, %dma_wait3A_1025] : memref<4000000x32xf32, #tpu.memory_space<hbm>> -> memref<512x32xf32, #tpu.memory_space<hbm>>
      %dma_wait3A_1027 = arith.constant 0 : i32
      %dma_wait3A_1028 = arith.constant 0 : i32
      %dma_wait3A_1029 = tpu.memref_slice %arg3[%dma_wait3A_1027, %dma_wait3A_1028] : memref<4000000x32xf32, #tpu.memory_space<hbm>> -> memref<512x32xf32, #tpu.memory_space<hbm>>
      tpu.wait_dma2 semaphore(%arg24 : memref<!tpu.dma_semaphore, #tpu.memory_space<semaphore_mem>>) src(%dma_wait3A_1029 : memref<512x32xf32, #tpu.memory_space<hbm>>) dst(%arg12 : memref<512x32xf32, #tpu.memory_space<vmem>>)
      %add3A_1030 = arith.constant 2 : i32
      %add3A_1031 = arith.addi %add3A_1023, %add3A_1030 : i32
      %lt3A_1032 = arith.constant 200 : i32
      %lt3A_1033 = arith.cmpi slt, %add3A_1031, %lt3A_1032 : i32
      %convert_element_type3A_1034 = arith.extui %lt3A_1033 : i1 to i32
      %cond3A_1035 = arith.constant 0 : i32
      %cond3A_1036 = arith.cmpi ne, %convert_element_type3A_1034, %cond3A_1035 : i32
      scf.if %cond3A_1036 {
        %dma_wait3A_1138 = arith.constant 0 : i32
        %dma_wait3A_1139 = arith.constant 0 : i32
        %dma_wait3A_1140 = arith.constant 0 : i32
        %dma_wait3A_1141 = arith.constant 0 : i32
        %dma_wait3A_1142 = arith.constant 0 : i32
        %dma_wait3A_1143 = tpu.memref_slice %arg6[%dma_wait3A_1141, %dma_wait3A_1142] : memref<4x128xi32, #tpu.memory_space<vmem>> -> memref<1x128xi32, #tpu.memory_space<vmem>>
        %dma_wait3A_1144 = tpu.memref_squeeze %dma_wait3A_1143 : memref<1x128xi32, #tpu.memory_space<vmem>> -> memref<128xi32, #tpu.memory_space<vmem>>
        %dma_wait3A_1145 = arith.constant 0 : i32
        %dma_wait3A_1146 = tpu.memref_slice %arg2[%dma_wait3A_1138, %dma_wait3A_1139, %dma_wait3A_1140, %dma_wait3A_1145] : memref<25x128x8x128xi32, #tpu.memory_space<hbm>> -> memref<1x1x1x128xi32, #tpu.memory_space<hbm>>
        %dma_wait3A_1147 = tpu.memref_squeeze %dma_wait3A_1146 : memref<1x1x1x128xi32, #tpu.memory_space<hbm>> -> memref<128xi32, #tpu.memory_space<hbm>>
        %dma_wait3A_1148 = arith.constant 0 : i32
        %dma_wait3A_1149 = tpu.memref_slice %arg6[%dma_wait3A_1141, %dma_wait3A_1148] : memref<4x128xi32, #tpu.memory_space<vmem>> -> memref<1x128xi32, #tpu.memory_space<vmem>>
        %dma_wait3A_1150 = tpu.memref_squeeze %dma_wait3A_1149 : memref<1x128xi32, #tpu.memory_space<vmem>> -> memref<128xi32, #tpu.memory_space<vmem>>
        %dma_wait3A_1151 = arith.constant 0 : i32
        %dma_wait3A_1152 = tpu.memref_slice %arg2[%dma_wait3A_1138, %dma_wait3A_1139, %dma_wait3A_1140, %dma_wait3A_1151] : memref<25x128x8x128xi32, #tpu.memory_space<hbm>> -> memref<1x1x1x128xi32, #tpu.memory_space<hbm>>
        %dma_wait3A_1153 = tpu.memref_squeeze %dma_wait3A_1152 : memref<1x1x1x128xi32, #tpu.memory_space<hbm>> -> memref<128xi32, #tpu.memory_space<hbm>>
        tpu.wait_dma2 semaphore(%arg18 : memref<!tpu.dma_semaphore, #tpu.memory_space<semaphore_mem>>) src(%dma_wait3A_1153 : memref<128xi32, #tpu.memory_space<hbm>>) dst(%dma_wait3A_1150 : memref<128xi32, #tpu.memory_space<vmem>>)
        %dma_wait3A_1154 = arith.constant 0 : i32
        %dma_wait3A_1155 = arith.constant 0 : i32
        %dma_wait3A_1156 = arith.constant 0 : i32
        %dma_wait3A_1157 = arith.constant 1 : i32
        %dma_wait3A_1158 = arith.constant 0 : i32
        %dma_wait3A_1159 = tpu.memref_slice %arg6[%dma_wait3A_1157, %dma_wait3A_1158] : memref<4x128xi32, #tpu.memory_space<vmem>> -> memref<1x128xi32, #tpu.memory_space<vmem>>
        %dma_wait3A_1160 = tpu.memref_squeeze %dma_wait3A_1159 : memref<1x128xi32, #tpu.memory_space<vmem>> -> memref<128xi32, #tpu.memory_space<vmem>>
        %dma_wait3A_1161 = arith.constant 0 : i32
        %dma_wait3A_1162 = tpu.memref_slice %arg2[%dma_wait3A_1154, %dma_wait3A_1155, %dma_wait3A_1156, %dma_wait3A_1161] : memref<25x128x8x128xi32, #tpu.memory_space<hbm>> -> memref<1x1x1x128xi32, #tpu.memory_space<hbm>>
        %dma_wait3A_1163 = tpu.memref_squeeze %dma_wait3A_1162 : memref<1x1x1x128xi32, #tpu.memory_space<hbm>> -> memref<128xi32, #tpu.memory_space<hbm>>
        %dma_wait3A_1164 = arith.constant 0 : i32
        %dma_wait3A_1165 = tpu.memref_slice %arg6[%dma_wait3A_1157, %dma_wait3A_1164] : memref<4x128xi32, #tpu.memory_space<vmem>> -> memref<1x128xi32, #tpu.memory_space<vmem>>
        %dma_wait3A_1166 = tpu.memref_squeeze %dma_wait3A_1165 : memref<1x128xi32, #tpu.memory_space<vmem>> -> memref<128xi32, #tpu.memory_space<vmem>>
        %dma_wait3A_1167 = arith.constant 0 : i32
        %dma_wait3A_1168 = tpu.memref_slice %arg2[%dma_wait3A_1154, %dma_wait3A_1155, %dma_wait3A_1156, %dma_wait3A_1167] : memref<25x128x8x128xi32, #tpu.memory_space<hbm>> -> memref<1x1x1x128xi32, #tpu.memory_space<hbm>>
        %dma_wait3A_1169 = tpu.memref_squeeze %dma_wait3A_1168 : memref<1x1x1x128xi32, #tpu.memory_space<hbm>> -> memref<128xi32, #tpu.memory_space<hbm>>
        tpu.wait_dma2 semaphore(%arg18 : memref<!tpu.dma_semaphore, #tpu.memory_space<semaphore_mem>>) src(%dma_wait3A_1169 : memref<128xi32, #tpu.memory_space<hbm>>) dst(%dma_wait3A_1166 : memref<128xi32, #tpu.memory_space<vmem>>)
        %dma_wait3A_1170 = arith.constant 0 : i32
        %dma_wait3A_1171 = arith.constant 0 : i32
        %dma_wait3A_1172 = arith.constant 0 : i32
        %dma_wait3A_1173 = arith.constant 2 : i32
        %dma_wait3A_1174 = arith.constant 0 : i32
        %dma_wait3A_1175 = tpu.memref_slice %arg6[%dma_wait3A_1173, %dma_wait3A_1174] : memref<4x128xi32, #tpu.memory_space<vmem>> -> memref<1x128xi32, #tpu.memory_space<vmem>>
        %dma_wait3A_1176 = tpu.memref_squeeze %dma_wait3A_1175 : memref<1x128xi32, #tpu.memory_space<vmem>> -> memref<128xi32, #tpu.memory_space<vmem>>
        %dma_wait3A_1177 = arith.constant 0 : i32
        %dma_wait3A_1178 = tpu.memref_slice %arg2[%dma_wait3A_1170, %dma_wait3A_1171, %dma_wait3A_1172, %dma_wait3A_1177] : memref<25x128x8x128xi32, #tpu.memory_space<hbm>> -> memref<1x1x1x128xi32, #tpu.memory_space<hbm>>
        %dma_wait3A_1179 = tpu.memref_squeeze %dma_wait3A_1178 : memref<1x1x1x128xi32, #tpu.memory_space<hbm>> -> memref<128xi32, #tpu.memory_space<hbm>>
        %dma_wait3A_1180 = arith.constant 0 : i32
        %dma_wait3A_1181 = tpu.memref_slice %arg6[%dma_wait3A_1173, %dma_wait3A_1180] : memref<4x128xi32, #tpu.memory_space<vmem>> -> memref<1x128xi32, #tpu.memory_space<vmem>>
        %dma_wait3A_1182 = tpu.memref_squeeze %dma_wait3A_1181 : memref<1x128xi32, #tpu.memory_space<vmem>> -> memref<128xi32, #tpu.memory_space<vmem>>
        %dma_wait3A_1183 = arith.constant 0 : i32
        %dma_wait3A_1184 = tpu.memref_slice %arg2[%dma_wait3A_1170, %dma_wait3A_1171, %dma_wait3A_1172, %dma_wait3A_1183] : memref<25x128x8x128xi32, #tpu.memory_space<hbm>> -> memref<1x1x1x128xi32, #tpu.memory_space<hbm>>
        %dma_wait3A_1185 = tpu.memref_squeeze %dma_wait3A_1184 : memref<1x1x1x128xi32, #tpu.memory_space<hbm>> -> memref<128xi32, #tpu.memory_space<hbm>>
        tpu.wait_dma2 semaphore(%arg18 : memref<!tpu.dma_semaphore, #tpu.memory_space<semaphore_mem>>) src(%dma_wait3A_1185 : memref<128xi32, #tpu.memory_space<hbm>>) dst(%dma_wait3A_1182 : memref<128xi32, #tpu.memory_space<vmem>>)
        %dma_wait3A_1186 = arith.constant 0 : i32
        %dma_wait3A_1187 = arith.constant 0 : i32
        %dma_wait3A_1188 = arith.constant 0 : i32
        %dma_wait3A_1189 = arith.constant 3 : i32
        %dma_wait3A_1190 = arith.constant 0 : i32
        %dma_wait3A_1191 = tpu.memref_slice %arg6[%dma_wait3A_1189, %dma_wait3A_1190] : memref<4x128xi32, #tpu.memory_space<vmem>> -> memref<1x128xi32, #tpu.memory_space<vmem>>
        %dma_wait3A_1192 = tpu.memref_squeeze %dma_wait3A_1191 : memref<1x128xi32, #tpu.memory_space<vmem>> -> memref<128xi32, #tpu.memory_space<vmem>>
        %dma_wait3A_1193 = arith.constant 0 : i32
        %dma_wait3A_1194 = tpu.memref_slice %arg2[%dma_wait3A_1186, %dma_wait3A_1187, %dma_wait3A_1188, %dma_wait3A_1193] : memref<25x128x8x128xi32, #tpu.memory_space<hbm>> -> memref<1x1x1x128xi32, #tpu.memory_space<hbm>>
        %dma_wait3A_1195 = tpu.memref_squeeze %dma_wait3A_1194 : memref<1x1x1x128xi32, #tpu.memory_space<hbm>> -> memref<128xi32, #tpu.memory_space<hbm>>
        %dma_wait3A_1196 = arith.constant 0 : i32
        %dma_wait3A_1197 = tpu.memref_slice %arg6[%dma_wait3A_1189, %dma_wait3A_1196] : memref<4x128xi32, #tpu.memory_space<vmem>> -> memref<1x128xi32, #tpu.memory_space<vmem>>
        %dma_wait3A_1198 = tpu.memref_squeeze %dma_wait3A_1197 : memref<1x128xi32, #tpu.memory_space<vmem>> -> memref<128xi32, #tpu.memory_space<vmem>>
        %dma_wait3A_1199 = arith.constant 0 : i32
        %dma_wait3A_1200 = tpu.memref_slice %arg2[%dma_wait3A_1186, %dma_wait3A_1187, %dma_wait3A_1188, %dma_wait3A_1199] : memref<25x128x8x128xi32, #tpu.memory_space<hbm>> -> memref<1x1x1x128xi32, #tpu.memory_space<hbm>>
        %dma_wait3A_1201 = tpu.memref_squeeze %dma_wait3A_1200 : memref<1x1x1x128xi32, #tpu.memory_space<hbm>> -> memref<128xi32, #tpu.memory_space<hbm>>
        tpu.wait_dma2 semaphore(%arg18 : memref<!tpu.dma_semaphore, #tpu.memory_space<semaphore_mem>>) src(%dma_wait3A_1201 : memref<128xi32, #tpu.memory_space<hbm>>) dst(%dma_wait3A_1198 : memref<128xi32, #tpu.memory_space<vmem>>)
        %add3A_1202 = arith.constant 2 : i32
        %add3A_1203 = arith.addi %add3A_1023, %add3A_1202 : i32
        %dma_start3A_1204 = arith.constant 0 : i32
        %dma_start3A_1205 = arith.constant 0 : i32
        %dma_start3A_1206 = arith.constant 0 : i32
        %dma_start3A_1207 = tpu.memref_slice %arg10[%dma_start3A_1205, %dma_start3A_1206] : memref<512x32xf32, #tpu.memory_space<vmem>> -> memref<128x32xf32, #tpu.memory_space<vmem>>
        %dma_start3A_1208 = arith.constant 0 : i32
        %dma_start3A_1209 = tpu.memref_slice %arg6[%dma_start3A_1204, %dma_start3A_1208] : memref<4x128xi32, #tpu.memory_space<vmem>> -> memref<1x128xi32, #tpu.memory_space<vmem>>
        %dma_start3A_1210 = tpu.memref_squeeze %dma_start3A_1209 : memref<1x128xi32, #tpu.memory_space<vmem>> -> memref<128xi32, #tpu.memory_space<vmem>>
        %dma_start3A_1211 = arith.constant 0 : i32
        %dma_start3A_1212 = arith.constant 0 : i32
        %dma_start3A_1213 = tpu.memref_slice %arg3[%dma_start3A_1211, %dma_start3A_1212] : memref<4000000x32xf32, #tpu.memory_space<hbm>> -> memref<4000000x32xf32, #tpu.memory_space<hbm>>
        tpu.enqueue_indirect_dma source(%dma_start3A_1213 : memref<4000000x32xf32, #tpu.memory_space<hbm>>) target(%dma_start3A_1207 : memref<128x32xf32, #tpu.memory_space<vmem>>) offsets(%dma_start3A_1210 : memref<128xi32, #tpu.memory_space<vmem>>) semaphore(%arg22 : memref<!tpu.dma_semaphore, #tpu.memory_space<semaphore_mem>>)
        %dma_start3A_1214 = arith.constant 1 : i32
        %dma_start3A_1215 = arith.constant 128 : i32
        %dma_start3A_1216 = arith.constant 0 : i32
        %dma_start3A_1217 = tpu.memref_slice %arg10[%dma_start3A_1215, %dma_start3A_1216] : memref<512x32xf32, #tpu.memory_space<vmem>> -> memref<128x32xf32, #tpu.memory_space<vmem>>
        %dma_start3A_1218 = arith.constant 0 : i32
        %dma_start3A_1219 = tpu.memref_slice %arg6[%dma_start3A_1214, %dma_start3A_1218] : memref<4x128xi32, #tpu.memory_space<vmem>> -> memref<1x128xi32, #tpu.memory_space<vmem>>
        %dma_start3A_1220 = tpu.memref_squeeze %dma_start3A_1219 : memref<1x128xi32, #tpu.memory_space<vmem>> -> memref<128xi32, #tpu.memory_space<vmem>>
        %dma_start3A_1221 = arith.constant 0 : i32
        %dma_start3A_1222 = arith.constant 0 : i32
        %dma_start3A_1223 = tpu.memref_slice %arg3[%dma_start3A_1221, %dma_start3A_1222] : memref<4000000x32xf32, #tpu.memory_space<hbm>> -> memref<4000000x32xf32, #tpu.memory_space<hbm>>
        tpu.enqueue_indirect_dma source(%dma_start3A_1223 : memref<4000000x32xf32, #tpu.memory_space<hbm>>) target(%dma_start3A_1217 : memref<128x32xf32, #tpu.memory_space<vmem>>) offsets(%dma_start3A_1220 : memref<128xi32, #tpu.memory_space<vmem>>) semaphore(%arg22 : memref<!tpu.dma_semaphore, #tpu.memory_space<semaphore_mem>>)
        %dma_start3A_1224 = arith.constant 2 : i32
        %dma_start3A_1225 = arith.constant 256 : i32
        %dma_start3A_1226 = arith.constant 0 : i32
        %dma_start3A_1227 = tpu.memref_slice %arg10[%dma_start3A_1225, %dma_start3A_1226] : memref<512x32xf32, #tpu.memory_space<vmem>> -> memref<128x32xf32, #tpu.memory_space<vmem>>
        %dma_start3A_1228 = arith.constant 0 : i32
        %dma_start3A_1229 = tpu.memref_slice %arg6[%dma_start3A_1224, %dma_start3A_1228] : memref<4x128xi32, #tpu.memory_space<vmem>> -> memref<1x128xi32, #tpu.memory_space<vmem>>
        %dma_start3A_1230 = tpu.memref_squeeze %dma_start3A_1229 : memref<1x128xi32, #tpu.memory_space<vmem>> -> memref<128xi32, #tpu.memory_space<vmem>>
        %dma_start3A_1231 = arith.constant 0 : i32
        %dma_start3A_1232 = arith.constant 0 : i32
        %dma_start3A_1233 = tpu.memref_slice %arg3[%dma_start3A_1231, %dma_start3A_1232] : memref<4000000x32xf32, #tpu.memory_space<hbm>> -> memref<4000000x32xf32, #tpu.memory_space<hbm>>
        tpu.enqueue_indirect_dma source(%dma_start3A_1233 : memref<4000000x32xf32, #tpu.memory_space<hbm>>) target(%dma_start3A_1227 : memref<128x32xf32, #tpu.memory_space<vmem>>) offsets(%dma_start3A_1230 : memref<128xi32, #tpu.memory_space<vmem>>) semaphore(%arg22 : memref<!tpu.dma_semaphore, #tpu.memory_space<semaphore_mem>>)
        %dma_start3A_1234 = arith.constant 3 : i32
        %dma_start3A_1235 = arith.constant 384 : i32
        %dma_start3A_1236 = arith.constant 0 : i32
        %dma_start3A_1237 = tpu.memref_slice %arg10[%dma_start3A_1235, %dma_start3A_1236] : memref<512x32xf32, #tpu.memory_space<vmem>> -> memref<128x32xf32, #tpu.memory_space<vmem>>
        %dma_start3A_1238 = arith.constant 0 : i32
        %dma_start3A_1239 = tpu.memref_slice %arg6[%dma_start3A_1234, %dma_start3A_1238] : memref<4x128xi32, #tpu.memory_space<vmem>> -> memref<1x128xi32, #tpu.memory_space<vmem>>
        %dma_start3A_1240 = tpu.memref_squeeze %dma_start3A_1239 : memref<1x128xi32, #tpu.memory_space<vmem>> -> memref<128xi32, #tpu.memory_space<vmem>>
        %dma_start3A_1241 = arith.constant 0 : i32
        %dma_start3A_1242 = arith.constant 0 : i32
        %dma_start3A_1243 = tpu.memref_slice %arg3[%dma_start3A_1241, %dma_start3A_1242] : memref<4000000x32xf32, #tpu.memory_space<hbm>> -> memref<4000000x32xf32, #tpu.memory_space<hbm>>
        tpu.enqueue_indirect_dma source(%dma_start3A_1243 : memref<4000000x32xf32, #tpu.memory_space<hbm>>) target(%dma_start3A_1237 : memref<128x32xf32, #tpu.memory_space<vmem>>) offsets(%dma_start3A_1240 : memref<128xi32, #tpu.memory_space<vmem>>) semaphore(%arg22 : memref<!tpu.dma_semaphore, #tpu.memory_space<semaphore_mem>>)
      } else {
      }
      %add3A_1037 = arith.constant 3 : i32
      %add3A_1038 = arith.addi %add3A_1023, %add3A_1037 : i32
      %lt3A_1039 = arith.constant 200 : i32
      %lt3A_1040 = arith.cmpi slt, %add3A_1038, %lt3A_1039 : i32
      %convert_element_type3A_1041 = arith.extui %lt3A_1040 : i1 to i32
      %cond3A_1042 = arith.constant 0 : i32
      %cond3A_1043 = arith.cmpi ne, %convert_element_type3A_1041, %cond3A_1042 : i32
      scf.if %cond3A_1043 {
        %add3A_1138 = arith.constant 3 : i32
        %add3A_1139 = arith.addi %add3A_1023, %add3A_1138 : i32
        %add3A_1140 = arith.addi %mul3A_2, %add3A_1139 : i32
        %jit3A_1141 = arith.constant 32 : i32
        %div3A_1142 = arith.divsi %add3A_1140, %jit3A_1141 : i32
        %sign3A_1143 = arith.constant 0 : i32
        %sign3A_1144 = arith.cmpi sgt, %add3A_1140, %sign3A_1143 : i32
        %sign3A_1145 = arith.extui %sign3A_1144 : i1 to i32
        %sign3A_1146 = arith.constant 0 : i32
        %sign3A_1147 = arith.cmpi slt, %add3A_1140, %sign3A_1146 : i32
        %sign3A_1148 = arith.extui %sign3A_1147 : i1 to i32
        %sign3A_1149 = arith.subi %sign3A_1145, %sign3A_1148 : i32
        %sign3A_1150 = arith.constant 0 : i32
        %sign3A_1151 = arith.cmpi sgt, %jit3A_1141, %sign3A_1150 : i32
        %sign3A_1152 = arith.extui %sign3A_1151 : i1 to i32
        %sign3A_1153 = arith.constant 0 : i32
        %sign3A_1154 = arith.cmpi slt, %jit3A_1141, %sign3A_1153 : i32
        %sign3A_1155 = arith.extui %sign3A_1154 : i1 to i32
        %sign3A_1156 = arith.subi %sign3A_1152, %sign3A_1155 : i32
        %ne3A_1157 = arith.cmpi ne, %sign3A_1149, %sign3A_1156 : i32
        %rem3A_1158 = arith.remsi %add3A_1140, %jit3A_1141 : i32
        %ne3A_1159 = arith.constant 0 : i32
        %ne3A_1160 = arith.cmpi ne, %rem3A_1158, %ne3A_1159 : i32
        %and3A_1161 = arith.andi %ne3A_1157, %ne3A_1160 : i1
        %sub3A_1162 = arith.constant 1 : i32
        %sub3A_1163 = arith.subi %div3A_1142, %sub3A_1162 : i32
        %select_n3A_1164 = arith.select %and3A_1161, %sub3A_1163, %div3A_1142 : i32
        %jit3A_1165 = arith.constant 32 : i32
        %eq3A_1166 = arith.constant 0 : i32
        %eq3A_1167 = arith.cmpi eq, %jit3A_1165, %eq3A_1166 : i32
        %jit3A_1168 = arith.constant 1 : i32
        %select_n3A_1169 = arith.select %eq3A_1167, %jit3A_1168, %jit3A_1165 : i32
        %rem3A_1170 = arith.remsi %add3A_1140, %select_n3A_1169 : i32
        %ne3A_1171 = arith.constant 0 : i32
        %ne3A_1172 = arith.cmpi ne, %rem3A_1170, %ne3A_1171 : i32
        %lt3A_1173 = arith.constant 0 : i32
        %lt3A_1174 = arith.cmpi slt, %rem3A_1170, %lt3A_1173 : i32
        %lt3A_1175 = arith.constant 0 : i32
        %lt3A_1176 = arith.cmpi slt, %select_n3A_1169, %lt3A_1175 : i32
        %ne3A_1177 = arith.xori %lt3A_1174, %lt3A_1176 : i1
        %and3A_1178 = arith.andi %ne3A_1177, %ne3A_1172 : i1
        %add3A_1179 = arith.addi %rem3A_1170, %select_n3A_1169 : i32
        %select_n3A_1180 = arith.select %and3A_1178, %add3A_1179, %rem3A_1170 : i32
        %mul3A_1181 = arith.constant 4 : i32
        %mul3A_1182 = arith.muli %select_n3A_1180, %mul3A_1181 : i32
        %jit3A_1183 = arith.constant 8 : i32
        %div3A_1184 = arith.divsi %select_n3A_1164, %jit3A_1183 : i32
        %sign3A_1185 = arith.constant 0 : i32
        %sign3A_1186 = arith.cmpi sgt, %select_n3A_1164, %sign3A_1185 : i32
        %sign3A_1187 = arith.extui %sign3A_1186 : i1 to i32
        %sign3A_1188 = arith.constant 0 : i32
        %sign3A_1189 = arith.cmpi slt, %select_n3A_1164, %sign3A_1188 : i32
        %sign3A_1190 = arith.extui %sign3A_1189 : i1 to i32
        %sign3A_1191 = arith.subi %sign3A_1187, %sign3A_1190 : i32
        %sign3A_1192 = arith.constant 0 : i32
        %sign3A_1193 = arith.cmpi sgt, %jit3A_1183, %sign3A_1192 : i32
        %sign3A_1194 = arith.extui %sign3A_1193 : i1 to i32
        %sign3A_1195 = arith.constant 0 : i32
        %sign3A_1196 = arith.cmpi slt, %jit3A_1183, %sign3A_1195 : i32
        %sign3A_1197 = arith.extui %sign3A_1196 : i1 to i32
        %sign3A_1198 = arith.subi %sign3A_1194, %sign3A_1197 : i32
        %ne3A_1199 = arith.cmpi ne, %sign3A_1191, %sign3A_1198 : i32
        %rem3A_1200 = arith.remsi %select_n3A_1164, %jit3A_1183 : i32
        %ne3A_1201 = arith.constant 0 : i32
        %ne3A_1202 = arith.cmpi ne, %rem3A_1200, %ne3A_1201 : i32
        %and3A_1203 = arith.andi %ne3A_1199, %ne3A_1202 : i1
        %sub3A_1204 = arith.constant 1 : i32
        %sub3A_1205 = arith.subi %div3A_1184, %sub3A_1204 : i32
        %select_n3A_1206 = arith.select %and3A_1203, %sub3A_1205, %div3A_1184 : i32
        %jit3A_1207 = arith.constant 8 : i32
        %eq3A_1208 = arith.constant 0 : i32
        %eq3A_1209 = arith.cmpi eq, %jit3A_1207, %eq3A_1208 : i32
        %jit3A_1210 = arith.constant 1 : i32
        %select_n3A_1211 = arith.select %eq3A_1209, %jit3A_1210, %jit3A_1207 : i32
        %rem3A_1212 = arith.remsi %select_n3A_1164, %select_n3A_1211 : i32
        %ne3A_1213 = arith.constant 0 : i32
        %ne3A_1214 = arith.cmpi ne, %rem3A_1212, %ne3A_1213 : i32
        %lt3A_1215 = arith.constant 0 : i32
        %lt3A_1216 = arith.cmpi slt, %rem3A_1212, %lt3A_1215 : i32
        %lt3A_1217 = arith.constant 0 : i32
        %lt3A_1218 = arith.cmpi slt, %select_n3A_1211, %lt3A_1217 : i32
        %ne3A_1219 = arith.xori %lt3A_1216, %lt3A_1218 : i1
        %and3A_1220 = arith.andi %ne3A_1219, %ne3A_1214 : i1
        %add3A_1221 = arith.addi %rem3A_1212, %select_n3A_1211 : i32
        %select_n3A_1222 = arith.select %and3A_1220, %add3A_1221, %rem3A_1212 : i32
        %add3A_1223 = arith.constant 0 : i32
        %add3A_1224 = arith.addi %mul3A_1182, %add3A_1223 : i32
        %dma_start3A_1225 = arith.constant 0 : i32
        %dma_start3A_1226 = arith.constant 0 : i32
        %dma_start3A_1227 = tpu.memref_slice %arg7[%dma_start3A_1225, %dma_start3A_1226] : memref<4x128xi32, #tpu.memory_space<vmem>> -> memref<1x128xi32, #tpu.memory_space<vmem>>
        %dma_start3A_1228 = tpu.memref_squeeze %dma_start3A_1227 : memref<1x128xi32, #tpu.memory_space<vmem>> -> memref<128xi32, #tpu.memory_space<vmem>>
        %dma_start3A_1229 = arith.constant 0 : i32
        %dma_start3A_1230 = tpu.memref_slice %arg2[%select_n3A_1206, %add3A_1224, %select_n3A_1222, %dma_start3A_1229] : memref<25x128x8x128xi32, #tpu.memory_space<hbm>> -> memref<1x1x1x128xi32, #tpu.memory_space<hbm>>
        %dma_start3A_1231 = tpu.memref_squeeze %dma_start3A_1230 : memref<1x1x1x128xi32, #tpu.memory_space<hbm>> -> memref<128xi32, #tpu.memory_space<hbm>>
        %dma_start3A_1232 = arith.constant 0 : i32
        %dma_start3A_1233 = tpu.memref_slice %arg7[%dma_start3A_1225, %dma_start3A_1232] : memref<4x128xi32, #tpu.memory_space<vmem>> -> memref<1x128xi32, #tpu.memory_space<vmem>>
        %dma_start3A_1234 = tpu.memref_squeeze %dma_start3A_1233 : memref<1x128xi32, #tpu.memory_space<vmem>> -> memref<128xi32, #tpu.memory_space<vmem>>
        %dma_start3A_1235 = arith.constant 0 : i32
        %dma_start3A_1236 = tpu.memref_slice %arg2[%select_n3A_1206, %add3A_1224, %select_n3A_1222, %dma_start3A_1235] : memref<25x128x8x128xi32, #tpu.memory_space<hbm>> -> memref<1x1x1x128xi32, #tpu.memory_space<hbm>>
        %dma_start3A_1237 = tpu.memref_squeeze %dma_start3A_1236 : memref<1x1x1x128xi32, #tpu.memory_space<hbm>> -> memref<128xi32, #tpu.memory_space<hbm>>
        tpu.enqueue_dma source(%dma_start3A_1237 : memref<128xi32, #tpu.memory_space<hbm>>) target(%dma_start3A_1234 : memref<128xi32, #tpu.memory_space<vmem>>) target_semaphore(%arg19 : memref<!tpu.dma_semaphore, #tpu.memory_space<semaphore_mem>>)
        %add3A_1238 = arith.constant 1 : i32
        %add3A_1239 = arith.addi %mul3A_1182, %add3A_1238 : i32
        %dma_start3A_1240 = arith.constant 1 : i32
        %dma_start3A_1241 = arith.constant 0 : i32
        %dma_start3A_1242 = tpu.memref_slice %arg7[%dma_start3A_1240, %dma_start3A_1241] : memref<4x128xi32, #tpu.memory_space<vmem>> -> memref<1x128xi32, #tpu.memory_space<vmem>>
        %dma_start3A_1243 = tpu.memref_squeeze %dma_start3A_1242 : memref<1x128xi32, #tpu.memory_space<vmem>> -> memref<128xi32, #tpu.memory_space<vmem>>
        %dma_start3A_1244 = arith.constant 0 : i32
        %dma_start3A_1245 = tpu.memref_slice %arg2[%select_n3A_1206, %add3A_1239, %select_n3A_1222, %dma_start3A_1244] : memref<25x128x8x128xi32, #tpu.memory_space<hbm>> -> memref<1x1x1x128xi32, #tpu.memory_space<hbm>>
        %dma_start3A_1246 = tpu.memref_squeeze %dma_start3A_1245 : memref<1x1x1x128xi32, #tpu.memory_space<hbm>> -> memref<128xi32, #tpu.memory_space<hbm>>
        %dma_start3A_1247 = arith.constant 0 : i32
        %dma_start3A_1248 = tpu.memref_slice %arg7[%dma_start3A_1240, %dma_start3A_1247] : memref<4x128xi32, #tpu.memory_space<vmem>> -> memref<1x128xi32, #tpu.memory_space<vmem>>
        %dma_start3A_1249 = tpu.memref_squeeze %dma_start3A_1248 : memref<1x128xi32, #tpu.memory_space<vmem>> -> memref<128xi32, #tpu.memory_space<vmem>>
        %dma_start3A_1250 = arith.constant 0 : i32
        %dma_start3A_1251 = tpu.memref_slice %arg2[%select_n3A_1206, %add3A_1239, %select_n3A_1222, %dma_start3A_1250] : memref<25x128x8x128xi32, #tpu.memory_space<hbm>> -> memref<1x1x1x128xi32, #tpu.memory_space<hbm>>
        %dma_start3A_1252 = tpu.memref_squeeze %dma_start3A_1251 : memref<1x1x1x128xi32, #tpu.memory_space<hbm>> -> memref<128xi32, #tpu.memory_space<hbm>>
        tpu.enqueue_dma source(%dma_start3A_1252 : memref<128xi32, #tpu.memory_space<hbm>>) target(%dma_start3A_1249 : memref<128xi32, #tpu.memory_space<vmem>>) target_semaphore(%arg19 : memref<!tpu.dma_semaphore, #tpu.memory_space<semaphore_mem>>)
        %add3A_1253 = arith.constant 2 : i32
        %add3A_1254 = arith.addi %mul3A_1182, %add3A_1253 : i32
        %dma_start3A_1255 = arith.constant 2 : i32
        %dma_start3A_1256 = arith.constant 0 : i32
        %dma_start3A_1257 = tpu.memref_slice %arg7[%dma_start3A_1255, %dma_start3A_1256] : memref<4x128xi32, #tpu.memory_space<vmem>> -> memref<1x128xi32, #tpu.memory_space<vmem>>
        %dma_start3A_1258 = tpu.memref_squeeze %dma_start3A_1257 : memref<1x128xi32, #tpu.memory_space<vmem>> -> memref<128xi32, #tpu.memory_space<vmem>>
        %dma_start3A_1259 = arith.constant 0 : i32
        %dma_start3A_1260 = tpu.memref_slice %arg2[%select_n3A_1206, %add3A_1254, %select_n3A_1222, %dma_start3A_1259] : memref<25x128x8x128xi32, #tpu.memory_space<hbm>> -> memref<1x1x1x128xi32, #tpu.memory_space<hbm>>
        %dma_start3A_1261 = tpu.memref_squeeze %dma_start3A_1260 : memref<1x1x1x128xi32, #tpu.memory_space<hbm>> -> memref<128xi32, #tpu.memory_space<hbm>>
        %dma_start3A_1262 = arith.constant 0 : i32
        %dma_start3A_1263 = tpu.memref_slice %arg7[%dma_start3A_1255, %dma_start3A_1262] : memref<4x128xi32, #tpu.memory_space<vmem>> -> memref<1x128xi32, #tpu.memory_space<vmem>>
        %dma_start3A_1264 = tpu.memref_squeeze %dma_start3A_1263 : memref<1x128xi32, #tpu.memory_space<vmem>> -> memref<128xi32, #tpu.memory_space<vmem>>
        %dma_start3A_1265 = arith.constant 0 : i32
        %dma_start3A_1266 = tpu.memref_slice %arg2[%select_n3A_1206, %add3A_1254, %select_n3A_1222, %dma_start3A_1265] : memref<25x128x8x128xi32, #tpu.memory_space<hbm>> -> memref<1x1x1x128xi32, #tpu.memory_space<hbm>>
        %dma_start3A_1267 = tpu.memref_squeeze %dma_start3A_1266 : memref<1x1x1x128xi32, #tpu.memory_space<hbm>> -> memref<128xi32, #tpu.memory_space<hbm>>
        tpu.enqueue_dma source(%dma_start3A_1267 : memref<128xi32, #tpu.memory_space<hbm>>) target(%dma_start3A_1264 : memref<128xi32, #tpu.memory_space<vmem>>) target_semaphore(%arg19 : memref<!tpu.dma_semaphore, #tpu.memory_space<semaphore_mem>>)
        %add3A_1268 = arith.constant 3 : i32
        %add3A_1269 = arith.addi %mul3A_1182, %add3A_1268 : i32
        %dma_start3A_1270 = arith.constant 3 : i32
        %dma_start3A_1271 = arith.constant 0 : i32
        %dma_start3A_1272 = tpu.memref_slice %arg7[%dma_start3A_1270, %dma_start3A_1271] : memref<4x128xi32, #tpu.memory_space<vmem>> -> memref<1x128xi32, #tpu.memory_space<vmem>>
        %dma_start3A_1273 = tpu.memref_squeeze %dma_start3A_1272 : memref<1x128xi32, #tpu.memory_space<vmem>> -> memref<128xi32, #tpu.memory_space<vmem>>
        %dma_start3A_1274 = arith.constant 0 : i32
        %dma_start3A_1275 = tpu.memref_slice %arg2[%select_n3A_1206, %add3A_1269, %select_n3A_1222, %dma_start3A_1274] : memref<25x128x8x128xi32, #tpu.memory_space<hbm>> -> memref<1x1x1x128xi32, #tpu.memory_space<hbm>>
        %dma_start3A_1276 = tpu.memref_squeeze %dma_start3A_1275 : memref<1x1x1x128xi32, #tpu.memory_space<hbm>> -> memref<128xi32, #tpu.memory_space<hbm>>
        %dma_start3A_1277 = arith.constant 0 : i32
        %dma_start3A_1278 = tpu.memref_slice %arg7[%dma_start3A_1270, %dma_start3A_1277] : memref<4x128xi32, #tpu.memory_space<vmem>> -> memref<1x128xi32, #tpu.memory_space<vmem>>
        %dma_start3A_1279 = tpu.memref_squeeze %dma_start3A_1278 : memref<1x128xi32, #tpu.memory_space<vmem>> -> memref<128xi32, #tpu.memory_space<vmem>>
        %dma_start3A_1280 = arith.constant 0 : i32
        %dma_start3A_1281 = tpu.memref_slice %arg2[%select_n3A_1206, %add3A_1269, %select_n3A_1222, %dma_start3A_1280] : memref<25x128x8x128xi32, #tpu.memory_space<hbm>> -> memref<1x1x1x128xi32, #tpu.memory_space<hbm>>
        %dma_start3A_1282 = tpu.memref_squeeze %dma_start3A_1281 : memref<1x1x1x128xi32, #tpu.memory_space<hbm>> -> memref<128xi32, #tpu.memory_space<hbm>>
        tpu.enqueue_dma source(%dma_start3A_1282 : memref<128xi32, #tpu.memory_space<hbm>>) target(%dma_start3A_1279 : memref<128xi32, #tpu.memory_space<vmem>>) target_semaphore(%arg19 : memref<!tpu.dma_semaphore, #tpu.memory_space<semaphore_mem>>)
      } else {
      }
      %ge3A_1044 = arith.constant 2 : i32
      %ge3A_1045 = arith.cmpi sge, %add3A_1023, %ge3A_1044 : i32
      %convert_element_type3A_1046 = arith.extui %ge3A_1045 : i1 to i32
      %cond3A_1047 = arith.constant 0 : i32
      %cond3A_1048 = arith.cmpi ne, %convert_element_type3A_1046, %cond3A_1047 : i32
      scf.if %cond3A_1048 {
        %dma_wait3A_1138 = arith.constant 0 : i32
        %dma_wait3A_1139 = arith.constant 0 : i32
        %dma_wait3A_1140 = arith.constant 0 : i32
        %dma_wait3A_1141 = tpu.memref_slice %arg4[%dma_wait3A_1138, %dma_wait3A_1139, %dma_wait3A_1140] : memref<200x4x131072xf32, #tpu.memory_space<hbm>> -> memref<1x1x16384xf32, #tpu.memory_space<hbm>>
        %dma_wait3A_1142 = tpu.memref_squeeze %dma_wait3A_1141 : memref<1x1x16384xf32, #tpu.memory_space<hbm>> -> memref<16384xf32, #tpu.memory_space<hbm>>
        %dma_wait3A_1143 = arith.constant 0 : i32
        %dma_wait3A_1144 = tpu.memref_slice %arg4[%dma_wait3A_1138, %dma_wait3A_1139, %dma_wait3A_1143] : memref<200x4x131072xf32, #tpu.memory_space<hbm>> -> memref<1x1x16384xf32, #tpu.memory_space<hbm>>
        %dma_wait3A_1145 = tpu.memref_squeeze %dma_wait3A_1144 : memref<1x1x16384xf32, #tpu.memory_space<hbm>> -> memref<16384xf32, #tpu.memory_space<hbm>>
        tpu.wait_dma2 semaphore(%arg26 : memref<!tpu.dma_semaphore, #tpu.memory_space<semaphore_mem>>) src(%arg14 : memref<16384xf32, #tpu.memory_space<vmem>>) dst(%dma_wait3A_1145 : memref<16384xf32, #tpu.memory_space<hbm>>)
      } else {
      }
      %parallel_loop3A_1049 = arith.constant 0 : i32
      %parallel_loop3A_1050 = arith.constant 512 : i32
      %parallel_loop3A_1051 = arith.constant 1 : i32
      scf.for %parallel_loop3A_1138 = %parallel_loop3A_1049 to %parallel_loop3A_1050 step %parallel_loop3A_1051  : i32 {
        %parallel_loop3A_1139 = vector.broadcast %parallel_loop3A_1138 : i32 to vector<16xi32>
        %parallel_loop3A_1140 = arith.index_cast %parallel_loop3A_1138 : i32 to index
        %parallel_loop3A_1141 = arith.constant 0 : index
        %parallel_loop3A_1142 = tpu.vector_load %arg12[%parallel_loop3A_1140, %parallel_loop3A_1141] {strides = array<i32>} : memref<512x32xf32, #tpu.memory_space<vmem>>, vector<16xf32>,
        %parallel_loop3A_1143 = arith.addi %parallel_loop3A_1139, %add3A_58 : vector<16xi32>
        tpu.vector_store_idx %arg15[%parallel_loop3A_1143], %parallel_loop3A_1142 : memref<16448xf32, #tpu.memory_space<vmem>>[vector<16xi32>], vector<16xf32>,
        %parallel_loop3A_1144 = arith.index_cast %parallel_loop3A_1138 : i32 to index
        %parallel_loop3A_1145 = arith.constant 16 : index
        %parallel_loop3A_1146 = tpu.vector_load %arg12[%parallel_loop3A_1144, %parallel_loop3A_1145] {strides = array<i32>} : memref<512x32xf32, #tpu.memory_space<vmem>>, vector<16xf32>,
        %parallel_loop3A_1147 = arith.addi %parallel_loop3A_1139, %add3A_118 : vector<16xi32>
        tpu.vector_store_idx %arg15[%parallel_loop3A_1147], %parallel_loop3A_1146 : memref<16448xf32, #tpu.memory_space<vmem>>[vector<16xi32>], vector<16xf32>,
      } {sc.loop_unroll_factor = 4 : i64, sc.parallel_access}
      %parallel_loop3A_1052 = arith.constant 0 : i32
      %parallel_loop3A_1053 = arith.constant 1024 : i32
      %parallel_loop3A_1054 = arith.constant 1 : i32
      scf.for %parallel_loop3A_1138 = %parallel_loop3A_1052 to %parallel_loop3A_1053 step %parallel_loop3A_1054  : i32 {
        %parallel_loop3A_1139 = arith.index_cast %parallel_loop3A_1138 : i32 to index
        %parallel_loop3A_1140 = memref.load %arg16[%parallel_loop3A_1139] : memref<1024xi32, #tpu.memory_space<smem>>
        %parallel_loop3A_1141 = vector.broadcast %parallel_loop3A_1140 : i32 to vector<16xi32>
        %parallel_loop3A_1142 = arith.addi %parallel_loop3A_1141, %iota3A : vector<16xi32>
        %parallel_loop3A_1143 = tpu.vector_load_idx %arg15[%parallel_loop3A_1142] : memref<16448xf32, #tpu.memory_space<vmem>>[vector<16xi32>], vector<16xf32>,
        %parallel_loop3A_1144 = arith.constant 5.65685415 : f32
        %parallel_loop3A_1145 = vector.broadcast %parallel_loop3A_1144 : f32 to vector<16xf32>
        %parallel_loop3A_1146 = arith.mulf %parallel_loop3A_1143, %parallel_loop3A_1145 : vector<16xf32>
        %parallel_loop3A_1147 = arith.constant 16 : i32
        %parallel_loop3A_1148 = arith.muli %parallel_loop3A_1138, %parallel_loop3A_1147 : i32
        %parallel_loop3A_1149 = arith.index_cast %parallel_loop3A_1148 : i32 to index
        %parallel_loop3A_1150 = tpu.vector_load %arg14[%parallel_loop3A_1149] {strides = array<i32>} : memref<16384xf32, #tpu.memory_space<vmem>>, vector<16xf32>,
        tpu.vector_store %arg14[%parallel_loop3A_1149], %parallel_loop3A_1146 {strides = array<i32>} : memref<16384xf32, #tpu.memory_space<vmem>>, vector<16xf32>,
      } {sc.loop_unroll_factor = 8 : i64, sc.parallel_access}
      %add3A_1055 = arith.addi %mul3A_2, %add3A_1023 : i32
      %jit3A_1056 = arith.constant 32 : i32
      %div3A_1057 = arith.divsi %add3A_1055, %jit3A_1056 : i32
      %sign3A_1058 = arith.constant 0 : i32
      %sign3A_1059 = arith.cmpi sgt, %add3A_1055, %sign3A_1058 : i32
      %sign3A_1060 = arith.extui %sign3A_1059 : i1 to i32
      %sign3A_1061 = arith.constant 0 : i32
      %sign3A_1062 = arith.cmpi slt, %add3A_1055, %sign3A_1061 : i32
      %sign3A_1063 = arith.extui %sign3A_1062 : i1 to i32
      %sign3A_1064 = arith.subi %sign3A_1060, %sign3A_1063 : i32
      %sign3A_1065 = arith.constant 0 : i32
      %sign3A_1066 = arith.cmpi sgt, %jit3A_1056, %sign3A_1065 : i32
      %sign3A_1067 = arith.extui %sign3A_1066 : i1 to i32
      %sign3A_1068 = arith.constant 0 : i32
      %sign3A_1069 = arith.cmpi slt, %jit3A_1056, %sign3A_1068 : i32
      %sign3A_1070 = arith.extui %sign3A_1069 : i1 to i32
      %sign3A_1071 = arith.subi %sign3A_1067, %sign3A_1070 : i32
      %ne3A_1072 = arith.cmpi ne, %sign3A_1064, %sign3A_1071 : i32
      %rem3A_1073 = arith.remsi %add3A_1055, %jit3A_1056 : i32
      %ne3A_1074 = arith.constant 0 : i32
      %ne3A_1075 = arith.cmpi ne, %rem3A_1073, %ne3A_1074 : i32
      %and3A_1076 = arith.andi %ne3A_1072, %ne3A_1075 : i1
      %sub3A_1077 = arith.constant 1 : i32
      %sub3A_1078 = arith.subi %div3A_1057, %sub3A_1077 : i32
      %select_n3A_1079 = arith.select %and3A_1076, %sub3A_1078, %div3A_1057 : i32
      %jit3A_1080 = arith.constant 32 : i32
      %eq3A_1081 = arith.constant 0 : i32
      %eq3A_1082 = arith.cmpi eq, %jit3A_1080, %eq3A_1081 : i32
      %jit3A_1083 = arith.constant 1 : i32
      %select_n3A_1084 = arith.select %eq3A_1082, %jit3A_1083, %jit3A_1080 : i32
      %rem3A_1085 = arith.remsi %add3A_1055, %select_n3A_1084 : i32
      %ne3A_1086 = arith.constant 0 : i32
      %ne3A_1087 = arith.cmpi ne, %rem3A_1085, %ne3A_1086 : i32
      %lt3A_1088 = arith.constant 0 : i32
      %lt3A_1089 = arith.cmpi slt, %rem3A_1085, %lt3A_1088 : i32
      %lt3A_1090 = arith.constant 0 : i32
      %lt3A_1091 = arith.cmpi slt, %select_n3A_1084, %lt3A_1090 : i32
      %ne3A_1092 = arith.xori %lt3A_1089, %lt3A_1091 : i1
      %and3A_1093 = arith.andi %ne3A_1092, %ne3A_1087 : i1
      %add3A_1094 = arith.addi %rem3A_1085, %select_n3A_1084 : i32
      %select_n3A_1095 = arith.select %and3A_1093, %add3A_1094, %rem3A_1085 : i32
      %mul3A_1096 = arith.constant 4 : i32
      %mul3A_1097 = arith.muli %select_n3A_1095, %mul3A_1096 : i32
      %mul3A_1098 = arith.constant 8 : i32
      %mul3A_1099 = arith.muli %mul3A_1097, %mul3A_1098 : i32
      %mul3A_1100 = arith.constant 128 : i32
      %mul3A_1101 = arith.muli %mul3A_1099, %mul3A_1100 : i32
      %dma_start3A_1102 = arith.constant 0 : i32
      %dma_start3A_1103 = arith.constant 0 : i32
      %dma_start3A_1104 = tpu.memref_slice %arg14[%dma_start3A_1103] : memref<16384xf32, #tpu.memory_space<vmem>> -> memref<4096xf32, #tpu.memory_space<vmem>>
      %dma_start3A_1105 = tpu.memref_slice %arg4[%select_n3A_1079, %dma_start3A_1102, %mul3A_1101] : memref<200x4x131072xf32, #tpu.memory_space<hbm>> -> memref<1x1x4096xf32, #tpu.memory_space<hbm>>
      %dma_start3A_1106 = tpu.memref_squeeze %dma_start3A_1105 : memref<1x1x4096xf32, #tpu.memory_space<hbm>> -> memref<4096xf32, #tpu.memory_space<hbm>>
      %dma_start3A_1107 = tpu.memref_slice %arg4[%select_n3A_1079, %dma_start3A_1102, %mul3A_1101] : memref<200x4x131072xf32, #tpu.memory_space<hbm>> -> memref<1x1x4096xf32, #tpu.memory_space<hbm>>
      %dma_start3A_1108 = tpu.memref_squeeze %dma_start3A_1107 : memref<1x1x4096xf32, #tpu.memory_space<hbm>> -> memref<4096xf32, #tpu.memory_space<hbm>>
      %dma_start3A_1109 = arith.constant 0 : i32
      %dma_start3A_1110 = tpu.memref_slice %arg14[%dma_start3A_1109] : memref<16384xf32, #tpu.memory_space<vmem>> -> memref<4096xf32, #tpu.memory_space<vmem>>
      tpu.enqueue_dma source(%dma_start3A_1110 : memref<4096xf32, #tpu.memory_space<vmem>>) target(%dma_start3A_1108 : memref<4096xf32, #tpu.memory_space<hbm>>) target_semaphore(%arg26 : memref<!tpu.dma_semaphore, #tpu.memory_space<semaphore_mem>>)
      %dma_start3A_1111 = arith.constant 1 : i32
      %dma_start3A_1112 = arith.constant 4096 : i32
      %dma_start3A_1113 = tpu.memref_slice %arg14[%dma_start3A_1112] : memref<16384xf32, #tpu.memory_space<vmem>> -> memref<4096xf32, #tpu.memory_space<vmem>>
      %dma_start3A_1114 = tpu.memref_slice %arg4[%select_n3A_1079, %dma_start3A_1111, %mul3A_1101] : memref<200x4x131072xf32, #tpu.memory_space<hbm>> -> memref<1x1x4096xf32, #tpu.memory_space<hbm>>
      %dma_start3A_1115 = tpu.memref_squeeze %dma_start3A_1114 : memref<1x1x4096xf32, #tpu.memory_space<hbm>> -> memref<4096xf32, #tpu.memory_space<hbm>>
      %dma_start3A_1116 = tpu.memref_slice %arg4[%select_n3A_1079, %dma_start3A_1111, %mul3A_1101] : memref<200x4x131072xf32, #tpu.memory_space<hbm>> -> memref<1x1x4096xf32, #tpu.memory_space<hbm>>
      %dma_start3A_1117 = tpu.memref_squeeze %dma_start3A_1116 : memref<1x1x4096xf32, #tpu.memory_space<hbm>> -> memref<4096xf32, #tpu.memory_space<hbm>>
      %dma_start3A_1118 = arith.constant 4096 : i32
      %dma_start3A_1119 = tpu.memref_slice %arg14[%dma_start3A_1118] : memref<16384xf32, #tpu.memory_space<vmem>> -> memref<4096xf32, #tpu.memory_space<vmem>>
      tpu.enqueue_dma source(%dma_start3A_1119 : memref<4096xf32, #tpu.memory_space<vmem>>) target(%dma_start3A_1117 : memref<4096xf32, #tpu.memory_space<hbm>>) target_semaphore(%arg26 : memref<!tpu.dma_semaphore, #tpu.memory_space<semaphore_mem>>)
      %dma_start3A_1120 = arith.constant 2 : i32
      %dma_start3A_1121 = arith.constant 8192 : i32
      %dma_start3A_1122 = tpu.memref_slice %arg14[%dma_start3A_1121] : memref<16384xf32, #tpu.memory_space<vmem>> -> memref<4096xf32, #tpu.memory_space<vmem>>
      %dma_start3A_1123 = tpu.memref_slice %arg4[%select_n3A_1079, %dma_start3A_1120, %mul3A_1101] : memref<200x4x131072xf32, #tpu.memory_space<hbm>> -> memref<1x1x4096xf32, #tpu.memory_space<hbm>>
      %dma_start3A_1124 = tpu.memref_squeeze %dma_start3A_1123 : memref<1x1x4096xf32, #tpu.memory_space<hbm>> -> memref<4096xf32, #tpu.memory_space<hbm>>
      %dma_start3A_1125 = tpu.memref_slice %arg4[%select_n3A_1079, %dma_start3A_1120, %mul3A_1101] : memref<200x4x131072xf32, #tpu.memory_space<hbm>> -> memref<1x1x4096xf32, #tpu.memory_space<hbm>>
      %dma_start3A_1126 = tpu.memref_squeeze %dma_start3A_1125 : memref<1x1x4096xf32, #tpu.memory_space<hbm>> -> memref<4096xf32, #tpu.memory_space<hbm>>
      %dma_start3A_1127 = arith.constant 8192 : i32
      %dma_start3A_1128 = tpu.memref_slice %arg14[%dma_start3A_1127] : memref<16384xf32, #tpu.memory_space<vmem>> -> memref<4096xf32, #tpu.memory_space<vmem>>
      tpu.enqueue_dma source(%dma_start3A_1128 : memref<4096xf32, #tpu.memory_space<vmem>>) target(%dma_start3A_1126 : memref<4096xf32, #tpu.memory_space<hbm>>) target_semaphore(%arg26 : memref<!tpu.dma_semaphore, #tpu.memory_space<semaphore_mem>>)
      %dma_start3A_1129 = arith.constant 3 : i32
      %dma_start3A_1130 = arith.constant 12288 : i32
      %dma_start3A_1131 = tpu.memref_slice %arg14[%dma_start3A_1130] : memref<16384xf32, #tpu.memory_space<vmem>> -> memref<4096xf32, #tpu.memory_space<vmem>>
      %dma_start3A_1132 = tpu.memref_slice %arg4[%select_n3A_1079, %dma_start3A_1129, %mul3A_1101] : memref<200x4x131072xf32, #tpu.memory_space<hbm>> -> memref<1x1x4096xf32, #tpu.memory_space<hbm>>
      %dma_start3A_1133 = tpu.memref_squeeze %dma_start3A_1132 : memref<1x1x4096xf32, #tpu.memory_space<hbm>> -> memref<4096xf32, #tpu.memory_space<hbm>>
      %dma_start3A_1134 = tpu.memref_slice %arg4[%select_n3A_1079, %dma_start3A_1129, %mul3A_1101] : memref<200x4x131072xf32, #tpu.memory_space<hbm>> -> memref<1x1x4096xf32, #tpu.memory_space<hbm>>
      %dma_start3A_1135 = tpu.memref_squeeze %dma_start3A_1134 : memref<1x1x4096xf32, #tpu.memory_space<hbm>> -> memref<4096xf32, #tpu.memory_space<hbm>>
      %dma_start3A_1136 = arith.constant 12288 : i32
      %dma_start3A_1137 = tpu.memref_slice %arg14[%dma_start3A_1136] : memref<16384xf32, #tpu.memory_space<vmem>> -> memref<4096xf32, #tpu.memory_space<vmem>>
      tpu.enqueue_dma source(%dma_start3A_1137 : memref<4096xf32, #tpu.memory_space<vmem>>) target(%dma_start3A_1135 : memref<4096xf32, #tpu.memory_space<hbm>>) target_semaphore(%arg26 : memref<!tpu.dma_semaphore, #tpu.memory_space<semaphore_mem>>)
    }
    %scan3A_652 = arith.constant 50 : i32
    %dma_wait3A_653 = arith.constant 0 : i32
    %dma_wait3A_654 = arith.constant 0 : i32
    %dma_wait3A_655 = arith.constant 0 : i32
    %dma_wait3A_656 = tpu.memref_slice %arg4[%dma_wait3A_653, %dma_wait3A_654, %dma_wait3A_655] : memref<200x4x131072xf32, #tpu.memory_space<hbm>> -> memref<1x1x16384xf32, #tpu.memory_space<hbm>>
    %dma_wait3A_657 = tpu.memref_squeeze %dma_wait3A_656 : memref<1x1x16384xf32, #tpu.memory_space<hbm>> -> memref<16384xf32, #tpu.memory_space<hbm>>
    %dma_wait3A_658 = arith.constant 0 : i32
    %dma_wait3A_659 = tpu.memref_slice %arg4[%dma_wait3A_653, %dma_wait3A_654, %dma_wait3A_658] : memref<200x4x131072xf32, #tpu.memory_space<hbm>> -> memref<1x1x16384xf32, #tpu.memory_space<hbm>>
    %dma_wait3A_660 = tpu.memref_squeeze %dma_wait3A_659 : memref<1x1x16384xf32, #tpu.memory_space<hbm>> -> memref<16384xf32, #tpu.memory_space<hbm>>
    tpu.wait_dma2 semaphore(%arg25 : memref<!tpu.dma_semaphore, #tpu.memory_space<semaphore_mem>>) src(%arg13 : memref<16384xf32, #tpu.memory_space<vmem>>) dst(%dma_wait3A_660 : memref<16384xf32, #tpu.memory_space<hbm>>)
    %dma_wait3A_661 = arith.constant 0 : i32
    %dma_wait3A_662 = arith.constant 0 : i32
    %dma_wait3A_663 = arith.constant 0 : i32
    %dma_wait3A_664 = tpu.memref_slice %arg4[%dma_wait3A_661, %dma_wait3A_662, %dma_wait3A_663] : memref<200x4x131072xf32, #tpu.memory_space<hbm>> -> memref<1x1x16384xf32, #tpu.memory_space<hbm>>
    %dma_wait3A_665 = tpu.memref_squeeze %dma_wait3A_664 : memref<1x1x16384xf32, #tpu.memory_space<hbm>> -> memref<16384xf32, #tpu.memory_space<hbm>>
    %dma_wait3A_666 = arith.constant 0 : i32
    %dma_wait3A_667 = tpu.memref_slice %arg4[%dma_wait3A_661, %dma_wait3A_662, %dma_wait3A_666] : memref<200x4x131072xf32, #tpu.memory_space<hbm>> -> memref<1x1x16384xf32, #tpu.memory_space<hbm>>
    %dma_wait3A_668 = tpu.memref_squeeze %dma_wait3A_667 : memref<1x1x16384xf32, #tpu.memory_space<hbm>> -> memref<16384xf32, #tpu.memory_space<hbm>>
    tpu.wait_dma2 semaphore(%arg26 : memref<!tpu.dma_semaphore, #tpu.memory_space<semaphore_mem>>) src(%arg14 : memref<16384xf32, #tpu.memory_space<vmem>>) dst(%dma_wait3A_668 : memref<16384xf32, #tpu.memory_space<hbm>>)
    return
  }
}

</mosaic_0001>

<sc_bundles>
// kernel: kernel.3.cloned.1.call-start
scs
__scs_entry_jumppad:
0x0: {  	(pc) =	sbr.rel $0x88, $3  }
0x1: {  	(tag) =	ssettag $0x0;
	lr =	simm.s32 $0x1  }
0x2: {  	[smem:$0x3F9F] =	sst lr;
	_ =	strace $0xD0000000  }
0x3: {  	_ = 	snop  }
0x4: {  	_ = 	snop  }
0x5: {  	_ = 	snop  }
0x6: {  	_ = 	snop  }
0x7: {  	_ = 	snop  }
__scs_overlays_trampoline_lowered:
0x8: {  	[smem:$0x3FAE] =	sst s0  }
0x9: {  	[smem:$0x3FAF] =	sst s1  }
0xa: {  	[smem:$0x3FB0] =	sst s2  }
0xb: {  	[smem:$0x3FB1] =	sst s3  }
0xc: {  	[smem:$0x3FB2] =	sst s4  }
0xd: {  	[smem:$0x3FB3] =	sst s5  }
0xe: {  	[smem:$0x3FB4] =	sst s6  }
0xf: {  	[smem:$0x3FB5] =	sst s7  }
0x10: {  	[smem:$0x3FB6] =	sst s8  }
0x11: {  	[smem:$0x3FB7] =	sst s9;
	s0 =	simm.s32 @!p0 $0x0  }
0x12: {  	s1 =	sld [smem:$0x3F9D];
	s0 =	simm.s32 @p0 $0x1  }
0x13: {  	[smem:$0x3FB8] =	sst s0;
	s0 =	simm.s32 @!p1 $0x0  }
0x14: {  	s2 =	sld [smem:$0x3F9C];
	s0 =	simm.s32 @p1 $0x1  }
0x15: {  	[smem:$0x3FB9] =	sst s0;
	s0 =	simm.s32 @!p2 $0x0  }
0x16: {  	s3 =	sld [smem:$0x3FDB];
	s0 =	simm.s32 @p2 $0x1  }
0x17: {  	s4 =	simm.s32 $0x1BF5;
	[smem:$0x3FBB] =	sst s0  }
0x18: {  	s0 =	sld [smem:$0x3F9E];
	_ =	swait.ge [sflag:s4], $0x0  }
0x19: {  	s7 =	sld [smem:$0x3F9F]  }
0x1a: {  	s8 =	sadd.s32 $0xFFFFE003, lr  }
0x1b: {  	s9 =	sadd.s32 $0xFFFFFEF7, lr;
	s5 =	simm.s32 $0xFFFFFFFF;
	p2 =	slt.u32 s8, $0xFFFFF086  }
0x1c: {  	p1 =	slt.u32 s9, $0xF7A;
	s5 =	simm.s32 @!p2 $0x0  }
0x1d: {  	s5 =	simm.s32 @p1 $0x1;
	p0 =	seq.s32 s7, s2  }
0x1e: {  	s7 =	smul.u32 @!p0 $0xF7A, s2;
	p2 =	seq.s32 @!p0 s5, $0x0  }
0x1f: {  	s9 =	smul.u32 $0xF7A, s1;
	s8 =	simm.s32 @!p0 $0x1BF5;
	p2 =	por !p2, p0  }
0x20: {  	[sflag:s8] =	ssyncset.s32 @!p0 $0xFFFFF086;
	s6 =	sadd.s32 @!p0 s3, s7;
	s7 =	simm.s32 @!p0 $0x108  }
0x21: {  	s3 =	sadd.s32 s3, s9;
	s6 =	sadd.s32 @!p0 $0x88, s6;
	s7 =	simm.s32 @p2 $0x1082  }
0x22: {  	[simem:s7], [sflag:s8] =	dma.local @!p0 [hbm:s6], $0xF7A  }
0x23: {  	s9 =	sor.u32 $0xD0000000, s2;
	s6 =	simm.s32 $0x108;
	_ =	swait.ge @!p0 [sflag:s8], $0x0  }
0x24: {  	s3 =	sadd.s32 $0x88, s3;
	s6 =	simm.s32 @!p1 $0x1082;
	[sflag:s4] =	ssyncset.s32 $0xFFFFF086  }
0x25: {  	[simem:s6], [sflag:s4] =	dma.local [hbm:s3], $0xF7A  }
0x26: {  	[smem:$0x3F9F] =	sst s1;
	(tag) =	ssettag s2;
	_ =	strace s9  }
0x27: {  	s1 =	sld [smem:$0x3FAF]  }
0x28: {  	s2 =	sld [smem:$0x3FB0]  }
0x29: {  	s4 =	sld [smem:$0x3FB2]  }
0x2a: {  	p0 =	seq.s32 s5, $0x0;
	s5 =	sld [smem:$0x3FB3]  }
0x2b: {  	s6 =	sld [smem:$0x3FB4]  }
0x2c: {  	s7 =	sld [smem:$0x3FB5]  }
0x2d: {  	s3 =	simm.s32 $0x108;
	s8 =	sld [smem:$0x3FB6]  }
0x2e: {  	s3 =	simm.s32 @!p0 $0x1082;
	s9 =	sld [smem:$0x3FB7]  }
0x2f: {  	lr =	sadd.s32 s0, s3;
	s0 =	sld [smem:$0x3FAE]  }
0x30: {  	s3 =	sld [smem:$0x3FB1]  }
0x31: {  	[smem:$0x3FBA] =	sst s10  }
0x32: {  	s10 =	sld [smem:$0x3FB8];
	_ =	sdelay $0x3  }
0x33: {  	p0 =	seq.s32 s10, $0x1;
	s10 =	sld [smem:$0x3FBA];
	_ =	sdelay $0x3  }
0x34: {  	[smem:$0x3FBA] =	sst s10  }
0x35: {  	s10 =	sld [smem:$0x3FB9];
	_ =	sdelay $0x3  }
0x36: {  	p1 =	seq.s32 s10, $0x1;
	s10 =	sld [smem:$0x3FBA];
	_ =	sdelay $0x3  }
0x37: {  	[smem:$0x3FBA] =	sst s10  }
0x38: {  	s10 =	sld [smem:$0x3FBB]  }
0x39: {  	_ = 	snop;
	(pc) =	sbr.ind lr, $3  }
0x3a: {  	_ = 	snop  }
0x3b: {  	_ = 	snop  }
0x3c: {  	p2 =	seq.s32 s10, $0x1;
	s10 =	sld [smem:$0x3FBA]  }
0x3d: {  	_ =	shalt  }
0x3e: {  	_ =	shalt  }
0x3f: {  	_ =	shalt  }
0x40: {  	_ =	shalt  }
0x41: {  	_ =	shalt  }
0x42: {  	_ =	shalt  }
0x43: {  	_ =	shalt  }
0x44: {  	_ =	shalt  }
0x45: {  	_ =	shalt  }
0x46: {  	_ =	shalt  }
0x47: {  	_ =	shalt  }
0x48: {  	_ =	shalt  }
0x49: {  	_ =	shalt  }
0x4a: {  	_ =	shalt  }
0x4b: {  	_ =	shalt  }
0x4c: {  	_ =	shalt  }
0x4d: {  	_ =	shalt  }
0x4e: {  	_ =	shalt  }
0x4f: {  	_ =	shalt  }
0x50: {  	_ =	shalt  }
0x51: {  	_ =	shalt  }
0x52: {  	_ =	shalt  }
0x53: {  	_ =	shalt  }
0x54: {  	_ =	shalt  }
0x55: {  	_ =	shalt  }
0x56: {  	_ =	shalt  }
0x57: {  	_ =	shalt  }
0x58: {  	_ =	shalt  }
0x59: {  	_ =	shalt  }
0x5a: {  	_ =	shalt  }
0x5b: {  	_ =	shalt  }
0x5c: {  	_ =	shalt  }
0x5d: {  	_ =	shalt  }
0x5e: {  	_ =	shalt  }
0x5f: {  	_ =	shalt  }
0x60: {  	_ =	shalt  }
0x61: {  	_ =	shalt  }
0x62: {  	_ =	shalt  }
0x63: {  	_ =	shalt  }
0x64: {  	_ =	shalt  }
0x65: {  	_ =	shalt  }
0x66: {  	_ =	shalt  }
0x67: {  	_ =	shalt  }
0x68: {  	_ =	shalt  }
0x69: {  	_ =	shalt  }
0x6a: {  	_ =	shalt  }
0x6b: {  	_ =	shalt  }
0x6c: {  	_ =	shalt  }
0x6d: {  	_ =	shalt  }
0x6e: {  	_ =	shalt  }
0x6f: {  	_ =	shalt  }
0x70: {  	_ =	shalt  }
0x71: {  	_ =	shalt  }
0x72: {  	_ =	shalt  }
0x73: {  	_ =	shalt  }
0x74: {  	_ =	shalt  }
0x75: {  	_ =	shalt  }
0x76: {  	_ =	shalt  }
0x77: {  	_ =	shalt  }
0x78: {  	_ =	shalt  }
0x79: {  	_ =	shalt  }
0x7a: {  	_ =	shalt  }
0x7b: {  	_ =	shalt  }
0x7c: {  	_ =	shalt  }
0x7d: {  	_ =	shalt  }
0x7e: {  	_ =	shalt  }
0x7f: {  	_ =	shalt  }
0x80: {  	_ =	shalt  }
0x81: {  	_ =	shalt  }
0x82: {  	_ =	shalt  }
0x83: {  	_ =	shalt  }
0x84: {  	_ =	shalt  }
0x85: {  	_ =	shalt  }
0x86: {  	_ =	shalt  }
0x87: {  	_ =	shalt  }
.Lfunc_end0:
.L_simem_size_0:
called_computation.1_lowered:
.L_overlay_start_0:
0x88: {  	s2 =	sld [smem:$0x3FD9]  }
0x89: {  	s3 =	sld [smem:$0x3FFE];
	_ =	sdelay $0x1  }
0x8a: {  	s1 =	srdreg.scid  }
0x8b: {  	s0 =	sand.u32 $0x1, s1  }
0x8c: {  	s17 =	sshll.u32 s0, $0xA;
	s2 =	sadd.s32 s3, s2  }
0x8d: {  	s2 =	sadd.s32 s2, s17  }
0x8e: {  	[smem:$0x3FC6] =	sst s2  }
0x8f: {  	_ = 	snop  }
0x90: {  	s2 =	sld [smem:$0x3FD0];
	(tm) =	ssettm $0x1  }
0x91: {  	s18 =	sld [smem:$0x3FFB];
	_ =	sdelay $0x3  }
0x92: {  	_ =	strace s18  }
0x93: {  	s3 =	sld [smem:$0x3FFC];
	_ =	sdelay $0x3  }
0x94: {  	_ =	strace s3  }
0x95: {  	s3 =	sld [smem:$0x3FFD];
	_ =	sdelay $0x3  }
0x96: {  	_ =	strace s3  }
0x97: {  	_ =	strace $0x8FFFFFFF  }
0x98: {  	s19 =	sld [smem:$0x3FDB];
	_ =	sdelay $0x1  }
0x99: {  	s4 =	simm.s32 $_scs_section_size  }
0x9a: {  	s5 =	simm.s32 $_size__tile_overlayer_lowered;
	s6 =	simm.s32 $_tile_overlayer_lowered  }
0x9b: {  	s22 =	simm.s32 $0x1BFF;
	s21 =	sshll.u32 s6, $0x1;
	s3 =	sadd.s32 s4, s19  }
0x9c: {  	s7 =	simm.s32 $0x0;
	s20 =	sshll.u32 s5, $0x1;
	s5 =	sadd.s32 s21, s3  }
0x9d: {  	[timem:s7], [sflag:s22] =	dma.local [hbm:s5], s20  }
0x9e: {  	_ =	swait.ge [sflag:s22], s20  }
0x9f: {  	s4 =	ssub.s32 $0x0, s20;
	[sflag:s22] =	ssyncset.done $0x0  }
0xa0: {  	[sflag:s22] =	ssyncadd.s32 s4;
	_ =	sdelay $0x1  }
0xa1: {  	s23 =	simm.s32 $0x1B8B  }
0xa2: {  	_ =	swait.ge [sflag:s23], $0x1  }
0xa3: {  	[sflag:s23] =	ssyncset.done $0x0  }
0xa4: {  	s25 =	simm.s32 $0x1B8E;
	s24 =	sld [smem:$0x3FFE];
	[sflag:s23] =	ssyncadd.s32 $0xFFFFFFFF  }
0xa5: {  	s26 =	simm.s32 $execute0_lowered;
	[smem:$0x3FD2] =	sst s25  }
0xa6: {  	s5 =	sshll.u32 s26, $0x1;
	_ =	strace $0x80000049;
	[dreg:$0x1] =	wrdreg $0xFFFFFFFF  }
0xa7: {  	s28 =	simm.s32 $_size_execute0_lowered;
	s3 =	sadd.s32 s3, s5;
	[dreg:$0x0] =	wrdreg $0x0  }
0xa8: {  	s5 =	sshll.u32 s28, $0x1;
	[dreg:$0x2] =	wrdreg s3  }
0xa9: {  	[dreg:$0x3] =	wrdreg s5  }
0xaa: {  	[dreg:$0x4] =	wrdreg $0xC0  }
0xab: {  	_ =	task [dreg:s7], $0x5FFFF  }
0xac: {  	[dreg:$0x1] =	wrdreg $0xFFFFFFFF  }
0xad: {  	[dreg:$0x0] =	wrdreg $0x60  }
0xae: {  	[dreg:$0x2] =	wrdreg s24  }
0xaf: {  	[dreg:$0x3] =	wrdreg s2  }
0xb0: {  	[dreg:$0x4] =	wrdreg $0x9  }
0xb1: {  	_ =	task.clear_ibuf [dreg:s7], $0x5FFFF;
	_ =	strace $0x90000049  }
0xb2: {  	s29 =	simm.s32 $0x9;
	_ =	strace $0x8000004B  }
0xb3: {  	_ =	swait.ge [sflag:s29], $0x1  }
0xb4: {  	[sflag:s29] =	ssyncadd.s32 $0xFFFFFFFF  }
0xb5: {  	_ =	strace $0x9000004B  }
0xb6: {  	_ =	sfence  }
0xb7: {  	s30 =	sld [smem:$0x0];
	_ =	sdelay $0x2  }
0xb8: {  	s31 =	sshll.u32 s1, $0xD;
	s1 =	sshrl.u32 s1, $0x2  }
0xb9: {  	s3 =	sand.u32 $0x4000, s31;
	s1 =	sadd.s32 s1, s30  }
0xba: {  	s0 =	sor.u32 s3, s0;
	s1 =	sshll.u32 s1, $0x11  }
0xbb: {  	s0 =	sor.u32 s1, s0  }
0xbc: {  	s0 =	sadd.s32 $0x8F2B, s0  }
0xbd: {  	[sflag:s0] =	ssyncadd.remote.s32 $0x1  }
0xbe: {  	_ =	sfence.sel $0xFFFF  }
0xbf: {  	[dreg:$0x0] =	wrdreg $0xFFFFFFFF;
	(pc) =	sbr.abs _section_cstart, $3  }
0xc0: {  	[dreg:$0x1] =	wrdreg $0xFFFFFFFF  }
0xc1: {  	_ =	task.clear_ibuf [dreg:s7], $0x2FFFF;
	_ =	strace $0x9FFFFFFF  }
0xc2: {  	(tm) =	ssettm $0x7FFFFFFF  }
0xc3: {  	_ =	shalt  }
tec
execute0_lowered:
.L_overlay_start_1:
0x0: {  	(tag) =	ssettag $0x1  }
0x1: {  	s0 =	srdreg.scid;
	s1 =	stileid.u32  }
0x2: {  	s0 =	sand.u32 $0x1, s0;
	s1 =	sshll.u32 s1, $0x1  }
0x3: {  	s1 =	sor.u32 s0, s1  }
0x4: {  	s4 =	smul.u32 $0x19000, s1  }
0x5: {  	s5 =	rddreg [dreg:$0x0];
	s6 =	smul.u32 $0x320, s1  }
0x6: {  	s2 =	rddreg [dreg:$0x1];
	s3 =	simm.s32 $0x0  }
0x7: {  	s0 =	ssub.s32 $0x2, s0;
	s7 =	sshll.u32 s1, $0xF;
	s4 =	sor.u32 s4, s6  }
0x8: {  	s13 =	sshrl.u32 s0, $0x1;
	s11 =	sand.u32 $0x18000, s7;
	s12 =	sand.u32 $0x3E0380, s4  }
0x9: {  	[smem:$0x7FF] =	sst s3;
	s0 =	ssub.s32 s0, s13;
	s6 =	sor.u32 s11, s12  }
0xa: {  	s0 =	smax.u32 s0, $0x1;
	s4 =	sadd.s32 $0xF42E00, s5;
	s8 =	sshrl.u32 s6, $0x3  }
0xb: {  	_ =	strace $0x8000004A;
	[dreg:$0x12] =	wrdreg s0;
	s14 =	sadd.s32 s4, s8  }
0xc: {  	v0 =	vimm.s32 $0x1E17;
	vm0 =	vcmask $0x300;
	v1 =	vimm.s32 $0x3E37;
	s15 =	sadd.s32 $0x80, s14;
	[dreg:$0x3] =	wrdreg s14  }
0xd: {  	vm1 =	vcmask $0x704;
	v0 =	vsel vm0, $0x0, v0;
	v1 =	vsel vm0, $0x2020, v1;
	s16 =	sadd.s32 $0x100, s14;
	[dreg:$0x4] =	wrdreg s15  }
0xe: {  	vm15 =	vcmask $0xB08;
	v0 =	vsel vm1, $0x201, v0;
	v1 =	vsel vm1, $0x2221, v1;
	s17 =	sadd.s32 $0x180, s14;
	[dreg:$0x5] =	wrdreg s16  }
0xf: {  	vm4 =	vcmask $0xF0C;
	v0 =	vsel vm15, $0x402, v0;
	v1 =	vsel vm15, $0x2422, v1;
	s18 =	sadd.s32 $0x200, s14;
	[dreg:$0x6] =	wrdreg s17  }
0x10: {  	s28 =	simm.s32 $0x80;
	vm5 =	vcmask $0x1310;
	v0 =	vsel vm4, $0x603, v0;
	v1 =	vsel vm4, $0x2623, v1;
	s19 =	sadd.s32 $0x280, s14;
	[dreg:$0x7] =	wrdreg s18  }
0x11: {  	vm6 =	vcmask $0x1714;
	s30 =	simm.s32 $0x600;
	v0 =	vsel vm5, $0x804, v0;
	v1 =	vsel vm5, $0x2824, v1;
	s20 =	sadd.s32 $0x300, s14;
	[dreg:$0x8] =	wrdreg s19  }
0x12: {  	vm7 =	vcmask $0x1B18;
	s29 =	simm.s32 $0x18800;
	v0 =	vsel vm6, $0xA05, v0;
	v1 =	vsel vm6, $0x2A25, v1;
	s21 =	sadd.s32 $0x380, s14;
	[dreg:$0x9] =	wrdreg s20  }
0x13: {  	vm8 =	vcmask $0x1F1C;
	s10 =	simm.s32 $0x9;
	v0 =	vsel vm7, $0xC06, v0;
	v1 =	vsel vm7, $0x2C26, v1;
	s22 =	sadd.s32 $0x400, s14;
	[dreg:$0xa] =	wrdreg s21  }
0x14: {  	vm9 =	vcmask $0x2320;
	s13 =	simm.s32 $0x3;
	v0 =	vsel vm8, $0xE07, v0;
	v1 =	vsel vm8, $0x2E27, v1;
	s23 =	sadd.s32 $0x480, s14;
	[dreg:$0xb] =	wrdreg s22  }
0x15: {  	vm10 =	vcmask $0x2724;
	s6 =	smul.u32 $0xC8, s1;
	v0 =	vsel vm9, $0x1010, v0;
	v1 =	vsel vm9, $0x3030, v1;
	s24 =	sadd.s32 $0x500, s14;
	[dreg:$0xc] =	wrdreg s23  }
0x16: {  	vm11 =	vcmask $0x2B28;
	s5 =	sadd.s32 $0xFA6E00, s5;
	s1 =	sadd.s32 $0x580, s14;
	v0 =	vsel vm10, $0x1211, v0;
	v1 =	vsel vm10, $0x3231, v1;
	[dreg:$0xd] =	wrdreg s24  }
.Ltmp0:
0x17: {  	vm12 =	vcmask $0x2F2C;
	s25 =	sor.u32 $0x4, s6;
	[dreg:$0xe] =	wrdreg s1;
	v0 =	vsel vm11, $0x1412, v0;
	v1 =	vsel vm11, $0x3432, v1;
	(pc) =	sbr.rel .LBB2_1-.Ltmp0, $4  }
0x18: {  	vm13 =	vcmask $0x3330;
	s26 =	sor.u32 $0x5, s6;
	s31 =	sor.u32 $0x6, s6;
	[dreg:$0xf] =	wrdreg s25;
	v0 =	vsel vm12, $0x1613, v0;
	v1 =	vsel vm12, $0x3633, v1  }
0x19: {  	vm14 =	vcmask $0x3734;
	s14 =	simm.s32 $0x4;
	s19 =	sadd.s32 $0x4000, s2;
	[dreg:$0x10] =	wrdreg s26;
	v0 =	vsel vm13, $0x1814, v0;
	v1 =	vsel vm13, $0x3834, v1  }
0x1a: {  	vm15 =	vcmask $0x3B38;
	s20 =	sadd.s32 $0x8000, s2;
	s21 =	sadd.s32 $0xC000, s2;
	[dreg:$0x11] =	wrdreg s31;
	v0 =	vsel vm14, $0x1A15, v0;
	v1 =	vsel vm14, $0x3A35, v1  }
0x1b: {  	v2 =	vlaneseq.u32;
	s22 =	simm.s32 $0x8;
	s23 =	simm.s32 $0xA;
	s1 =	simm.s32 $0x0;
	v0 =	vsel vm15, $0x1C16, v0;
	v1 =	vsel vm15, $0x3C36, v1  }
.LBB2_34:
0x1c: {  	_ =	swait.ge [sflag:s10], $0x4000  }
0x1d: {  	[sflag:s10] =	ssyncset.done $0x0  }
0x1e: {  	[sflag:s10] =	ssyncadd.s32 $0xFFFFC000  }
0x1f: {  	_ =	swait.ge [sflag:s23], $0x4000  }
0x20: {  	s1 =	rddreg [dreg:$0x13]  }
0x21: {  	s0 =	rddreg [dreg:$0x12];
	s1 =	sadd.s32 $0x1, s1  }
0x22: {  	p0 =	sne.s32 s1, s0  }
.Ltmp1:
0x23: {  	_ = 	snop;
	(pc) =	sbr.rel @!p0 .LBB2_35-.Ltmp1, $3  }
0x24: {  	_ =	sdelay $0x1  }
0x25: {  	[sflag:s23] =	ssyncset.done $0x0  }
0x26: {  	[sflag:s23] =	ssyncadd.s32 $0xFFFFC000  }
.LBB2_1:
0x27: {  	[dreg:$0x13] =	wrdreg s1;
	s0 =	sand.u32 $0xF8, s3  }
0x28: {  	p0 =	por $0x1, $0x1;
	s31 =	simm.s32 $0x0;
	p1 =	sne.s32 s0, $0x0  }
0x29: {  	s7 =	simm.s32 $0x1;
	s8 =	sand.u32 $0x180, s3;
	p0 =	por !p0, !p1  }
0x2a: {  	s11 =	sand.u32 $0x70, s3;
	s15 =	simm.s32 $0x2;
	p0 =	por !p0, !p0  }
0x2b: {  	s0 =	sand.u32 $0x7, s31;
	s8 =	sor.u32 s8, s11;
	s7 =	simm.s32 @!p0 $0x0  }
0x2c: {  	s11 =	simm.s32 $0x0;
	s0 =	smul.u32 $0x201, s0;
	s9 =	ssub.s32 $0x0, s7  }
0x2d: {  	p1 =	por $0x1, $0x1;
	s7 =	simm.s32 $0x1;
	s9 =	smul.u32 $0x1010, s9  }
0x2e: {  	s0 =	sadd.s32 s0, s8;
	s8 =	simm.s32 $0x0;
	s17 =	sand.u32 $0xF8, s7  }
0x2f: {  	s16 =	sadd.s32 s9, s0;
	s0 =	simm.s32 $0x0;
	s9 =	simm.s32 $0x0  }
.LBB2_2:
0x30: {  	p0 =	sne.s32 s15, $0x3FF;
	p2 =	sne.s32 s17, $0x0;
	[smem:s0] =	sst s16  }
0x31: {  	s16 =	smov.u32 s7;
	s7 =	smov.u32 s15;
	s8 =	sadd.s32 $0x2, s8  }
0x32: {  	s9 =	sadd.s32 $0x10, s9;
	s17 =	simm.s32 $0x1;
	p1 =	por !p1, !p2  }
0x33: {  	s11 =	sand.u32 $0x7, s11;
	s16 =	sshrl.u32 s16, $0x8;
	p1 =	por !p1, !p1  }
.Ltmp2:
0x34: {  	s18 =	sand.u32 $0x180, s8;
	s17 =	simm.s32 @!p1 $0x0;
	(pc) =	sbr.rel @p0 .LBB2_2-.Ltmp2, $4  }
0x35: {  	s24 =	smul.u32 $0x201, s11;
	s11 =	sand.u32 $0x70, s9;
	s16 =	ssub.s32 s16, s17  }
0x36: {  	s0 =	sadd.s32 $0x1, s0;
	s18 =	sor.u32 s18, s11;
	s16 =	smul.u32 $0x1010, s16  }
0x37: {  	s11 =	sshrl.u32 s15, $0x3;
	s18 =	sadd.s32 s24, s18;
	s17 =	sand.u32 $0xF8, s15  }
0x38: {  	p1 =	seq.s32 s11, $0x0;
	s15 =	sadd.s32 $0x1, s15;
	s16 =	sadd.s32 s16, s18  }
0x39: {  	p0 =	sne.s32 s17, $0x0  }
0x3a: {  	s15 =	simm.s32 $0x1;
	s7 =	sshrl.u32 s7, $0x8;
	[smem:s0] =	sst s16  }
0x3b: {  	s12 =	simm.s32 $0x0;
	s16 =	rddreg [dreg:$0x3];
	p0 =	por !p1, !p0  }
0x3c: {  	[tilespmem:s12], [sflag:$0xB] =	stream.linear.gather [hbm4b:s16+s12], $0x80, $0x38;
	[tilespmem:$0x1C840] =	vst v63  }
0x3d: {  	s8 =	sadd.s32 $0x2, s8;
	s9 =	sadd.s32 $0x10, s9;
	p0 =	por !p0, !p0  }
0x3e: {  	s11 =	sand.u32 $0x7, s11;
	s8 =	sand.u32 $0x180, s8;
	s15 =	simm.s32 @!p0 $0x0  }
0x3f: {  	s11 =	smul.u32 $0x201, s11;
	s9 =	sand.u32 $0x70, s9;
	s7 =	ssub.s32 s7, s15  }
0x40: {  	s8 =	sor.u32 s8, s9;
	s7 =	smul.u32 $0x1010, s7  }
0x41: {  	s8 =	sadd.s32 s11, s8  }
0x42: {  	s15 =	sadd.s32 $0x1, s0;
	s7 =	sadd.s32 s7, s8  }
0x43: {  	s1 =	simm.s32 $0xB;
	[smem:s15] =	sst s7  }
0x44: {  	_ =	swait.ge [sflag:s1], $0x80  }
0x45: {  	[sflag:s1] =	ssyncset.done $0x0  }
0x46: {  	s17 =	rddreg [dreg:$0x4];
	[sflag:s1] =	ssyncadd.s32 $0xFFFFFF80  }
0x47: {  	[tilespmem:s28], [sflag:$0xB] =	stream.linear.gather [hbm4b:s17+s12], $0x80, $0x38;
	[tilespmem:$0x1C840] =	vst v63  }
0x48: {  	_ =	swait.ge [sflag:s1], $0x80  }
0x49: {  	[sflag:s1] =	ssyncset.done $0x0  }
0x4a: {  	s24 =	simm.s32 $0x100;
	s18 =	rddreg [dreg:$0x5];
	[sflag:s1] =	ssyncadd.s32 $0xFFFFFF80  }
0x4b: {  	[tilespmem:s24], [sflag:$0xB] =	stream.linear.gather [hbm4b:s18+s12], $0x80, $0x38;
	[tilespmem:$0x1C840] =	vst v63  }
0x4c: {  	_ =	swait.ge [sflag:s1], $0x80  }
0x4d: {  	[sflag:s1] =	ssyncset.done $0x0  }
0x4e: {  	s26 =	simm.s32 $0x180;
	s25 =	rddreg [dreg:$0x6];
	[sflag:s1] =	ssyncadd.s32 $0xFFFFFF80  }
0x4f: {  	[tilespmem:s26], [sflag:$0xB] =	stream.linear.gather [hbm4b:s25+s12], $0x80, $0x38;
	[tilespmem:$0x1C840] =	vst v63  }
0x50: {  	_ =	swait.ge [sflag:s1], $0x80  }
0x51: {  	[sflag:s1] =	ssyncset.done $0x0  }
0x52: {  	s31 =	simm.s32 $0x800;
	[sflag:s1] =	ssyncadd.s32 $0xFFFFFF80  }
0x53: {  	[tilespmem:s31], [sflag:$0x5] =	stream.indirect.gather [hbm4b:s5+s28], $0x20, s12, s28, $0xb8;
	[tilespmem:$0x1C840] =	vst v63  }
0x54: {  	s1 =	simm.s32 $0x1800  }
0x55: {  	[tilespmem:s1], [sflag:$0x5] =	stream.indirect.gather [hbm4b:s5+s28], $0x20, s28, s28, $0xb8;
	[tilespmem:$0x1C840] =	vst v63  }
0x56: {  	s9 =	simm.s32 $0x2800  }
0x57: {  	[tilespmem:s9], [sflag:$0x5] =	stream.indirect.gather [hbm4b:s5+s28], $0x20, s24, s28, $0xb8;
	[tilespmem:$0x1C840] =	vst v63  }
0x58: {  	s11 =	simm.s32 $0x3800  }
0x59: {  	[tilespmem:s11], [sflag:$0x5] =	stream.indirect.gather [hbm4b:s5+s28], $0x20, s26, s28, $0xb8;
	[tilespmem:$0x1C840] =	vst v63  }
0x5a: {  	s15 =	rddreg [dreg:$0x7];
	s1 =	simm.s32 $0x200  }
0x5b: {  	[tilespmem:s1], [sflag:$0x2] =	stream.linear.gather [hbm4b:s15+s12], $0x80, $0x38;
	[tilespmem:$0x1C840] =	vst v63  }
0x5c: {  	s7 =	simm.s32 $0x280;
	s16 =	rddreg [dreg:$0x8]  }
0x5d: {  	[tilespmem:s7], [sflag:$0x2] =	stream.linear.gather [hbm4b:s16+s12], $0x80, $0x38;
	[tilespmem:$0x1C840] =	vst v63  }
0x5e: {  	s8 =	simm.s32 $0x300;
	s17 =	rddreg [dreg:$0x9]  }
0x5f: {  	[tilespmem:s8], [sflag:$0x2] =	stream.linear.gather [hbm4b:s17+s12], $0x80, $0x38;
	[tilespmem:$0x1C840] =	vst v63  }
0x60: {  	s18 =	rddreg [dreg:$0xa];
	s9 =	simm.s32 $0x380  }
0x61: {  	[tilespmem:s9], [sflag:$0x2] =	stream.linear.gather [hbm4b:s18+s12], $0x80, $0x38;
	[tilespmem:$0x1C840] =	vst v63  }
0x62: {  	s25 =	simm.s32 $0x400;
	s24 =	rddreg [dreg:$0xb]  }
0x63: {  	[tilespmem:s25], [sflag:$0x3] =	stream.linear.gather [hbm4b:s24+s12], $0x80, $0x38;
	[tilespmem:$0x1C840] =	vst v63  }
0x64: {  	s31 =	simm.s32 $0x480;
	s26 =	rddreg [dreg:$0xc]  }
0x65: {  	[tilespmem:s31], [sflag:$0x3] =	stream.linear.gather [hbm4b:s26+s12], $0x80, $0x38;
	[tilespmem:$0x1C840] =	vst v63  }
0x66: {  	s11 =	rddreg [dreg:$0xd];
	s15 =	simm.s32 $0x500  }
0x67: {  	[tilespmem:s15], [sflag:$0x3] =	stream.linear.gather [hbm4b:s11+s12], $0x80, $0x38;
	[tilespmem:$0x1C840] =	vst v63  }
0x68: {  	s16 =	rddreg [dreg:$0xe];
	s17 =	simm.s32 $0x580;
	s18 =	simm.s32 $0x2  }
0x69: {  	[tilespmem:s17], [sflag:$0x3] =	stream.linear.gather [hbm4b:s16+s12], $0x80, $0x38;
	[tilespmem:$0x1C840] =	vst v63  }
0x6a: {  	_ =	swait.ge [sflag:s18], $0x80  }
0x6b: {  	[sflag:s18] =	ssyncset.done $0x0  }
0x6c: {  	[sflag:s18] =	ssyncadd.s32 $0xFFFFFF80  }
0x6d: {  	_ =	swait.ge [sflag:s18], $0x80  }
0x6e: {  	[sflag:s18] =	ssyncset.done $0x0  }
0x6f: {  	[sflag:s18] =	ssyncadd.s32 $0xFFFFFF80  }
0x70: {  	_ =	swait.ge [sflag:s18], $0x80  }
0x71: {  	[sflag:s18] =	ssyncset.done $0x0  }
0x72: {  	[sflag:s18] =	ssyncadd.s32 $0xFFFFFF80  }
0x73: {  	_ =	swait.ge [sflag:s18], $0x80  }
0x74: {  	[sflag:s18] =	ssyncset.done $0x0  }
0x75: {  	s24 =	simm.s32 $0x4800;
	[sflag:s18] =	ssyncadd.s32 $0xFFFFFF80  }
0x76: {  	[tilespmem:s24], [sflag:$0x6] =	stream.indirect.gather [hbm4b:s5+s28], $0x20, s1, s28, $0xb8;
	[tilespmem:$0x1C840] =	vst v63  }
0x77: {  	s25 =	simm.s32 $0x5800  }
0x78: {  	[tilespmem:s25], [sflag:$0x6] =	stream.indirect.gather [hbm4b:s5+s28], $0x20, s7, s28, $0xb8;
	[tilespmem:$0x1C840] =	vst v63  }
0x79: {  	s26 =	simm.s32 $0x6800  }
0x7a: {  	[tilespmem:s26], [sflag:$0x6] =	stream.indirect.gather [hbm4b:s5+s28], $0x20, s8, s28, $0xb8;
	[tilespmem:$0x1C840] =	vst v63  }
0x7b: {  	s31 =	simm.s32 $0x7800;
	s17 =	simm.s32 $0x0  }
0x7c: {  	[tilespmem:s31], [sflag:$0x6] =	stream.indirect.gather [hbm4b:s5+s28], $0x20, s9, s28, $0xb8;
	[tilespmem:$0x1C840] =	vst v63  }
.LBB2_4:
0x7d: {  	s0 =	simm.s32 $0x5  }
0x7e: {  	_ =	swait.ge [sflag:s0], $0x4000  }
0x7f: {  	[sflag:s0] =	ssyncset.done $0x0  }
0x80: {  	[sflag:s0] =	ssyncadd.s32 $0xFFFFC000  }
0x81: {  	_ =	swait.ge [sflag:s13], $0x80  }
0x82: {  	[sflag:s13] =	ssyncset.done $0x0  }
0x83: {  	[sflag:s13] =	ssyncadd.s32 $0xFFFFFF80  }
0x84: {  	_ =	swait.ge [sflag:s13], $0x80  }
0x85: {  	[sflag:s13] =	ssyncset.done $0x0  }
0x86: {  	[sflag:s13] =	ssyncadd.s32 $0xFFFFFF80  }
0x87: {  	_ =	swait.ge [sflag:s13], $0x80  }
0x88: {  	[sflag:s13] =	ssyncset.done $0x0  }
0x89: {  	[sflag:s13] =	ssyncadd.s32 $0xFFFFFF80  }
0x8a: {  	_ =	swait.ge [sflag:s13], $0x80  }
0x8b: {  	s24 =	simm.s32 $0x400;
	s1 =	simm.s32 $0x8800;
	[sflag:s13] =	ssyncset.done $0x0  }
0x8c: {  	s25 =	simm.s32 $0x480;
	s31 =	sshll.u32 s17, $0x2;
	[sflag:s13] =	ssyncadd.s32 $0xFFFFFF80  }
0x8d: {  	[tilespmem:s1], [sflag:$0x7] =	stream.indirect.gather [hbm4b:s5+s28], $0x20, s24, s28, $0xb8;
	[tilespmem:$0x1C840] =	vst v63  }
0x8e: {  	s26 =	simm.s32 $0x9800;
	s7 =	simm.s32 $0x500;
	s12 =	sadd.s32 s31, s6  }
0x8f: {  	[tilespmem:s26], [sflag:$0x7] =	stream.indirect.gather [hbm4b:s5+s28], $0x20, s25, s28, $0xb8;
	[tilespmem:$0x1C840] =	vst v63  }
0x90: {  	s8 =	simm.s32 $0xA800;
	s9 =	simm.s32 $0x580;
	s18 =	sadd.s32 $0x3, s12  }
0x91: {  	[tilespmem:s8], [sflag:$0x7] =	stream.indirect.gather [hbm4b:s5+s28], $0x20, s7, s28, $0xb8;
	[tilespmem:$0x1C840] =	vst v63  }
0x92: {  	s11 =	simm.s32 $0xB800;
	s0 =	sshll.u32 s18, $0x9;
	s7 =	sshll.u32 s18, $0xC  }
0x93: {  	[tilespmem:s11], [sflag:$0x7] =	stream.indirect.gather [hbm4b:s5+s28], $0x20, s9, s28, $0xb8;
	[tilespmem:$0x1C840] =	vst v63  }
0x94: {  	s8 =	sshll.u32 s18, $0x2;
	s7 =	sand.u32 $0x1F000, s7;
	s9 =	sand.u32 $0x7FFE0000, s0  }
0x95: {  	s8 =	sand.u32 $0x380, s8;
	s7 =	sor.u32 s7, s9  }
0x96: {  	s7 =	sor.u32 s8, s7  }
0x97: {  	s7 =	sshrl.u32 s7, $0x3  }
0x98: {  	s7 =	sadd.s32 s4, s7  }
0x99: {  	[tilespmem:s30], [sflag:$0x4] =	stream.linear.gather [hbm4b:s7+s3], $0x80, $0x38;
	[tilespmem:$0x1C840] =	vst v63  }
0x9a: {  	s16 =	simm.s32 $0x680;
	s15 =	sadd.s32 $0x80, s7  }
0x9b: {  	[tilespmem:s16], [sflag:$0x4] =	stream.linear.gather [hbm4b:s15+s3], $0x80, $0x38;
	[tilespmem:$0x1C840] =	vst v63  }
0x9c: {  	s25 =	simm.s32 $0x700;
	s24 =	sadd.s32 $0x100, s7  }
0x9d: {  	[tilespmem:s25], [sflag:$0x4] =	stream.linear.gather [hbm4b:s24+s3], $0x80, $0x38;
	[tilespmem:$0x1C840] =	vst v63  }
0x9e: {  	p0 =	seq.s32 s17, $0x0;
	s26 =	simm.s32 $0x780;
	s7 =	sadd.s32 $0x180, s7  }
0x9f: {  	[tilespmem:s26], [sflag:$0x4] =	stream.linear.gather [hbm4b:s7+s3], $0x80, $0x38;
	[tilespmem:$0x1C840] =	vst v63  }
0xa0: {  	s7 =	simm.s32 @!p0 $0x9  }
0xa1: {  	_ =	swait.ge @!p0 [sflag:s7], $0x4000  }
0xa2: {  	[sflag:s7] =	ssyncset.done @!p0 $0x0  }
0xa3: {  	s1 =	simm.s32 $0x840;
	s11 =	simm.s32 $0x1;
	[sflag:s7] =	ssyncadd.s32 @!p0 $0xFFFFC000  }
0xa4: {  	v6 =	vadd.s32 s11, v0;
	s8 =	simm.s32 $0x3;
	v5 =	vld [tilespmem:s1+$0xFFFFFFE0]  }
0xa5: {  	v4 =	vadd.s32 s8, v0;
	v3 =	vld [tilespmem:s1+$0x20];
	_ =	sdelay $0x1  }
0xa6: {  	s15 =	simm.s32 $0x2  }
0xa7: {  	s12 =	simm.s32 $0x0;
	v8 =	vadd.s32 s15, v0;
	v7 =	vld [tilespmem:s1+$0x0]  }
0xa8: {  	v10 =	vadd.s32 s12, v0;
	v9 =	vld [tilespmem:s1+$0xFFFFFFC0];
	[tilespmem:v6+s29+$0x0] =	vst.idx.msk $0xffff, v5  }
0xa9: {  	v11 =	vadd.s32 s11, v1;
	[tilespmem:v4+s29+$0x0] =	vst.idx.msk $0xffff, v3;
	v6 =	vld [tilespmem:s1+$0xFFFFFFF0]  }
0xaa: {  	s16 =	simm.s32 $0x7;
	s7 =	simm.s32 $0x8C0;
	v5 =	vadd.s32 s8, v1;
	v4 =	vld [tilespmem:s1+$0x30]  }
0xab: {  	v13 =	vadd.s32 s16, v0;
	s24 =	simm.s32 $0x5;
	v12 =	vld [tilespmem:s7+$0x20]  }
0xac: {  	v15 =	vadd.s32 s24, v0;
	s26 =	simm.s32 $0x6;
	v14 =	vld [tilespmem:s7+$0xFFFFFFE0];
	[tilespmem:v8+s29+$0x0] =	vst.idx.msk $0xffff, v7  }
0xad: {  	v17 =	vadd.s32 s26, v0;
	v16 =	vld [tilespmem:s7+$0x0];
	[tilespmem:v10+s29+$0x0] =	vst.idx.msk $0xffff, v9;
	s8 =	simm.s32 $0x4  }
0xae: {  	v3 =	vld [tilespmem:s7+$0xFFFFFFC0];
	[tilespmem:v11+s29+$0x0] =	vst.idx.msk $0xffff, v6;
	v6 =	vadd.s32 s8, v0  }
0xaf: {  	v8 =	vadd.s32 s15, v1;
	[tilespmem:v5+s29+$0x0] =	vst.idx.msk $0xffff, v4;
	v4 =	vld [tilespmem:s1+$0x10]  }
0xb0: {  	[tilespmem:v13+s29+$0x0] =	vst.idx.msk $0xffff, v12;
	v7 =	vadd.s32 s12, v1;
	v5 =	vld [tilespmem:s1+$0xFFFFFFD0]  }
0xb1: {  	s11 =	simm.s32 $0x8;
	s9 =	simm.s32 $0x940;
	[tilespmem:v15+s29+$0x0] =	vst.idx.msk $0xffff, v14;
	v10 =	vadd.s32 s16, v1;
	v9 =	vld [tilespmem:s7+$0x30]  }
0xb2: {  	s25 =	sor.u32 $0x2, s31;
	s16 =	simm.s32 $0xB;
	s15 =	simm.s32 $0xC;
	v12 =	vadd.s32 s24, v1;
	[tilespmem:v17+s29+$0x0] =	vst.idx.msk $0xffff, v16;
	v11 =	vld [tilespmem:s7+$0xFFFFFFF0]  }
.LBB2_5:
0xb3: {  	p0 =	slt.u32 s15, $0x1FC;
	s24 =	sadd.s32 $0x1, s11;
	v13 =	vld [tilespmem:s9+$0x20];
	v14 =	vadd.s32 s16, v0;
	[tilespmem:v6+s29+$0x0] =	vst.idx.msk $0xffff, v3  }
0xb4: {  	s12 =	sadd.s32 $0x2, s11;
	v15 =	vld [tilespmem:s9+$0xFFFFFFE0];
	v16 =	vadd.s32 s24, v0;
	[tilespmem:v8+s29+$0x0] =	vst.idx.msk $0xffff, v4  }
0xb5: {  	v18 =	vadd.s32 s12, v0;
	v17 =	vld [tilespmem:s9+$0x0];
	[tilespmem:v7+s29+$0x0] =	vst.idx.msk $0xffff, v5  }
.Ltmp3:
0xb6: {  	v6 =	vadd.s32 s11, v0;
	v3 =	vld [tilespmem:s9+$0xFFFFFFC0];
	[tilespmem:v10+s29+$0x0] =	vst.idx.msk $0xffff, v9;
	(pc) =	sbr.rel @p0 .LBB2_5-.Ltmp3, $4  }
0xb7: {  	v8 =	vadd.s32 s26, v1;
	s26 =	smov.u32 s12;
	[tilespmem:v12+s29+$0x0] =	vst.idx.msk $0xffff, v11;
	v4 =	vld [tilespmem:s7+$0x10]  }
0xb8: {  	v7 =	vadd.s32 s8, v1;
	s8 =	smov.u32 s11;
	s11 =	smov.u32 s15;
	[tilespmem:v14+s29+$0x0] =	vst.idx.msk $0xffff, v13;
	v5 =	vld [tilespmem:s7+$0xFFFFFFD0];
	s7 =	smov.u32 s9  }
0xb9: {  	v10 =	vadd.s32 s16, v1;
	[tilespmem:v16+s29+$0x0] =	vst.idx.msk $0xffff, v15;
	v9 =	vld [tilespmem:s9+$0x30]  }
0xba: {  	s15 =	sadd.s32 $0x4, s15;
	s16 =	sadd.s32 $0x3, s11;
	v12 =	vadd.s32 s24, v1;
	s9 =	sadd.s32 $0x80, s9;
	v11 =	vld [tilespmem:s7+$0xFFFFFFF0];
	[tilespmem:v18+s29+$0x0] =	vst.idx.msk $0xffff, v17  }
0xbb: {  	_ =	sdelay $0x3  }
0xbc: {  	s12 =	sadd.s32 $0x1, s11;
	v13 =	vld [tilespmem:s9+$0x20];
	v14 =	vadd.s32 s16, v0;
	[tilespmem:v6+s29+$0x0] =	vst.idx.msk $0xffff, v3  }
0xbd: {  	v3 =	vld [tilespmem:s9+$0xFFFFFFE0];
	s15 =	sadd.s32 $0x2, s11;
	v6 =	vadd.s32 s12, v0;
	[tilespmem:v8+s29+$0x0] =	vst.idx.msk $0xffff, v4  }
0xbe: {  	v4 =	vld [tilespmem:s9+$0x0];
	v8 =	vadd.s32 s15, v0;
	[tilespmem:v7+s29+$0x0] =	vst.idx.msk $0xffff, v5  }
0xbf: {  	v5 =	vld [tilespmem:s9+$0xFFFFFFC0];
	v7 =	vadd.s32 s11, v0;
	[tilespmem:v10+s29+$0x0] =	vst.idx.msk $0xffff, v9  }
0xc0: {  	v9 =	vld [tilespmem:s7+$0x10];
	v10 =	vadd.s32 s26, v1;
	[tilespmem:v12+s29+$0x0] =	vst.idx.msk $0xffff, v11  }
0xc1: {  	v61 =	vadd.s32 s8, v1;
	v11 =	vld [tilespmem:s7+$0xFFFFFFD0];
	[tilespmem:v14+s29+$0x0] =	vst.idx.msk $0xffff, v13  }
0xc2: {  	[tilespmem:v6+s29+$0x0] =	vst.idx.msk $0xffff, v3;
	v3 =	vld [tilespmem:s9+$0x30];
	v6 =	vadd.s32 s16, v1  }
0xc3: {  	v63 =	vadd.s32 s12, v1;
	[tilespmem:v8+s29+$0x0] =	vst.idx.msk $0xffff, v4;
	v62 =	vld [tilespmem:s9+$0xFFFFFFF0]  }
0xc4: {  	[tilespmem:v7+s29+$0x0] =	vst.idx.msk $0xffff, v5;
	v4 =	vld [tilespmem:s9+$0x10];
	v5 =	vadd.s32 s15, v1  }
0xc5: {  	v8 =	vadd.s32 s11, v1;
	[tilespmem:v10+s29+$0x0] =	vst.idx.msk $0xffff, v9;
	v7 =	vld [tilespmem:s9+$0xFFFFFFD0]  }
0xc6: {  	[tilespmem:v61+s29+$0x0] =	vst.idx.msk $0xffff, v11  }
0xc7: {  	[tilespmem:v6+s29+$0x0] =	vst.idx.msk $0xffff, v3  }
0xc8: {  	[tilespmem:v63+s29+$0x0] =	vst.idx.msk $0xffff, v62  }
0xc9: {  	[tilespmem:v5+s29+$0x0] =	vst.idx.msk $0xffff, v4  }
0xca: {  	[tilespmem:v8+s29+$0x0] =	vst.idx.msk $0xffff, v7  }
0xcb: {  	s7 =	sld [smem:$0x7]  }
0xcc: {  	s15 =	sld [smem:$0x1]  }
0xcd: {  	p1 =	por $0x1, $0x1;
	s16 =	sld [smem:$0x2]  }
.Ltmp4:
0xce: {  	s24 =	sld [smem:$0x3];
	(pc) =	sbr.rel @!p1 .LBB2_7-.Ltmp4, $4  }
0xcf: {  	s26 =	sld [smem:$0x4]  }
0xd0: {  	s9 =	sld [smem:$0x5]  }
0xd1: {  	v11 =	vadd.s32 s7, v2;
	v6 =	vadd.s32 s15, v2;
	s8 =	sld [smem:$0x6]  }
0xd2: {  	p0 =	por $0x0, $0x0;
	s7 =	simm.s32 $0x10840;
	v5 =	vadd.s32 s16, v2;
	v3 =	vadd.s32 s24, v2;
	s11 =	sld [smem:$0x0];
	v4 =	vadd.s32 s26, v2  }
0xd3: {  	_ =	sdelay $0x3  }
0xd4: {  	s12 =	sld [smem:$0xF];
	v13 =	vld.idx.msk [tilespmem:v11+s29+$0x0], $0xffff  }
0xd5: {  	s15 =	sld [smem:$0x9];
	v15 =	vld.idx.msk [tilespmem:v6+s29+$0x0], $0xffff  }
0xd6: {  	s16 =	sld [smem:$0xA];
	v7 =	vld.idx.msk [tilespmem:v5+s29+$0x0], $0xffff;
	v5 =	vadd.s32 s9, v2  }
0xd7: {  	s24 =	sld [smem:$0xB];
	v8 =	vld.idx.msk [tilespmem:v3+s29+$0x0], $0xffff;
	v3 =	vadd.s32 s8, v2  }
0xd8: {  	p1 =	por $0x1, $0x1;
	v16 =	vadd.s32 s11, v2  }
.Ltmp5:
0xd9: {  	v11 =	vadd.s32 s12, v2;
	(pc) =	sbr.rel @!p1 .LBB2_9-.Ltmp5, $4  }
0xda: {  	s26 =	sld [smem:$0xC];
	v9 =	vld.idx.msk [tilespmem:v4+s29+$0x0], $0xffff;
	v6 =	vadd.s32 s15, v2  }
0xdb: {  	s9 =	sld [smem:$0xD];
	v10 =	vld.idx.msk [tilespmem:v5+s29+$0x0], $0xffff;
	v5 =	vadd.s32 s16, v2  }
0xdc: {  	p0 =	por $0x1, $0x1;
	s15 =	simm.s32 $0x8;
	v14 =	vmul.f32 $5.656854150e+00, v13;
	s8 =	sld [smem:$0xE];
	v12 =	vld.idx.msk [tilespmem:v3+s29+$0x0], $0xffff;
	v3 =	vadd.s32 s24, v2  }
0xdd: {  	v15 =	vmul.f32 $5.656854150e+00, v15;
	v4 =	vadd.s32 s26, v2;
	s16 =	simm.s32 $0x14;
	s26 =	simm.s32 $0x10840;
	s11 =	sld [smem:$0x8];
	v13 =	vld.idx.msk [tilespmem:v16+s29+$0x0], $0xffff  }
.LBB2_10:
0xde: {  	s12 =	sld [smem:s16+$0x3];
	s15 =	sadd.s32 $0x8, s15;
	v16 =	vadd.s32 s9, v2;
	v17 =	vld.idx.msk [tilespmem:v11+s29+$0x0], $0xffff;
	v11 =	vmul.f32 $5.656854150e+00, v7;
	[tilespmem:s26+$0x30] =	vst v14  }
0xdf: {  	s9 =	sld [smem:s16+$0xFFFFFFFD];
	p1 =	slt.u32 s15, $0x3F8;
	v18 =	vld.idx.msk [tilespmem:v6+s29+$0x0], $0xffff;
	v14 =	vadd.s32 s8, v2;
	[tilespmem:s26+$0xFFFFFFD0] =	vst v15;
	v6 =	vmul.f32 $5.656854150e+00, v8  }
0xe0: {  	s8 =	sld [smem:s16+$0xFFFFFFFE];
	v15 =	vadd.s32 s11, v2;
	v7 =	vld.idx.msk [tilespmem:v5+s29+$0x0], $0xffff;
	[tilespmem:s26+$0xFFFFFFE0] =	vst v11;
	v5 =	vmul.f32 $5.656854150e+00, v9  }
.Ltmp6:
0xe1: {  	s11 =	sld [smem:s16+$0xFFFFFFFF];
	v11 =	vadd.s32 s12, v2;
	v8 =	vld.idx.msk [tilespmem:v3+s29+$0x0], $0xffff;
	[tilespmem:s26+$0xFFFFFFF0] =	vst v6;
	v3 =	vmul.f32 $5.656854150e+00, v10;
	(pc) =	sbr.rel @p1 .LBB2_10-.Ltmp6, $4  }
0xe2: {  	v6 =	vadd.s32 s9, v2;
	s12 =	sld [smem:s16+$0x0];
	v9 =	vld.idx.msk [tilespmem:v4+s29+$0x0], $0xffff;
	[tilespmem:s26+$0x0] =	vst v5;
	v4 =	vmul.f32 $5.656854150e+00, v12  }
0xe3: {  	v5 =	vadd.s32 s8, v2;
	s9 =	sld [smem:s16+$0x1];
	v10 =	vld.idx.msk [tilespmem:v16+s29+$0x0], $0xffff;
	v16 =	vmul.f32 $5.656854150e+00, v13;
	[tilespmem:s26+$0x10] =	vst v3  }
0xe4: {  	v3 =	vadd.s32 s11, v2;
	s8 =	sld [smem:s16+$0x2];
	v12 =	vld.idx.msk [tilespmem:v14+s29+$0x0], $0xffff;
	v14 =	vmul.f32 $5.656854150e+00, v17;
	[tilespmem:s26+$0x20] =	vst v4  }
0xe5: {  	s11 =	sld [smem:s16+$0xFFFFFFFC];
	v4 =	vadd.s32 s12, v2;
	s16 =	sadd.s32 $0x8, s16;
	v13 =	vld.idx.msk [tilespmem:v15+s29+$0x0], $0xffff;
	v15 =	vmul.f32 $5.656854150e+00, v18;
	[tilespmem:s26+$0xFFFFFFC0] =	vst v16;
	s26 =	sadd.s32 $0x80, s26  }
.LBB2_11:
0xe6: {  	_ =	sdelay $0x2  }
0xe7: {  	v7 =	vmul.f32 @p0 $5.656854150e+00, v7;
	[tilespmem:s26+$0x30] =	vst @p0 v14  }
0xe8: {  	v14 =	vadd.s32 s9, v2;
	v11 =	vld.idx.msk [tilespmem:v11+s29+$0x0], $0xffff;
	v8 =	vmul.f32 @p0 $5.656854150e+00, v8;
	[tilespmem:s26+$0xFFFFFFD0] =	vst @p0 v15  }
0xe9: {  	v6 =	vld.idx.msk [tilespmem:v6+s29+$0x0], $0xffff;
	v15 =	vadd.s32 s8, v2;
	[tilespmem:s26+$0xFFFFFFE0] =	vst @p0 v7;
	v7 =	vmul.f32 @p0 $5.656854150e+00, v9  }
0xea: {  	v5 =	vld.idx.msk [tilespmem:v5+s29+$0x0], $0xffff;
	v9 =	vadd.s32 s11, v2;
	[tilespmem:s26+$0xFFFFFFF0] =	vst @p0 v8;
	v8 =	vmul.f32 @p0 $5.656854150e+00, v10  }
0xeb: {  	v3 =	vld.idx.msk [tilespmem:v3+s29+$0x0], $0xffff;
	[tilespmem:s26+$0x0] =	vst @p0 v7;
	v7 =	vmul.f32 @p0 $5.656854150e+00, v12  }
0xec: {  	v4 =	vld.idx.msk [tilespmem:v4+s29+$0x0], $0xffff;
	v10 =	vmul.f32 @p0 $5.656854150e+00, v13;
	[tilespmem:s26+$0x10] =	vst @p0 v8  }
0xed: {  	s8 =	sadd.s32 @p0 $0x80, s26;
	v8 =	vld.idx.msk [tilespmem:v14+s29+$0x0], $0xffff;
	v11 =	vmul.f32 $5.656854150e+00, v11;
	[tilespmem:s26+$0x20] =	vst @p0 v7  }
0xee: {  	s7 =	smov.u32 @p0 s8;
	v6 =	vmul.f32 $5.656854150e+00, v6;
	v7 =	vld.idx.msk [tilespmem:v15+s29+$0x0], $0xffff;
	[tilespmem:s26+$0xFFFFFFC0] =	vst @p0 v10  }
0xef: {  	v5 =	vmul.f32 $5.656854150e+00, v5;
	v9 =	vld.idx.msk [tilespmem:v9+s29+$0x0], $0xffff;
	[tilespmem:s7+$0x30] =	vst v11  }
0xf0: {  	v3 =	vmul.f32 $5.656854150e+00, v3;
	[tilespmem:s7+$0xFFFFFFD0] =	vst v6  }
0xf1: {  	v4 =	vmul.f32 $5.656854150e+00, v4;
	[tilespmem:s7+$0xFFFFFFE0] =	vst v5  }
0xf2: {  	s16 =	sadd.s32 s6, s31;
	[tilespmem:s7+$0xFFFFFFF0] =	vst v3;
	v3 =	vmul.f32 $5.656854150e+00, v8  }
0xf3: {  	s24 =	sshll.u32 s16, $0x9;
	s8 =	sshll.u32 s16, $0xB;
	[tilespmem:s7+$0x0] =	vst v4;
	v4 =	vmul.f32 $5.656854150e+00, v7  }
0xf4: {  	s9 =	sand.u32 $0x3800, s24;
	s8 =	sand.u32 $0xFFF0000, s8;
	v5 =	vmul.f32 $5.656854150e+00, v9;
	[tilespmem:s7+$0x10] =	vst v3  }
0xf5: {  	s8 =	sor.u32 s9, s8;
	[tilespmem:s7+$0x20] =	vst v4  }
0xf6: {  	s1 =	simm.s32 $0x10800;
	s26 =	sadd.s32 s2, s8;
	[tilespmem:s7+$0xFFFFFFC0] =	vst v5  }
0xf7: {  	[hbm4b:s26+s3] =	stream.linear.scatter [tilespmem:s1], [sflag:$0x9], $0x1000, $0x38;
	[tilespmem:$0x1C840] =	vst v63  }
0xf8: {  	s11 =	simm.s32 $0x11800;
	s9 =	sadd.s32 s8, s19  }
0xf9: {  	[hbm4b:s9+s3] =	stream.linear.scatter [tilespmem:s11], [sflag:$0x9], $0x1000, $0x38;
	[tilespmem:$0x1C840] =	vst v63  }
0xfa: {  	s15 =	simm.s32 $0x12800;
	s12 =	sadd.s32 s8, s20  }
0xfb: {  	[hbm4b:s12+s3] =	stream.linear.scatter [tilespmem:s15], [sflag:$0x9], $0x1000, $0x38;
	[tilespmem:$0x1C840] =	vst v63  }
0xfc: {  	s24 =	simm.s32 $0x13800;
	s16 =	sadd.s32 s8, s21;
	s26 =	simm.s32 $0x6  }
0xfd: {  	[hbm4b:s16+s3] =	stream.linear.scatter [tilespmem:s24], [sflag:$0x9], $0x1000, $0x38;
	[tilespmem:$0x1C840] =	vst v63  }
0xfe: {  	_ =	swait.ge [sflag:s26], $0x4000  }
0xff: {  	[sflag:s26] =	ssyncset.done $0x0  }
0x100: {  	[sflag:s26] =	ssyncadd.s32 $0xFFFFC000  }
0x101: {  	_ =	swait.ge [sflag:s14], $0x80  }
0x102: {  	[sflag:s14] =	ssyncset.done $0x0  }
0x103: {  	[sflag:s14] =	ssyncadd.s32 $0xFFFFFF80  }
0x104: {  	_ =	swait.ge [sflag:s14], $0x80  }
0x105: {  	[sflag:s14] =	ssyncset.done $0x0  }
0x106: {  	[sflag:s14] =	ssyncadd.s32 $0xFFFFFF80  }
0x107: {  	_ =	swait.ge [sflag:s14], $0x80  }
0x108: {  	[sflag:s14] =	ssyncset.done $0x0  }
0x109: {  	[sflag:s14] =	ssyncadd.s32 $0xFFFFFF80  }
0x10a: {  	_ =	swait.ge [sflag:s14], $0x80  }
0x10b: {  	s8 =	simm.s32 $0x680;
	p0 =	seq.s32 s17, $0x31;
	[sflag:s14] =	ssyncset.done $0x0  }
0x10c: {  	s7 =	simm.s32 $0xC800;
	s1 =	rddreg [dreg:$0xf];
	[sflag:s14] =	ssyncadd.s32 $0xFFFFFF80  }
0x10d: {  	[tilespmem:s7], [sflag:$0x8] =	stream.indirect.gather [hbm4b:s5+s28], $0x20, s30, s28, $0xb8;
	[tilespmem:$0x1C840] =	vst v63  }
0x10e: {  	s9 =	simm.s32 $0xD800;
	s11 =	simm.s32 $0x700;
	s7 =	sadd.s32 @!p0 s31, s1  }
0x10f: {  	[tilespmem:s9], [sflag:$0x8] =	stream.indirect.gather [hbm4b:s5+s28], $0x20, s8, s28, $0xb8;
	[tilespmem:$0x1C840] =	vst v63  }
0x110: {  	s12 =	simm.s32 $0xE800;
	s8 =	sshll.u32 @!p0 s7, $0x9;
	s9 =	sshll.u32 @!p0 s7, $0xC  }
0x111: {  	s7 =	sshll.u32 @!p0 s7, $0x2;
	s8 =	sand.u32 @!p0 $0x7FFE0000, s8;
	s9 =	sand.u32 @!p0 $0x1C000, s9  }
0x112: {  	[tilespmem:s12], [sflag:$0x8] =	stream.indirect.gather [hbm4b:s5+s28], $0x20, s11, s28, $0xb8;
	[tilespmem:$0x1C840] =	vst v63  }
0x113: {  	s7 =	sand.u32 @!p0 $0x380, s7;
	s8 =	sor.u32 @!p0 s9, s8  }
0x114: {  	s15 =	simm.s32 $0x780;
	s16 =	simm.s32 $0xF800;
	s7 =	sor.u32 @!p0 s7, s8  }
0x115: {  	[tilespmem:s16], [sflag:$0x8] =	stream.indirect.gather [hbm4b:s5+s28], $0x20, s15, s28, $0xb8;
	[tilespmem:$0x1C840] =	vst v63  }
0x116: {  	s7 =	sshrl.u32 @!p0 s7, $0x3  }
0x117: {  	s8 =	simm.s32 @!p0 $0x0;
	s7 =	sadd.s32 @!p0 s4, s7  }
0x118: {  	[tilespmem:s8], [sflag:$0x1] =	stream.linear.gather @!p0 [hbm4b:s7+s8], $0x80, $0x38;
	[tilespmem:$0x1C840] =	vst v63  }
0x119: {  	s11 =	simm.s32 @!p0 $0x80;
	s9 =	sadd.s32 @!p0 $0x80, s7  }
0x11a: {  	[tilespmem:s11], [sflag:$0x1] =	stream.linear.gather @!p0 [hbm4b:s9+s8], $0x80, $0x38;
	[tilespmem:$0x1C840] =	vst v63  }
0x11b: {  	p1 =	seq.s32 @!p0 s17, $0x0;
	s9 =	sadd.s32 @!p0 $0x100, s7;
	s11 =	simm.s32 @!p0 $0x100  }
0x11c: {  	[tilespmem:s11], [sflag:$0x1] =	stream.linear.gather @!p0 [hbm4b:s9+s8], $0x80, $0x38;
	[tilespmem:$0x1C840] =	vst v63  }
0x11d: {  	p1 =	por p0, !p1;
	s7 =	sadd.s32 @!p0 $0x180, s7;
	s9 =	simm.s32 @!p0 $0x180  }
0x11e: {  	[tilespmem:s9], [sflag:$0x1] =	stream.linear.gather @!p0 [hbm4b:s7+s8], $0x80, $0x38;
	[tilespmem:$0x1C840] =	vst v63  }
0x11f: {  	_ =	swait.ge @p1 [sflag:s23], $0x4000  }
0x120: {  	[sflag:s23] =	ssyncset.done @p1 $0x0  }
0x121: {  	s26 =	simm.s32 $0x1;
	s7 =	simm.s32 $0x4840;
	[sflag:s23] =	ssyncadd.s32 @p1 $0xFFFFC000  }
0x122: {  	s24 =	simm.s32 $0x3;
	v6 =	vadd.s32 s26, v0;
	v5 =	vld [tilespmem:s7+$0xFFFFFFE0]  }
0x123: {  	v4 =	vadd.s32 s24, v0;
	v3 =	vld [tilespmem:s7+$0x20];
	_ =	sdelay $0x1  }
0x124: {  	s12 =	simm.s32 $0x2  }
0x125: {  	v8 =	vadd.s32 s12, v0;
	s15 =	simm.s32 $0x0;
	v7 =	vld [tilespmem:s7+$0x0]  }
0x126: {  	v10 =	vadd.s32 s15, v0;
	v9 =	vld [tilespmem:s7+$0xFFFFFFC0];
	[tilespmem:v6+s29+$0x0] =	vst.idx.msk $0xffff, v5  }
0x127: {  	v11 =	vadd.s32 s26, v1;
	[tilespmem:v4+s29+$0x0] =	vst.idx.msk $0xffff, v3;
	v6 =	vld [tilespmem:s7+$0xFFFFFFF0]  }
0x128: {  	s16 =	simm.s32 $0x7;
	s11 =	simm.s32 $0x48C0;
	v5 =	vadd.s32 s24, v1;
	v4 =	vld [tilespmem:s7+$0x30]  }
0x129: {  	s1 =	simm.s32 $0x5;
	v13 =	vadd.s32 s16, v0;
	v12 =	vld [tilespmem:s11+$0x20]  }
0x12a: {  	v15 =	vadd.s32 s1, v0;
	s8 =	simm.s32 $0x6;
	v14 =	vld [tilespmem:s11+$0xFFFFFFE0];
	[tilespmem:v8+s29+$0x0] =	vst.idx.msk $0xffff, v7  }
0x12b: {  	s9 =	simm.s32 $0x4;
	v17 =	vadd.s32 s8, v0;
	v16 =	vld [tilespmem:s11+$0x0];
	[tilespmem:v10+s29+$0x0] =	vst.idx.msk $0xffff, v9  }
0x12c: {  	v3 =	vld [tilespmem:s11+$0xFFFFFFC0];
	[tilespmem:v11+s29+$0x0] =	vst.idx.msk $0xffff, v6;
	v6 =	vadd.s32 s9, v0  }
0x12d: {  	v8 =	vadd.s32 s12, v1;
	[tilespmem:v5+s29+$0x0] =	vst.idx.msk $0xffff, v4;
	v4 =	vld [tilespmem:s7+$0x10]  }
0x12e: {  	[tilespmem:v13+s29+$0x0] =	vst.idx.msk $0xffff, v12;
	v7 =	vadd.s32 s15, v1;
	v5 =	vld [tilespmem:s7+$0xFFFFFFD0]  }
0x12f: {  	s26 =	simm.s32 $0x8;
	[tilespmem:v15+s29+$0x0] =	vst.idx.msk $0xffff, v14;
	v10 =	vadd.s32 s16, v1;
	s15 =	simm.s32 $0xB;
	v9 =	vld [tilespmem:s11+$0x30]  }
0x130: {  	s24 =	simm.s32 $0xC;
	v12 =	vadd.s32 s1, v1;
	[tilespmem:v17+s29+$0x0] =	vst.idx.msk $0xffff, v16;
	s16 =	simm.s32 $0x4940;
	s7 =	sor.u32 $0x1, s31;
	v11 =	vld [tilespmem:s11+$0xFFFFFFF0]  }
.LBB2_12:
0x131: {  	p1 =	slt.u32 s24, $0x1FC;
	s1 =	sadd.s32 $0x1, s26;
	v13 =	vld [tilespmem:s16+$0x20];
	v14 =	vadd.s32 s15, v0;
	[tilespmem:v6+s29+$0x0] =	vst.idx.msk $0xffff, v3  }
0x132: {  	s12 =	sadd.s32 $0x2, s26;
	v15 =	vld [tilespmem:s16+$0xFFFFFFE0];
	v16 =	vadd.s32 s1, v0;
	[tilespmem:v8+s29+$0x0] =	vst.idx.msk $0xffff, v4  }
0x133: {  	v18 =	vadd.s32 s12, v0;
	v17 =	vld [tilespmem:s16+$0x0];
	[tilespmem:v7+s29+$0x0] =	vst.idx.msk $0xffff, v5  }
.Ltmp7:
0x134: {  	v6 =	vadd.s32 s26, v0;
	v3 =	vld [tilespmem:s16+$0xFFFFFFC0];
	[tilespmem:v10+s29+$0x0] =	vst.idx.msk $0xffff, v9;
	(pc) =	sbr.rel @p1 .LBB2_12-.Ltmp7, $4  }
0x135: {  	v8 =	vadd.s32 s8, v1;
	s8 =	smov.u32 s12;
	[tilespmem:v12+s29+$0x0] =	vst.idx.msk $0xffff, v11;
	v4 =	vld [tilespmem:s11+$0x10]  }
0x136: {  	v7 =	vadd.s32 s9, v1;
	s9 =	smov.u32 s26;
	s26 =	smov.u32 s24;
	[tilespmem:v14+s29+$0x0] =	vst.idx.msk $0xffff, v13;
	v5 =	vld [tilespmem:s11+$0xFFFFFFD0];
	s11 =	smov.u32 s16  }
0x137: {  	v10 =	vadd.s32 s15, v1;
	[tilespmem:v16+s29+$0x0] =	vst.idx.msk $0xffff, v15;
	v9 =	vld [tilespmem:s16+$0x30]  }
0x138: {  	s24 =	sadd.s32 $0x4, s24;
	s15 =	sadd.s32 $0x3, s26;
	v12 =	vadd.s32 s1, v1;
	s16 =	sadd.s32 $0x80, s16;
	v11 =	vld [tilespmem:s11+$0xFFFFFFF0];
	[tilespmem:v18+s29+$0x0] =	vst.idx.msk $0xffff, v17  }
0x139: {  	_ =	sdelay $0x3  }
0x13a: {  	s1 =	sadd.s32 $0x1, s26;
	v13 =	vld [tilespmem:s16+$0x20];
	v14 =	vadd.s32 s15, v0;
	[tilespmem:v6+s29+$0x0] =	vst.idx.msk $0xffff, v3  }
0x13b: {  	v3 =	vld [tilespmem:s16+$0xFFFFFFE0];
	s12 =	sadd.s32 $0x2, s26;
	v6 =	vadd.s32 s1, v0;
	[tilespmem:v8+s29+$0x0] =	vst.idx.msk $0xffff, v4  }
0x13c: {  	v4 =	vld [tilespmem:s16+$0x0];
	v8 =	vadd.s32 s12, v0;
	[tilespmem:v7+s29+$0x0] =	vst.idx.msk $0xffff, v5  }
0x13d: {  	v5 =	vld [tilespmem:s16+$0xFFFFFFC0];
	v7 =	vadd.s32 s26, v0;
	[tilespmem:v10+s29+$0x0] =	vst.idx.msk $0xffff, v9  }
0x13e: {  	v9 =	vld [tilespmem:s11+$0x10];
	v10 =	vadd.s32 s8, v1;
	[tilespmem:v12+s29+$0x0] =	vst.idx.msk $0xffff, v11  }
0x13f: {  	v61 =	vadd.s32 s9, v1;
	v11 =	vld [tilespmem:s11+$0xFFFFFFD0];
	[tilespmem:v14+s29+$0x0] =	vst.idx.msk $0xffff, v13  }
0x140: {  	[tilespmem:v6+s29+$0x0] =	vst.idx.msk $0xffff, v3;
	v3 =	vld [tilespmem:s16+$0x30];
	v6 =	vadd.s32 s15, v1  }
0x141: {  	v63 =	vadd.s32 s1, v1;
	[tilespmem:v8+s29+$0x0] =	vst.idx.msk $0xffff, v4;
	v62 =	vld [tilespmem:s16+$0xFFFFFFF0]  }
0x142: {  	[tilespmem:v7+s29+$0x0] =	vst.idx.msk $0xffff, v5;
	v4 =	vld [tilespmem:s16+$0x10];
	v5 =	vadd.s32 s12, v1  }
0x143: {  	v8 =	vadd.s32 s26, v1;
	[tilespmem:v10+s29+$0x0] =	vst.idx.msk $0xffff, v9;
	v7 =	vld [tilespmem:s16+$0xFFFFFFD0]  }
0x144: {  	[tilespmem:v61+s29+$0x0] =	vst.idx.msk $0xffff, v11  }
0x145: {  	[tilespmem:v6+s29+$0x0] =	vst.idx.msk $0xffff, v3  }
0x146: {  	[tilespmem:v63+s29+$0x0] =	vst.idx.msk $0xffff, v62  }
0x147: {  	[tilespmem:v5+s29+$0x0] =	vst.idx.msk $0xffff, v4  }
0x148: {  	[tilespmem:v8+s29+$0x0] =	vst.idx.msk $0xffff, v7  }
0x149: {  	s11 =	sld [smem:$0x7]  }
0x14a: {  	s12 =	sld [smem:$0x1]  }
0x14b: {  	p2 =	por $0x1, $0x1;
	s15 =	sld [smem:$0x2]  }
.Ltmp8:
0x14c: {  	s16 =	sld [smem:$0x3];
	(pc) =	sbr.rel @!p2 .LBB2_14-.Ltmp8, $4  }
0x14d: {  	s24 =	sld [smem:$0x4]  }
0x14e: {  	s9 =	sld [smem:$0x5]  }
0x14f: {  	v11 =	vadd.s32 s11, v2;
	v6 =	vadd.s32 s12, v2;
	s8 =	sld [smem:$0x6]  }
0x150: {  	p1 =	por $0x0, $0x0;
	s26 =	simm.s32 $0x14840;
	v5 =	vadd.s32 s15, v2;
	v3 =	vadd.s32 s16, v2;
	s16 =	sld [smem:$0x0];
	v4 =	vadd.s32 s24, v2  }
0x151: {  	_ =	sdelay $0x3  }
0x152: {  	s1 =	sld [smem:$0xF];
	v13 =	vld.idx.msk [tilespmem:v11+s29+$0x0], $0xffff  }
0x153: {  	s11 =	sld [smem:$0x9];
	v15 =	vld.idx.msk [tilespmem:v6+s29+$0x0], $0xffff  }
0x154: {  	s12 =	sld [smem:$0xA];
	v7 =	vld.idx.msk [tilespmem:v5+s29+$0x0], $0xffff;
	v5 =	vadd.s32 s9, v2  }
0x155: {  	s24 =	sld [smem:$0xB];
	v8 =	vld.idx.msk [tilespmem:v3+s29+$0x0], $0xffff;
	v3 =	vadd.s32 s8, v2  }
0x156: {  	p2 =	por $0x1, $0x1;
	v16 =	vadd.s32 s16, v2  }
.Ltmp9:
0x157: {  	v11 =	vadd.s32 s1, v2;
	(pc) =	sbr.rel @!p2 .LBB2_16-.Ltmp9, $4  }
0x158: {  	s30 =	sld [smem:$0xC];
	v9 =	vld.idx.msk [tilespmem:v4+s29+$0x0], $0xffff;
	v6 =	vadd.s32 s11, v2  }
0x159: {  	s9 =	sld [smem:$0xD];
	v10 =	vld.idx.msk [tilespmem:v5+s29+$0x0], $0xffff;
	v5 =	vadd.s32 s12, v2  }
0x15a: {  	s15 =	simm.s32 $0x8;
	p1 =	por $0x1, $0x1;
	v14 =	vmul.f32 $5.656854150e+00, v13;
	s8 =	sld [smem:$0xE];
	v12 =	vld.idx.msk [tilespmem:v3+s29+$0x0], $0xffff;
	v3 =	vadd.s32 s24, v2  }
0x15b: {  	s11 =	simm.s32 $0x14840;
	v15 =	vmul.f32 $5.656854150e+00, v15;
	v4 =	vadd.s32 s30, v2;
	s16 =	sld [smem:$0x8];
	s24 =	simm.s32 $0x14;
	v13 =	vld.idx.msk [tilespmem:v16+s29+$0x0], $0xffff  }
.LBB2_17:
0x15c: {  	s1 =	sld [smem:s24+$0x3];
	s15 =	sadd.s32 $0x8, s15;
	v16 =	vadd.s32 s9, v2;
	v17 =	vld.idx.msk [tilespmem:v11+s29+$0x0], $0xffff;
	v11 =	vmul.f32 $5.656854150e+00, v7;
	[tilespmem:s11+$0x30] =	vst v14  }
0x15d: {  	s9 =	sld [smem:s24+$0xFFFFFFFD];
	p2 =	slt.u32 s15, $0x3F8;
	v18 =	vld.idx.msk [tilespmem:v6+s29+$0x0], $0xffff;
	v14 =	vadd.s32 s8, v2;
	[tilespmem:s11+$0xFFFFFFD0] =	vst v15;
	v6 =	vmul.f32 $5.656854150e+00, v8  }
0x15e: {  	s8 =	sld [smem:s24+$0xFFFFFFFE];
	v15 =	vadd.s32 s16, v2;
	v7 =	vld.idx.msk [tilespmem:v5+s29+$0x0], $0xffff;
	[tilespmem:s11+$0xFFFFFFE0] =	vst v11;
	v5 =	vmul.f32 $5.656854150e+00, v9  }
.Ltmp10:
0x15f: {  	s12 =	sld [smem:s24+$0xFFFFFFFF];
	v11 =	vadd.s32 s1, v2;
	v8 =	vld.idx.msk [tilespmem:v3+s29+$0x0], $0xffff;
	[tilespmem:s11+$0xFFFFFFF0] =	vst v6;
	v3 =	vmul.f32 $5.656854150e+00, v10;
	(pc) =	sbr.rel @p2 .LBB2_17-.Ltmp10, $4  }
0x160: {  	v6 =	vadd.s32 s9, v2;
	s1 =	sld [smem:s24+$0x0];
	v9 =	vld.idx.msk [tilespmem:v4+s29+$0x0], $0xffff;
	[tilespmem:s11+$0x0] =	vst v5;
	v4 =	vmul.f32 $5.656854150e+00, v12  }
0x161: {  	v5 =	vadd.s32 s8, v2;
	s9 =	sld [smem:s24+$0x1];
	v10 =	vld.idx.msk [tilespmem:v16+s29+$0x0], $0xffff;
	v16 =	vmul.f32 $5.656854150e+00, v13;
	[tilespmem:s11+$0x10] =	vst v3  }
0x162: {  	v3 =	vadd.s32 s12, v2;
	s8 =	sld [smem:s24+$0x2];
	v12 =	vld.idx.msk [tilespmem:v14+s29+$0x0], $0xffff;
	v14 =	vmul.f32 $5.656854150e+00, v17;
	[tilespmem:s11+$0x20] =	vst v4  }
0x163: {  	s16 =	sld [smem:s24+$0xFFFFFFFC];
	v4 =	vadd.s32 s1, v2;
	s24 =	sadd.s32 $0x8, s24;
	v13 =	vld.idx.msk [tilespmem:v15+s29+$0x0], $0xffff;
	v15 =	vmul.f32 $5.656854150e+00, v18;
	[tilespmem:s11+$0xFFFFFFC0] =	vst v16;
	s11 =	sadd.s32 $0x80, s11  }
0x164: {  	s30 =	simm.s32 $0x600  }
.LBB2_19:
0x165: {  	_ =	sdelay $0x2  }
0x166: {  	v7 =	vmul.f32 @p1 $5.656854150e+00, v7;
	[tilespmem:s11+$0x30] =	vst @p1 v14  }
0x167: {  	v14 =	vadd.s32 s9, v2;
	v11 =	vld.idx.msk [tilespmem:v11+s29+$0x0], $0xffff;
	[tilespmem:s11+$0xFFFFFFD0] =	vst @p1 v15;
	v8 =	vmul.f32 @p1 $5.656854150e+00, v8  }
0x168: {  	v6 =	vld.idx.msk [tilespmem:v6+s29+$0x0], $0xffff;
	v15 =	vadd.s32 s8, v2;
	[tilespmem:s11+$0xFFFFFFE0] =	vst @p1 v7;
	v7 =	vmul.f32 @p1 $5.656854150e+00, v9  }
0x169: {  	v5 =	vld.idx.msk [tilespmem:v5+s29+$0x0], $0xffff;
	v9 =	vadd.s32 s16, v2;
	[tilespmem:s11+$0xFFFFFFF0] =	vst @p1 v8;
	v8 =	vmul.f32 @p1 $5.656854150e+00, v10  }
0x16a: {  	v3 =	vld.idx.msk [tilespmem:v3+s29+$0x0], $0xffff;
	v10 =	vmul.f32 @p1 $5.656854150e+00, v13;
	[tilespmem:s11+$0x0] =	vst @p1 v7  }
0x16b: {  	v4 =	vld.idx.msk [tilespmem:v4+s29+$0x0], $0xffff;
	v7 =	vmul.f32 @p1 $5.656854150e+00, v12;
	[tilespmem:s11+$0x10] =	vst @p1 v8  }
0x16c: {  	s1 =	sadd.s32 @p1 $0x80, s11;
	v8 =	vld.idx.msk [tilespmem:v14+s29+$0x0], $0xffff;
	v11 =	vmul.f32 $5.656854150e+00, v11;
	[tilespmem:s11+$0xFFFFFFC0] =	vst @p1 v10  }
0x16d: {  	s26 =	smov.u32 @p1 s1;
	v6 =	vmul.f32 $5.656854150e+00, v6;
	[tilespmem:s11+$0x20] =	vst @p1 v7;
	v7 =	vld.idx.msk [tilespmem:v15+s29+$0x0], $0xffff  }
0x16e: {  	v5 =	vmul.f32 $5.656854150e+00, v5;
	v9 =	vld.idx.msk [tilespmem:v9+s29+$0x0], $0xffff;
	[tilespmem:s26+$0x30] =	vst v11  }
0x16f: {  	v3 =	vmul.f32 $5.656854150e+00, v3;
	[tilespmem:s26+$0xFFFFFFD0] =	vst v6  }
0x170: {  	v4 =	vmul.f32 $5.656854150e+00, v4;
	[tilespmem:s26+$0xFFFFFFE0] =	vst v5  }
0x171: {  	s11 =	sadd.s32 s6, s7;
	[tilespmem:s26+$0xFFFFFFF0] =	vst v3;
	v3 =	vmul.f32 $5.656854150e+00, v8  }
0x172: {  	[tilespmem:s26+$0x0] =	vst v4;
	s7 =	sshll.u32 s11, $0x9;
	s1 =	sshll.u32 s11, $0xB;
	v4 =	vmul.f32 $5.656854150e+00, v7  }
0x173: {  	s7 =	sand.u32 $0x3A00, s7;
	s1 =	sand.u32 $0xFFF0000, s1;
	v5 =	vmul.f32 $5.656854150e+00, v9;
	[tilespmem:s26+$0x10] =	vst v3  }
0x174: {  	s1 =	sor.u32 s7, s1;
	[tilespmem:s26+$0x20] =	vst v4  }
0x175: {  	s12 =	simm.s32 $0x14800;
	s7 =	sadd.s32 s2, s1;
	[tilespmem:s26+$0xFFFFFFC0] =	vst v5  }
0x176: {  	[hbm4b:s7+s3] =	stream.linear.scatter [tilespmem:s12], [sflag:$0xA], $0x1000, $0x38;
	[tilespmem:$0x1C840] =	vst v63  }
0x177: {  	s16 =	simm.s32 $0x15800;
	s15 =	sadd.s32 s1, s19  }
0x178: {  	[hbm4b:s15+s3] =	stream.linear.scatter [tilespmem:s16], [sflag:$0xA], $0x1000, $0x38;
	[tilespmem:$0x1C840] =	vst v63  }
0x179: {  	s24 =	sadd.s32 s1, s20;
	s26 =	simm.s32 $0x16800  }
0x17a: {  	[hbm4b:s24+s3] =	stream.linear.scatter [tilespmem:s26], [sflag:$0xA], $0x1000, $0x38;
	[tilespmem:$0x1C840] =	vst v63  }
0x17b: {  	s8 =	simm.s32 $0x17800;
	s9 =	simm.s32 $0x7;
	s1 =	sadd.s32 s1, s21  }
0x17c: {  	[hbm4b:s1+s3] =	stream.linear.scatter [tilespmem:s8], [sflag:$0xA], $0x1000, $0x38;
	[tilespmem:$0x1C840] =	vst v63  }
0x17d: {  	_ =	swait.ge [sflag:s9], $0x4000  }
0x17e: {  	[sflag:s9] =	ssyncset.done $0x0  }
0x17f: {  	s1 =	simm.s32 @!p0 $0x1;
	[sflag:s9] =	ssyncadd.s32 $0xFFFFC000  }
0x180: {  	_ =	swait.ge @!p0 [sflag:s1], $0x80  }
0x181: {  	[sflag:s1] =	ssyncset.done @!p0 $0x0  }
0x182: {  	[sflag:s1] =	ssyncadd.s32 @!p0 $0xFFFFFF80  }
0x183: {  	_ =	swait.ge @!p0 [sflag:s1], $0x80  }
0x184: {  	[sflag:s1] =	ssyncset.done @!p0 $0x0  }
0x185: {  	[sflag:s1] =	ssyncadd.s32 @!p0 $0xFFFFFF80  }
0x186: {  	_ =	swait.ge @!p0 [sflag:s1], $0x80  }
0x187: {  	[sflag:s1] =	ssyncset.done @!p0 $0x0  }
0x188: {  	[sflag:s1] =	ssyncadd.s32 @!p0 $0xFFFFFF80  }
0x189: {  	_ =	swait.ge @!p0 [sflag:s1], $0x80  }
0x18a: {  	s7 =	simm.s32 @!p0 $0x0;
	[sflag:s1] =	ssyncset.done @!p0 $0x0  }
0x18b: {  	s8 =	simm.s32 @!p0 $0x800;
	[sflag:s1] =	ssyncadd.s32 @!p0 $0xFFFFFF80;
	s1 =	simm.s32 @!p0 $0x80  }
0x18c: {  	[tilespmem:s8], [sflag:$0x5] =	stream.indirect.gather @!p0 [hbm4b:s5+s1], $0x20, s7, s1, $0xb8;
	[tilespmem:$0x1C840] =	vst v63  }
0x18d: {  	s8 =	simm.s32 @!p0 $0x1800  }
0x18e: {  	[tilespmem:s8], [sflag:$0x5] =	stream.indirect.gather @!p0 [hbm4b:s5+s1], $0x20, s1, s1, $0xb8;
	[tilespmem:$0x1C840] =	vst v63  }
0x18f: {  	s9 =	simm.s32 @!p0 $0x2800;
	s8 =	simm.s32 @!p0 $0x100  }
0x190: {  	[tilespmem:s9], [sflag:$0x5] =	stream.indirect.gather @!p0 [hbm4b:s5+s1], $0x20, s8, s1, $0xb8;
	[tilespmem:$0x1C840] =	vst v63  }
0x191: {  	s8 =	simm.s32 @!p0 $0x180;
	s9 =	simm.s32 @!p0 $0x3800  }
0x192: {  	[tilespmem:s9], [sflag:$0x5] =	stream.indirect.gather @!p0 [hbm4b:s5+s1], $0x20, s8, s1, $0xb8;
	[tilespmem:$0x1C840] =	vst v63  }
0x193: {  	s1 =	rddreg [dreg:$0x10]  }
0x194: {  	s1 =	sadd.s32 @!p0 s31, s1  }
0x195: {  	s8 =	sshll.u32 @!p0 s1, $0x9;
	s9 =	sshll.u32 @!p0 s1, $0xC  }
0x196: {  	s1 =	sshll.u32 @!p0 s1, $0x2;
	s8 =	sand.u32 @!p0 $0x7FFE0000, s8;
	s9 =	sand.u32 @!p0 $0x1D000, s9  }
0x197: {  	s1 =	sand.u32 @!p0 $0x380, s1;
	s8 =	sor.u32 @!p0 s9, s8  }
0x198: {  	s1 =	sor.u32 @!p0 s1, s8  }
0x199: {  	s1 =	sshrl.u32 @!p0 s1, $0x3  }
0x19a: {  	s8 =	simm.s32 @!p0 $0x200;
	s1 =	sadd.s32 @!p0 s4, s1  }
0x19b: {  	[tilespmem:s8], [sflag:$0x2] =	stream.linear.gather @!p0 [hbm4b:s1+s7], $0x80, $0x38;
	[tilespmem:$0x1C840] =	vst v63  }
0x19c: {  	s9 =	simm.s32 @!p0 $0x280;
	s8 =	sadd.s32 @!p0 $0x80, s1  }
0x19d: {  	[tilespmem:s9], [sflag:$0x2] =	stream.linear.gather @!p0 [hbm4b:s8+s7], $0x80, $0x38;
	[tilespmem:$0x1C840] =	vst v63  }
0x19e: {  	s8 =	sadd.s32 @!p0 $0x100, s1;
	s9 =	simm.s32 @!p0 $0x300  }
0x19f: {  	[tilespmem:s9], [sflag:$0x2] =	stream.linear.gather @!p0 [hbm4b:s8+s7], $0x80, $0x38;
	[tilespmem:$0x1C840] =	vst v63  }
0x1a0: {  	s1 =	sadd.s32 @!p0 $0x180, s1;
	s8 =	simm.s32 @!p0 $0x380  }
0x1a1: {  	[tilespmem:s8], [sflag:$0x2] =	stream.linear.gather @!p0 [hbm4b:s1+s7], $0x80, $0x38;
	[tilespmem:$0x1C840] =	vst v63  }
0x1a2: {  	_ =	swait.ge [sflag:s10], $0x4000  }
0x1a3: {  	[sflag:s10] =	ssyncset.done $0x0  }
0x1a4: {  	s11 =	simm.s32 $0x3;
	s1 =	simm.s32 $0x8840;
	[sflag:s10] =	ssyncadd.s32 $0xFFFFC000  }
0x1a5: {  	v4 =	vadd.s32 s11, v0;
	s16 =	simm.s32 $0x1;
	v3 =	vld [tilespmem:s1+$0x20]  }
0x1a6: {  	v6 =	vadd.s32 s16, v0;
	v5 =	vld [tilespmem:s1+$0xFFFFFFE0]  }
0x1a7: {  	s12 =	simm.s32 $0x2  }
0x1a8: {  	v8 =	vadd.s32 s12, v0;
	s15 =	simm.s32 $0x0;
	v7 =	vld [tilespmem:s1+$0x0]  }
0x1a9: {  	v10 =	vadd.s32 s15, v0;
	s24 =	simm.s32 $0x7;
	s7 =	simm.s32 $0x88C0;
	v9 =	vld [tilespmem:s1+$0xFFFFFFC0]  }
0x1aa: {  	v13 =	vadd.s32 s24, v0;
	v12 =	vld [tilespmem:s7+$0x20];
	[tilespmem:v4+s29+$0x0] =	vst.idx.msk $0xffff, v3  }
0x1ab: {  	[tilespmem:v6+s29+$0x0] =	vst.idx.msk $0xffff, v5;
	v5 =	vadd.s32 s11, v1;
	v4 =	vld [tilespmem:s1+$0x30]  }
0x1ac: {  	v11 =	vadd.s32 s16, v1;
	s26 =	simm.s32 $0x5;
	v6 =	vld [tilespmem:s1+$0xFFFFFFF0]  }
0x1ad: {  	v15 =	vadd.s32 s26, v0;
	s8 =	simm.s32 $0x6;
	v14 =	vld [tilespmem:s7+$0xFFFFFFE0];
	[tilespmem:v8+s29+$0x0] =	vst.idx.msk $0xffff, v7  }
0x1ae: {  	s9 =	simm.s32 $0x4;
	v17 =	vadd.s32 s8, v0;
	v16 =	vld [tilespmem:s7+$0x0];
	[tilespmem:v10+s29+$0x0] =	vst.idx.msk $0xffff, v9  }
0x1af: {  	v3 =	vld [tilespmem:s7+$0xFFFFFFC0];
	v7 =	vadd.s32 s9, v0;
	[tilespmem:v13+s29+$0x0] =	vst.idx.msk $0xffff, v12  }
0x1b0: {  	v8 =	vadd.s32 s12, v1;
	[tilespmem:v5+s29+$0x0] =	vst.idx.msk $0xffff, v4;
	v4 =	vld [tilespmem:s1+$0x10]  }
0x1b1: {  	[tilespmem:v11+s29+$0x0] =	vst.idx.msk $0xffff, v6;
	v5 =	vld [tilespmem:s1+$0xFFFFFFD0];
	v6 =	vadd.s32 s15, v1  }
0x1b2: {  	s16 =	simm.s32 $0x8940;
	[tilespmem:v15+s29+$0x0] =	vst.idx.msk $0xffff, v14;
	v10 =	vadd.s32 s24, v1;
	v9 =	vld [tilespmem:s7+$0x30]  }
0x1b3: {  	s11 =	simm.s32 $0x8;
	s24 =	simm.s32 $0xC;
	v12 =	vadd.s32 s26, v1;
	[tilespmem:v17+s29+$0x0] =	vst.idx.msk $0xffff, v16;
	s15 =	simm.s32 $0xB;
	v11 =	vld [tilespmem:s7+$0xFFFFFFF0]  }
.LBB2_20:
0x1b4: {  	p1 =	slt.u32 s24, $0x1FC;
	s1 =	sadd.s32 $0x1, s11;
	v13 =	vld [tilespmem:s16+$0x20];
	v14 =	vadd.s32 s15, v0;
	[tilespmem:v7+s29+$0x0] =	vst.idx.msk $0xffff, v3  }
0x1b5: {  	s12 =	sadd.s32 $0x2, s11;
	v15 =	vld [tilespmem:s16+$0xFFFFFFE0];
	v16 =	vadd.s32 s1, v0;
	[tilespmem:v8+s29+$0x0] =	vst.idx.msk $0xffff, v4  }
0x1b6: {  	v18 =	vadd.s32 s12, v0;
	v17 =	vld [tilespmem:s16+$0x0];
	[tilespmem:v6+s29+$0x0] =	vst.idx.msk $0xffff, v5  }
.Ltmp11:
0x1b7: {  	v7 =	vadd.s32 s11, v0;
	v3 =	vld [tilespmem:s16+$0xFFFFFFC0];
	[tilespmem:v10+s29+$0x0] =	vst.idx.msk $0xffff, v9;
	(pc) =	sbr.rel @p1 .LBB2_20-.Ltmp11, $4  }
0x1b8: {  	v8 =	vadd.s32 s8, v1;
	s8 =	smov.u32 s12;
	[tilespmem:v12+s29+$0x0] =	vst.idx.msk $0xffff, v11;
	v4 =	vld [tilespmem:s7+$0x10]  }
0x1b9: {  	v6 =	vadd.s32 s9, v1;
	s9 =	smov.u32 s11;
	s11 =	smov.u32 s24;
	[tilespmem:v14+s29+$0x0] =	vst.idx.msk $0xffff, v13;
	v5 =	vld [tilespmem:s7+$0xFFFFFFD0];
	s7 =	smov.u32 s16  }
0x1ba: {  	v10 =	vadd.s32 s15, v1;
	[tilespmem:v16+s29+$0x0] =	vst.idx.msk $0xffff, v15;
	v9 =	vld [tilespmem:s16+$0x30]  }
0x1bb: {  	s24 =	sadd.s32 $0x4, s24;
	s15 =	sadd.s32 $0x3, s11;
	v12 =	vadd.s32 s1, v1;
	s16 =	sadd.s32 $0x80, s16;
	v11 =	vld [tilespmem:s7+$0xFFFFFFF0];
	[tilespmem:v18+s29+$0x0] =	vst.idx.msk $0xffff, v17  }
0x1bc: {  	_ =	sdelay $0x3  }
0x1bd: {  	s1 =	sadd.s32 $0x1, s11;
	v13 =	vld [tilespmem:s16+$0x20];
	v14 =	vadd.s32 s15, v0;
	[tilespmem:v7+s29+$0x0] =	vst.idx.msk $0xffff, v3  }
0x1be: {  	v3 =	vld [tilespmem:s16+$0xFFFFFFE0];
	s12 =	sadd.s32 $0x2, s11;
	v7 =	vadd.s32 s1, v0;
	[tilespmem:v8+s29+$0x0] =	vst.idx.msk $0xffff, v4  }
0x1bf: {  	v4 =	vld [tilespmem:s16+$0x0];
	v8 =	vadd.s32 s12, v0;
	[tilespmem:v6+s29+$0x0] =	vst.idx.msk $0xffff, v5  }
0x1c0: {  	v5 =	vld [tilespmem:s16+$0xFFFFFFC0];
	v6 =	vadd.s32 s11, v0;
	[tilespmem:v10+s29+$0x0] =	vst.idx.msk $0xffff, v9  }
0x1c1: {  	v9 =	vld [tilespmem:s7+$0x10];
	v10 =	vadd.s32 s8, v1;
	[tilespmem:v12+s29+$0x0] =	vst.idx.msk $0xffff, v11  }
0x1c2: {  	v61 =	vadd.s32 s9, v1;
	v11 =	vld [tilespmem:s7+$0xFFFFFFD0];
	[tilespmem:v14+s29+$0x0] =	vst.idx.msk $0xffff, v13  }
0x1c3: {  	[tilespmem:v7+s29+$0x0] =	vst.idx.msk $0xffff, v3;
	v3 =	vld [tilespmem:s16+$0x30];
	v7 =	vadd.s32 s15, v1  }
0x1c4: {  	v63 =	vadd.s32 s1, v1;
	[tilespmem:v8+s29+$0x0] =	vst.idx.msk $0xffff, v4;
	v62 =	vld [tilespmem:s16+$0xFFFFFFF0]  }
0x1c5: {  	[tilespmem:v6+s29+$0x0] =	vst.idx.msk $0xffff, v5;
	v4 =	vld [tilespmem:s16+$0x10];
	v5 =	vadd.s32 s12, v1  }
0x1c6: {  	v8 =	vadd.s32 s11, v1;
	[tilespmem:v10+s29+$0x0] =	vst.idx.msk $0xffff, v9;
	v6 =	vld [tilespmem:s16+$0xFFFFFFD0]  }
0x1c7: {  	[tilespmem:v61+s29+$0x0] =	vst.idx.msk $0xffff, v11  }
0x1c8: {  	[tilespmem:v7+s29+$0x0] =	vst.idx.msk $0xffff, v3  }
0x1c9: {  	[tilespmem:v63+s29+$0x0] =	vst.idx.msk $0xffff, v62  }
0x1ca: {  	[tilespmem:v5+s29+$0x0] =	vst.idx.msk $0xffff, v4  }
0x1cb: {  	[tilespmem:v8+s29+$0x0] =	vst.idx.msk $0xffff, v6  }
0x1cc: {  	s12 =	sld [smem:$0x7]  }
0x1cd: {  	s15 =	sld [smem:$0x1]  }
0x1ce: {  	p2 =	por $0x1, $0x1;
	s16 =	sld [smem:$0x2]  }
.Ltmp12:
0x1cf: {  	s24 =	sld [smem:$0x3];
	(pc) =	sbr.rel @!p2 .LBB2_22-.Ltmp12, $4  }
0x1d0: {  	s26 =	sld [smem:$0x4]  }
0x1d1: {  	s9 =	sld [smem:$0x5]  }
0x1d2: {  	v11 =	vadd.s32 s12, v2;
	v6 =	vadd.s32 s15, v2;
	s8 =	sld [smem:$0x6]  }
0x1d3: {  	p1 =	por $0x0, $0x0;
	s7 =	simm.s32 $0x10840;
	v5 =	vadd.s32 s16, v2;
	v3 =	vadd.s32 s24, v2;
	s16 =	sld [smem:$0x0];
	v4 =	vadd.s32 s26, v2  }
0x1d4: {  	_ =	sdelay $0x3  }
0x1d5: {  	s1 =	sld [smem:$0xF];
	v13 =	vld.idx.msk [tilespmem:v11+s29+$0x0], $0xffff  }
0x1d6: {  	s11 =	sld [smem:$0x9];
	v15 =	vld.idx.msk [tilespmem:v6+s29+$0x0], $0xffff  }
0x1d7: {  	s12 =	sld [smem:$0xA];
	v7 =	vld.idx.msk [tilespmem:v5+s29+$0x0], $0xffff;
	v5 =	vadd.s32 s9, v2  }
0x1d8: {  	s24 =	sld [smem:$0xB];
	v8 =	vld.idx.msk [tilespmem:v3+s29+$0x0], $0xffff;
	v3 =	vadd.s32 s8, v2  }
0x1d9: {  	p2 =	por $0x1, $0x1;
	v16 =	vadd.s32 s16, v2  }
.Ltmp13:
0x1da: {  	v11 =	vadd.s32 s1, v2;
	(pc) =	sbr.rel @!p2 .LBB2_24-.Ltmp13, $4  }
0x1db: {  	s26 =	sld [smem:$0xC];
	v9 =	vld.idx.msk [tilespmem:v4+s29+$0x0], $0xffff;
	v6 =	vadd.s32 s11, v2  }
0x1dc: {  	s9 =	sld [smem:$0xD];
	v10 =	vld.idx.msk [tilespmem:v5+s29+$0x0], $0xffff;
	v5 =	vadd.s32 s12, v2  }
0x1dd: {  	s15 =	simm.s32 $0x8;
	p1 =	por $0x1, $0x1;
	v14 =	vmul.f32 $5.656854150e+00, v13;
	s8 =	sld [smem:$0xE];
	v12 =	vld.idx.msk [tilespmem:v3+s29+$0x0], $0xffff;
	v3 =	vadd.s32 s24, v2  }
0x1de: {  	s11 =	simm.s32 $0x10840;
	v15 =	vmul.f32 $5.656854150e+00, v15;
	v4 =	vadd.s32 s26, v2;
	s16 =	sld [smem:$0x8];
	s24 =	simm.s32 $0x14;
	v13 =	vld.idx.msk [tilespmem:v16+s29+$0x0], $0xffff  }
.LBB2_25:
0x1df: {  	s1 =	sld [smem:s24+$0x3];
	s15 =	sadd.s32 $0x8, s15;
	v16 =	vadd.s32 s9, v2;
	v17 =	vld.idx.msk [tilespmem:v11+s29+$0x0], $0xffff;
	v11 =	vmul.f32 $5.656854150e+00, v7;
	[tilespmem:s11+$0x30] =	vst v14  }
0x1e0: {  	s9 =	sld [smem:s24+$0xFFFFFFFD];
	p2 =	slt.u32 s15, $0x3F8;
	v18 =	vld.idx.msk [tilespmem:v6+s29+$0x0], $0xffff;
	v14 =	vadd.s32 s8, v2;
	[tilespmem:s11+$0xFFFFFFD0] =	vst v15;
	v6 =	vmul.f32 $5.656854150e+00, v8  }
0x1e1: {  	s8 =	sld [smem:s24+$0xFFFFFFFE];
	v15 =	vadd.s32 s16, v2;
	v7 =	vld.idx.msk [tilespmem:v5+s29+$0x0], $0xffff;
	[tilespmem:s11+$0xFFFFFFE0] =	vst v11;
	v5 =	vmul.f32 $5.656854150e+00, v9  }
.Ltmp14:
0x1e2: {  	s12 =	sld [smem:s24+$0xFFFFFFFF];
	v11 =	vadd.s32 s1, v2;
	v8 =	vld.idx.msk [tilespmem:v3+s29+$0x0], $0xffff;
	[tilespmem:s11+$0xFFFFFFF0] =	vst v6;
	v3 =	vmul.f32 $5.656854150e+00, v10;
	(pc) =	sbr.rel @p2 .LBB2_25-.Ltmp14, $4  }
0x1e3: {  	v6 =	vadd.s32 s9, v2;
	s1 =	sld [smem:s24+$0x0];
	v9 =	vld.idx.msk [tilespmem:v4+s29+$0x0], $0xffff;
	[tilespmem:s11+$0x0] =	vst v5;
	v4 =	vmul.f32 $5.656854150e+00, v12  }
0x1e4: {  	v5 =	vadd.s32 s8, v2;
	s9 =	sld [smem:s24+$0x1];
	v10 =	vld.idx.msk [tilespmem:v16+s29+$0x0], $0xffff;
	v16 =	vmul.f32 $5.656854150e+00, v13;
	[tilespmem:s11+$0x10] =	vst v3  }
0x1e5: {  	v3 =	vadd.s32 s12, v2;
	s8 =	sld [smem:s24+$0x2];
	v12 =	vld.idx.msk [tilespmem:v14+s29+$0x0], $0xffff;
	v14 =	vmul.f32 $5.656854150e+00, v17;
	[tilespmem:s11+$0x20] =	vst v4  }
0x1e6: {  	s16 =	sld [smem:s24+$0xFFFFFFFC];
	v4 =	vadd.s32 s1, v2;
	s24 =	sadd.s32 $0x8, s24;
	v13 =	vld.idx.msk [tilespmem:v15+s29+$0x0], $0xffff;
	v15 =	vmul.f32 $5.656854150e+00, v18;
	[tilespmem:s11+$0xFFFFFFC0] =	vst v16;
	s11 =	sadd.s32 $0x80, s11  }
.LBB2_26:
0x1e7: {  	_ =	sdelay $0x2  }
0x1e8: {  	v7 =	vmul.f32 @p1 $5.656854150e+00, v7;
	[tilespmem:s11+$0x30] =	vst @p1 v14  }
0x1e9: {  	v14 =	vadd.s32 s9, v2;
	v11 =	vld.idx.msk [tilespmem:v11+s29+$0x0], $0xffff;
	v8 =	vmul.f32 @p1 $5.656854150e+00, v8;
	[tilespmem:s11+$0xFFFFFFD0] =	vst @p1 v15  }
0x1ea: {  	v6 =	vld.idx.msk [tilespmem:v6+s29+$0x0], $0xffff;
	v15 =	vadd.s32 s8, v2;
	[tilespmem:s11+$0xFFFFFFE0] =	vst @p1 v7;
	v7 =	vmul.f32 @p1 $5.656854150e+00, v9  }
0x1eb: {  	v5 =	vld.idx.msk [tilespmem:v5+s29+$0x0], $0xffff;
	v9 =	vadd.s32 s16, v2;
	[tilespmem:s11+$0xFFFFFFF0] =	vst @p1 v8;
	v8 =	vmul.f32 @p1 $5.656854150e+00, v10  }
0x1ec: {  	v3 =	vld.idx.msk [tilespmem:v3+s29+$0x0], $0xffff;
	[tilespmem:s11+$0x0] =	vst @p1 v7;
	v7 =	vmul.f32 @p1 $5.656854150e+00, v12  }
0x1ed: {  	v4 =	vld.idx.msk [tilespmem:v4+s29+$0x0], $0xffff;
	v10 =	vmul.f32 @p1 $5.656854150e+00, v13;
	[tilespmem:s11+$0x10] =	vst @p1 v8  }
0x1ee: {  	s1 =	sadd.s32 @p1 $0x80, s11;
	v8 =	vld.idx.msk [tilespmem:v14+s29+$0x0], $0xffff;
	v11 =	vmul.f32 $5.656854150e+00, v11;
	[tilespmem:s11+$0x20] =	vst @p1 v7  }
0x1ef: {  	s7 =	smov.u32 @p1 s1;
	v6 =	vmul.f32 $5.656854150e+00, v6;
	v7 =	vld.idx.msk [tilespmem:v15+s29+$0x0], $0xffff;
	[tilespmem:s11+$0xFFFFFFC0] =	vst @p1 v10  }
0x1f0: {  	v5 =	vmul.f32 $5.656854150e+00, v5;
	v9 =	vld.idx.msk [tilespmem:v9+s29+$0x0], $0xffff;
	[tilespmem:s7+$0x30] =	vst v11  }
0x1f1: {  	v3 =	vmul.f32 $5.656854150e+00, v3;
	[tilespmem:s7+$0xFFFFFFD0] =	vst v6  }
0x1f2: {  	v4 =	vmul.f32 $5.656854150e+00, v4;
	[tilespmem:s7+$0xFFFFFFE0] =	vst v5  }
0x1f3: {  	s16 =	sadd.s32 s6, s25;
	[tilespmem:s7+$0xFFFFFFF0] =	vst v3;
	v3 =	vmul.f32 $5.656854150e+00, v8  }
0x1f4: {  	s24 =	sshll.u32 s16, $0x9;
	s1 =	sshll.u32 s16, $0xB;
	[tilespmem:s7+$0x0] =	vst v4;
	v4 =	vmul.f32 $5.656854150e+00, v7  }
0x1f5: {  	s8 =	sand.u32 $0x3C00, s24;
	s1 =	sand.u32 $0xFFF0000, s1;
	v5 =	vmul.f32 $5.656854150e+00, v9;
	[tilespmem:s7+$0x10] =	vst v3  }
0x1f6: {  	s1 =	sor.u32 s8, s1;
	[tilespmem:s7+$0x20] =	vst v4  }
0x1f7: {  	s26 =	simm.s32 $0x10800;
	s25 =	sadd.s32 s2, s1;
	[tilespmem:s7+$0xFFFFFFC0] =	vst v5  }
0x1f8: {  	[hbm4b:s25+s3] =	stream.linear.scatter [tilespmem:s26], [sflag:$0x9], $0x1000, $0x38;
	[tilespmem:$0x1C840] =	vst v63  }
0x1f9: {  	s9 =	simm.s32 $0x11800;
	s8 =	sadd.s32 s1, s19  }
0x1fa: {  	[hbm4b:s8+s3] =	stream.linear.scatter [tilespmem:s9], [sflag:$0x9], $0x1000, $0x38;
	[tilespmem:$0x1C840] =	vst v63  }
0x1fb: {  	s12 =	simm.s32 $0x12800;
	s11 =	sadd.s32 s1, s20  }
0x1fc: {  	[hbm4b:s11+s3] =	stream.linear.scatter [tilespmem:s12], [sflag:$0x9], $0x1000, $0x38;
	[tilespmem:$0x1C840] =	vst v63  }
0x1fd: {  	s15 =	simm.s32 $0x13800;
	s1 =	sadd.s32 s1, s21  }
0x1fe: {  	[hbm4b:s1+s3] =	stream.linear.scatter [tilespmem:s15], [sflag:$0x9], $0x1000, $0x38;
	[tilespmem:$0x1C840] =	vst v63  }
0x1ff: {  	_ =	swait.ge [sflag:s22], $0x4000  }
0x200: {  	[sflag:s22] =	ssyncset.done $0x0  }
0x201: {  	s1 =	simm.s32 @!p0 $0x2;
	[sflag:s22] =	ssyncadd.s32 $0xFFFFC000  }
0x202: {  	_ =	swait.ge @!p0 [sflag:s1], $0x80  }
0x203: {  	[sflag:s1] =	ssyncset.done @!p0 $0x0  }
0x204: {  	[sflag:s1] =	ssyncadd.s32 @!p0 $0xFFFFFF80  }
0x205: {  	_ =	swait.ge @!p0 [sflag:s1], $0x80  }
0x206: {  	[sflag:s1] =	ssyncset.done @!p0 $0x0  }
0x207: {  	[sflag:s1] =	ssyncadd.s32 @!p0 $0xFFFFFF80  }
0x208: {  	_ =	swait.ge @!p0 [sflag:s1], $0x80  }
0x209: {  	[sflag:s1] =	ssyncset.done @!p0 $0x0  }
0x20a: {  	[sflag:s1] =	ssyncadd.s32 @!p0 $0xFFFFFF80  }
0x20b: {  	_ =	swait.ge @!p0 [sflag:s1], $0x80  }
0x20c: {  	s7 =	simm.s32 @!p0 $0x200;
	[sflag:s1] =	ssyncset.done @!p0 $0x0  }
0x20d: {  	s8 =	simm.s32 @!p0 $0x4800;
	[sflag:s1] =	ssyncadd.s32 @!p0 $0xFFFFFF80;
	s1 =	simm.s32 @!p0 $0x80  }
0x20e: {  	[tilespmem:s8], [sflag:$0x6] =	stream.indirect.gather @!p0 [hbm4b:s5+s1], $0x20, s7, s1, $0xb8;
	[tilespmem:$0x1C840] =	vst v63  }
0x20f: {  	s7 =	simm.s32 @!p0 $0x280;
	s8 =	simm.s32 @!p0 $0x5800  }
0x210: {  	[tilespmem:s8], [sflag:$0x6] =	stream.indirect.gather @!p0 [hbm4b:s5+s1], $0x20, s7, s1, $0xb8;
	[tilespmem:$0x1C840] =	vst v63  }
0x211: {  	s7 =	simm.s32 @!p0 $0x300;
	s8 =	simm.s32 @!p0 $0x6800  }
0x212: {  	[tilespmem:s8], [sflag:$0x6] =	stream.indirect.gather @!p0 [hbm4b:s5+s1], $0x20, s7, s1, $0xb8;
	[tilespmem:$0x1C840] =	vst v63  }
0x213: {  	s7 =	simm.s32 @!p0 $0x380;
	s8 =	simm.s32 @!p0 $0x7800  }
0x214: {  	[tilespmem:s8], [sflag:$0x6] =	stream.indirect.gather @!p0 [hbm4b:s5+s1], $0x20, s7, s1, $0xb8;
	[tilespmem:$0x1C840] =	vst v63  }
0x215: {  	s1 =	rddreg [dreg:$0x11]  }
0x216: {  	s1 =	sadd.s32 @!p0 s31, s1  }
0x217: {  	s7 =	sshll.u32 @!p0 s1, $0x9;
	s8 =	sshll.u32 @!p0 s1, $0xC  }
0x218: {  	s1 =	sshll.u32 @!p0 s1, $0x2;
	s7 =	sand.u32 @!p0 $0x7FFE0000, s7;
	s8 =	sand.u32 @!p0 $0x1E000, s8  }
0x219: {  	s1 =	sand.u32 @!p0 $0x380, s1;
	s7 =	sor.u32 @!p0 s8, s7  }
0x21a: {  	s1 =	sor.u32 @!p0 s1, s7  }
0x21b: {  	s1 =	sshrl.u32 @!p0 s1, $0x3  }
0x21c: {  	s8 =	simm.s32 @!p0 $0x400;
	s7 =	simm.s32 @!p0 $0x0;
	s1 =	sadd.s32 @!p0 s4, s1  }
0x21d: {  	[tilespmem:s8], [sflag:$0x3] =	stream.linear.gather @!p0 [hbm4b:s1+s7], $0x80, $0x38;
	[tilespmem:$0x1C840] =	vst v63  }
0x21e: {  	s9 =	simm.s32 @!p0 $0x480;
	s8 =	sadd.s32 @!p0 $0x80, s1  }
0x21f: {  	[tilespmem:s9], [sflag:$0x3] =	stream.linear.gather @!p0 [hbm4b:s8+s7], $0x80, $0x38;
	[tilespmem:$0x1C840] =	vst v63  }
0x220: {  	s8 =	sadd.s32 @!p0 $0x100, s1;
	s9 =	simm.s32 @!p0 $0x500  }
0x221: {  	[tilespmem:s9], [sflag:$0x3] =	stream.linear.gather @!p0 [hbm4b:s8+s7], $0x80, $0x38;
	[tilespmem:$0x1C840] =	vst v63  }
0x222: {  	s1 =	sadd.s32 @!p0 $0x180, s1;
	s8 =	simm.s32 @!p0 $0x580  }
0x223: {  	[tilespmem:s8], [sflag:$0x3] =	stream.linear.gather @!p0 [hbm4b:s1+s7], $0x80, $0x38;
	[tilespmem:$0x1C840] =	vst v63  }
0x224: {  	_ =	swait.ge [sflag:s23], $0x4000  }
0x225: {  	[sflag:s23] =	ssyncset.done $0x0  }
0x226: {  	s16 =	simm.s32 $0xC840;
	s24 =	simm.s32 $0x3;
	[sflag:s23] =	ssyncadd.s32 $0xFFFFC000  }
0x227: {  	v4 =	vadd.s32 s24, v0;
	s25 =	simm.s32 $0x1;
	v3 =	vld [tilespmem:s16+$0x20]  }
0x228: {  	v6 =	vadd.s32 s25, v0;
	v5 =	vld [tilespmem:s16+$0xFFFFFFE0]  }
0x229: {  	s12 =	simm.s32 $0x2  }
0x22a: {  	v8 =	vadd.s32 s12, v0;
	s15 =	simm.s32 $0x0;
	v7 =	vld [tilespmem:s16+$0x0]  }
0x22b: {  	s26 =	simm.s32 $0x7;
	v10 =	vadd.s32 s15, v0;
	s7 =	simm.s32 $0xC8C0;
	v9 =	vld [tilespmem:s16+$0xFFFFFFC0]  }
0x22c: {  	v13 =	vadd.s32 s26, v0;
	v12 =	vld [tilespmem:s7+$0x20];
	[tilespmem:v4+s29+$0x0] =	vst.idx.msk $0xffff, v3  }
0x22d: {  	[tilespmem:v6+s29+$0x0] =	vst.idx.msk $0xffff, v5;
	v5 =	vadd.s32 s24, v1;
	v4 =	vld [tilespmem:s16+$0x30]  }
0x22e: {  	v11 =	vadd.s32 s25, v1;
	s31 =	simm.s32 $0x5;
	v6 =	vld [tilespmem:s16+$0xFFFFFFF0]  }
0x22f: {  	v15 =	vadd.s32 s31, v0;
	s8 =	simm.s32 $0x6;
	v14 =	vld [tilespmem:s7+$0xFFFFFFE0];
	[tilespmem:v8+s29+$0x0] =	vst.idx.msk $0xffff, v7  }
0x230: {  	s9 =	simm.s32 $0x4;
	v17 =	vadd.s32 s8, v0;
	v16 =	vld [tilespmem:s7+$0x0];
	[tilespmem:v10+s29+$0x0] =	vst.idx.msk $0xffff, v9  }
0x231: {  	v3 =	vld [tilespmem:s7+$0xFFFFFFC0];
	v7 =	vadd.s32 s9, v0;
	[tilespmem:v13+s29+$0x0] =	vst.idx.msk $0xffff, v12  }
0x232: {  	v8 =	vadd.s32 s12, v1;
	[tilespmem:v5+s29+$0x0] =	vst.idx.msk $0xffff, v4;
	v4 =	vld [tilespmem:s16+$0x10]  }
0x233: {  	[tilespmem:v11+s29+$0x0] =	vst.idx.msk $0xffff, v6;
	v5 =	vld [tilespmem:s16+$0xFFFFFFD0];
	v6 =	vadd.s32 s15, v1  }
0x234: {  	s11 =	simm.s32 $0x8;
	[tilespmem:v15+s29+$0x0] =	vst.idx.msk $0xffff, v14;
	v10 =	vadd.s32 s26, v1;
	v9 =	vld [tilespmem:s7+$0x30]  }
0x235: {  	s24 =	simm.s32 $0xC;
	v12 =	vadd.s32 s31, v1;
	[tilespmem:v17+s29+$0x0] =	vst.idx.msk $0xffff, v16;
	s15 =	simm.s32 $0xB;
	v11 =	vld [tilespmem:s7+$0xFFFFFFF0];
	s16 =	simm.s32 $0xC940  }
.LBB2_27:
0x236: {  	p0 =	slt.u32 s24, $0x1FC;
	s1 =	sadd.s32 $0x1, s11;
	v13 =	vld [tilespmem:s16+$0x20];
	v14 =	vadd.s32 s15, v0;
	[tilespmem:v7+s29+$0x0] =	vst.idx.msk $0xffff, v3  }
0x237: {  	s12 =	sadd.s32 $0x2, s11;
	v15 =	vld [tilespmem:s16+$0xFFFFFFE0];
	v16 =	vadd.s32 s1, v0;
	[tilespmem:v8+s29+$0x0] =	vst.idx.msk $0xffff, v4  }
0x238: {  	v18 =	vadd.s32 s12, v0;
	v17 =	vld [tilespmem:s16+$0x0];
	[tilespmem:v6+s29+$0x0] =	vst.idx.msk $0xffff, v5  }
.Ltmp15:
0x239: {  	v7 =	vadd.s32 s11, v0;
	v3 =	vld [tilespmem:s16+$0xFFFFFFC0];
	[tilespmem:v10+s29+$0x0] =	vst.idx.msk $0xffff, v9;
	(pc) =	sbr.rel @p0 .LBB2_27-.Ltmp15, $4  }
0x23a: {  	v8 =	vadd.s32 s8, v1;
	s8 =	smov.u32 s12;
	[tilespmem:v12+s29+$0x0] =	vst.idx.msk $0xffff, v11;
	v4 =	vld [tilespmem:s7+$0x10]  }
0x23b: {  	v6 =	vadd.s32 s9, v1;
	s9 =	smov.u32 s11;
	s11 =	smov.u32 s24;
	[tilespmem:v14+s29+$0x0] =	vst.idx.msk $0xffff, v13;
	v5 =	vld [tilespmem:s7+$0xFFFFFFD0];
	s7 =	smov.u32 s16  }
0x23c: {  	v10 =	vadd.s32 s15, v1;
	[tilespmem:v16+s29+$0x0] =	vst.idx.msk $0xffff, v15;
	v9 =	vld [tilespmem:s16+$0x30]  }
0x23d: {  	s24 =	sadd.s32 $0x4, s24;
	s15 =	sadd.s32 $0x3, s11;
	v12 =	vadd.s32 s1, v1;
	s16 =	sadd.s32 $0x80, s16;
	v11 =	vld [tilespmem:s7+$0xFFFFFFF0];
	[tilespmem:v18+s29+$0x0] =	vst.idx.msk $0xffff, v17  }
0x23e: {  	_ =	sdelay $0x3  }
0x23f: {  	s1 =	sadd.s32 $0x1, s11;
	v13 =	vld [tilespmem:s16+$0x20];
	v14 =	vadd.s32 s15, v0;
	[tilespmem:v7+s29+$0x0] =	vst.idx.msk $0xffff, v3  }
0x240: {  	v3 =	vld [tilespmem:s16+$0xFFFFFFE0];
	s12 =	sadd.s32 $0x2, s11;
	v7 =	vadd.s32 s1, v0;
	[tilespmem:v8+s29+$0x0] =	vst.idx.msk $0xffff, v4  }
0x241: {  	v4 =	vld [tilespmem:s16+$0x0];
	v8 =	vadd.s32 s12, v0;
	[tilespmem:v6+s29+$0x0] =	vst.idx.msk $0xffff, v5  }
0x242: {  	v5 =	vld [tilespmem:s16+$0xFFFFFFC0];
	v6 =	vadd.s32 s11, v0;
	[tilespmem:v10+s29+$0x0] =	vst.idx.msk $0xffff, v9  }
0x243: {  	v9 =	vld [tilespmem:s7+$0x10];
	v10 =	vadd.s32 s8, v1;
	[tilespmem:v12+s29+$0x0] =	vst.idx.msk $0xffff, v11  }
0x244: {  	v61 =	vadd.s32 s9, v1;
	v11 =	vld [tilespmem:s7+$0xFFFFFFD0];
	[tilespmem:v14+s29+$0x0] =	vst.idx.msk $0xffff, v13  }
0x245: {  	[tilespmem:v7+s29+$0x0] =	vst.idx.msk $0xffff, v3;
	v3 =	vld [tilespmem:s16+$0x30];
	v7 =	vadd.s32 s15, v1  }
0x246: {  	v63 =	vadd.s32 s1, v1;
	[tilespmem:v8+s29+$0x0] =	vst.idx.msk $0xffff, v4;
	v62 =	vld [tilespmem:s16+$0xFFFFFFF0]  }
0x247: {  	[tilespmem:v6+s29+$0x0] =	vst.idx.msk $0xffff, v5;
	v4 =	vld [tilespmem:s16+$0x10];
	v5 =	vadd.s32 s12, v1  }
0x248: {  	v8 =	vadd.s32 s11, v1;
	[tilespmem:v10+s29+$0x0] =	vst.idx.msk $0xffff, v9;
	v6 =	vld [tilespmem:s16+$0xFFFFFFD0]  }
0x249: {  	[tilespmem:v61+s29+$0x0] =	vst.idx.msk $0xffff, v11  }
0x24a: {  	[tilespmem:v7+s29+$0x0] =	vst.idx.msk $0xffff, v3  }
0x24b: {  	[tilespmem:v63+s29+$0x0] =	vst.idx.msk $0xffff, v62  }
0x24c: {  	[tilespmem:v5+s29+$0x0] =	vst.idx.msk $0xffff, v4  }
0x24d: {  	[tilespmem:v8+s29+$0x0] =	vst.idx.msk $0xffff, v6  }
0x24e: {  	s16 =	sld [smem:$0x7]  }
0x24f: {  	s24 =	sld [smem:$0x1]  }
0x250: {  	p1 =	por $0x1, $0x1;
	s25 =	sld [smem:$0x2]  }
.Ltmp16:
0x251: {  	s26 =	sld [smem:$0x3];
	(pc) =	sbr.rel @!p1 .LBB2_29-.Ltmp16, $4  }
0x252: {  	s31 =	sld [smem:$0x4]  }
0x253: {  	s9 =	sld [smem:$0x5]  }
0x254: {  	v11 =	vadd.s32 s16, v2;
	v6 =	vadd.s32 s24, v2;
	s8 =	sld [smem:$0x6]  }
0x255: {  	p0 =	por $0x0, $0x0;
	s7 =	simm.s32 $0x14840;
	v5 =	vadd.s32 s25, v2;
	v3 =	vadd.s32 s26, v2;
	s16 =	sld [smem:$0x0];
	v4 =	vadd.s32 s31, v2  }
0x256: {  	_ =	sdelay $0x3  }
0x257: {  	s1 =	sld [smem:$0xF];
	v13 =	vld.idx.msk [tilespmem:v11+s29+$0x0], $0xffff  }
0x258: {  	s11 =	sld [smem:$0x9];
	v15 =	vld.idx.msk [tilespmem:v6+s29+$0x0], $0xffff  }
0x259: {  	s12 =	sld [smem:$0xA];
	v7 =	vld.idx.msk [tilespmem:v5+s29+$0x0], $0xffff;
	v5 =	vadd.s32 s9, v2  }
0x25a: {  	s24 =	sld [smem:$0xB];
	v8 =	vld.idx.msk [tilespmem:v3+s29+$0x0], $0xffff;
	v3 =	vadd.s32 s8, v2  }
0x25b: {  	p1 =	por $0x1, $0x1;
	v16 =	vadd.s32 s16, v2  }
.Ltmp17:
0x25c: {  	v11 =	vadd.s32 s1, v2;
	(pc) =	sbr.rel @!p1 .LBB2_31-.Ltmp17, $4  }
0x25d: {  	s25 =	sld [smem:$0xC];
	v9 =	vld.idx.msk [tilespmem:v4+s29+$0x0], $0xffff;
	v6 =	vadd.s32 s11, v2  }
0x25e: {  	s9 =	sld [smem:$0xD];
	v10 =	vld.idx.msk [tilespmem:v5+s29+$0x0], $0xffff;
	v5 =	vadd.s32 s12, v2  }
0x25f: {  	s15 =	simm.s32 $0x8;
	p0 =	por $0x1, $0x1;
	v14 =	vmul.f32 $5.656854150e+00, v13;
	s8 =	sld [smem:$0xE];
	v12 =	vld.idx.msk [tilespmem:v3+s29+$0x0], $0xffff;
	v3 =	vadd.s32 s24, v2  }
0x260: {  	s11 =	simm.s32 $0x14840;
	v15 =	vmul.f32 $5.656854150e+00, v15;
	v4 =	vadd.s32 s25, v2;
	s16 =	sld [smem:$0x8];
	s24 =	simm.s32 $0x14;
	v13 =	vld.idx.msk [tilespmem:v16+s29+$0x0], $0xffff  }
.LBB2_32:
0x261: {  	s1 =	sld [smem:s24+$0x3];
	s15 =	sadd.s32 $0x8, s15;
	v16 =	vadd.s32 s9, v2;
	v17 =	vld.idx.msk [tilespmem:v11+s29+$0x0], $0xffff;
	v11 =	vmul.f32 $5.656854150e+00, v7;
	[tilespmem:s11+$0x30] =	vst v14  }
0x262: {  	s9 =	sld [smem:s24+$0xFFFFFFFD];
	p1 =	slt.u32 s15, $0x3F8;
	v18 =	vld.idx.msk [tilespmem:v6+s29+$0x0], $0xffff;
	v14 =	vadd.s32 s8, v2;
	[tilespmem:s11+$0xFFFFFFD0] =	vst v15;
	v6 =	vmul.f32 $5.656854150e+00, v8  }
0x263: {  	s8 =	sld [smem:s24+$0xFFFFFFFE];
	v15 =	vadd.s32 s16, v2;
	v7 =	vld.idx.msk [tilespmem:v5+s29+$0x0], $0xffff;
	[tilespmem:s11+$0xFFFFFFE0] =	vst v11;
	v5 =	vmul.f32 $5.656854150e+00, v9  }
.Ltmp18:
0x264: {  	s12 =	sld [smem:s24+$0xFFFFFFFF];
	v11 =	vadd.s32 s1, v2;
	v8 =	vld.idx.msk [tilespmem:v3+s29+$0x0], $0xffff;
	[tilespmem:s11+$0xFFFFFFF0] =	vst v6;
	v3 =	vmul.f32 $5.656854150e+00, v10;
	(pc) =	sbr.rel @p1 .LBB2_32-.Ltmp18, $4  }
0x265: {  	v6 =	vadd.s32 s9, v2;
	s1 =	sld [smem:s24+$0x0];
	v9 =	vld.idx.msk [tilespmem:v4+s29+$0x0], $0xffff;
	[tilespmem:s11+$0x0] =	vst v5;
	v4 =	vmul.f32 $5.656854150e+00, v12  }
0x266: {  	v5 =	vadd.s32 s8, v2;
	s9 =	sld [smem:s24+$0x1];
	v10 =	vld.idx.msk [tilespmem:v16+s29+$0x0], $0xffff;
	v16 =	vmul.f32 $5.656854150e+00, v13;
	[tilespmem:s11+$0x10] =	vst v3  }
0x267: {  	v3 =	vadd.s32 s12, v2;
	s8 =	sld [smem:s24+$0x2];
	v12 =	vld.idx.msk [tilespmem:v14+s29+$0x0], $0xffff;
	v14 =	vmul.f32 $5.656854150e+00, v17;
	[tilespmem:s11+$0x20] =	vst v4  }
0x268: {  	s16 =	sld [smem:s24+$0xFFFFFFFC];
	v4 =	vadd.s32 s1, v2;
	s24 =	sadd.s32 $0x8, s24;
	v13 =	vld.idx.msk [tilespmem:v15+s29+$0x0], $0xffff;
	v15 =	vmul.f32 $5.656854150e+00, v18;
	[tilespmem:s11+$0xFFFFFFC0] =	vst v16;
	s11 =	sadd.s32 $0x80, s11  }
.LBB2_33:
0x269: {  	_ =	sdelay $0x2  }
0x26a: {  	v7 =	vmul.f32 @p0 $5.656854150e+00, v7;
	[tilespmem:s11+$0x30] =	vst @p0 v14  }
0x26b: {  	v57 =	vadd.s32 s9, v2;
	v11 =	vld.idx.msk [tilespmem:v11+s29+$0x0], $0xffff;
	v8 =	vmul.f32 @p0 $5.656854150e+00, v8;
	[tilespmem:s11+$0xFFFFFFD0] =	vst @p0 v15  }
0x26c: {  	v6 =	vld.idx.msk [tilespmem:v6+s29+$0x0], $0xffff;
	v58 =	vadd.s32 s8, v2;
	[tilespmem:s11+$0xFFFFFFE0] =	vst @p0 v7;
	v7 =	vmul.f32 @p0 $5.656854150e+00, v9  }
0x26d: {  	v5 =	vld.idx.msk [tilespmem:v5+s29+$0x0], $0xffff;
	v59 =	vadd.s32 s16, v2;
	[tilespmem:s11+$0xFFFFFFF0] =	vst @p0 v8;
	v8 =	vmul.f32 @p0 $5.656854150e+00, v10  }
0x26e: {  	v3 =	vld.idx.msk [tilespmem:v3+s29+$0x0], $0xffff;
	[tilespmem:s11+$0x0] =	vst @p0 v7;
	v7 =	vmul.f32 @p0 $5.656854150e+00, v12  }
0x26f: {  	v4 =	vld.idx.msk [tilespmem:v4+s29+$0x0], $0xffff;
	v10 =	vmul.f32 @p0 $5.656854150e+00, v13;
	[tilespmem:s11+$0x10] =	vst @p0 v8  }
0x270: {  	s1 =	sadd.s32 @p0 $0x80, s11;
	v60 =	vld.idx.msk [tilespmem:v57+s29+$0x0], $0xffff;
	v11 =	vmul.f32 $5.656854150e+00, v11;
	[tilespmem:s11+$0x20] =	vst @p0 v7  }
0x271: {  	s7 =	smov.u32 @p0 s1;
	v6 =	vmul.f32 $5.656854150e+00, v6;
	v61 =	vld.idx.msk [tilespmem:v58+s29+$0x0], $0xffff;
	[tilespmem:s11+$0xFFFFFFC0] =	vst @p0 v10  }
0x272: {  	v5 =	vmul.f32 $5.656854150e+00, v5;
	v9 =	vld.idx.msk [tilespmem:v59+s29+$0x0], $0xffff;
	[tilespmem:s7+$0x30] =	vst v11  }
0x273: {  	v3 =	vmul.f32 $5.656854150e+00, v3;
	[tilespmem:s7+$0xFFFFFFD0] =	vst v6  }
0x274: {  	v4 =	vmul.f32 $5.656854150e+00, v4;
	[tilespmem:s7+$0xFFFFFFE0] =	vst v5  }
0x275: {  	[tilespmem:s7+$0xFFFFFFF0] =	vst v3;
	v3 =	vmul.f32 $5.656854150e+00, v60  }
0x276: {  	s15 =	sshll.u32 s18, $0xB;
	[tilespmem:s7+$0x0] =	vst v4;
	v62 =	vmul.f32 $5.656854150e+00, v61  }
0x277: {  	s0 =	sand.u32 $0x3E00, s0;
	s1 =	sand.u32 $0xFFF0000, s15;
	v63 =	vmul.f32 $5.656854150e+00, v9;
	[tilespmem:s7+$0x10] =	vst v3  }
0x278: {  	s0 =	sor.u32 s0, s1;
	[tilespmem:s7+$0x20] =	vst v62  }
0x279: {  	s17 =	sadd.s32 $0x1, s17;
	s16 =	simm.s32 $0x14800;
	s1 =	sadd.s32 s2, s0;
	[tilespmem:s7+$0xFFFFFFC0] =	vst v63  }
0x27a: {  	[hbm4b:s1+s3] =	stream.linear.scatter [tilespmem:s16], [sflag:$0xA], $0x1000, $0x38;
	[tilespmem:$0x1C840] =	vst v63  }
0x27b: {  	s24 =	simm.s32 $0x15800;
	s18 =	sadd.s32 s0, s19;
	p0 =	sne.s32 s17, $0x32  }
0x27c: {  	[hbm4b:s18+s3] =	stream.linear.scatter [tilespmem:s24], [sflag:$0xA], $0x1000, $0x38;
	[tilespmem:$0x1C840] =	vst v63  }
.Ltmp19:
0x27d: {  	_ = 	snop;
	(pc) =	sbr.rel @p0 .LBB2_4-.Ltmp19, $4  }
.Ltmp20:
0x27e: {  	s26 =	simm.s32 $0x16800;
	s25 =	sadd.s32 s0, s20;
	(pc) =	sbr.rel @!p0 .LBB2_34-.Ltmp20, $4  }
0x27f: {  	[hbm4b:s25+s3] =	stream.linear.scatter [tilespmem:s26], [sflag:$0xA], $0x1000, $0x38;
	[tilespmem:$0x1C840] =	vst v63  }
0x280: {  	s31 =	simm.s32 $0x17800;
	s0 =	sadd.s32 s0, s21  }
0x281: {  	[hbm4b:s0+s3] =	stream.linear.scatter [tilespmem:s31], [sflag:$0xA], $0x1000, $0x38;
	[tilespmem:$0x1C840] =	vst v63  }
0x282: {  	_ = 	snop  }
.LBB2_7:
.Ltmp21:
0x283: {  	(pc) =	sbr.rel .LBB2_11-.Ltmp21, $2  }
0x284: {  	_ =	sdelay $0x2  }
0x285: {  	s26 =	simm.s32 $0x10840  }
.LBB2_14:
.Ltmp22:
0x286: {  	(pc) =	sbr.rel .LBB2_19-.Ltmp22, $2  }
0x287: {  	_ =	sdelay $0x2  }
0x288: {  	s11 =	simm.s32 $0x14840  }
.LBB2_22:
.Ltmp23:
0x289: {  	(pc) =	sbr.rel .LBB2_26-.Ltmp23, $2  }
0x28a: {  	_ =	sdelay $0x2  }
0x28b: {  	s11 =	simm.s32 $0x10840  }
.LBB2_29:
.Ltmp24:
0x28c: {  	(pc) =	sbr.rel .LBB2_33-.Ltmp24, $2  }
0x28d: {  	_ =	sdelay $0x2  }
0x28e: {  	s11 =	simm.s32 $0x14840  }
.LBB2_9:
.Ltmp25:
0x28f: {  	(pc) =	sbr.rel .LBB2_11-.Ltmp25, $2  }
0x290: {  	_ =	sdelay $0x2  }
0x291: {  	s26 =	simm.s32 $0x10840  }
.LBB2_16:
.Ltmp26:
0x292: {  	(pc) =	sbr.rel .LBB2_19-.Ltmp26, $2  }
0x293: {  	_ =	sdelay $0x2  }
0x294: {  	s11 =	simm.s32 $0x14840;
	s30 =	simm.s32 $0x600  }
.LBB2_24:
.Ltmp27:
0x295: {  	(pc) =	sbr.rel .LBB2_26-.Ltmp27, $2  }
0x296: {  	_ =	sdelay $0x2  }
0x297: {  	s11 =	simm.s32 $0x10840  }
.LBB2_31:
.Ltmp28:
0x298: {  	(pc) =	sbr.rel .LBB2_33-.Ltmp28, $2  }
0x299: {  	_ =	sdelay $0x2  }
0x29a: {  	s11 =	simm.s32 $0x14840  }
.LBB2_35:
0x29b: {  	_ =	sfence.sel $0x180000  }
0x29c: {  	[bflag:$0x0] =	sbarrier.arrive $0xFFFF  }
0x29d: {  	_ =	strace $0x9000004A  }
0x29e: {  	s0 =	stileid.u32;
	[bflag:$0x2] =	sbarrier.arrive $0xFFFF  }
0x29f: {  	p0 =	sne.s32 s0, $0x0;
	s0 =	rddreg [dreg:$0x2]  }
0x2a0: {  	s0 =	sadd.s32 @!p0 $0x100000, s0  }
0x2a1: {  	[sflag:s0] =	ssyncadd.tile.s32 @!p0 $0x1;
	_ =	shalt  }
.Lfunc_end2:
_tile_overlayer_lowered:
.L_overlay_start_2:
0x2a2: {  	(tag) =	ssettag $0x2  }
0x2a3: {  	s0 =	rddreg [dreg:$0x0];
	s2 =	stileid.u32  }
0x2a4: {  	s1 =	rddreg [dreg:$0x1];
	p0 =	sne.s32 s2, $0x0  }
0x2a5: {  	s3 =	rddreg [dreg:$0x2];
	[bflag:$0x3] =	sbarrier.arrive $0xFFFF;
	s2 =	simm.s32 @!p0 $0x1C0B  }
0x2a6: {  	[timem:s3], [sflag:s2] =	dma.local @!p0 [hbm:s0], s1  }
0x2a7: {  	s0 =	simm.s32 @!p0 $0xB  }
0x2a8: {  	_ =	swait.ge @!p0 [sflag:s0], s1  }
0x2a9: {  	s1 =	ssub.s32 @!p0 $0x0, s1;
	[sflag:s0] =	ssyncset.done @!p0 $0x0  }
0x2aa: {  	[sflag:s0] =	ssyncadd.s32 @!p0 s1  }
0x2ab: {  	[bflag:$0x3] =	sbarrier.arrive $0xFFFF  }
0x2ac: {  	_ =	shalt  }

// kernel: sparse-core-data-format-call.cloned.1.call-start
scs
called_computation_lowered:
.L_overlay_start_0:
0x0: {  	s2 =	sld [smem:$0x3FD9]  }
0x1: {  	s3 =	sld [smem:$0x3FFE];
	_ =	sdelay $0x1  }
0x2: {  	s1 =	srdreg.scid  }
0x3: {  	s0 =	sand.u32 $0x1, s1  }
0x4: {  	s18 =	sshll.u32 s0, $0xA;
	s2 =	sadd.s32 s3, s2  }
0x5: {  	s2 =	sadd.s32 s2, s18  }
0x6: {  	[smem:$0x3FC6] =	sst s2  }
0x7: {  	_ = 	snop  }
0x8: {  	s2 =	sld [smem:$0x3FC8];
	(tm) =	ssettm $0x1  }
0x9: {  	s19 =	sld [smem:$0x3FFB];
	_ =	sdelay $0x3  }
0xa: {  	_ =	strace s19  }
0xb: {  	s3 =	sld [smem:$0x3FFC];
	_ =	sdelay $0x3  }
0xc: {  	_ =	strace s3  }
0xd: {  	s3 =	sld [smem:$0x3FFD];
	_ =	sdelay $0x3  }
0xe: {  	_ =	strace s3  }
0xf: {  	_ =	strace $0x8FFFFFFF  }
0x10: {  	s20 =	sld [smem:$0x3FDB];
	_ =	sdelay $0x1  }
0x11: {  	s4 =	simm.s32 $_scs_section_size  }
0x12: {  	s5 =	simm.s32 $_size__tile_overlayer_lowered;
	s6 =	simm.s32 $_tile_overlayer_lowered  }
0x13: {  	s23 =	simm.s32 $0x1BFF;
	s22 =	sshll.u32 s6, $0x1;
	s3 =	sadd.s32 s4, s20  }
0x14: {  	s7 =	simm.s32 $0x0;
	s21 =	sshll.u32 s5, $0x1;
	s5 =	sadd.s32 s22, s3  }
0x15: {  	[timem:s7], [sflag:s23] =	dma.local [hbm:s5], s21  }
0x16: {  	_ =	swait.ge [sflag:s23], s21  }
0x17: {  	s4 =	ssub.s32 $0x0, s21;
	[sflag:s23] =	ssyncset.done $0x0  }
0x18: {  	[sflag:s23] =	ssyncadd.s32 s4;
	_ =	sdelay $0x1  }
0x19: {  	s24 =	simm.s32 $0x1B8B  }
0x1a: {  	_ =	swait.ge [sflag:s24], $0x1  }
0x1b: {  	[sflag:s24] =	ssyncset.done $0x0  }
0x1c: {  	s26 =	simm.s32 $0x1B8E;
	s25 =	sld [smem:$0x3FFE];
	[sflag:s24] =	ssyncadd.s32 $0xFFFFFFFF  }
0x1d: {  	s27 =	simm.s32 $execute0_lowered;
	[smem:$0x3FD2] =	sst s26  }
0x1e: {  	s5 =	sshll.u32 s27, $0x1;
	_ =	strace $0x80000046;
	[dreg:$0x1] =	wrdreg $0xFFFFFFFF  }
0x1f: {  	s28 =	simm.s32 $_size_execute0_lowered;
	s3 =	sadd.s32 s3, s5;
	[dreg:$0x0] =	wrdreg $0x0  }
0x20: {  	s5 =	sshll.u32 s28, $0x1;
	[dreg:$0x2] =	wrdreg s3  }
0x21: {  	[dreg:$0x3] =	wrdreg s5  }
0x22: {  	[dreg:$0x4] =	wrdreg $0xC0  }
0x23: {  	_ =	task [dreg:s7], $0x5FFFF  }
0x24: {  	[dreg:$0x1] =	wrdreg $0xFFFFFFFF  }
0x25: {  	[dreg:$0x0] =	wrdreg $0x60  }
0x26: {  	[dreg:$0x2] =	wrdreg s2  }
0x27: {  	[dreg:$0x3] =	wrdreg s25  }
0x28: {  	[dreg:$0x4] =	wrdreg $0x9  }
0x29: {  	_ =	task.clear_ibuf [dreg:s7], $0x5FFFF;
	_ =	strace $0x90000046  }
0x2a: {  	s29 =	simm.s32 $0x9;
	_ =	strace $0x80000048  }
0x2b: {  	_ =	swait.ge [sflag:s29], $0x1  }
0x2c: {  	[sflag:s29] =	ssyncadd.s32 $0xFFFFFFFF  }
0x2d: {  	_ =	strace $0x90000048  }
0x2e: {  	_ =	sfence  }
0x2f: {  	s30 =	sld [smem:$0x0];
	_ =	sdelay $0x2  }
0x30: {  	s31 =	sshll.u32 s1, $0xD;
	s1 =	sshrl.u32 s1, $0x2  }
0x31: {  	s3 =	sand.u32 $0x4000, s31;
	s1 =	sadd.s32 s1, s30  }
0x32: {  	s0 =	sor.u32 s3, s0;
	s1 =	sshll.u32 s1, $0x11  }
0x33: {  	s0 =	sor.u32 s1, s0  }
0x34: {  	s0 =	sadd.s32 $0x8F2B, s0  }
0x35: {  	[sflag:s0] =	ssyncadd.remote.s32 $0x1  }
0x36: {  	_ =	sfence.sel $0xFFFF  }
0x37: {  	[dreg:$0x0] =	wrdreg $0xFFFFFFFF;
	(pc) =	sbr.abs _section_cstart, $3  }
0x38: {  	[dreg:$0x1] =	wrdreg $0xFFFFFFFF  }
0x39: {  	_ =	task.clear_ibuf [dreg:s7], $0x2FFFF;
	_ =	strace $0x9FFFFFFF  }
0x3a: {  	(tm) =	ssettm $0x7FFFFFFF  }
0x3b: {  	_ =	shalt  }
tec
execute0_lowered:
.L_overlay_start_1:
0x0: {  	(tag) =	ssettag $0x1  }
0x1: {  	s0 =	srdreg.scid;
	s2 =	rddreg [dreg:$0x0]  }
0x2: {  	s5 =	rddreg [dreg:$0x1];
	s1 =	stileid.u32  }
0x3: {  	s4 =	simm.s32 $0x1;
	s6 =	simm.s32 $0x2;
	s15 =	simm.s32 $0x0  }
0x4: {  	p0 =	por $0x0, $0x0;
	s8 =	simm.s32 $0x80;
	s0 =	sshll.u32 s0, $0x4  }
0x5: {  	s14 =	simm.s32 $0x0;
	s9 =	simm.s32 $0x0;
	s3 =	sand.u32 $0x10, s0  }
.Ltmp0:
0x6: {  	s10 =	simm.s32 $0x0;
	s3 =	sor.u32 s1, s3;
	(pc) =	sbr.rel .LBB1_1-.Ltmp0, $4  }
0x7: {  	s0 =	rddreg [dreg:$0x2];
	_ =	strace $0x80000047;
	s3 =	sshll.u32 s3, $0x7  }
0x8: {  	s12 =	simm.s32 $0x0;
	[sflag:s4] =	ssyncpa.u1 $0x0;
	s7 =	ssub.s32 $0xF4200, s3  }
0x9: {  	s13 =	simm.s32 $0x0;
	[sflag:s6] =	ssyncpa.u1 $0x0;
	s6 =	sshrl.u32 s7, $0xC  }
0xa: {  	s5 =	sadd.s32 $0xA00, s5;
	s11 =	smov.u32 s3;
	s7 =	sadd.s32 $0x2, s6  }
.LBB1_5:
0xb: {  	p1 =	slt.u32 s13, $0x2  }
0xc: {  	s17 =	smov.u32 s15;
	p2 =	sgt.s32 @!p1 s15, $0xF41C0;
	s16 =	sshra.s32 @!p1 s15, $0x1F  }
0xd: {  	p3 =	sgt.s32 @!p1 s14, $0x60;
	s18 =	sshra.s32 @!p1 s14, $0x1F;
	p2 =	por !p2, p1  }
0xe: {  	s15 =	sand.u32 @!p1 s16, s15;
	p3 =	por !p3, p1;
	s16 =	smov.u32 s14  }
0xf: {  	s14 =	sand.u32 @!p1 s18, s14;
	s17 =	simm.s32 @p2 $0xF41C0;
	s16 =	simm.s32 @p3 $0x60  }
0x10: {  	s15 =	ssub.s32 @!p1 s17, s15;
	s14 =	ssub.s32 @!p1 s16, s14  }
0x11: {  	s18 =	smov.u32 s12;
	s16 =	sadd.s32 @!p1 $0xFFF0BE40, s15;
	s17 =	sadd.s32 @!p1 $0xFFFFFFA0, s14  }
0x12: {  	s15 =	ssub.s32 @!p1 $0xF4240, s15;
	p2 =	sgt.s32 @!p1 s16, $0x7F;
	p3 =	sgt.s32 @!p1 s17, $0x1F  }
0x13: {  	s14 =	ssub.s32 @!p1 $0x80, s14;
	p2 =	por !p2, p1;
	p3 =	por !p3, p1  }
0x14: {  	s16 =	sadd.s32 $0x1000, s11;
	s15 =	simm.s32 @!p2 $0x0;
	s14 =	simm.s32 @!p3 $0x0  }
0x15: {  	p2 =	sgt.s32 s16, $0xF423F;
	s14 =	smul.u32 @!p1 s14, s15;
	s15 =	sadd.s32 $0x20, s12  }
0x16: {  	s18 =	smov.u32 @p2 s15  }
0x17: {  	s16 =	smov.u32 @p2 s3;
	p2 =	sgt.s32 s18, $0x1F  }
0x18: {  	s18 =	simm.s32 @p2 $0x0;
	p2 =	sne.s32 s13, s7  }
.Ltmp1:
0x19: {  	p0 =	por !p0, !p0;
	s17 =	simm.s32 @!p1 $0x2;
	(pc) =	sbr.rel @!p2 .LBB1_6-.Ltmp1, $4  }
0x1a: {  	s15 =	smov.u32 s9;
	s9 =	smov.u32 s11;
	s14 =	sand.u32 @!p1 $0x3FFFFFFF, s14  }
0x1b: {  	s11 =	smov.u32 s16;
	_ =	swait.ge @!p1 [sflag:s17], s14;
	s19 =	ssub.s32 @!p1 $0x0, s14  }
0x1c: {  	s14 =	smov.u32 s10;
	s13 =	sadd.s32 $0x1, s13;
	[sflag:s17] =	ssyncset.done @!p1 $0x0  }
0x1d: {  	s10 =	smov.u32 s12;
	s12 =	smov.u32 s18;
	[sflag:s17] =	ssyncadd.s32 @!p1 s19  }
.LBB1_1:
0x1e: {  	p1 =	sgt.u32 s13, s6  }
0x1f: {  	s16 =	sshrl.u32 @!p1 s12, $0x3  }
0x20: {  	s17 =	sshll.u32 @!p1 s11, $0x3;
	s16 =	smul.u32 @!p1 $0x7A1400, s16  }
0x21: {  	s18 =	sshll.u32 @!p1 s12, $0x7;
	s17 =	sand.u32 @!p1 $0xFFFFFC00, s17  }
0x22: {  	s16 =	sadd.s32 @!p1 s16, s17;
	s17 =	sand.u32 @!p1 $0x380, s18  }
0x23: {  	s18 =	sand.u32 @!p1 $0x7F, s11;
	s16 =	sor.u32 @!p1 s17, s16  }
0x24: {  	s17 =	sor.u32 @!p1 s18, s16  }
0x25: {  	s18 =	smulhi.u32 @!p1 $0x218D6287, s17;
	_ =	sdelay $0x1  }
0x26: {  	s16 =	smulhi.u32 @!p1 $0x218D6287, s16;
	s18 =	sshrl.u32 @!p1 s18, $0x11  }
0x27: {  	s18 =	smul.u32 @!p1 $0xF4280, s18  }
0x28: {  	s19 =	sxor.u32 @!p1 $0xFFFFFFFF, s13;
	s16 =	sshrl.u32 @!p1 s16, $0x11  }
0x29: {  	s19 =	sshll.u32 @!p1 s19, $0xC;
	s16 =	sand.u32 @!p1 $0x1F, s16;
	s17 =	ssub.s32 @!p1 s17, s18  }
0x2a: {  	s16 =	smul.u32 @!p1 $0x1E850, s16;
	s18 =	sshrl.u32 @!p1 s17, $0x3;
	s17 =	sand.u32 @!p1 $0x7, s17  }
0x2b: {  	s19 =	sand.u32 @!p1 $0x1000, s19;
	s18 =	sadd.s32 @!p1 s2, s18;
	s17 =	sshll.u32 @!p1 s17, $0x12  }
0x2c: {  	s16 =	sadd.s32 @!p1 s16, s18;
	s17 =	sor.u32 @!p1 $0x400, s17;
	s18 =	simm.s32 @!p1 $0x7A1400  }
0x2d: {  	[tilespmem:s19], [sflag:$0x1] =	stream.strided.gather @!p1 [hbm4b:s16+s17], $0x1000, s18, s17, $0x38;
	[tilespmem:$0x4100] =	vst v63  }
0x2e: {  	p1 =	seq.s32 s13, $0x0  }
0x2f: {  	p2 =	sge.u32 @!p1 s13, s7  }
0x30: {  	p1 =	por p1, p2  }
.Ltmp2:
0x31: {  	_ = 	snop;
	(pc) =	sbr.rel @p1 .LBB1_5-.Ltmp2, $1  }
0x32: {  	_ =	sdelay $0x3  }
0x33: {  	s16 =	simm.s32 $0x1  }
0x34: {  	_ =	swait.ge [sflag:s4], $0x1000;
	s16 =	simm.s32 @!p0 $0x0  }
0x35: {  	[sflag:s4] =	ssyncset.done $0x0;
	s17 =	sshll.u32 s16, $0xC  }
0x36: {  	[sflag:s4] =	ssyncadd.s32 $0xFFFFF000;
	s17 =	sor.u32 $0x40, s17  }
0x37: {  	s16 =	smul.u32 $0x4200, s16;
	v0 =	vld [tilespmem:s17+$0x30]  }
0x38: {  	v1 =	vld [tilespmem:s17+$0xFFFFFFD0]  }
0x39: {  	s16 =	sshrl.u32 s16, $0x2;
	v5 =	vld [tilespmem:s17+$0xFFFFFFE0]  }
0x3a: {  	v6 =	vld [tilespmem:s17+$0xFFFFFFF0];
	s19 =	sor.u32 $0x2000, s16  }
0x3b: {  	s31 =	sand.u32 $0x1, s13;
	v4 =	vld [tilespmem:s17+$0x0];
	s18 =	sadd.s32 $0x0, s19  }
0x3c: {  	v3 =	vld [tilespmem:s17+$0x10];
	s16 =	smul.u32 $0x4200, s31;
	[tilespmem:s18+$0xE70 ss:$0x21] =	vst.msk $0xffff, v0  }
0x3d: {  	v2 =	vld [tilespmem:s17+$0x20];
	[tilespmem:s18+$0x210 ss:$0x21] =	vst.msk $0xffff, v1  }
0x3e: {  	s16 =	sshrl.u32 s16, $0x2;
	v1 =	vld [tilespmem:s17+$0xFFFFFFC0];
	[tilespmem:s18+$0x420 ss:$0x21] =	vst.msk $0xffff, v5;
	s17 =	sadd.s32 $0x80, s17  }
0x3f: {  	s20 =	simm.s32 $0x4;
	s21 =	simm.s32 $0x8;
	s16 =	sor.u32 $0x2000, s16;
	[tilespmem:s18+$0x630 ss:$0x21] =	vst.msk $0xffff, v6;
	v0 =	vld [tilespmem:s17+$0x30]  }
.LBB1_3:
0x40: {  	p1 =	sne.s32 s21, $0x7C;
	v5 =	vld [tilespmem:s17+$0xFFFFFFD0];
	[tilespmem:s18+$0x840 ss:$0x21] =	vst.msk $0xffff, v4  }
0x41: {  	v6 =	vld [tilespmem:s17+$0xFFFFFFE0];
	[tilespmem:s18+$0xA50 ss:$0x21] =	vst.msk $0xffff, v3  }
0x42: {  	s22 =	sshra.s32 s20, $0x2;
	s20 =	smov.u32 s21;
	v7 =	vld [tilespmem:s17+$0xFFFFFFF0];
	[tilespmem:s18+$0xC60 ss:$0x21] =	vst.msk $0xffff, v2  }
.Ltmp3:
0x43: {  	v4 =	vld [tilespmem:s17+$0x0];
	[tilespmem:s18+$0x0 ss:$0x21] =	vst.msk $0xffff, v1;
	s18 =	sadd.s32 s22, s19;
	(pc) =	sbr.rel @p1 .LBB1_3-.Ltmp3, $4  }
0x44: {  	v3 =	vld [tilespmem:s17+$0x10];
	[tilespmem:s18+$0xE70 ss:$0x21] =	vst.msk $0xffff, v0  }
0x45: {  	[tilespmem:s18+$0x210 ss:$0x21] =	vst.msk $0xffff, v5;
	v2 =	vld [tilespmem:s17+$0x20]  }
0x46: {  	v1 =	vld [tilespmem:s17+$0xFFFFFFC0];
	[tilespmem:s18+$0x420 ss:$0x21] =	vst.msk $0xffff, v6;
	s17 =	sadd.s32 $0x80, s17  }
0x47: {  	s21 =	sadd.s32 $0x4, s21;
	v0 =	vld [tilespmem:s17+$0x30];
	[tilespmem:s18+$0x630 ss:$0x21] =	vst.msk $0xffff, v7  }
0x48: {  	s21 =	sshll.u32 s9, $0x7;
	s22 =	sshll.u32 s10, $0x3;
	s20 =	sshra.s32 s20, $0x2  }
0x49: {  	p1 =	sgt.s32 s9, $0xF41C0;
	s30 =	sshra.s32 s9, $0x1F;
	s25 =	sshra.s32 s10, $0x1F  }
0x4a: {  	v5 =	vld [tilespmem:s17+$0xFFFFFFD0];
	s28 =	sshrl.u32 s10, $0x3;
	s23 =	sand.u32 $0xFFFFFC00, s21;
	s22 =	sand.u32 $0xFFFFFC00, s22  }
0x4b: {  	[tilespmem:s18+$0x840 ss:$0x21] =	vst.msk $0xffff, v4;
	v58 =	vld [tilespmem:s17+$0xFFFFFFE0];
	s21 =	sand.u32 $0x380, s21;
	s19 =	sadd.s32 s20, s19;
	s22 =	sadd.s32 s22, s23  }
0x4c: {  	v59 =	vld [tilespmem:s17+$0xFFFFFFF0];
	[tilespmem:s18+$0xA50 ss:$0x21] =	vst.msk $0xffff, v3;
	s29 =	sor.u32 s21, s22;
	s21 =	smov.u32 s9;
	s22 =	sand.u32 s30, s9  }
0x4d: {  	v60 =	vld [tilespmem:s17+$0x0];
	[tilespmem:s18+$0xC60 ss:$0x21] =	vst.msk $0xffff, v2;
	s30 =	sand.u32 $0x7, s10;
	s20 =	sshrl.u32 s29, $0x7;
	s21 =	simm.s32 @!p1 $0xF41C0  }
0x4e: {  	v61 =	vld [tilespmem:s17+$0x10];
	[tilespmem:s18+$0x0 ss:$0x21] =	vst.msk $0xffff, v1;
	p1 =	sgt.s32 s10, $0x60;
	s24 =	ssub.s32 s21, s22;
	s21 =	smov.u32 s10  }
0x4f: {  	v62 =	vld [tilespmem:s17+$0x20];
	[tilespmem:s19+$0xE70 ss:$0x21] =	vst.msk $0xffff, v0;
	s31 =	smulhi.u32 $0x218DEF5, s20;
	s22 =	sand.u32 s25, s10;
	s21 =	simm.s32 @!p1 $0x60  }
0x50: {  	v63 =	vld [tilespmem:s17+$0xFFFFFFC0];
	[tilespmem:s19+$0x210 ss:$0x21] =	vst.msk $0xffff, v5;
	s26 =	sadd.s32 $0xFFF0BE40, s24;
	s17 =	ssub.s32 $0xF4240, s24;
	s21 =	ssub.s32 s21, s22  }
0x51: {  	[tilespmem:s19+$0x420 ss:$0x21] =	vst.msk $0xffff, v58;
	s23 =	sshrl.u32 s31, $0xD;
	p1 =	sgt.s32 s26, $0x7F;
	s27 =	sadd.s32 $0xFFFFFFA0, s21  }
0x52: {  	[tilespmem:s19+$0x630 ss:$0x21] =	vst.msk $0xffff, v59;
	s23 =	smul.u32 $0xF4240, s23;
	s18 =	ssub.s32 $0x80, s21;
	p2 =	sgt.s32 s27, $0x1F  }
.Ltmp4:
0x53: {  	[tilespmem:s19+$0x840 ss:$0x21] =	vst.msk $0xffff, v60;
	s17 =	simm.s32 @p1 $0x0;
	s18 =	simm.s32 @p2 $0x0;
	(pc) =	sbr.rel .LBB1_5-.Ltmp4, $4  }
0x54: {  	s29 =	sand.u32 $0xF, s28;
	[tilespmem:s19+$0xA50 ss:$0x21] =	vst.msk $0xffff, v61;
	s20 =	ssub.s32 s20, s23;
	s17 =	smul.u32 s18, s17  }
0x55: {  	[tilespmem:s19+$0xC60 ss:$0x21] =	vst.msk $0xffff, v62;
	s21 =	sshll.u32 s30, $0x12;
	s20 =	sshll.u32 s20, $0x4;
	s18 =	sadd.s32 s5, s29  }
0x56: {  	[tilespmem:s19+$0x0 ss:$0x21] =	vst.msk $0xffff, v63;
	s31 =	sor.u32 $0x20, s21;
	s18 =	sadd.s32 s20, s18;
	s17 =	sand.u32 $0x3FFFFFFF, s17  }
0x57: {  	[hbm4b:s18+s31] =	stream.strided.scatter [tilespmem:s16], [sflag:$0x2], s17, s8, s31, $0x10;
	[tilespmem:$0x4100] =	vst v63  }
.LBB1_6:
0x58: {  	_ =	sfence.sel $0x180000  }
0x59: {  	s2 =	simm.s32 $0x1;
	[bflag:$0x0] =	sbarrier.arrive $0xFFFF  }
0x5a: {  	s31 =	simm.s32 $0x2;
	[sflag:s2] =	ssyncpa.u1 $0x1  }
0x5b: {  	[sflag:s31] =	ssyncpa.u1 $0x1  }
0x5c: {  	p0 =	sne.s32 s1, $0x0;
	_ =	strace $0x90000047  }
0x5d: {  	s0 =	sadd.s32 @!p0 $0x100000, s0;
	[bflag:$0x2] =	sbarrier.arrive $0xFFFF  }
0x5e: {  	[sflag:s0] =	ssyncadd.tile.s32 @!p0 $0x1;
	_ =	shalt  }
.Lfunc_end1:
_tile_overlayer_lowered:
.L_overlay_start_2:
0x5f: {  	(tag) =	ssettag $0x2  }
0x60: {  	s0 =	rddreg [dreg:$0x0];
	s2 =	stileid.u32  }
0x61: {  	s1 =	rddreg [dreg:$0x1];
	p0 =	sne.s32 s2, $0x0  }
0x62: {  	s3 =	rddreg [dreg:$0x2];
	[bflag:$0x3] =	sbarrier.arrive $0xFFFF;
	s2 =	simm.s32 @!p0 $0x1C01  }
0x63: {  	[timem:s3], [sflag:s2] =	dma.local @!p0 [hbm:s0], s1  }
0x64: {  	s0 =	simm.s32 @!p0 $0x1  }
0x65: {  	_ =	swait.ge @!p0 [sflag:s0], s1  }
0x66: {  	s1 =	ssub.s32 @!p0 $0x0, s1;
	[sflag:s0] =	ssyncset.done @!p0 $0x0  }
0x67: {  	[sflag:s0] =	ssyncadd.s32 @!p0 s1  }
0x68: {  	[bflag:$0x3] =	sbarrier.arrive $0xFFFF  }
0x69: {  	_ =	shalt  }

</sc_bundles>
